<compile_context>
chip_gen: v7x
topology: tpu7x:2x2x1
jax: 0.10.2.dev20260603
libtpu: 0.0.44.dev20260713+nightly
codegen_flags: <defaults>
</compile_context>

<pallas_src>
import functools

import jax
import jax.numpy as jnp
from jax import lax
from jax.experimental import pallas as pl
from jax.experimental.pallas import tpu as pltpu
from jax.experimental.pallas import tpu_sc as plsc

N = 10000
E = 320000
D = 128
G = 64

NC = 2
NS = 16
NW = NC * NS
ET = E // NW
K = 40
NB = ET // K
RCHUNK = 624

_mesh = plsc.VectorSubcoreMesh(core_axis_name="c", subcore_axis_name="s")



NP = 10240


@functools.partial(
    pl.kernel,
    mesh=_mesh,
    out_type=jax.ShapeDtypeStruct((NC, NP), jnp.float32),
    scratch_types=[
        pltpu.VMEM_SHARED((NP,), jnp.float32),
        pltpu.VMEM((NB, K), jnp.int32),
        pltpu.VMEM((K,), jnp.float32),
        pltpu.SemaphoreType.DMA,
    ],
)
def _sc_degree(dst3_hbm, zeros_hbm, ones_hbm, out_hbm, hist_sh, dstv, ones_v,
               sem):
    cid = lax.axis_index("c")
    sid = lax.axis_index("s")
    wid = cid * NS + sid
    r0 = sid * 640
    pltpu.sync_copy(zeros_hbm.at[pl.ds(r0, 640)],
                    hist_sh.at[pl.ds(r0, 640)])
    pltpu.sync_copy(dst3_hbm.at[wid], dstv)
    pltpu.sync_copy(ones_hbm, ones_v)
    plsc.subcore_barrier()

    def fire(j, carry):
        pltpu.async_copy(ones_v, hist_sh.at[dstv.at[j]], sem, add=True)
        return carry

    lax.fori_loop(0, NB, fire, 0)

    def drain(j, carry):
        pltpu.make_async_copy(ones_v, hist_sh.at[dstv.at[j]], sem).wait()
        return carry

    lax.fori_loop(0, NB, drain, 0)
    plsc.subcore_barrier()
    pltpu.sync_copy(hist_sh.at[pl.ds(r0, 640)],
                    out_hbm.at[cid].at[pl.ds(r0, 640)])


NSLOT = 6


@functools.partial(
    pl.kernel,
    mesh=_mesh,
    out_type=jax.ShapeDtypeStruct((NC, N, D), jnp.float32),
    scratch_types=[
        pltpu.VMEM_SHARED((N, D), jnp.float32),
        pltpu.VMEM((ET,), jnp.int32),
        pltpu.VMEM((ET,), jnp.int32),
        pltpu.VMEM((NSLOT, K, D), jnp.float32),
    ] + [pltpu.SemaphoreType.DMA] * (2 * NSLOT),
)
def _sc_scatter(y_hbm, zeros_hbm, src_hbm, dst_hbm, out_hbm,
                acc_sh, srcv, dstv, rows, *sems):
    gs = list(sems[:NSLOT])
    ss = list(sems[NSLOT:])
    cid = lax.axis_index("c")
    sid = lax.axis_index("s")
    wid = cid * NS + sid
    r0 = sid * RCHUNK
    rtail0 = NS * RCHUNK
    ntail = N - rtail0

    pltpu.sync_copy(src_hbm.at[pl.ds(wid * ET, ET)], srcv)
    pltpu.sync_copy(dst_hbm.at[pl.ds(wid * ET, ET)], dstv)

    @pl.when(cid == 0)
    def _():
        pltpu.sync_copy(y_hbm.at[pl.ds(r0, RCHUNK)],
                        acc_sh.at[pl.ds(r0, RCHUNK)])

        @pl.when(sid == NS - 1)
        def _():
            pltpu.sync_copy(y_hbm.at[pl.ds(rtail0, ntail)],
                            acc_sh.at[pl.ds(rtail0, ntail)])

    @pl.when(cid != 0)
    def _():
        pltpu.sync_copy(zeros_hbm.at[pl.ds(r0, RCHUNK)],
                        acc_sh.at[pl.ds(r0, RCHUNK)])

        @pl.when(sid == NS - 1)
        def _():
            pltpu.sync_copy(zeros_hbm.at[pl.ds(rtail0, ntail)],
                            acc_sh.at[pl.ds(rtail0, ntail)])

    def g_start(j, b):
        pltpu.async_copy(y_hbm.at[srcv.at[pl.ds(j * K, K)]], rows.at[b], gs[b])

    def g_wait(j, b):
        pltpu.make_async_copy(y_hbm.at[srcv.at[pl.ds(j * K, K)]],
                              rows.at[b], gs[b]).wait()

    def s_start(j, b):
        pltpu.async_copy(rows.at[b], acc_sh.at[dstv.at[pl.ds(j * K, K)]],
                         ss[b], add=True)

    def s_wait(j, b):
        pltpu.make_async_copy(rows.at[b], acc_sh.at[dstv.at[pl.ds(j * K, K)]],
                              ss[b]).wait()

    for b in range(NSLOT - 1):
        g_start(b, b)

    plsc.subcore_barrier()

    def body(jo, carry):
        for b in range(NSLOT):
            j = jo * NSLOT + b

            @pl.when(jnp.logical_and(j >= 1, j - 1 < NB))
            def _():
                s_wait(j - 1, (b + NSLOT - 1) % NSLOT)

            @pl.when(j + NSLOT - 1 < NB)
            def _():
                g_start(j + NSLOT - 1, (b + NSLOT - 1) % NSLOT)

            @pl.when(j < NB)
            def _():
                g_wait(j, b)
                s_start(j, b)

        return carry

    nouter = (NB + 2 * NSLOT - 1) // NSLOT
    lax.fori_loop(0, nouter, body, 0)
    plsc.subcore_barrier()
    pltpu.sync_copy(acc_sh.at[pl.ds(r0, RCHUNK)],
                    out_hbm.at[cid].at[pl.ds(r0, RCHUNK)])

    @pl.when(sid == NS - 1)
    def _():
        pltpu.sync_copy(acc_sh.at[pl.ds(rtail0, ntail)],
                        out_hbm.at[cid].at[pl.ds(rtail0, ntail)])



_RB = 2000
_NRB = N // _RB


def _tc_prep_body(hist_ref, x_ref, w_ref, y_ref, dinv_ref):
    h = hist_ref[...]
    deg = h[:, 0:1] + h[:, 1:2] + 1.0
    dinv = lax.rsqrt(deg)
    dinv_ref[...] = dinv
    y_ref[...] = dinv * jnp.dot(x_ref[...], w_ref[...],
                                preferred_element_type=jnp.float32)


def _tc_prep(hist2, x, w1):
    return pl.pallas_call(
        _tc_prep_body,
        grid=(_NRB,),
        in_specs=[
            pl.BlockSpec((_RB, NC), lambda j: (j, 0)),
            pl.BlockSpec((_RB, D), lambda j: (j, 0)),
            pl.BlockSpec((D, D), lambda j: (0, 0)),
        ],
        out_specs=[
            pl.BlockSpec((_RB, D), lambda j: (j, 0)),
            pl.BlockSpec((_RB, 1), lambda j: (j, 0)),
        ],
        out_shape=[
            jax.ShapeDtypeStruct((N, D), jnp.float32),
            jax.ShapeDtypeStruct((N, 1), jnp.float32),
        ],
    )(hist2, x, w1)


def _tc_mid_body(acc_ref, dinv_ref, b_ref, w_ref, y_ref):
    dinv = dinv_ref[...]
    h = dinv * (acc_ref[0] + acc_ref[1]) + b_ref[...]
    h = jnp.maximum(h, 0.0)
    y_ref[...] = dinv * jnp.dot(h, w_ref[...],
                                preferred_element_type=jnp.float32)


def _tc_mid(acc2, dinv, b, w_next):
    return pl.pallas_call(
        _tc_mid_body,
        grid=(_NRB,),
        in_specs=[
            pl.BlockSpec((NC, _RB, D), lambda j: (0, j, 0)),
            pl.BlockSpec((_RB, 1), lambda j: (j, 0)),
            pl.BlockSpec((1, D), lambda j: (0, 0)),
            pl.BlockSpec((D, D), lambda j: (0, 0)),
        ],
        out_specs=pl.BlockSpec((_RB, D), lambda j: (j, 0)),
        out_shape=jax.ShapeDtypeStruct((N, D), jnp.float32),
    )(acc2, dinv, b.reshape(1, D), w_next)


def _tc_final_body(acc_ref, dinv_ref, b_ref, batch_ref, out_ref, sums, cnt):
    j = pl.program_id(0)
    h3 = dinv_ref[...] * (acc_ref[0] + acc_ref[1]) + b_ref[...]
    batch = batch_ref[0, 0, :].reshape(1, _RB)
    gid = lax.broadcasted_iota(jnp.int32, (G, _RB), 0)
    p = (gid == batch).astype(jnp.float32)

    @pl.when(j == 0)
    def _():
        sums[...] = jnp.zeros_like(sums)
        cnt[...] = jnp.zeros_like(cnt)

    sums[...] += jnp.dot(p, h3, preferred_element_type=jnp.float32)
    cnt[...] += jnp.sum(p, axis=1, keepdims=True)

    @pl.when(j == _NRB - 1)
    def _():
        out_ref[...] = sums[...] / jnp.maximum(cnt[...], 1.0)


def _tc_final(acc2, dinv, b3, batch):
    return pl.pallas_call(
        _tc_final_body,
        grid=(_NRB,),
        in_specs=[
            pl.BlockSpec((NC, _RB, D), lambda j: (0, j, 0)),
            pl.BlockSpec((_RB, 1), lambda j: (j, 0)),
            pl.BlockSpec((1, D), lambda j: (0, 0)),
            pl.BlockSpec((1, 1, _RB), lambda j: (j, 0, 0)),
        ],
        out_specs=pl.BlockSpec((G, D), lambda j: (0, 0)),
        out_shape=jax.ShapeDtypeStruct((G, D), jnp.float32),
        scratch_shapes=[
            pltpu.VMEM((G, D), jnp.float32),
            pltpu.VMEM((G, 1), jnp.float32),
        ],
    )(acc2, dinv, b3.reshape(1, D), batch.reshape(_NRB, 1, _RB))



def kernel(x, edge_index, batch, W1, b1, W2, b2, W3, b3):
    src = edge_index[0]
    dst = edge_index[1]
    zeros_nd = jnp.zeros((N, D), jnp.float32)
    zeros_np = jnp.zeros((NP,), jnp.float32)
    ones_k = jnp.ones((K,), jnp.float32)

    dst3 = dst.reshape(NW, NB, K)

    hist2 = _sc_degree(dst3, zeros_np, ones_k)
    y1, dinv = _tc_prep(hist2[:, :N].T, x, W1)
    acc1 = _sc_scatter(y1, zeros_nd, src, dst)
    y2 = _tc_mid(acc1, dinv, b1, W2)
    acc2 = _sc_scatter(y2, zeros_nd, src, dst)
    y3 = _tc_mid(acc2, dinv, b2, W3)
    acc3 = _sc_scatter(y3, zeros_nd, src, dst)
    return _tc_final(acc3, dinv, b3, batch)

# --- scband reference (transcript-rebuilt; emitter-appended) ---
"""Pipeline reference for scband-gnn-75651553951777 (READ-ONLY COPY).

The authoritative reference and input builder live on the scoring server;
editing this copy changes nothing except your own understanding.
"""

import jax, jax.numpy as jnp
import numpy as np

N = 10000
E = 320000
D = 128
H = 128
O = 128
G = 64


def setup_inputs(seed: int = 0) -> dict:
    key = jax.random.key(seed)
    ks = jax.random.split(key, 10)
    x = jax.random.normal(ks[0], (N, D), dtype=jnp.float32)
    edge_index = jax.random.randint(ks[1], (2, E), 0, N, dtype=jnp.int32)
    batch = jnp.sort(jax.random.randint(ks[2], (N,), 0, G, dtype=jnp.int32))
    W1 = jax.random.normal(ks[3], (D, H), dtype=jnp.float32) * 0.05
    b1 = jnp.zeros((H,), dtype=jnp.float32)
    W2 = jax.random.normal(ks[4], (H, H), dtype=jnp.float32) * 0.05
    b2 = jnp.zeros((H,), dtype=jnp.float32)
    W3 = jax.random.normal(ks[5], (H, O), dtype=jnp.float32) * 0.05
    b3 = jnp.zeros((O,), dtype=jnp.float32)
    return {"x": x, "edge_index": edge_index, "batch": batch,
            "W1": W1, "b1": b1, "W2": W2, "b2": b2, "W3": W3, "b3": b3}


def _gcn_conv(x, W, b, src, dst):
    # PyG GCNConv: x' = D^{-1/2} (A + I) D^{-1/2} (X W) + b
    x = x @ W
    sl = jnp.arange(N, dtype=src.dtype)
    s = jnp.concatenate([src, sl])
    d = jnp.concatenate([dst, sl])
    deg = jax.ops.segment_sum(jnp.ones(s.shape[0], x.dtype), d, num_segments=N)
    dinv = jnp.where(deg > 0, 1.0 / jnp.sqrt(deg), 0.0)
    norm = dinv[s] * dinv[d]
    msg = x[s] * norm[:, None]
    out = jax.ops.segment_sum(msg, d, num_segments=N)
    return out + b


def reference(x, edge_index, batch, W1, b1, W2, b2, W3, b3):
    src = edge_index[0]
    dst = edge_index[1]
    h = jax.nn.relu(_gcn_conv(x, W1, b1, src, dst))
    h = jax.nn.relu(_gcn_conv(h, W2, b2, src, dst))
    h = _gcn_conv(h, W3, b3, src, dst)
    # global mean pool over graph ids
    s = jax.ops.segment_sum(h, batch, num_segments=G)
    cnt = jax.ops.segment_sum(jnp.ones(N, h.dtype), batch, num_segments=G)
    return s / jnp.maximum(cnt, 1.0)[:, None]

if __name__ == "__main__":
    import jax
    _d = setup_inputs()
    print(jax.jit(kernel)(*tuple(_d.values())))

</pallas_src>

<mosaic_0001>
#map = affine_map<(d0, d1) -> (0, 0)>
#map1 = affine_map<(d0, d1) -> (0)>
#map2 = affine_map<(d0, d1) -> (0, 0, 0)>
module attributes {stable_mosaic.version = 14 : i64} {
  func.func @_sc_scatter(%arg0: i32, %arg1: i32, %arg2: memref<10000x128xf32, #tpu.memory_space<hbm>>, %arg3: memref<10000x128xf32, #tpu.memory_space<hbm>>, %arg4: memref<320000xi32, #tpu.memory_space<hbm>>, %arg5: memref<320000xi32, #tpu.memory_space<hbm>>, %arg6: memref<2x10000x128xf32, #tpu.memory_space<hbm>>, %arg7: memref<10000x128xf32, #tpu.memory_space<vmem_shared>>, %arg8: memref<10000xi32, #tpu.memory_space<vmem>>, %arg9: memref<10000xi32, #tpu.memory_space<vmem>>, %arg10: memref<6x40x128xf32, #tpu.memory_space<vmem>>, %arg11: memref<!tpu.dma_semaphore, #tpu.memory_space<semaphore_mem>>, %arg12: memref<!tpu.dma_semaphore, #tpu.memory_space<semaphore_mem>>, %arg13: memref<!tpu.dma_semaphore, #tpu.memory_space<semaphore_mem>>, %arg14: memref<!tpu.dma_semaphore, #tpu.memory_space<semaphore_mem>>, %arg15: memref<!tpu.dma_semaphore, #tpu.memory_space<semaphore_mem>>, %arg16: memref<!tpu.dma_semaphore, #tpu.memory_space<semaphore_mem>>, %arg17: memref<!tpu.dma_semaphore, #tpu.memory_space<semaphore_mem>>, %arg18: memref<!tpu.dma_semaphore, #tpu.memory_space<semaphore_mem>>, %arg19: memref<!tpu.dma_semaphore, #tpu.memory_space<semaphore_mem>>, %arg20: memref<!tpu.dma_semaphore, #tpu.memory_space<semaphore_mem>>, %arg21: memref<!tpu.dma_semaphore, #tpu.memory_space<semaphore_mem>>, %arg22: memref<!tpu.dma_semaphore, #tpu.memory_space<semaphore_mem>>) attributes {dimension_semantics = [#tpu.dimension_semantics<core_parallel>, #tpu.dimension_semantics<subcore_parallel>], iteration_bounds = array<i64: 2, 16>, scalar_prefetch = 0 : i64, scratch_operands = 16 : i64, tpu.core_type = #tpu.core_type<sc_vector_subcore>, window_params = [{transform_indices = #map}, {transform_indices = #map}, {transform_indices = #map1}, {transform_indices = #map1}, {transform_indices = #map2}]} {
    %mul3A = arith.constant 16 : i32
    %mul3A_0 = arith.muli %arg0, %mul3A : i32
    %add3A = arith.addi %mul3A_0, %arg1 : i32
    %mul3A_1 = arith.constant 624 : i32
    %mul3A_2 = arith.muli %arg1, %mul3A_1 : i32
    %mul3A_3 = arith.constant 10000 : i32
    %mul3A_4 = arith.muli %add3A, %mul3A_3 : i32
    "tpu.region"() ({
      %run_scoped3A = tpu.sem_alloc : memref<!tpu.dma_semaphore, #tpu.memory_space<semaphore_mem>>
      %dma_start3A_73 = tpu.memref_slice %arg4[%mul3A_4] : memref<320000xi32, #tpu.memory_space<hbm>> -> memref<10000xi32, #tpu.memory_space<hbm>>
      %dma_start3A_74 = tpu.memref_slice %arg4[%mul3A_4] : memref<320000xi32, #tpu.memory_space<hbm>> -> memref<10000xi32, #tpu.memory_space<hbm>>
      tpu.enqueue_dma source(%dma_start3A_74 : memref<10000xi32, #tpu.memory_space<hbm>>) target(%arg8 : memref<10000xi32, #tpu.memory_space<vmem>>) target_semaphore(%run_scoped3A : memref<!tpu.dma_semaphore, #tpu.memory_space<semaphore_mem>>)
      %dma_wait3A = tpu.memref_slice %arg4[%mul3A_4] : memref<320000xi32, #tpu.memory_space<hbm>> -> memref<10000xi32, #tpu.memory_space<hbm>>
      %dma_wait3A_75 = tpu.memref_slice %arg4[%mul3A_4] : memref<320000xi32, #tpu.memory_space<hbm>> -> memref<10000xi32, #tpu.memory_space<hbm>>
      tpu.wait_dma2 semaphore(%run_scoped3A : memref<!tpu.dma_semaphore, #tpu.memory_space<semaphore_mem>>) src(%dma_wait3A_75 : memref<10000xi32, #tpu.memory_space<hbm>>) dst(%arg8 : memref<10000xi32, #tpu.memory_space<vmem>>)
      tpu.yield
    }) : () -> ()
    %mul3A_5 = arith.constant 10000 : i32
    %mul3A_6 = arith.muli %add3A, %mul3A_5 : i32
    "tpu.region"() ({
      %run_scoped3A = tpu.sem_alloc : memref<!tpu.dma_semaphore, #tpu.memory_space<semaphore_mem>>
      %dma_start3A_73 = tpu.memref_slice %arg5[%mul3A_6] : memref<320000xi32, #tpu.memory_space<hbm>> -> memref<10000xi32, #tpu.memory_space<hbm>>
      %dma_start3A_74 = tpu.memref_slice %arg5[%mul3A_6] : memref<320000xi32, #tpu.memory_space<hbm>> -> memref<10000xi32, #tpu.memory_space<hbm>>
      tpu.enqueue_dma source(%dma_start3A_74 : memref<10000xi32, #tpu.memory_space<hbm>>) target(%arg9 : memref<10000xi32, #tpu.memory_space<vmem>>) target_semaphore(%run_scoped3A : memref<!tpu.dma_semaphore, #tpu.memory_space<semaphore_mem>>)
      %dma_wait3A = tpu.memref_slice %arg5[%mul3A_6] : memref<320000xi32, #tpu.memory_space<hbm>> -> memref<10000xi32, #tpu.memory_space<hbm>>
      %dma_wait3A_75 = tpu.memref_slice %arg5[%mul3A_6] : memref<320000xi32, #tpu.memory_space<hbm>> -> memref<10000xi32, #tpu.memory_space<hbm>>
      tpu.wait_dma2 semaphore(%run_scoped3A : memref<!tpu.dma_semaphore, #tpu.memory_space<semaphore_mem>>) src(%dma_wait3A_75 : memref<10000xi32, #tpu.memory_space<hbm>>) dst(%arg9 : memref<10000xi32, #tpu.memory_space<vmem>>)
      tpu.yield
    }) : () -> ()
    %eq3A = arith.constant 0 : i32
    %eq3A_7 = arith.cmpi eq, %arg0, %eq3A : i32
    %convert_element_type3A = arith.extui %eq3A_7 : i1 to i32
    %cond3A = arith.constant 0 : i32
    %cond3A_8 = arith.cmpi ne, %convert_element_type3A, %cond3A : i32
    scf.if %cond3A_8 {
      "tpu.region"() ({
        %run_scoped3A = tpu.sem_alloc : memref<!tpu.dma_semaphore, #tpu.memory_space<semaphore_mem>>
        %dma_start3A_78 = arith.constant 0 : i32
        %dma_start3A_79 = tpu.memref_slice %arg7[%mul3A_2, %dma_start3A_78] : memref<10000x128xf32, #tpu.memory_space<vmem_shared>> -> memref<624x128xf32, #tpu.memory_space<vmem_shared>>
        %dma_start3A_80 = arith.constant 0 : i32
        %dma_start3A_81 = tpu.memref_slice %arg2[%mul3A_2, %dma_start3A_80] : memref<10000x128xf32, #tpu.memory_space<hbm>> -> memref<624x128xf32, #tpu.memory_space<hbm>>
        tpu.enqueue_dma source(%dma_start3A_81 : memref<624x128xf32, #tpu.memory_space<hbm>>) target(%dma_start3A_79 : memref<624x128xf32, #tpu.memory_space<vmem_shared>>) target_semaphore(%run_scoped3A : memref<!tpu.dma_semaphore, #tpu.memory_space<semaphore_mem>>)
        %dma_wait3A = arith.constant 0 : i32
        %dma_wait3A_82 = tpu.memref_slice %arg7[%mul3A_2, %dma_wait3A] : memref<10000x128xf32, #tpu.memory_space<vmem_shared>> -> memref<624x128xf32, #tpu.memory_space<vmem_shared>>
        %dma_wait3A_83 = arith.constant 0 : i32
        %dma_wait3A_84 = tpu.memref_slice %arg2[%mul3A_2, %dma_wait3A_83] : memref<10000x128xf32, #tpu.memory_space<hbm>> -> memref<624x128xf32, #tpu.memory_space<hbm>>
        tpu.wait_dma2 semaphore(%run_scoped3A : memref<!tpu.dma_semaphore, #tpu.memory_space<semaphore_mem>>) src(%dma_wait3A_84 : memref<624x128xf32, #tpu.memory_space<hbm>>) dst(%dma_wait3A_82 : memref<624x128xf32, #tpu.memory_space<vmem_shared>>)
        tpu.yield
      }) : () -> ()
      %eq3A_73 = arith.constant 15 : i32
      %eq3A_74 = arith.cmpi eq, %arg1, %eq3A_73 : i32
      %convert_element_type3A_75 = arith.extui %eq3A_74 : i1 to i32
      %cond3A_76 = arith.constant 0 : i32
      %cond3A_77 = arith.cmpi ne, %convert_element_type3A_75, %cond3A_76 : i32
      scf.if %cond3A_77 {
        "tpu.region"() ({
          %run_scoped3A = tpu.sem_alloc : memref<!tpu.dma_semaphore, #tpu.memory_space<semaphore_mem>>
          %dma_start3A_78 = arith.constant 9984 : i32
          %dma_start3A_79 = arith.constant 0 : i32
          %dma_start3A_80 = tpu.memref_slice %arg7[%dma_start3A_78, %dma_start3A_79] : memref<10000x128xf32, #tpu.memory_space<vmem_shared>> -> memref<16x128xf32, #tpu.memory_space<vmem_shared>>
          %dma_start3A_81 = arith.constant 9984 : i32
          %dma_start3A_82 = arith.constant 0 : i32
          %dma_start3A_83 = tpu.memref_slice %arg2[%dma_start3A_81, %dma_start3A_82] : memref<10000x128xf32, #tpu.memory_space<hbm>> -> memref<16x128xf32, #tpu.memory_space<hbm>>
          tpu.enqueue_dma source(%dma_start3A_83 : memref<16x128xf32, #tpu.memory_space<hbm>>) target(%dma_start3A_80 : memref<16x128xf32, #tpu.memory_space<vmem_shared>>) target_semaphore(%run_scoped3A : memref<!tpu.dma_semaphore, #tpu.memory_space<semaphore_mem>>)
          %dma_wait3A = arith.constant 9984 : i32
          %dma_wait3A_84 = arith.constant 0 : i32
          %dma_wait3A_85 = tpu.memref_slice %arg7[%dma_wait3A, %dma_wait3A_84] : memref<10000x128xf32, #tpu.memory_space<vmem_shared>> -> memref<16x128xf32, #tpu.memory_space<vmem_shared>>
          %dma_wait3A_86 = arith.constant 9984 : i32
          %dma_wait3A_87 = arith.constant 0 : i32
          %dma_wait3A_88 = tpu.memref_slice %arg2[%dma_wait3A_86, %dma_wait3A_87] : memref<10000x128xf32, #tpu.memory_space<hbm>> -> memref<16x128xf32, #tpu.memory_space<hbm>>
          tpu.wait_dma2 semaphore(%run_scoped3A : memref<!tpu.dma_semaphore, #tpu.memory_space<semaphore_mem>>) src(%dma_wait3A_88 : memref<16x128xf32, #tpu.memory_space<hbm>>) dst(%dma_wait3A_85 : memref<16x128xf32, #tpu.memory_space<vmem_shared>>)
          tpu.yield
        }) : () -> ()
      } else {
      }
    } else {
    }
    %ne3A = arith.constant 0 : i32
    %ne3A_9 = arith.cmpi ne, %arg0, %ne3A : i32
    %convert_element_type3A_10 = arith.extui %ne3A_9 : i1 to i32
    %cond3A_11 = arith.constant 0 : i32
    %cond3A_12 = arith.cmpi ne, %convert_element_type3A_10, %cond3A_11 : i32
    scf.if %cond3A_12 {
      "tpu.region"() ({
        %run_scoped3A = tpu.sem_alloc : memref<!tpu.dma_semaphore, #tpu.memory_space<semaphore_mem>>
        %dma_start3A_78 = arith.constant 0 : i32
        %dma_start3A_79 = tpu.memref_slice %arg7[%mul3A_2, %dma_start3A_78] : memref<10000x128xf32, #tpu.memory_space<vmem_shared>> -> memref<624x128xf32, #tpu.memory_space<vmem_shared>>
        %dma_start3A_80 = arith.constant 0 : i32
        %dma_start3A_81 = tpu.memref_slice %arg3[%mul3A_2, %dma_start3A_80] : memref<10000x128xf32, #tpu.memory_space<hbm>> -> memref<624x128xf32, #tpu.memory_space<hbm>>
        tpu.enqueue_dma source(%dma_start3A_81 : memref<624x128xf32, #tpu.memory_space<hbm>>) target(%dma_start3A_79 : memref<624x128xf32, #tpu.memory_space<vmem_shared>>) target_semaphore(%run_scoped3A : memref<!tpu.dma_semaphore, #tpu.memory_space<semaphore_mem>>)
        %dma_wait3A = arith.constant 0 : i32
        %dma_wait3A_82 = tpu.memref_slice %arg7[%mul3A_2, %dma_wait3A] : memref<10000x128xf32, #tpu.memory_space<vmem_shared>> -> memref<624x128xf32, #tpu.memory_space<vmem_shared>>
        %dma_wait3A_83 = arith.constant 0 : i32
        %dma_wait3A_84 = tpu.memref_slice %arg3[%mul3A_2, %dma_wait3A_83] : memref<10000x128xf32, #tpu.memory_space<hbm>> -> memref<624x128xf32, #tpu.memory_space<hbm>>
        tpu.wait_dma2 semaphore(%run_scoped3A : memref<!tpu.dma_semaphore, #tpu.memory_space<semaphore_mem>>) src(%dma_wait3A_84 : memref<624x128xf32, #tpu.memory_space<hbm>>) dst(%dma_wait3A_82 : memref<624x128xf32, #tpu.memory_space<vmem_shared>>)
        tpu.yield
      }) : () -> ()
      %eq3A_73 = arith.constant 15 : i32
      %eq3A_74 = arith.cmpi eq, %arg1, %eq3A_73 : i32
      %convert_element_type3A_75 = arith.extui %eq3A_74 : i1 to i32
      %cond3A_76 = arith.constant 0 : i32
      %cond3A_77 = arith.cmpi ne, %convert_element_type3A_75, %cond3A_76 : i32
      scf.if %cond3A_77 {
        "tpu.region"() ({
          %run_scoped3A = tpu.sem_alloc : memref<!tpu.dma_semaphore, #tpu.memory_space<semaphore_mem>>
          %dma_start3A_78 = arith.constant 9984 : i32
          %dma_start3A_79 = arith.constant 0 : i32
          %dma_start3A_80 = tpu.memref_slice %arg7[%dma_start3A_78, %dma_start3A_79] : memref<10000x128xf32, #tpu.memory_space<vmem_shared>> -> memref<16x128xf32, #tpu.memory_space<vmem_shared>>
          %dma_start3A_81 = arith.constant 9984 : i32
          %dma_start3A_82 = arith.constant 0 : i32
          %dma_start3A_83 = tpu.memref_slice %arg3[%dma_start3A_81, %dma_start3A_82] : memref<10000x128xf32, #tpu.memory_space<hbm>> -> memref<16x128xf32, #tpu.memory_space<hbm>>
          tpu.enqueue_dma source(%dma_start3A_83 : memref<16x128xf32, #tpu.memory_space<hbm>>) target(%dma_start3A_80 : memref<16x128xf32, #tpu.memory_space<vmem_shared>>) target_semaphore(%run_scoped3A : memref<!tpu.dma_semaphore, #tpu.memory_space<semaphore_mem>>)
          %dma_wait3A = arith.constant 9984 : i32
          %dma_wait3A_84 = arith.constant 0 : i32
          %dma_wait3A_85 = tpu.memref_slice %arg7[%dma_wait3A, %dma_wait3A_84] : memref<10000x128xf32, #tpu.memory_space<vmem_shared>> -> memref<16x128xf32, #tpu.memory_space<vmem_shared>>
          %dma_wait3A_86 = arith.constant 9984 : i32
          %dma_wait3A_87 = arith.constant 0 : i32
          %dma_wait3A_88 = tpu.memref_slice %arg3[%dma_wait3A_86, %dma_wait3A_87] : memref<10000x128xf32, #tpu.memory_space<hbm>> -> memref<16x128xf32, #tpu.memory_space<hbm>>
          tpu.wait_dma2 semaphore(%run_scoped3A : memref<!tpu.dma_semaphore, #tpu.memory_space<semaphore_mem>>) src(%dma_wait3A_88 : memref<16x128xf32, #tpu.memory_space<hbm>>) dst(%dma_wait3A_85 : memref<16x128xf32, #tpu.memory_space<vmem_shared>>)
          tpu.yield
        }) : () -> ()
      } else {
      }
    } else {
    }
    %dma_start3A = arith.constant 0 : i32
    %dma_start3A_13 = arith.constant 0 : i32
    %dma_start3A_14 = arith.constant 0 : i32
    %dma_start3A_15 = tpu.memref_slice %arg10[%dma_start3A, %dma_start3A_13, %dma_start3A_14] : memref<6x40x128xf32, #tpu.memory_space<vmem>> -> memref<1x40x128xf32, #tpu.memory_space<vmem>>
    %dma_start3A_16 = tpu.memref_squeeze %dma_start3A_15 : memref<1x40x128xf32, #tpu.memory_space<vmem>> -> memref<40x128xf32, #tpu.memory_space<vmem>>
    %dma_start3A_17 = arith.constant 0 : i32
    %dma_start3A_18 = tpu.memref_slice %arg8[%dma_start3A_17] : memref<10000xi32, #tpu.memory_space<vmem>> -> memref<40xi32, #tpu.memory_space<vmem>>
    %dma_start3A_19 = arith.constant 0 : i32
    %dma_start3A_20 = arith.constant 0 : i32
    %dma_start3A_21 = tpu.memref_slice %arg2[%dma_start3A_19, %dma_start3A_20] : memref<10000x128xf32, #tpu.memory_space<hbm>> -> memref<10000x128xf32, #tpu.memory_space<hbm>>
    tpu.enqueue_indirect_dma source(%dma_start3A_21 : memref<10000x128xf32, #tpu.memory_space<hbm>>) target(%dma_start3A_16 : memref<40x128xf32, #tpu.memory_space<vmem>>) offsets(%dma_start3A_18 : memref<40xi32, #tpu.memory_space<vmem>>) semaphore(%arg11 : memref<!tpu.dma_semaphore, #tpu.memory_space<semaphore_mem>>)
    %dma_start3A_22 = arith.constant 1 : i32
    %dma_start3A_23 = arith.constant 0 : i32
    %dma_start3A_24 = arith.constant 0 : i32
    %dma_start3A_25 = tpu.memref_slice %arg10[%dma_start3A_22, %dma_start3A_23, %dma_start3A_24] : memref<6x40x128xf32, #tpu.memory_space<vmem>> -> memref<1x40x128xf32, #tpu.memory_space<vmem>>
    %dma_start3A_26 = tpu.memref_squeeze %dma_start3A_25 : memref<1x40x128xf32, #tpu.memory_space<vmem>> -> memref<40x128xf32, #tpu.memory_space<vmem>>
    %dma_start3A_27 = arith.constant 40 : i32
    %dma_start3A_28 = tpu.memref_slice %arg8[%dma_start3A_27] : memref<10000xi32, #tpu.memory_space<vmem>> -> memref<40xi32, #tpu.memory_space<vmem>>
    %dma_start3A_29 = arith.constant 0 : i32
    %dma_start3A_30 = arith.constant 0 : i32
    %dma_start3A_31 = tpu.memref_slice %arg2[%dma_start3A_29, %dma_start3A_30] : memref<10000x128xf32, #tpu.memory_space<hbm>> -> memref<10000x128xf32, #tpu.memory_space<hbm>>
    tpu.enqueue_indirect_dma source(%dma_start3A_31 : memref<10000x128xf32, #tpu.memory_space<hbm>>) target(%dma_start3A_26 : memref<40x128xf32, #tpu.memory_space<vmem>>) offsets(%dma_start3A_28 : memref<40xi32, #tpu.memory_space<vmem>>) semaphore(%arg12 : memref<!tpu.dma_semaphore, #tpu.memory_space<semaphore_mem>>)
    %dma_start3A_32 = arith.constant 2 : i32
    %dma_start3A_33 = arith.constant 0 : i32
    %dma_start3A_34 = arith.constant 0 : i32
    %dma_start3A_35 = tpu.memref_slice %arg10[%dma_start3A_32, %dma_start3A_33, %dma_start3A_34] : memref<6x40x128xf32, #tpu.memory_space<vmem>> -> memref<1x40x128xf32, #tpu.memory_space<vmem>>
    %dma_start3A_36 = tpu.memref_squeeze %dma_start3A_35 : memref<1x40x128xf32, #tpu.memory_space<vmem>> -> memref<40x128xf32, #tpu.memory_space<vmem>>
    %dma_start3A_37 = arith.constant 80 : i32
    %dma_start3A_38 = tpu.memref_slice %arg8[%dma_start3A_37] : memref<10000xi32, #tpu.memory_space<vmem>> -> memref<40xi32, #tpu.memory_space<vmem>>
    %dma_start3A_39 = arith.constant 0 : i32
    %dma_start3A_40 = arith.constant 0 : i32
    %dma_start3A_41 = tpu.memref_slice %arg2[%dma_start3A_39, %dma_start3A_40] : memref<10000x128xf32, #tpu.memory_space<hbm>> -> memref<10000x128xf32, #tpu.memory_space<hbm>>
    tpu.enqueue_indirect_dma source(%dma_start3A_41 : memref<10000x128xf32, #tpu.memory_space<hbm>>) target(%dma_start3A_36 : memref<40x128xf32, #tpu.memory_space<vmem>>) offsets(%dma_start3A_38 : memref<40xi32, #tpu.memory_space<vmem>>) semaphore(%arg13 : memref<!tpu.dma_semaphore, #tpu.memory_space<semaphore_mem>>)
    %dma_start3A_42 = arith.constant 3 : i32
    %dma_start3A_43 = arith.constant 0 : i32
    %dma_start3A_44 = arith.constant 0 : i32
    %dma_start3A_45 = tpu.memref_slice %arg10[%dma_start3A_42, %dma_start3A_43, %dma_start3A_44] : memref<6x40x128xf32, #tpu.memory_space<vmem>> -> memref<1x40x128xf32, #tpu.memory_space<vmem>>
    %dma_start3A_46 = tpu.memref_squeeze %dma_start3A_45 : memref<1x40x128xf32, #tpu.memory_space<vmem>> -> memref<40x128xf32, #tpu.memory_space<vmem>>
    %dma_start3A_47 = arith.constant 120 : i32
    %dma_start3A_48 = tpu.memref_slice %arg8[%dma_start3A_47] : memref<10000xi32, #tpu.memory_space<vmem>> -> memref<40xi32, #tpu.memory_space<vmem>>
    %dma_start3A_49 = arith.constant 0 : i32
    %dma_start3A_50 = arith.constant 0 : i32
    %dma_start3A_51 = tpu.memref_slice %arg2[%dma_start3A_49, %dma_start3A_50] : memref<10000x128xf32, #tpu.memory_space<hbm>> -> memref<10000x128xf32, #tpu.memory_space<hbm>>
    tpu.enqueue_indirect_dma source(%dma_start3A_51 : memref<10000x128xf32, #tpu.memory_space<hbm>>) target(%dma_start3A_46 : memref<40x128xf32, #tpu.memory_space<vmem>>) offsets(%dma_start3A_48 : memref<40xi32, #tpu.memory_space<vmem>>) semaphore(%arg14 : memref<!tpu.dma_semaphore, #tpu.memory_space<semaphore_mem>>)
    %dma_start3A_52 = arith.constant 4 : i32
    %dma_start3A_53 = arith.constant 0 : i32
    %dma_start3A_54 = arith.constant 0 : i32
    %dma_start3A_55 = tpu.memref_slice %arg10[%dma_start3A_52, %dma_start3A_53, %dma_start3A_54] : memref<6x40x128xf32, #tpu.memory_space<vmem>> -> memref<1x40x128xf32, #tpu.memory_space<vmem>>
    %dma_start3A_56 = tpu.memref_squeeze %dma_start3A_55 : memref<1x40x128xf32, #tpu.memory_space<vmem>> -> memref<40x128xf32, #tpu.memory_space<vmem>>
    %dma_start3A_57 = arith.constant 160 : i32
    %dma_start3A_58 = tpu.memref_slice %arg8[%dma_start3A_57] : memref<10000xi32, #tpu.memory_space<vmem>> -> memref<40xi32, #tpu.memory_space<vmem>>
    %dma_start3A_59 = arith.constant 0 : i32
    %dma_start3A_60 = arith.constant 0 : i32
    %dma_start3A_61 = tpu.memref_slice %arg2[%dma_start3A_59, %dma_start3A_60] : memref<10000x128xf32, #tpu.memory_space<hbm>> -> memref<10000x128xf32, #tpu.memory_space<hbm>>
    tpu.enqueue_indirect_dma source(%dma_start3A_61 : memref<10000x128xf32, #tpu.memory_space<hbm>>) target(%dma_start3A_56 : memref<40x128xf32, #tpu.memory_space<vmem>>) offsets(%dma_start3A_58 : memref<40xi32, #tpu.memory_space<vmem>>) semaphore(%arg15 : memref<!tpu.dma_semaphore, #tpu.memory_space<semaphore_mem>>)
    %barrier3A = arith.constant 0 : index
    tpu.barrier barrier_id(%barrier3A)
    %scan3A = arith.constant 0 : i32
    %scan3A_62 = arith.constant 0 : i32
    %scan3A_63 = arith.constant 43 : i32
    %scan3A_64 = arith.addi %scan3A_62, %scan3A_63 : i32
    %scan3A_65 = arith.constant 1 : i32
    scf.for %scan3A_73 = %scan3A_62 to %scan3A_64 step %scan3A_65  : i32 {
      %mul3A_74 = arith.constant 6 : i32
      %mul3A_75 = arith.muli %scan3A_73, %mul3A_74 : i32
      %add3A_76 = arith.constant 0 : i32
      %add3A_77 = arith.addi %mul3A_75, %add3A_76 : i32
      %ge3A = arith.constant 1 : i32
      %ge3A_78 = arith.cmpi sge, %add3A_77, %ge3A : i32
      %sub3A = arith.constant 1 : i32
      %sub3A_79 = arith.subi %add3A_77, %sub3A : i32
      %lt3A = arith.constant 250 : i32
      %lt3A_80 = arith.cmpi slt, %sub3A_79, %lt3A : i32
      %and3A = arith.andi %ge3A_78, %lt3A_80 : i1
      %convert_element_type3A_81 = arith.extui %and3A : i1 to i32
      %cond3A_82 = arith.constant 0 : i32
      %cond3A_83 = arith.cmpi ne, %convert_element_type3A_81, %cond3A_82 : i32
      scf.if %cond3A_83 {
        %sub3A_238 = arith.constant 1 : i32
        %sub3A_239 = arith.subi %add3A_77, %sub3A_238 : i32
        %mul3A_240 = arith.constant 40 : i32
        %mul3A_241 = arith.muli %sub3A_239, %mul3A_240 : i32
        %dma_wait3A = arith.constant 5 : i32
        %dma_wait3A_242 = arith.constant 0 : i32
        %dma_wait3A_243 = arith.constant 0 : i32
        %dma_wait3A_244 = tpu.memref_slice %arg10[%dma_wait3A, %dma_wait3A_242, %dma_wait3A_243] : memref<6x40x128xf32, #tpu.memory_space<vmem>> -> memref<1x40x128xf32, #tpu.memory_space<vmem>>
        %dma_wait3A_245 = tpu.memref_squeeze %dma_wait3A_244 : memref<1x40x128xf32, #tpu.memory_space<vmem>> -> memref<40x128xf32, #tpu.memory_space<vmem>>
        %dma_wait3A_246 = tpu.memref_slice %arg9[%mul3A_241] : memref<10000xi32, #tpu.memory_space<vmem>> -> memref<40xi32, #tpu.memory_space<vmem>>
        %dma_wait3A_247 = arith.constant 0 : i32
        %dma_wait3A_248 = arith.constant 0 : i32
        %dma_wait3A_249 = tpu.memref_slice %arg7[%dma_wait3A_247, %dma_wait3A_248] : memref<10000x128xf32, #tpu.memory_space<vmem_shared>> -> memref<10000x128xf32, #tpu.memory_space<vmem_shared>>
        tpu.wait_indirect_dma semaphore(%arg22 : memref<!tpu.dma_semaphore, #tpu.memory_space<semaphore_mem>>) src(%dma_wait3A_245 : memref<40x128xf32, #tpu.memory_space<vmem>>) dst(%dma_wait3A_249 : memref<10000x128xf32, #tpu.memory_space<vmem_shared>>)
      } else {
      }
      %add3A_84 = arith.constant 6 : i32
      %add3A_85 = arith.addi %add3A_77, %add3A_84 : i32
      %sub3A_86 = arith.constant 1 : i32
      %sub3A_87 = arith.subi %add3A_85, %sub3A_86 : i32
      %lt3A_88 = arith.constant 250 : i32
      %lt3A_89 = arith.cmpi slt, %sub3A_87, %lt3A_88 : i32
      %convert_element_type3A_90 = arith.extui %lt3A_89 : i1 to i32
      %cond3A_91 = arith.constant 0 : i32
      %cond3A_92 = arith.cmpi ne, %convert_element_type3A_90, %cond3A_91 : i32
      scf.if %cond3A_92 {
        %add3A_238 = arith.constant 6 : i32
        %add3A_239 = arith.addi %add3A_77, %add3A_238 : i32
        %sub3A_240 = arith.constant 1 : i32
        %sub3A_241 = arith.subi %add3A_239, %sub3A_240 : i32
        %mul3A_242 = arith.constant 40 : i32
        %mul3A_243 = arith.muli %sub3A_241, %mul3A_242 : i32
        %dma_start3A_244 = arith.constant 5 : i32
        %dma_start3A_245 = arith.constant 0 : i32
        %dma_start3A_246 = arith.constant 0 : i32
        %dma_start3A_247 = tpu.memref_slice %arg10[%dma_start3A_244, %dma_start3A_245, %dma_start3A_246] : memref<6x40x128xf32, #tpu.memory_space<vmem>> -> memref<1x40x128xf32, #tpu.memory_space<vmem>>
        %dma_start3A_248 = tpu.memref_squeeze %dma_start3A_247 : memref<1x40x128xf32, #tpu.memory_space<vmem>> -> memref<40x128xf32, #tpu.memory_space<vmem>>
        %dma_start3A_249 = tpu.memref_slice %arg8[%mul3A_243] : memref<10000xi32, #tpu.memory_space<vmem>> -> memref<40xi32, #tpu.memory_space<vmem>>
        %dma_start3A_250 = arith.constant 0 : i32
        %dma_start3A_251 = arith.constant 0 : i32
        %dma_start3A_252 = tpu.memref_slice %arg2[%dma_start3A_250, %dma_start3A_251] : memref<10000x128xf32, #tpu.memory_space<hbm>> -> memref<10000x128xf32, #tpu.memory_space<hbm>>
        tpu.enqueue_indirect_dma source(%dma_start3A_252 : memref<10000x128xf32, #tpu.memory_space<hbm>>) target(%dma_start3A_248 : memref<40x128xf32, #tpu.memory_space<vmem>>) offsets(%dma_start3A_249 : memref<40xi32, #tpu.memory_space<vmem>>) semaphore(%arg16 : memref<!tpu.dma_semaphore, #tpu.memory_space<semaphore_mem>>)
      } else {
      }
      %lt3A_93 = arith.constant 250 : i32
      %lt3A_94 = arith.cmpi slt, %add3A_77, %lt3A_93 : i32
      %convert_element_type3A_95 = arith.extui %lt3A_94 : i1 to i32
      %cond3A_96 = arith.constant 0 : i32
      %cond3A_97 = arith.cmpi ne, %convert_element_type3A_95, %cond3A_96 : i32
      scf.if %cond3A_97 {
        %mul3A_238 = arith.constant 40 : i32
        %mul3A_239 = arith.muli %add3A_77, %mul3A_238 : i32
        %dma_wait3A = arith.constant 0 : i32
        %dma_wait3A_240 = arith.constant 0 : i32
        %dma_wait3A_241 = arith.constant 0 : i32
        %dma_wait3A_242 = tpu.memref_slice %arg10[%dma_wait3A, %dma_wait3A_240, %dma_wait3A_241] : memref<6x40x128xf32, #tpu.memory_space<vmem>> -> memref<1x40x128xf32, #tpu.memory_space<vmem>>
        %dma_wait3A_243 = tpu.memref_squeeze %dma_wait3A_242 : memref<1x40x128xf32, #tpu.memory_space<vmem>> -> memref<40x128xf32, #tpu.memory_space<vmem>>
        %dma_wait3A_244 = tpu.memref_slice %arg8[%mul3A_239] : memref<10000xi32, #tpu.memory_space<vmem>> -> memref<40xi32, #tpu.memory_space<vmem>>
        %dma_wait3A_245 = arith.constant 0 : i32
        %dma_wait3A_246 = arith.constant 0 : i32
        %dma_wait3A_247 = tpu.memref_slice %arg2[%dma_wait3A_245, %dma_wait3A_246] : memref<10000x128xf32, #tpu.memory_space<hbm>> -> memref<10000x128xf32, #tpu.memory_space<hbm>>
        tpu.wait_indirect_dma semaphore(%arg11 : memref<!tpu.dma_semaphore, #tpu.memory_space<semaphore_mem>>) src(%dma_wait3A_247 : memref<10000x128xf32, #tpu.memory_space<hbm>>) dst(%dma_wait3A_243 : memref<40x128xf32, #tpu.memory_space<vmem>>)
        %mul3A_248 = arith.constant 40 : i32
        %mul3A_249 = arith.muli %add3A_77, %mul3A_248 : i32
        %dma_start3A_250 = arith.constant 0 : i32
        %dma_start3A_251 = arith.constant 0 : i32
        %dma_start3A_252 = arith.constant 0 : i32
        %dma_start3A_253 = tpu.memref_slice %arg10[%dma_start3A_250, %dma_start3A_251, %dma_start3A_252] : memref<6x40x128xf32, #tpu.memory_space<vmem>> -> memref<1x40x128xf32, #tpu.memory_space<vmem>>
        %dma_start3A_254 = tpu.memref_squeeze %dma_start3A_253 : memref<1x40x128xf32, #tpu.memory_space<vmem>> -> memref<40x128xf32, #tpu.memory_space<vmem>>
        %dma_start3A_255 = tpu.memref_slice %arg9[%mul3A_249] : memref<10000xi32, #tpu.memory_space<vmem>> -> memref<40xi32, #tpu.memory_space<vmem>>
        %dma_start3A_256 = arith.constant 0 : i32
        %dma_start3A_257 = arith.constant 0 : i32
        %dma_start3A_258 = tpu.memref_slice %arg7[%dma_start3A_256, %dma_start3A_257] : memref<10000x128xf32, #tpu.memory_space<vmem_shared>> -> memref<10000x128xf32, #tpu.memory_space<vmem_shared>>
        tpu.enqueue_indirect_dma source(%dma_start3A_254 : memref<40x128xf32, #tpu.memory_space<vmem>>) target(%dma_start3A_258 : memref<10000x128xf32, #tpu.memory_space<vmem_shared>>) offsets(%dma_start3A_255 : memref<40xi32, #tpu.memory_space<vmem>>) semaphore(%arg17 : memref<!tpu.dma_semaphore, #tpu.memory_space<semaphore_mem>>) {add = true}
      } else {
      }
      %mul3A_98 = arith.constant 6 : i32
      %mul3A_99 = arith.muli %scan3A_73, %mul3A_98 : i32
      %add3A_100 = arith.constant 1 : i32
      %add3A_101 = arith.addi %mul3A_99, %add3A_100 : i32
      %ge3A_102 = arith.constant 1 : i32
      %ge3A_103 = arith.cmpi sge, %add3A_101, %ge3A_102 : i32
      %sub3A_104 = arith.constant 1 : i32
      %sub3A_105 = arith.subi %add3A_101, %sub3A_104 : i32
      %lt3A_106 = arith.constant 250 : i32
      %lt3A_107 = arith.cmpi slt, %sub3A_105, %lt3A_106 : i32
      %and3A_108 = arith.andi %ge3A_103, %lt3A_107 : i1
      %convert_element_type3A_109 = arith.extui %and3A_108 : i1 to i32
      %cond3A_110 = arith.constant 0 : i32
      %cond3A_111 = arith.cmpi ne, %convert_element_type3A_109, %cond3A_110 : i32
      scf.if %cond3A_111 {
        %sub3A_238 = arith.constant 1 : i32
        %sub3A_239 = arith.subi %add3A_101, %sub3A_238 : i32
        %mul3A_240 = arith.constant 40 : i32
        %mul3A_241 = arith.muli %sub3A_239, %mul3A_240 : i32
        %dma_wait3A = arith.constant 0 : i32
        %dma_wait3A_242 = arith.constant 0 : i32
        %dma_wait3A_243 = arith.constant 0 : i32
        %dma_wait3A_244 = tpu.memref_slice %arg10[%dma_wait3A, %dma_wait3A_242, %dma_wait3A_243] : memref<6x40x128xf32, #tpu.memory_space<vmem>> -> memref<1x40x128xf32, #tpu.memory_space<vmem>>
        %dma_wait3A_245 = tpu.memref_squeeze %dma_wait3A_244 : memref<1x40x128xf32, #tpu.memory_space<vmem>> -> memref<40x128xf32, #tpu.memory_space<vmem>>
        %dma_wait3A_246 = tpu.memref_slice %arg9[%mul3A_241] : memref<10000xi32, #tpu.memory_space<vmem>> -> memref<40xi32, #tpu.memory_space<vmem>>
        %dma_wait3A_247 = arith.constant 0 : i32
        %dma_wait3A_248 = arith.constant 0 : i32
        %dma_wait3A_249 = tpu.memref_slice %arg7[%dma_wait3A_247, %dma_wait3A_248] : memref<10000x128xf32, #tpu.memory_space<vmem_shared>> -> memref<10000x128xf32, #tpu.memory_space<vmem_shared>>
        tpu.wait_indirect_dma semaphore(%arg17 : memref<!tpu.dma_semaphore, #tpu.memory_space<semaphore_mem>>) src(%dma_wait3A_245 : memref<40x128xf32, #tpu.memory_space<vmem>>) dst(%dma_wait3A_249 : memref<10000x128xf32, #tpu.memory_space<vmem_shared>>)
      } else {
      }
      %add3A_112 = arith.constant 6 : i32
      %add3A_113 = arith.addi %add3A_101, %add3A_112 : i32
      %sub3A_114 = arith.constant 1 : i32
      %sub3A_115 = arith.subi %add3A_113, %sub3A_114 : i32
      %lt3A_116 = arith.constant 250 : i32
      %lt3A_117 = arith.cmpi slt, %sub3A_115, %lt3A_116 : i32
      %convert_element_type3A_118 = arith.extui %lt3A_117 : i1 to i32
      %cond3A_119 = arith.constant 0 : i32
      %cond3A_120 = arith.cmpi ne, %convert_element_type3A_118, %cond3A_119 : i32
      scf.if %cond3A_120 {
        %add3A_238 = arith.constant 6 : i32
        %add3A_239 = arith.addi %add3A_101, %add3A_238 : i32
        %sub3A_240 = arith.constant 1 : i32
        %sub3A_241 = arith.subi %add3A_239, %sub3A_240 : i32
        %mul3A_242 = arith.constant 40 : i32
        %mul3A_243 = arith.muli %sub3A_241, %mul3A_242 : i32
        %dma_start3A_244 = arith.constant 0 : i32
        %dma_start3A_245 = arith.constant 0 : i32
        %dma_start3A_246 = arith.constant 0 : i32
        %dma_start3A_247 = tpu.memref_slice %arg10[%dma_start3A_244, %dma_start3A_245, %dma_start3A_246] : memref<6x40x128xf32, #tpu.memory_space<vmem>> -> memref<1x40x128xf32, #tpu.memory_space<vmem>>
        %dma_start3A_248 = tpu.memref_squeeze %dma_start3A_247 : memref<1x40x128xf32, #tpu.memory_space<vmem>> -> memref<40x128xf32, #tpu.memory_space<vmem>>
        %dma_start3A_249 = tpu.memref_slice %arg8[%mul3A_243] : memref<10000xi32, #tpu.memory_space<vmem>> -> memref<40xi32, #tpu.memory_space<vmem>>
        %dma_start3A_250 = arith.constant 0 : i32
        %dma_start3A_251 = arith.constant 0 : i32
        %dma_start3A_252 = tpu.memref_slice %arg2[%dma_start3A_250, %dma_start3A_251] : memref<10000x128xf32, #tpu.memory_space<hbm>> -> memref<10000x128xf32, #tpu.memory_space<hbm>>
        tpu.enqueue_indirect_dma source(%dma_start3A_252 : memref<10000x128xf32, #tpu.memory_space<hbm>>) target(%dma_start3A_248 : memref<40x128xf32, #tpu.memory_space<vmem>>) offsets(%dma_start3A_249 : memref<40xi32, #tpu.memory_space<vmem>>) semaphore(%arg11 : memref<!tpu.dma_semaphore, #tpu.memory_space<semaphore_mem>>)
      } else {
      }
      %lt3A_121 = arith.constant 250 : i32
      %lt3A_122 = arith.cmpi slt, %add3A_101, %lt3A_121 : i32
      %convert_element_type3A_123 = arith.extui %lt3A_122 : i1 to i32
      %cond3A_124 = arith.constant 0 : i32
      %cond3A_125 = arith.cmpi ne, %convert_element_type3A_123, %cond3A_124 : i32
      scf.if %cond3A_125 {
        %mul3A_238 = arith.constant 40 : i32
        %mul3A_239 = arith.muli %add3A_101, %mul3A_238 : i32
        %dma_wait3A = arith.constant 1 : i32
        %dma_wait3A_240 = arith.constant 0 : i32
        %dma_wait3A_241 = arith.constant 0 : i32
        %dma_wait3A_242 = tpu.memref_slice %arg10[%dma_wait3A, %dma_wait3A_240, %dma_wait3A_241] : memref<6x40x128xf32, #tpu.memory_space<vmem>> -> memref<1x40x128xf32, #tpu.memory_space<vmem>>
        %dma_wait3A_243 = tpu.memref_squeeze %dma_wait3A_242 : memref<1x40x128xf32, #tpu.memory_space<vmem>> -> memref<40x128xf32, #tpu.memory_space<vmem>>
        %dma_wait3A_244 = tpu.memref_slice %arg8[%mul3A_239] : memref<10000xi32, #tpu.memory_space<vmem>> -> memref<40xi32, #tpu.memory_space<vmem>>
        %dma_wait3A_245 = arith.constant 0 : i32
        %dma_wait3A_246 = arith.constant 0 : i32
        %dma_wait3A_247 = tpu.memref_slice %arg2[%dma_wait3A_245, %dma_wait3A_246] : memref<10000x128xf32, #tpu.memory_space<hbm>> -> memref<10000x128xf32, #tpu.memory_space<hbm>>
        tpu.wait_indirect_dma semaphore(%arg12 : memref<!tpu.dma_semaphore, #tpu.memory_space<semaphore_mem>>) src(%dma_wait3A_247 : memref<10000x128xf32, #tpu.memory_space<hbm>>) dst(%dma_wait3A_243 : memref<40x128xf32, #tpu.memory_space<vmem>>)
        %mul3A_248 = arith.constant 40 : i32
        %mul3A_249 = arith.muli %add3A_101, %mul3A_248 : i32
        %dma_start3A_250 = arith.constant 1 : i32
        %dma_start3A_251 = arith.constant 0 : i32
        %dma_start3A_252 = arith.constant 0 : i32
        %dma_start3A_253 = tpu.memref_slice %arg10[%dma_start3A_250, %dma_start3A_251, %dma_start3A_252] : memref<6x40x128xf32, #tpu.memory_space<vmem>> -> memref<1x40x128xf32, #tpu.memory_space<vmem>>
        %dma_start3A_254 = tpu.memref_squeeze %dma_start3A_253 : memref<1x40x128xf32, #tpu.memory_space<vmem>> -> memref<40x128xf32, #tpu.memory_space<vmem>>
        %dma_start3A_255 = tpu.memref_slice %arg9[%mul3A_249] : memref<10000xi32, #tpu.memory_space<vmem>> -> memref<40xi32, #tpu.memory_space<vmem>>
        %dma_start3A_256 = arith.constant 0 : i32
        %dma_start3A_257 = arith.constant 0 : i32
        %dma_start3A_258 = tpu.memref_slice %arg7[%dma_start3A_256, %dma_start3A_257] : memref<10000x128xf32, #tpu.memory_space<vmem_shared>> -> memref<10000x128xf32, #tpu.memory_space<vmem_shared>>
        tpu.enqueue_indirect_dma source(%dma_start3A_254 : memref<40x128xf32, #tpu.memory_space<vmem>>) target(%dma_start3A_258 : memref<10000x128xf32, #tpu.memory_space<vmem_shared>>) offsets(%dma_start3A_255 : memref<40xi32, #tpu.memory_space<vmem>>) semaphore(%arg18 : memref<!tpu.dma_semaphore, #tpu.memory_space<semaphore_mem>>) {add = true}
      } else {
      }
      %mul3A_126 = arith.constant 6 : i32
      %mul3A_127 = arith.muli %scan3A_73, %mul3A_126 : i32
      %add3A_128 = arith.constant 2 : i32
      %add3A_129 = arith.addi %mul3A_127, %add3A_128 : i32
      %ge3A_130 = arith.constant 1 : i32
      %ge3A_131 = arith.cmpi sge, %add3A_129, %ge3A_130 : i32
      %sub3A_132 = arith.constant 1 : i32
      %sub3A_133 = arith.subi %add3A_129, %sub3A_132 : i32
      %lt3A_134 = arith.constant 250 : i32
      %lt3A_135 = arith.cmpi slt, %sub3A_133, %lt3A_134 : i32
      %and3A_136 = arith.andi %ge3A_131, %lt3A_135 : i1
      %convert_element_type3A_137 = arith.extui %and3A_136 : i1 to i32
      %cond3A_138 = arith.constant 0 : i32
      %cond3A_139 = arith.cmpi ne, %convert_element_type3A_137, %cond3A_138 : i32
      scf.if %cond3A_139 {
        %sub3A_238 = arith.constant 1 : i32
        %sub3A_239 = arith.subi %add3A_129, %sub3A_238 : i32
        %mul3A_240 = arith.constant 40 : i32
        %mul3A_241 = arith.muli %sub3A_239, %mul3A_240 : i32
        %dma_wait3A = arith.constant 1 : i32
        %dma_wait3A_242 = arith.constant 0 : i32
        %dma_wait3A_243 = arith.constant 0 : i32
        %dma_wait3A_244 = tpu.memref_slice %arg10[%dma_wait3A, %dma_wait3A_242, %dma_wait3A_243] : memref<6x40x128xf32, #tpu.memory_space<vmem>> -> memref<1x40x128xf32, #tpu.memory_space<vmem>>
        %dma_wait3A_245 = tpu.memref_squeeze %dma_wait3A_244 : memref<1x40x128xf32, #tpu.memory_space<vmem>> -> memref<40x128xf32, #tpu.memory_space<vmem>>
        %dma_wait3A_246 = tpu.memref_slice %arg9[%mul3A_241] : memref<10000xi32, #tpu.memory_space<vmem>> -> memref<40xi32, #tpu.memory_space<vmem>>
        %dma_wait3A_247 = arith.constant 0 : i32
        %dma_wait3A_248 = arith.constant 0 : i32
        %dma_wait3A_249 = tpu.memref_slice %arg7[%dma_wait3A_247, %dma_wait3A_248] : memref<10000x128xf32, #tpu.memory_space<vmem_shared>> -> memref<10000x128xf32, #tpu.memory_space<vmem_shared>>
        tpu.wait_indirect_dma semaphore(%arg18 : memref<!tpu.dma_semaphore, #tpu.memory_space<semaphore_mem>>) src(%dma_wait3A_245 : memref<40x128xf32, #tpu.memory_space<vmem>>) dst(%dma_wait3A_249 : memref<10000x128xf32, #tpu.memory_space<vmem_shared>>)
      } else {
      }
      %add3A_140 = arith.constant 6 : i32
      %add3A_141 = arith.addi %add3A_129, %add3A_140 : i32
      %sub3A_142 = arith.constant 1 : i32
      %sub3A_143 = arith.subi %add3A_141, %sub3A_142 : i32
      %lt3A_144 = arith.constant 250 : i32
      %lt3A_145 = arith.cmpi slt, %sub3A_143, %lt3A_144 : i32
      %convert_element_type3A_146 = arith.extui %lt3A_145 : i1 to i32
      %cond3A_147 = arith.constant 0 : i32
      %cond3A_148 = arith.cmpi ne, %convert_element_type3A_146, %cond3A_147 : i32
      scf.if %cond3A_148 {
        %add3A_238 = arith.constant 6 : i32
        %add3A_239 = arith.addi %add3A_129, %add3A_238 : i32
        %sub3A_240 = arith.constant 1 : i32
        %sub3A_241 = arith.subi %add3A_239, %sub3A_240 : i32
        %mul3A_242 = arith.constant 40 : i32
        %mul3A_243 = arith.muli %sub3A_241, %mul3A_242 : i32
        %dma_start3A_244 = arith.constant 1 : i32
        %dma_start3A_245 = arith.constant 0 : i32
        %dma_start3A_246 = arith.constant 0 : i32
        %dma_start3A_247 = tpu.memref_slice %arg10[%dma_start3A_244, %dma_start3A_245, %dma_start3A_246] : memref<6x40x128xf32, #tpu.memory_space<vmem>> -> memref<1x40x128xf32, #tpu.memory_space<vmem>>
        %dma_start3A_248 = tpu.memref_squeeze %dma_start3A_247 : memref<1x40x128xf32, #tpu.memory_space<vmem>> -> memref<40x128xf32, #tpu.memory_space<vmem>>
        %dma_start3A_249 = tpu.memref_slice %arg8[%mul3A_243] : memref<10000xi32, #tpu.memory_space<vmem>> -> memref<40xi32, #tpu.memory_space<vmem>>
        %dma_start3A_250 = arith.constant 0 : i32
        %dma_start3A_251 = arith.constant 0 : i32
        %dma_start3A_252 = tpu.memref_slice %arg2[%dma_start3A_250, %dma_start3A_251] : memref<10000x128xf32, #tpu.memory_space<hbm>> -> memref<10000x128xf32, #tpu.memory_space<hbm>>
        tpu.enqueue_indirect_dma source(%dma_start3A_252 : memref<10000x128xf32, #tpu.memory_space<hbm>>) target(%dma_start3A_248 : memref<40x128xf32, #tpu.memory_space<vmem>>) offsets(%dma_start3A_249 : memref<40xi32, #tpu.memory_space<vmem>>) semaphore(%arg12 : memref<!tpu.dma_semaphore, #tpu.memory_space<semaphore_mem>>)
      } else {
      }
      %lt3A_149 = arith.constant 250 : i32
      %lt3A_150 = arith.cmpi slt, %add3A_129, %lt3A_149 : i32
      %convert_element_type3A_151 = arith.extui %lt3A_150 : i1 to i32
      %cond3A_152 = arith.constant 0 : i32
      %cond3A_153 = arith.cmpi ne, %convert_element_type3A_151, %cond3A_152 : i32
      scf.if %cond3A_153 {
        %mul3A_238 = arith.constant 40 : i32
        %mul3A_239 = arith.muli %add3A_129, %mul3A_238 : i32
        %dma_wait3A = arith.constant 2 : i32
        %dma_wait3A_240 = arith.constant 0 : i32
        %dma_wait3A_241 = arith.constant 0 : i32
        %dma_wait3A_242 = tpu.memref_slice %arg10[%dma_wait3A, %dma_wait3A_240, %dma_wait3A_241] : memref<6x40x128xf32, #tpu.memory_space<vmem>> -> memref<1x40x128xf32, #tpu.memory_space<vmem>>
        %dma_wait3A_243 = tpu.memref_squeeze %dma_wait3A_242 : memref<1x40x128xf32, #tpu.memory_space<vmem>> -> memref<40x128xf32, #tpu.memory_space<vmem>>
        %dma_wait3A_244 = tpu.memref_slice %arg8[%mul3A_239] : memref<10000xi32, #tpu.memory_space<vmem>> -> memref<40xi32, #tpu.memory_space<vmem>>
        %dma_wait3A_245 = arith.constant 0 : i32
        %dma_wait3A_246 = arith.constant 0 : i32
        %dma_wait3A_247 = tpu.memref_slice %arg2[%dma_wait3A_245, %dma_wait3A_246] : memref<10000x128xf32, #tpu.memory_space<hbm>> -> memref<10000x128xf32, #tpu.memory_space<hbm>>
        tpu.wait_indirect_dma semaphore(%arg13 : memref<!tpu.dma_semaphore, #tpu.memory_space<semaphore_mem>>) src(%dma_wait3A_247 : memref<10000x128xf32, #tpu.memory_space<hbm>>) dst(%dma_wait3A_243 : memref<40x128xf32, #tpu.memory_space<vmem>>)
        %mul3A_248 = arith.constant 40 : i32
        %mul3A_249 = arith.muli %add3A_129, %mul3A_248 : i32
        %dma_start3A_250 = arith.constant 2 : i32
        %dma_start3A_251 = arith.constant 0 : i32
        %dma_start3A_252 = arith.constant 0 : i32
        %dma_start3A_253 = tpu.memref_slice %arg10[%dma_start3A_250, %dma_start3A_251, %dma_start3A_252] : memref<6x40x128xf32, #tpu.memory_space<vmem>> -> memref<1x40x128xf32, #tpu.memory_space<vmem>>
        %dma_start3A_254 = tpu.memref_squeeze %dma_start3A_253 : memref<1x40x128xf32, #tpu.memory_space<vmem>> -> memref<40x128xf32, #tpu.memory_space<vmem>>
        %dma_start3A_255 = tpu.memref_slice %arg9[%mul3A_249] : memref<10000xi32, #tpu.memory_space<vmem>> -> memref<40xi32, #tpu.memory_space<vmem>>
        %dma_start3A_256 = arith.constant 0 : i32
        %dma_start3A_257 = arith.constant 0 : i32
        %dma_start3A_258 = tpu.memref_slice %arg7[%dma_start3A_256, %dma_start3A_257] : memref<10000x128xf32, #tpu.memory_space<vmem_shared>> -> memref<10000x128xf32, #tpu.memory_space<vmem_shared>>
        tpu.enqueue_indirect_dma source(%dma_start3A_254 : memref<40x128xf32, #tpu.memory_space<vmem>>) target(%dma_start3A_258 : memref<10000x128xf32, #tpu.memory_space<vmem_shared>>) offsets(%dma_start3A_255 : memref<40xi32, #tpu.memory_space<vmem>>) semaphore(%arg19 : memref<!tpu.dma_semaphore, #tpu.memory_space<semaphore_mem>>) {add = true}
      } else {
      }
      %mul3A_154 = arith.constant 6 : i32
      %mul3A_155 = arith.muli %scan3A_73, %mul3A_154 : i32
      %add3A_156 = arith.constant 3 : i32
      %add3A_157 = arith.addi %mul3A_155, %add3A_156 : i32
      %ge3A_158 = arith.constant 1 : i32
      %ge3A_159 = arith.cmpi sge, %add3A_157, %ge3A_158 : i32
      %sub3A_160 = arith.constant 1 : i32
      %sub3A_161 = arith.subi %add3A_157, %sub3A_160 : i32
      %lt3A_162 = arith.constant 250 : i32
      %lt3A_163 = arith.cmpi slt, %sub3A_161, %lt3A_162 : i32
      %and3A_164 = arith.andi %ge3A_159, %lt3A_163 : i1
      %convert_element_type3A_165 = arith.extui %and3A_164 : i1 to i32
      %cond3A_166 = arith.constant 0 : i32
      %cond3A_167 = arith.cmpi ne, %convert_element_type3A_165, %cond3A_166 : i32
      scf.if %cond3A_167 {
        %sub3A_238 = arith.constant 1 : i32
        %sub3A_239 = arith.subi %add3A_157, %sub3A_238 : i32
        %mul3A_240 = arith.constant 40 : i32
        %mul3A_241 = arith.muli %sub3A_239, %mul3A_240 : i32
        %dma_wait3A = arith.constant 2 : i32
        %dma_wait3A_242 = arith.constant 0 : i32
        %dma_wait3A_243 = arith.constant 0 : i32
        %dma_wait3A_244 = tpu.memref_slice %arg10[%dma_wait3A, %dma_wait3A_242, %dma_wait3A_243] : memref<6x40x128xf32, #tpu.memory_space<vmem>> -> memref<1x40x128xf32, #tpu.memory_space<vmem>>
        %dma_wait3A_245 = tpu.memref_squeeze %dma_wait3A_244 : memref<1x40x128xf32, #tpu.memory_space<vmem>> -> memref<40x128xf32, #tpu.memory_space<vmem>>
        %dma_wait3A_246 = tpu.memref_slice %arg9[%mul3A_241] : memref<10000xi32, #tpu.memory_space<vmem>> -> memref<40xi32, #tpu.memory_space<vmem>>
        %dma_wait3A_247 = arith.constant 0 : i32
        %dma_wait3A_248 = arith.constant 0 : i32
        %dma_wait3A_249 = tpu.memref_slice %arg7[%dma_wait3A_247, %dma_wait3A_248] : memref<10000x128xf32, #tpu.memory_space<vmem_shared>> -> memref<10000x128xf32, #tpu.memory_space<vmem_shared>>
        tpu.wait_indirect_dma semaphore(%arg19 : memref<!tpu.dma_semaphore, #tpu.memory_space<semaphore_mem>>) src(%dma_wait3A_245 : memref<40x128xf32, #tpu.memory_space<vmem>>) dst(%dma_wait3A_249 : memref<10000x128xf32, #tpu.memory_space<vmem_shared>>)
      } else {
      }
      %add3A_168 = arith.constant 6 : i32
      %add3A_169 = arith.addi %add3A_157, %add3A_168 : i32
      %sub3A_170 = arith.constant 1 : i32
      %sub3A_171 = arith.subi %add3A_169, %sub3A_170 : i32
      %lt3A_172 = arith.constant 250 : i32
      %lt3A_173 = arith.cmpi slt, %sub3A_171, %lt3A_172 : i32
      %convert_element_type3A_174 = arith.extui %lt3A_173 : i1 to i32
      %cond3A_175 = arith.constant 0 : i32
      %cond3A_176 = arith.cmpi ne, %convert_element_type3A_174, %cond3A_175 : i32
      scf.if %cond3A_176 {
        %add3A_238 = arith.constant 6 : i32
        %add3A_239 = arith.addi %add3A_157, %add3A_238 : i32
        %sub3A_240 = arith.constant 1 : i32
        %sub3A_241 = arith.subi %add3A_239, %sub3A_240 : i32
        %mul3A_242 = arith.constant 40 : i32
        %mul3A_243 = arith.muli %sub3A_241, %mul3A_242 : i32
        %dma_start3A_244 = arith.constant 2 : i32
        %dma_start3A_245 = arith.constant 0 : i32
        %dma_start3A_246 = arith.constant 0 : i32
        %dma_start3A_247 = tpu.memref_slice %arg10[%dma_start3A_244, %dma_start3A_245, %dma_start3A_246] : memref<6x40x128xf32, #tpu.memory_space<vmem>> -> memref<1x40x128xf32, #tpu.memory_space<vmem>>
        %dma_start3A_248 = tpu.memref_squeeze %dma_start3A_247 : memref<1x40x128xf32, #tpu.memory_space<vmem>> -> memref<40x128xf32, #tpu.memory_space<vmem>>
        %dma_start3A_249 = tpu.memref_slice %arg8[%mul3A_243] : memref<10000xi32, #tpu.memory_space<vmem>> -> memref<40xi32, #tpu.memory_space<vmem>>
        %dma_start3A_250 = arith.constant 0 : i32
        %dma_start3A_251 = arith.constant 0 : i32
        %dma_start3A_252 = tpu.memref_slice %arg2[%dma_start3A_250, %dma_start3A_251] : memref<10000x128xf32, #tpu.memory_space<hbm>> -> memref<10000x128xf32, #tpu.memory_space<hbm>>
        tpu.enqueue_indirect_dma source(%dma_start3A_252 : memref<10000x128xf32, #tpu.memory_space<hbm>>) target(%dma_start3A_248 : memref<40x128xf32, #tpu.memory_space<vmem>>) offsets(%dma_start3A_249 : memref<40xi32, #tpu.memory_space<vmem>>) semaphore(%arg13 : memref<!tpu.dma_semaphore, #tpu.memory_space<semaphore_mem>>)
      } else {
      }
      %lt3A_177 = arith.constant 250 : i32
      %lt3A_178 = arith.cmpi slt, %add3A_157, %lt3A_177 : i32
      %convert_element_type3A_179 = arith.extui %lt3A_178 : i1 to i32
      %cond3A_180 = arith.constant 0 : i32
      %cond3A_181 = arith.cmpi ne, %convert_element_type3A_179, %cond3A_180 : i32
      scf.if %cond3A_181 {
        %mul3A_238 = arith.constant 40 : i32
        %mul3A_239 = arith.muli %add3A_157, %mul3A_238 : i32
        %dma_wait3A = arith.constant 3 : i32
        %dma_wait3A_240 = arith.constant 0 : i32
        %dma_wait3A_241 = arith.constant 0 : i32
        %dma_wait3A_242 = tpu.memref_slice %arg10[%dma_wait3A, %dma_wait3A_240, %dma_wait3A_241] : memref<6x40x128xf32, #tpu.memory_space<vmem>> -> memref<1x40x128xf32, #tpu.memory_space<vmem>>
        %dma_wait3A_243 = tpu.memref_squeeze %dma_wait3A_242 : memref<1x40x128xf32, #tpu.memory_space<vmem>> -> memref<40x128xf32, #tpu.memory_space<vmem>>
        %dma_wait3A_244 = tpu.memref_slice %arg8[%mul3A_239] : memref<10000xi32, #tpu.memory_space<vmem>> -> memref<40xi32, #tpu.memory_space<vmem>>
        %dma_wait3A_245 = arith.constant 0 : i32
        %dma_wait3A_246 = arith.constant 0 : i32
        %dma_wait3A_247 = tpu.memref_slice %arg2[%dma_wait3A_245, %dma_wait3A_246] : memref<10000x128xf32, #tpu.memory_space<hbm>> -> memref<10000x128xf32, #tpu.memory_space<hbm>>
        tpu.wait_indirect_dma semaphore(%arg14 : memref<!tpu.dma_semaphore, #tpu.memory_space<semaphore_mem>>) src(%dma_wait3A_247 : memref<10000x128xf32, #tpu.memory_space<hbm>>) dst(%dma_wait3A_243 : memref<40x128xf32, #tpu.memory_space<vmem>>)
        %mul3A_248 = arith.constant 40 : i32
        %mul3A_249 = arith.muli %add3A_157, %mul3A_248 : i32
        %dma_start3A_250 = arith.constant 3 : i32
        %dma_start3A_251 = arith.constant 0 : i32
        %dma_start3A_252 = arith.constant 0 : i32
        %dma_start3A_253 = tpu.memref_slice %arg10[%dma_start3A_250, %dma_start3A_251, %dma_start3A_252] : memref<6x40x128xf32, #tpu.memory_space<vmem>> -> memref<1x40x128xf32, #tpu.memory_space<vmem>>
        %dma_start3A_254 = tpu.memref_squeeze %dma_start3A_253 : memref<1x40x128xf32, #tpu.memory_space<vmem>> -> memref<40x128xf32, #tpu.memory_space<vmem>>
        %dma_start3A_255 = tpu.memref_slice %arg9[%mul3A_249] : memref<10000xi32, #tpu.memory_space<vmem>> -> memref<40xi32, #tpu.memory_space<vmem>>
        %dma_start3A_256 = arith.constant 0 : i32
        %dma_start3A_257 = arith.constant 0 : i32
        %dma_start3A_258 = tpu.memref_slice %arg7[%dma_start3A_256, %dma_start3A_257] : memref<10000x128xf32, #tpu.memory_space<vmem_shared>> -> memref<10000x128xf32, #tpu.memory_space<vmem_shared>>
        tpu.enqueue_indirect_dma source(%dma_start3A_254 : memref<40x128xf32, #tpu.memory_space<vmem>>) target(%dma_start3A_258 : memref<10000x128xf32, #tpu.memory_space<vmem_shared>>) offsets(%dma_start3A_255 : memref<40xi32, #tpu.memory_space<vmem>>) semaphore(%arg20 : memref<!tpu.dma_semaphore, #tpu.memory_space<semaphore_mem>>) {add = true}
      } else {
      }
      %mul3A_182 = arith.constant 6 : i32
      %mul3A_183 = arith.muli %scan3A_73, %mul3A_182 : i32
      %add3A_184 = arith.constant 4 : i32
      %add3A_185 = arith.addi %mul3A_183, %add3A_184 : i32
      %ge3A_186 = arith.constant 1 : i32
      %ge3A_187 = arith.cmpi sge, %add3A_185, %ge3A_186 : i32
      %sub3A_188 = arith.constant 1 : i32
      %sub3A_189 = arith.subi %add3A_185, %sub3A_188 : i32
      %lt3A_190 = arith.constant 250 : i32
      %lt3A_191 = arith.cmpi slt, %sub3A_189, %lt3A_190 : i32
      %and3A_192 = arith.andi %ge3A_187, %lt3A_191 : i1
      %convert_element_type3A_193 = arith.extui %and3A_192 : i1 to i32
      %cond3A_194 = arith.constant 0 : i32
      %cond3A_195 = arith.cmpi ne, %convert_element_type3A_193, %cond3A_194 : i32
      scf.if %cond3A_195 {
        %sub3A_238 = arith.constant 1 : i32
        %sub3A_239 = arith.subi %add3A_185, %sub3A_238 : i32
        %mul3A_240 = arith.constant 40 : i32
        %mul3A_241 = arith.muli %sub3A_239, %mul3A_240 : i32
        %dma_wait3A = arith.constant 3 : i32
        %dma_wait3A_242 = arith.constant 0 : i32
        %dma_wait3A_243 = arith.constant 0 : i32
        %dma_wait3A_244 = tpu.memref_slice %arg10[%dma_wait3A, %dma_wait3A_242, %dma_wait3A_243] : memref<6x40x128xf32, #tpu.memory_space<vmem>> -> memref<1x40x128xf32, #tpu.memory_space<vmem>>
        %dma_wait3A_245 = tpu.memref_squeeze %dma_wait3A_244 : memref<1x40x128xf32, #tpu.memory_space<vmem>> -> memref<40x128xf32, #tpu.memory_space<vmem>>
        %dma_wait3A_246 = tpu.memref_slice %arg9[%mul3A_241] : memref<10000xi32, #tpu.memory_space<vmem>> -> memref<40xi32, #tpu.memory_space<vmem>>
        %dma_wait3A_247 = arith.constant 0 : i32
        %dma_wait3A_248 = arith.constant 0 : i32
        %dma_wait3A_249 = tpu.memref_slice %arg7[%dma_wait3A_247, %dma_wait3A_248] : memref<10000x128xf32, #tpu.memory_space<vmem_shared>> -> memref<10000x128xf32, #tpu.memory_space<vmem_shared>>
        tpu.wait_indirect_dma semaphore(%arg20 : memref<!tpu.dma_semaphore, #tpu.memory_space<semaphore_mem>>) src(%dma_wait3A_245 : memref<40x128xf32, #tpu.memory_space<vmem>>) dst(%dma_wait3A_249 : memref<10000x128xf32, #tpu.memory_space<vmem_shared>>)
      } else {
      }
      %add3A_196 = arith.constant 6 : i32
      %add3A_197 = arith.addi %add3A_185, %add3A_196 : i32
      %sub3A_198 = arith.constant 1 : i32
      %sub3A_199 = arith.subi %add3A_197, %sub3A_198 : i32
      %lt3A_200 = arith.constant 250 : i32
      %lt3A_201 = arith.cmpi slt, %sub3A_199, %lt3A_200 : i32
      %convert_element_type3A_202 = arith.extui %lt3A_201 : i1 to i32
      %cond3A_203 = arith.constant 0 : i32
      %cond3A_204 = arith.cmpi ne, %convert_element_type3A_202, %cond3A_203 : i32
      scf.if %cond3A_204 {
        %add3A_238 = arith.constant 6 : i32
        %add3A_239 = arith.addi %add3A_185, %add3A_238 : i32
        %sub3A_240 = arith.constant 1 : i32
        %sub3A_241 = arith.subi %add3A_239, %sub3A_240 : i32
        %mul3A_242 = arith.constant 40 : i32
        %mul3A_243 = arith.muli %sub3A_241, %mul3A_242 : i32
        %dma_start3A_244 = arith.constant 3 : i32
        %dma_start3A_245 = arith.constant 0 : i32
        %dma_start3A_246 = arith.constant 0 : i32
        %dma_start3A_247 = tpu.memref_slice %arg10[%dma_start3A_244, %dma_start3A_245, %dma_start3A_246] : memref<6x40x128xf32, #tpu.memory_space<vmem>> -> memref<1x40x128xf32, #tpu.memory_space<vmem>>
        %dma_start3A_248 = tpu.memref_squeeze %dma_start3A_247 : memref<1x40x128xf32, #tpu.memory_space<vmem>> -> memref<40x128xf32, #tpu.memory_space<vmem>>
        %dma_start3A_249 = tpu.memref_slice %arg8[%mul3A_243] : memref<10000xi32, #tpu.memory_space<vmem>> -> memref<40xi32, #tpu.memory_space<vmem>>
        %dma_start3A_250 = arith.constant 0 : i32
        %dma_start3A_251 = arith.constant 0 : i32
        %dma_start3A_252 = tpu.memref_slice %arg2[%dma_start3A_250, %dma_start3A_251] : memref<10000x128xf32, #tpu.memory_space<hbm>> -> memref<10000x128xf32, #tpu.memory_space<hbm>>
        tpu.enqueue_indirect_dma source(%dma_start3A_252 : memref<10000x128xf32, #tpu.memory_space<hbm>>) target(%dma_start3A_248 : memref<40x128xf32, #tpu.memory_space<vmem>>) offsets(%dma_start3A_249 : memref<40xi32, #tpu.memory_space<vmem>>) semaphore(%arg14 : memref<!tpu.dma_semaphore, #tpu.memory_space<semaphore_mem>>)
      } else {
      }
      %lt3A_205 = arith.constant 250 : i32
      %lt3A_206 = arith.cmpi slt, %add3A_185, %lt3A_205 : i32
      %convert_element_type3A_207 = arith.extui %lt3A_206 : i1 to i32
      %cond3A_208 = arith.constant 0 : i32
      %cond3A_209 = arith.cmpi ne, %convert_element_type3A_207, %cond3A_208 : i32
      scf.if %cond3A_209 {
        %mul3A_238 = arith.constant 40 : i32
        %mul3A_239 = arith.muli %add3A_185, %mul3A_238 : i32
        %dma_wait3A = arith.constant 4 : i32
        %dma_wait3A_240 = arith.constant 0 : i32
        %dma_wait3A_241 = arith.constant 0 : i32
        %dma_wait3A_242 = tpu.memref_slice %arg10[%dma_wait3A, %dma_wait3A_240, %dma_wait3A_241] : memref<6x40x128xf32, #tpu.memory_space<vmem>> -> memref<1x40x128xf32, #tpu.memory_space<vmem>>
        %dma_wait3A_243 = tpu.memref_squeeze %dma_wait3A_242 : memref<1x40x128xf32, #tpu.memory_space<vmem>> -> memref<40x128xf32, #tpu.memory_space<vmem>>
        %dma_wait3A_244 = tpu.memref_slice %arg8[%mul3A_239] : memref<10000xi32, #tpu.memory_space<vmem>> -> memref<40xi32, #tpu.memory_space<vmem>>
        %dma_wait3A_245 = arith.constant 0 : i32
        %dma_wait3A_246 = arith.constant 0 : i32
        %dma_wait3A_247 = tpu.memref_slice %arg2[%dma_wait3A_245, %dma_wait3A_246] : memref<10000x128xf32, #tpu.memory_space<hbm>> -> memref<10000x128xf32, #tpu.memory_space<hbm>>
        tpu.wait_indirect_dma semaphore(%arg15 : memref<!tpu.dma_semaphore, #tpu.memory_space<semaphore_mem>>) src(%dma_wait3A_247 : memref<10000x128xf32, #tpu.memory_space<hbm>>) dst(%dma_wait3A_243 : memref<40x128xf32, #tpu.memory_space<vmem>>)
        %mul3A_248 = arith.constant 40 : i32
        %mul3A_249 = arith.muli %add3A_185, %mul3A_248 : i32
        %dma_start3A_250 = arith.constant 4 : i32
        %dma_start3A_251 = arith.constant 0 : i32
        %dma_start3A_252 = arith.constant 0 : i32
        %dma_start3A_253 = tpu.memref_slice %arg10[%dma_start3A_250, %dma_start3A_251, %dma_start3A_252] : memref<6x40x128xf32, #tpu.memory_space<vmem>> -> memref<1x40x128xf32, #tpu.memory_space<vmem>>
        %dma_start3A_254 = tpu.memref_squeeze %dma_start3A_253 : memref<1x40x128xf32, #tpu.memory_space<vmem>> -> memref<40x128xf32, #tpu.memory_space<vmem>>
        %dma_start3A_255 = tpu.memref_slice %arg9[%mul3A_249] : memref<10000xi32, #tpu.memory_space<vmem>> -> memref<40xi32, #tpu.memory_space<vmem>>
        %dma_start3A_256 = arith.constant 0 : i32
        %dma_start3A_257 = arith.constant 0 : i32
        %dma_start3A_258 = tpu.memref_slice %arg7[%dma_start3A_256, %dma_start3A_257] : memref<10000x128xf32, #tpu.memory_space<vmem_shared>> -> memref<10000x128xf32, #tpu.memory_space<vmem_shared>>
        tpu.enqueue_indirect_dma source(%dma_start3A_254 : memref<40x128xf32, #tpu.memory_space<vmem>>) target(%dma_start3A_258 : memref<10000x128xf32, #tpu.memory_space<vmem_shared>>) offsets(%dma_start3A_255 : memref<40xi32, #tpu.memory_space<vmem>>) semaphore(%arg21 : memref<!tpu.dma_semaphore, #tpu.memory_space<semaphore_mem>>) {add = true}
      } else {
      }
      %mul3A_210 = arith.constant 6 : i32
      %mul3A_211 = arith.muli %scan3A_73, %mul3A_210 : i32
      %add3A_212 = arith.constant 5 : i32
      %add3A_213 = arith.addi %mul3A_211, %add3A_212 : i32
      %ge3A_214 = arith.constant 1 : i32
      %ge3A_215 = arith.cmpi sge, %add3A_213, %ge3A_214 : i32
      %sub3A_216 = arith.constant 1 : i32
      %sub3A_217 = arith.subi %add3A_213, %sub3A_216 : i32
      %lt3A_218 = arith.constant 250 : i32
      %lt3A_219 = arith.cmpi slt, %sub3A_217, %lt3A_218 : i32
      %and3A_220 = arith.andi %ge3A_215, %lt3A_219 : i1
      %convert_element_type3A_221 = arith.extui %and3A_220 : i1 to i32
      %cond3A_222 = arith.constant 0 : i32
      %cond3A_223 = arith.cmpi ne, %convert_element_type3A_221, %cond3A_222 : i32
      scf.if %cond3A_223 {
        %sub3A_238 = arith.constant 1 : i32
        %sub3A_239 = arith.subi %add3A_213, %sub3A_238 : i32
        %mul3A_240 = arith.constant 40 : i32
        %mul3A_241 = arith.muli %sub3A_239, %mul3A_240 : i32
        %dma_wait3A = arith.constant 4 : i32
        %dma_wait3A_242 = arith.constant 0 : i32
        %dma_wait3A_243 = arith.constant 0 : i32
        %dma_wait3A_244 = tpu.memref_slice %arg10[%dma_wait3A, %dma_wait3A_242, %dma_wait3A_243] : memref<6x40x128xf32, #tpu.memory_space<vmem>> -> memref<1x40x128xf32, #tpu.memory_space<vmem>>
        %dma_wait3A_245 = tpu.memref_squeeze %dma_wait3A_244 : memref<1x40x128xf32, #tpu.memory_space<vmem>> -> memref<40x128xf32, #tpu.memory_space<vmem>>
        %dma_wait3A_246 = tpu.memref_slice %arg9[%mul3A_241] : memref<10000xi32, #tpu.memory_space<vmem>> -> memref<40xi32, #tpu.memory_space<vmem>>
        %dma_wait3A_247 = arith.constant 0 : i32
        %dma_wait3A_248 = arith.constant 0 : i32
        %dma_wait3A_249 = tpu.memref_slice %arg7[%dma_wait3A_247, %dma_wait3A_248] : memref<10000x128xf32, #tpu.memory_space<vmem_shared>> -> memref<10000x128xf32, #tpu.memory_space<vmem_shared>>
        tpu.wait_indirect_dma semaphore(%arg21 : memref<!tpu.dma_semaphore, #tpu.memory_space<semaphore_mem>>) src(%dma_wait3A_245 : memref<40x128xf32, #tpu.memory_space<vmem>>) dst(%dma_wait3A_249 : memref<10000x128xf32, #tpu.memory_space<vmem_shared>>)
      } else {
      }
      %add3A_224 = arith.constant 6 : i32
      %add3A_225 = arith.addi %add3A_213, %add3A_224 : i32
      %sub3A_226 = arith.constant 1 : i32
      %sub3A_227 = arith.subi %add3A_225, %sub3A_226 : i32
      %lt3A_228 = arith.constant 250 : i32
      %lt3A_229 = arith.cmpi slt, %sub3A_227, %lt3A_228 : i32
      %convert_element_type3A_230 = arith.extui %lt3A_229 : i1 to i32
      %cond3A_231 = arith.constant 0 : i32
      %cond3A_232 = arith.cmpi ne, %convert_element_type3A_230, %cond3A_231 : i32
      scf.if %cond3A_232 {
        %add3A_238 = arith.constant 6 : i32
        %add3A_239 = arith.addi %add3A_213, %add3A_238 : i32
        %sub3A_240 = arith.constant 1 : i32
        %sub3A_241 = arith.subi %add3A_239, %sub3A_240 : i32
        %mul3A_242 = arith.constant 40 : i32
        %mul3A_243 = arith.muli %sub3A_241, %mul3A_242 : i32
        %dma_start3A_244 = arith.constant 4 : i32
        %dma_start3A_245 = arith.constant 0 : i32
        %dma_start3A_246 = arith.constant 0 : i32
        %dma_start3A_247 = tpu.memref_slice %arg10[%dma_start3A_244, %dma_start3A_245, %dma_start3A_246] : memref<6x40x128xf32, #tpu.memory_space<vmem>> -> memref<1x40x128xf32, #tpu.memory_space<vmem>>
        %dma_start3A_248 = tpu.memref_squeeze %dma_start3A_247 : memref<1x40x128xf32, #tpu.memory_space<vmem>> -> memref<40x128xf32, #tpu.memory_space<vmem>>
        %dma_start3A_249 = tpu.memref_slice %arg8[%mul3A_243] : memref<10000xi32, #tpu.memory_space<vmem>> -> memref<40xi32, #tpu.memory_space<vmem>>
        %dma_start3A_250 = arith.constant 0 : i32
        %dma_start3A_251 = arith.constant 0 : i32
        %dma_start3A_252 = tpu.memref_slice %arg2[%dma_start3A_250, %dma_start3A_251] : memref<10000x128xf32, #tpu.memory_space<hbm>> -> memref<10000x128xf32, #tpu.memory_space<hbm>>
        tpu.enqueue_indirect_dma source(%dma_start3A_252 : memref<10000x128xf32, #tpu.memory_space<hbm>>) target(%dma_start3A_248 : memref<40x128xf32, #tpu.memory_space<vmem>>) offsets(%dma_start3A_249 : memref<40xi32, #tpu.memory_space<vmem>>) semaphore(%arg15 : memref<!tpu.dma_semaphore, #tpu.memory_space<semaphore_mem>>)
      } else {
      }
      %lt3A_233 = arith.constant 250 : i32
      %lt3A_234 = arith.cmpi slt, %add3A_213, %lt3A_233 : i32
      %convert_element_type3A_235 = arith.extui %lt3A_234 : i1 to i32
      %cond3A_236 = arith.constant 0 : i32
      %cond3A_237 = arith.cmpi ne, %convert_element_type3A_235, %cond3A_236 : i32
      scf.if %cond3A_237 {
        %mul3A_238 = arith.constant 40 : i32
        %mul3A_239 = arith.muli %add3A_213, %mul3A_238 : i32
        %dma_wait3A = arith.constant 5 : i32
        %dma_wait3A_240 = arith.constant 0 : i32
        %dma_wait3A_241 = arith.constant 0 : i32
        %dma_wait3A_242 = tpu.memref_slice %arg10[%dma_wait3A, %dma_wait3A_240, %dma_wait3A_241] : memref<6x40x128xf32, #tpu.memory_space<vmem>> -> memref<1x40x128xf32, #tpu.memory_space<vmem>>
        %dma_wait3A_243 = tpu.memref_squeeze %dma_wait3A_242 : memref<1x40x128xf32, #tpu.memory_space<vmem>> -> memref<40x128xf32, #tpu.memory_space<vmem>>
        %dma_wait3A_244 = tpu.memref_slice %arg8[%mul3A_239] : memref<10000xi32, #tpu.memory_space<vmem>> -> memref<40xi32, #tpu.memory_space<vmem>>
        %dma_wait3A_245 = arith.constant 0 : i32
        %dma_wait3A_246 = arith.constant 0 : i32
        %dma_wait3A_247 = tpu.memref_slice %arg2[%dma_wait3A_245, %dma_wait3A_246] : memref<10000x128xf32, #tpu.memory_space<hbm>> -> memref<10000x128xf32, #tpu.memory_space<hbm>>
        tpu.wait_indirect_dma semaphore(%arg16 : memref<!tpu.dma_semaphore, #tpu.memory_space<semaphore_mem>>) src(%dma_wait3A_247 : memref<10000x128xf32, #tpu.memory_space<hbm>>) dst(%dma_wait3A_243 : memref<40x128xf32, #tpu.memory_space<vmem>>)
        %mul3A_248 = arith.constant 40 : i32
        %mul3A_249 = arith.muli %add3A_213, %mul3A_248 : i32
        %dma_start3A_250 = arith.constant 5 : i32
        %dma_start3A_251 = arith.constant 0 : i32
        %dma_start3A_252 = arith.constant 0 : i32
        %dma_start3A_253 = tpu.memref_slice %arg10[%dma_start3A_250, %dma_start3A_251, %dma_start3A_252] : memref<6x40x128xf32, #tpu.memory_space<vmem>> -> memref<1x40x128xf32, #tpu.memory_space<vmem>>
        %dma_start3A_254 = tpu.memref_squeeze %dma_start3A_253 : memref<1x40x128xf32, #tpu.memory_space<vmem>> -> memref<40x128xf32, #tpu.memory_space<vmem>>
        %dma_start3A_255 = tpu.memref_slice %arg9[%mul3A_249] : memref<10000xi32, #tpu.memory_space<vmem>> -> memref<40xi32, #tpu.memory_space<vmem>>
        %dma_start3A_256 = arith.constant 0 : i32
        %dma_start3A_257 = arith.constant 0 : i32
        %dma_start3A_258 = tpu.memref_slice %arg7[%dma_start3A_256, %dma_start3A_257] : memref<10000x128xf32, #tpu.memory_space<vmem_shared>> -> memref<10000x128xf32, #tpu.memory_space<vmem_shared>>
        tpu.enqueue_indirect_dma source(%dma_start3A_254 : memref<40x128xf32, #tpu.memory_space<vmem>>) target(%dma_start3A_258 : memref<10000x128xf32, #tpu.memory_space<vmem_shared>>) offsets(%dma_start3A_255 : memref<40xi32, #tpu.memory_space<vmem>>) semaphore(%arg22 : memref<!tpu.dma_semaphore, #tpu.memory_space<semaphore_mem>>) {add = true}
      } else {
      }
    }
    %scan3A_66 = arith.constant 43 : i32
    %barrier3A_67 = arith.constant 0 : index
    tpu.barrier barrier_id(%barrier3A_67)
    "tpu.region"() ({
      %run_scoped3A = tpu.sem_alloc : memref<!tpu.dma_semaphore, #tpu.memory_space<semaphore_mem>>
      %dma_start3A_73 = arith.constant 0 : i32
      %dma_start3A_74 = arith.constant 0 : i32
      %dma_start3A_75 = tpu.memref_slice %arg6[%arg0, %dma_start3A_73, %dma_start3A_74] : memref<2x10000x128xf32, #tpu.memory_space<hbm>> -> memref<1x10000x128xf32, #tpu.memory_space<hbm>>
      %dma_start3A_76 = tpu.memref_squeeze %dma_start3A_75 : memref<1x10000x128xf32, #tpu.memory_space<hbm>> -> memref<10000x128xf32, #tpu.memory_space<hbm>>
      %dma_start3A_77 = arith.constant 0 : i32
      %dma_start3A_78 = tpu.memref_slice %dma_start3A_76[%mul3A_2, %dma_start3A_77] : memref<10000x128xf32, #tpu.memory_space<hbm>> -> memref<624x128xf32, #tpu.memory_space<hbm>>
      %dma_start3A_79 = arith.constant 0 : i32
      %dma_start3A_80 = tpu.memref_slice %arg7[%mul3A_2, %dma_start3A_79] : memref<10000x128xf32, #tpu.memory_space<vmem_shared>> -> memref<624x128xf32, #tpu.memory_space<vmem_shared>>
      tpu.enqueue_dma source(%dma_start3A_80 : memref<624x128xf32, #tpu.memory_space<vmem_shared>>) target(%dma_start3A_78 : memref<624x128xf32, #tpu.memory_space<hbm>>) target_semaphore(%run_scoped3A : memref<!tpu.dma_semaphore, #tpu.memory_space<semaphore_mem>>)
      %dma_wait3A = arith.constant 0 : i32
      %dma_wait3A_81 = arith.constant 0 : i32
      %dma_wait3A_82 = tpu.memref_slice %arg6[%arg0, %dma_wait3A, %dma_wait3A_81] : memref<2x10000x128xf32, #tpu.memory_space<hbm>> -> memref<1x10000x128xf32, #tpu.memory_space<hbm>>
      %dma_wait3A_83 = tpu.memref_squeeze %dma_wait3A_82 : memref<1x10000x128xf32, #tpu.memory_space<hbm>> -> memref<10000x128xf32, #tpu.memory_space<hbm>>
      %dma_wait3A_84 = arith.constant 0 : i32
      %dma_wait3A_85 = tpu.memref_slice %dma_wait3A_83[%mul3A_2, %dma_wait3A_84] : memref<10000x128xf32, #tpu.memory_space<hbm>> -> memref<624x128xf32, #tpu.memory_space<hbm>>
      %dma_wait3A_86 = arith.constant 0 : i32
      %dma_wait3A_87 = tpu.memref_slice %arg7[%mul3A_2, %dma_wait3A_86] : memref<10000x128xf32, #tpu.memory_space<vmem_shared>> -> memref<624x128xf32, #tpu.memory_space<vmem_shared>>
      tpu.wait_dma2 semaphore(%run_scoped3A : memref<!tpu.dma_semaphore, #tpu.memory_space<semaphore_mem>>) src(%dma_wait3A_87 : memref<624x128xf32, #tpu.memory_space<vmem_shared>>) dst(%dma_wait3A_85 : memref<624x128xf32, #tpu.memory_space<hbm>>)
      tpu.yield
    }) : () -> ()
    %eq3A_68 = arith.constant 15 : i32
    %eq3A_69 = arith.cmpi eq, %arg1, %eq3A_68 : i32
    %convert_element_type3A_70 = arith.extui %eq3A_69 : i1 to i32
    %cond3A_71 = arith.constant 0 : i32
    %cond3A_72 = arith.cmpi ne, %convert_element_type3A_70, %cond3A_71 : i32
    scf.if %cond3A_72 {
      "tpu.region"() ({
        %run_scoped3A = tpu.sem_alloc : memref<!tpu.dma_semaphore, #tpu.memory_space<semaphore_mem>>
        %dma_start3A_73 = arith.constant 0 : i32
        %dma_start3A_74 = arith.constant 0 : i32
        %dma_start3A_75 = tpu.memref_slice %arg6[%arg0, %dma_start3A_73, %dma_start3A_74] : memref<2x10000x128xf32, #tpu.memory_space<hbm>> -> memref<1x10000x128xf32, #tpu.memory_space<hbm>>
        %dma_start3A_76 = tpu.memref_squeeze %dma_start3A_75 : memref<1x10000x128xf32, #tpu.memory_space<hbm>> -> memref<10000x128xf32, #tpu.memory_space<hbm>>
        %dma_start3A_77 = arith.constant 9984 : i32
        %dma_start3A_78 = arith.constant 0 : i32
        %dma_start3A_79 = tpu.memref_slice %dma_start3A_76[%dma_start3A_77, %dma_start3A_78] : memref<10000x128xf32, #tpu.memory_space<hbm>> -> memref<16x128xf32, #tpu.memory_space<hbm>>
        %dma_start3A_80 = arith.constant 9984 : i32
        %dma_start3A_81 = arith.constant 0 : i32
        %dma_start3A_82 = tpu.memref_slice %arg7[%dma_start3A_80, %dma_start3A_81] : memref<10000x128xf32, #tpu.memory_space<vmem_shared>> -> memref<16x128xf32, #tpu.memory_space<vmem_shared>>
        tpu.enqueue_dma source(%dma_start3A_82 : memref<16x128xf32, #tpu.memory_space<vmem_shared>>) target(%dma_start3A_79 : memref<16x128xf32, #tpu.memory_space<hbm>>) target_semaphore(%run_scoped3A : memref<!tpu.dma_semaphore, #tpu.memory_space<semaphore_mem>>)
        %dma_wait3A = arith.constant 0 : i32
        %dma_wait3A_83 = arith.constant 0 : i32
        %dma_wait3A_84 = tpu.memref_slice %arg6[%arg0, %dma_wait3A, %dma_wait3A_83] : memref<2x10000x128xf32, #tpu.memory_space<hbm>> -> memref<1x10000x128xf32, #tpu.memory_space<hbm>>
        %dma_wait3A_85 = tpu.memref_squeeze %dma_wait3A_84 : memref<1x10000x128xf32, #tpu.memory_space<hbm>> -> memref<10000x128xf32, #tpu.memory_space<hbm>>
        %dma_wait3A_86 = arith.constant 9984 : i32
        %dma_wait3A_87 = arith.constant 0 : i32
        %dma_wait3A_88 = tpu.memref_slice %dma_wait3A_85[%dma_wait3A_86, %dma_wait3A_87] : memref<10000x128xf32, #tpu.memory_space<hbm>> -> memref<16x128xf32, #tpu.memory_space<hbm>>
        %dma_wait3A_89 = arith.constant 9984 : i32
        %dma_wait3A_90 = arith.constant 0 : i32
        %dma_wait3A_91 = tpu.memref_slice %arg7[%dma_wait3A_89, %dma_wait3A_90] : memref<10000x128xf32, #tpu.memory_space<vmem_shared>> -> memref<16x128xf32, #tpu.memory_space<vmem_shared>>
        tpu.wait_dma2 semaphore(%run_scoped3A : memref<!tpu.dma_semaphore, #tpu.memory_space<semaphore_mem>>) src(%dma_wait3A_91 : memref<16x128xf32, #tpu.memory_space<vmem_shared>>) dst(%dma_wait3A_88 : memref<16x128xf32, #tpu.memory_space<hbm>>)
        tpu.yield
      }) : () -> ()
    } else {
    }
    return
  }
}

#map = affine_map<(d0, d1) -> (0, 0, 0)>
#map1 = affine_map<(d0, d1) -> (0)>
#map2 = affine_map<(d0, d1) -> (0, 0)>
module attributes {stable_mosaic.version = 14 : i64} {
  func.func @_sc_degree(%arg0: i32, %arg1: i32, %arg2: memref<32x250x40xi32, #tpu.memory_space<hbm>>, %arg3: memref<10240xf32, #tpu.memory_space<hbm>>, %arg4: memref<40xf32, #tpu.memory_space<hbm>>, %arg5: memref<2x10240xf32, #tpu.memory_space<hbm>>, %arg6: memref<10240xf32, #tpu.memory_space<vmem_shared>>, %arg7: memref<250x40xi32, #tpu.memory_space<vmem>>, %arg8: memref<40xf32, #tpu.memory_space<vmem>>, %arg9: memref<!tpu.dma_semaphore, #tpu.memory_space<semaphore_mem>>) attributes {dimension_semantics = [#tpu.dimension_semantics<core_parallel>, #tpu.dimension_semantics<subcore_parallel>], iteration_bounds = array<i64: 2, 16>, scalar_prefetch = 0 : i64, scratch_operands = 4 : i64, tpu.core_type = #tpu.core_type<sc_vector_subcore>, window_params = [{transform_indices = #map}, {transform_indices = #map1}, {transform_indices = #map1}, {transform_indices = #map2}]} {
    %mul3A = arith.constant 16 : i32
    %mul3A_0 = arith.muli %arg0, %mul3A : i32
    %add3A = arith.addi %mul3A_0, %arg1 : i32
    %mul3A_1 = arith.constant 640 : i32
    %mul3A_2 = arith.muli %arg1, %mul3A_1 : i32
    "tpu.region"() ({
      %run_scoped3A = tpu.sem_alloc : memref<!tpu.dma_semaphore, #tpu.memory_space<semaphore_mem>>
      %dma_start3A = tpu.memref_slice %arg6[%mul3A_2] : memref<10240xf32, #tpu.memory_space<vmem_shared>> -> memref<640xf32, #tpu.memory_space<vmem_shared>>
      %dma_start3A_15 = tpu.memref_slice %arg3[%mul3A_2] : memref<10240xf32, #tpu.memory_space<hbm>> -> memref<640xf32, #tpu.memory_space<hbm>>
      tpu.enqueue_dma source(%dma_start3A_15 : memref<640xf32, #tpu.memory_space<hbm>>) target(%dma_start3A : memref<640xf32, #tpu.memory_space<vmem_shared>>) target_semaphore(%run_scoped3A : memref<!tpu.dma_semaphore, #tpu.memory_space<semaphore_mem>>)
      %dma_wait3A = tpu.memref_slice %arg6[%mul3A_2] : memref<10240xf32, #tpu.memory_space<vmem_shared>> -> memref<640xf32, #tpu.memory_space<vmem_shared>>
      %dma_wait3A_16 = tpu.memref_slice %arg3[%mul3A_2] : memref<10240xf32, #tpu.memory_space<hbm>> -> memref<640xf32, #tpu.memory_space<hbm>>
      tpu.wait_dma2 semaphore(%run_scoped3A : memref<!tpu.dma_semaphore, #tpu.memory_space<semaphore_mem>>) src(%dma_wait3A_16 : memref<640xf32, #tpu.memory_space<hbm>>) dst(%dma_wait3A : memref<640xf32, #tpu.memory_space<vmem_shared>>)
      tpu.yield
    }) : () -> ()
    "tpu.region"() ({
      %run_scoped3A = tpu.sem_alloc : memref<!tpu.dma_semaphore, #tpu.memory_space<semaphore_mem>>
      %dma_start3A = arith.constant 0 : i32
      %dma_start3A_15 = arith.constant 0 : i32
      %dma_start3A_16 = tpu.memref_slice %arg2[%add3A, %dma_start3A, %dma_start3A_15] : memref<32x250x40xi32, #tpu.memory_space<hbm>> -> memref<1x250x40xi32, #tpu.memory_space<hbm>>
      %dma_start3A_17 = tpu.memref_squeeze %dma_start3A_16 : memref<1x250x40xi32, #tpu.memory_space<hbm>> -> memref<250x40xi32, #tpu.memory_space<hbm>>
      %dma_start3A_18 = arith.constant 0 : i32
      %dma_start3A_19 = arith.constant 0 : i32
      %dma_start3A_20 = tpu.memref_slice %arg2[%add3A, %dma_start3A_18, %dma_start3A_19] : memref<32x250x40xi32, #tpu.memory_space<hbm>> -> memref<1x250x40xi32, #tpu.memory_space<hbm>>
      %dma_start3A_21 = tpu.memref_squeeze %dma_start3A_20 : memref<1x250x40xi32, #tpu.memory_space<hbm>> -> memref<250x40xi32, #tpu.memory_space<hbm>>
      tpu.enqueue_dma source(%dma_start3A_21 : memref<250x40xi32, #tpu.memory_space<hbm>>) target(%arg7 : memref<250x40xi32, #tpu.memory_space<vmem>>) target_semaphore(%run_scoped3A : memref<!tpu.dma_semaphore, #tpu.memory_space<semaphore_mem>>)
      %dma_wait3A = arith.constant 0 : i32
      %dma_wait3A_22 = arith.constant 0 : i32
      %dma_wait3A_23 = tpu.memref_slice %arg2[%add3A, %dma_wait3A, %dma_wait3A_22] : memref<32x250x40xi32, #tpu.memory_space<hbm>> -> memref<1x250x40xi32, #tpu.memory_space<hbm>>
      %dma_wait3A_24 = tpu.memref_squeeze %dma_wait3A_23 : memref<1x250x40xi32, #tpu.memory_space<hbm>> -> memref<250x40xi32, #tpu.memory_space<hbm>>
      %dma_wait3A_25 = arith.constant 0 : i32
      %dma_wait3A_26 = arith.constant 0 : i32
      %dma_wait3A_27 = tpu.memref_slice %arg2[%add3A, %dma_wait3A_25, %dma_wait3A_26] : memref<32x250x40xi32, #tpu.memory_space<hbm>> -> memref<1x250x40xi32, #tpu.memory_space<hbm>>
      %dma_wait3A_28 = tpu.memref_squeeze %dma_wait3A_27 : memref<1x250x40xi32, #tpu.memory_space<hbm>> -> memref<250x40xi32, #tpu.memory_space<hbm>>
      tpu.wait_dma2 semaphore(%run_scoped3A : memref<!tpu.dma_semaphore, #tpu.memory_space<semaphore_mem>>) src(%dma_wait3A_28 : memref<250x40xi32, #tpu.memory_space<hbm>>) dst(%arg7 : memref<250x40xi32, #tpu.memory_space<vmem>>)
      tpu.yield
    }) : () -> ()
    "tpu.region"() ({
      %run_scoped3A = tpu.sem_alloc : memref<!tpu.dma_semaphore, #tpu.memory_space<semaphore_mem>>
      tpu.enqueue_dma source(%arg4 : memref<40xf32, #tpu.memory_space<hbm>>) target(%arg8 : memref<40xf32, #tpu.memory_space<vmem>>) target_semaphore(%run_scoped3A : memref<!tpu.dma_semaphore, #tpu.memory_space<semaphore_mem>>)
      tpu.wait_dma2 semaphore(%run_scoped3A : memref<!tpu.dma_semaphore, #tpu.memory_space<semaphore_mem>>) src(%arg4 : memref<40xf32, #tpu.memory_space<hbm>>) dst(%arg8 : memref<40xf32, #tpu.memory_space<vmem>>)
      tpu.yield
    }) : () -> ()
    %barrier3A = arith.constant 0 : index
    tpu.barrier barrier_id(%barrier3A)
    %scan3A = arith.constant 0 : i32
    %scan3A_3 = arith.constant 0 : i32
    %scan3A_4 = arith.constant 250 : i32
    %scan3A_5 = arith.addi %scan3A_3, %scan3A_4 : i32
    %scan3A_6 = arith.constant 1 : i32
    scf.for %scan3A_15 = %scan3A_3 to %scan3A_5 step %scan3A_6  : i32 {
      %dma_start3A = arith.constant 0 : i32
      %dma_start3A_16 = tpu.memref_slice %arg7[%scan3A_15, %dma_start3A] : memref<250x40xi32, #tpu.memory_space<vmem>> -> memref<1x40xi32, #tpu.memory_space<vmem>>
      %dma_start3A_17 = tpu.memref_squeeze %dma_start3A_16 : memref<1x40xi32, #tpu.memory_space<vmem>> -> memref<40xi32, #tpu.memory_space<vmem>>
      %dma_start3A_18 = arith.constant 0 : i32
      %dma_start3A_19 = tpu.memref_slice %arg6[%dma_start3A_18] : memref<10240xf32, #tpu.memory_space<vmem_shared>> -> memref<10240xf32, #tpu.memory_space<vmem_shared>>
      tpu.enqueue_indirect_dma source(%arg8 : memref<40xf32, #tpu.memory_space<vmem>>) target(%dma_start3A_19 : memref<10240xf32, #tpu.memory_space<vmem_shared>>) offsets(%dma_start3A_17 : memref<40xi32, #tpu.memory_space<vmem>>) semaphore(%arg9 : memref<!tpu.dma_semaphore, #tpu.memory_space<semaphore_mem>>) {add = true}
    }
    %scan3A_7 = arith.constant 250 : i32
    %scan3A_8 = arith.constant 0 : i32
    %scan3A_9 = arith.constant 0 : i32
    %scan3A_10 = arith.constant 250 : i32
    %scan3A_11 = arith.addi %scan3A_9, %scan3A_10 : i32
    %scan3A_12 = arith.constant 1 : i32
    scf.for %scan3A_15 = %scan3A_9 to %scan3A_11 step %scan3A_12  : i32 {
      %dma_wait3A = arith.constant 0 : i32
      %dma_wait3A_16 = tpu.memref_slice %arg7[%scan3A_15, %dma_wait3A] : memref<250x40xi32, #tpu.memory_space<vmem>> -> memref<1x40xi32, #tpu.memory_space<vmem>>
      %dma_wait3A_17 = tpu.memref_squeeze %dma_wait3A_16 : memref<1x40xi32, #tpu.memory_space<vmem>> -> memref<40xi32, #tpu.memory_space<vmem>>
      %dma_wait3A_18 = arith.constant 0 : i32
      %dma_wait3A_19 = tpu.memref_slice %arg6[%dma_wait3A_18] : memref<10240xf32, #tpu.memory_space<vmem_shared>> -> memref<10240xf32, #tpu.memory_space<vmem_shared>>
      tpu.wait_indirect_dma semaphore(%arg9 : memref<!tpu.dma_semaphore, #tpu.memory_space<semaphore_mem>>) src(%arg8 : memref<40xf32, #tpu.memory_space<vmem>>) dst(%dma_wait3A_19 : memref<10240xf32, #tpu.memory_space<vmem_shared>>)
    }
    %scan3A_13 = arith.constant 250 : i32
    %barrier3A_14 = arith.constant 0 : index
    tpu.barrier barrier_id(%barrier3A_14)
    "tpu.region"() ({
      %run_scoped3A = tpu.sem_alloc : memref<!tpu.dma_semaphore, #tpu.memory_space<semaphore_mem>>
      %dma_start3A = arith.constant 0 : i32
      %dma_start3A_15 = tpu.memref_slice %arg5[%arg0, %dma_start3A] : memref<2x10240xf32, #tpu.memory_space<hbm>> -> memref<1x10240xf32, #tpu.memory_space<hbm>>
      %dma_start3A_16 = tpu.memref_squeeze %dma_start3A_15 : memref<1x10240xf32, #tpu.memory_space<hbm>> -> memref<10240xf32, #tpu.memory_space<hbm>>
      %dma_start3A_17 = tpu.memref_slice %dma_start3A_16[%mul3A_2] : memref<10240xf32, #tpu.memory_space<hbm>> -> memref<640xf32, #tpu.memory_space<hbm>>
      %dma_start3A_18 = tpu.memref_slice %arg6[%mul3A_2] : memref<10240xf32, #tpu.memory_space<vmem_shared>> -> memref<640xf32, #tpu.memory_space<vmem_shared>>
      tpu.enqueue_dma source(%dma_start3A_18 : memref<640xf32, #tpu.memory_space<vmem_shared>>) target(%dma_start3A_17 : memref<640xf32, #tpu.memory_space<hbm>>) target_semaphore(%run_scoped3A : memref<!tpu.dma_semaphore, #tpu.memory_space<semaphore_mem>>)
      %dma_wait3A = arith.constant 0 : i32
      %dma_wait3A_19 = tpu.memref_slice %arg5[%arg0, %dma_wait3A] : memref<2x10240xf32, #tpu.memory_space<hbm>> -> memref<1x10240xf32, #tpu.memory_space<hbm>>
      %dma_wait3A_20 = tpu.memref_squeeze %dma_wait3A_19 : memref<1x10240xf32, #tpu.memory_space<hbm>> -> memref<10240xf32, #tpu.memory_space<hbm>>
      %dma_wait3A_21 = tpu.memref_slice %dma_wait3A_20[%mul3A_2] : memref<10240xf32, #tpu.memory_space<hbm>> -> memref<640xf32, #tpu.memory_space<hbm>>
      %dma_wait3A_22 = tpu.memref_slice %arg6[%mul3A_2] : memref<10240xf32, #tpu.memory_space<vmem_shared>> -> memref<640xf32, #tpu.memory_space<vmem_shared>>
      tpu.wait_dma2 semaphore(%run_scoped3A : memref<!tpu.dma_semaphore, #tpu.memory_space<semaphore_mem>>) src(%dma_wait3A_22 : memref<640xf32, #tpu.memory_space<vmem_shared>>) dst(%dma_wait3A_21 : memref<640xf32, #tpu.memory_space<hbm>>)
      tpu.yield
    }) : () -> ()
    return
  }
}

#map = affine_map<(d0, d1) -> (0, 0)>
#map1 = affine_map<(d0, d1) -> (0)>
#map2 = affine_map<(d0, d1) -> (0, 0, 0)>
module attributes {stable_mosaic.version = 14 : i64} {
  func.func @_sc_scatter(%arg0: i32, %arg1: i32, %arg2: memref<10000x128xf32, #tpu.memory_space<hbm>>, %arg3: memref<10000x128xf32, #tpu.memory_space<hbm>>, %arg4: memref<320000xi32, #tpu.memory_space<hbm>>, %arg5: memref<320000xi32, #tpu.memory_space<hbm>>, %arg6: memref<2x10000x128xf32, #tpu.memory_space<hbm>>, %arg7: memref<10000x128xf32, #tpu.memory_space<vmem_shared>>, %arg8: memref<10000xi32, #tpu.memory_space<vmem>>, %arg9: memref<10000xi32, #tpu.memory_space<vmem>>, %arg10: memref<6x40x128xf32, #tpu.memory_space<vmem>>, %arg11: memref<!tpu.dma_semaphore, #tpu.memory_space<semaphore_mem>>, %arg12: memref<!tpu.dma_semaphore, #tpu.memory_space<semaphore_mem>>, %arg13: memref<!tpu.dma_semaphore, #tpu.memory_space<semaphore_mem>>, %arg14: memref<!tpu.dma_semaphore, #tpu.memory_space<semaphore_mem>>, %arg15: memref<!tpu.dma_semaphore, #tpu.memory_space<semaphore_mem>>, %arg16: memref<!tpu.dma_semaphore, #tpu.memory_space<semaphore_mem>>, %arg17: memref<!tpu.dma_semaphore, #tpu.memory_space<semaphore_mem>>, %arg18: memref<!tpu.dma_semaphore, #tpu.memory_space<semaphore_mem>>, %arg19: memref<!tpu.dma_semaphore, #tpu.memory_space<semaphore_mem>>, %arg20: memref<!tpu.dma_semaphore, #tpu.memory_space<semaphore_mem>>, %arg21: memref<!tpu.dma_semaphore, #tpu.memory_space<semaphore_mem>>, %arg22: memref<!tpu.dma_semaphore, #tpu.memory_space<semaphore_mem>>) attributes {dimension_semantics = [#tpu.dimension_semantics<core_parallel>, #tpu.dimension_semantics<subcore_parallel>], iteration_bounds = array<i64: 2, 16>, scalar_prefetch = 0 : i64, scratch_operands = 16 : i64, tpu.core_type = #tpu.core_type<sc_vector_subcore>, window_params = [{transform_indices = #map}, {transform_indices = #map}, {transform_indices = #map1}, {transform_indices = #map1}, {transform_indices = #map2}]} {
    %mul3A = arith.constant 16 : i32
    %mul3A_0 = arith.muli %arg0, %mul3A : i32
    %add3A = arith.addi %mul3A_0, %arg1 : i32
    %mul3A_1 = arith.constant 624 : i32
    %mul3A_2 = arith.muli %arg1, %mul3A_1 : i32
    %mul3A_3 = arith.constant 10000 : i32
    %mul3A_4 = arith.muli %add3A, %mul3A_3 : i32
    "tpu.region"() ({
      %run_scoped3A = tpu.sem_alloc : memref<!tpu.dma_semaphore, #tpu.memory_space<semaphore_mem>>
      %dma_start3A_73 = tpu.memref_slice %arg4[%mul3A_4] : memref<320000xi32, #tpu.memory_space<hbm>> -> memref<10000xi32, #tpu.memory_space<hbm>>
      %dma_start3A_74 = tpu.memref_slice %arg4[%mul3A_4] : memref<320000xi32, #tpu.memory_space<hbm>> -> memref<10000xi32, #tpu.memory_space<hbm>>
      tpu.enqueue_dma source(%dma_start3A_74 : memref<10000xi32, #tpu.memory_space<hbm>>) target(%arg8 : memref<10000xi32, #tpu.memory_space<vmem>>) target_semaphore(%run_scoped3A : memref<!tpu.dma_semaphore, #tpu.memory_space<semaphore_mem>>)
      %dma_wait3A = tpu.memref_slice %arg4[%mul3A_4] : memref<320000xi32, #tpu.memory_space<hbm>> -> memref<10000xi32, #tpu.memory_space<hbm>>
      %dma_wait3A_75 = tpu.memref_slice %arg4[%mul3A_4] : memref<320000xi32, #tpu.memory_space<hbm>> -> memref<10000xi32, #tpu.memory_space<hbm>>
      tpu.wait_dma2 semaphore(%run_scoped3A : memref<!tpu.dma_semaphore, #tpu.memory_space<semaphore_mem>>) src(%dma_wait3A_75 : memref<10000xi32, #tpu.memory_space<hbm>>) dst(%arg8 : memref<10000xi32, #tpu.memory_space<vmem>>)
      tpu.yield
    }) : () -> ()
    %mul3A_5 = arith.constant 10000 : i32
    %mul3A_6 = arith.muli %add3A, %mul3A_5 : i32
    "tpu.region"() ({
      %run_scoped3A = tpu.sem_alloc : memref<!tpu.dma_semaphore, #tpu.memory_space<semaphore_mem>>
      %dma_start3A_73 = tpu.memref_slice %arg5[%mul3A_6] : memref<320000xi32, #tpu.memory_space<hbm>> -> memref<10000xi32, #tpu.memory_space<hbm>>
      %dma_start3A_74 = tpu.memref_slice %arg5[%mul3A_6] : memref<320000xi32, #tpu.memory_space<hbm>> -> memref<10000xi32, #tpu.memory_space<hbm>>
      tpu.enqueue_dma source(%dma_start3A_74 : memref<10000xi32, #tpu.memory_space<hbm>>) target(%arg9 : memref<10000xi32, #tpu.memory_space<vmem>>) target_semaphore(%run_scoped3A : memref<!tpu.dma_semaphore, #tpu.memory_space<semaphore_mem>>)
      %dma_wait3A = tpu.memref_slice %arg5[%mul3A_6] : memref<320000xi32, #tpu.memory_space<hbm>> -> memref<10000xi32, #tpu.memory_space<hbm>>
      %dma_wait3A_75 = tpu.memref_slice %arg5[%mul3A_6] : memref<320000xi32, #tpu.memory_space<hbm>> -> memref<10000xi32, #tpu.memory_space<hbm>>
      tpu.wait_dma2 semaphore(%run_scoped3A : memref<!tpu.dma_semaphore, #tpu.memory_space<semaphore_mem>>) src(%dma_wait3A_75 : memref<10000xi32, #tpu.memory_space<hbm>>) dst(%arg9 : memref<10000xi32, #tpu.memory_space<vmem>>)
      tpu.yield
    }) : () -> ()
    %eq3A = arith.constant 0 : i32
    %eq3A_7 = arith.cmpi eq, %arg0, %eq3A : i32
    %convert_element_type3A = arith.extui %eq3A_7 : i1 to i32
    %cond3A = arith.constant 0 : i32
    %cond3A_8 = arith.cmpi ne, %convert_element_type3A, %cond3A : i32
    scf.if %cond3A_8 {
      "tpu.region"() ({
        %run_scoped3A = tpu.sem_alloc : memref<!tpu.dma_semaphore, #tpu.memory_space<semaphore_mem>>
        %dma_start3A_78 = arith.constant 0 : i32
        %dma_start3A_79 = tpu.memref_slice %arg7[%mul3A_2, %dma_start3A_78] : memref<10000x128xf32, #tpu.memory_space<vmem_shared>> -> memref<624x128xf32, #tpu.memory_space<vmem_shared>>
        %dma_start3A_80 = arith.constant 0 : i32
        %dma_start3A_81 = tpu.memref_slice %arg2[%mul3A_2, %dma_start3A_80] : memref<10000x128xf32, #tpu.memory_space<hbm>> -> memref<624x128xf32, #tpu.memory_space<hbm>>
        tpu.enqueue_dma source(%dma_start3A_81 : memref<624x128xf32, #tpu.memory_space<hbm>>) target(%dma_start3A_79 : memref<624x128xf32, #tpu.memory_space<vmem_shared>>) target_semaphore(%run_scoped3A : memref<!tpu.dma_semaphore, #tpu.memory_space<semaphore_mem>>)
        %dma_wait3A = arith.constant 0 : i32
        %dma_wait3A_82 = tpu.memref_slice %arg7[%mul3A_2, %dma_wait3A] : memref<10000x128xf32, #tpu.memory_space<vmem_shared>> -> memref<624x128xf32, #tpu.memory_space<vmem_shared>>
        %dma_wait3A_83 = arith.constant 0 : i32
        %dma_wait3A_84 = tpu.memref_slice %arg2[%mul3A_2, %dma_wait3A_83] : memref<10000x128xf32, #tpu.memory_space<hbm>> -> memref<624x128xf32, #tpu.memory_space<hbm>>
        tpu.wait_dma2 semaphore(%run_scoped3A : memref<!tpu.dma_semaphore, #tpu.memory_space<semaphore_mem>>) src(%dma_wait3A_84 : memref<624x128xf32, #tpu.memory_space<hbm>>) dst(%dma_wait3A_82 : memref<624x128xf32, #tpu.memory_space<vmem_shared>>)
        tpu.yield
      }) : () -> ()
      %eq3A_73 = arith.constant 15 : i32
      %eq3A_74 = arith.cmpi eq, %arg1, %eq3A_73 : i32
      %convert_element_type3A_75 = arith.extui %eq3A_74 : i1 to i32
      %cond3A_76 = arith.constant 0 : i32
      %cond3A_77 = arith.cmpi ne, %convert_element_type3A_75, %cond3A_76 : i32
      scf.if %cond3A_77 {
        "tpu.region"() ({
          %run_scoped3A = tpu.sem_alloc : memref<!tpu.dma_semaphore, #tpu.memory_space<semaphore_mem>>
          %dma_start3A_78 = arith.constant 9984 : i32
          %dma_start3A_79 = arith.constant 0 : i32
          %dma_start3A_80 = tpu.memref_slice %arg7[%dma_start3A_78, %dma_start3A_79] : memref<10000x128xf32, #tpu.memory_space<vmem_shared>> -> memref<16x128xf32, #tpu.memory_space<vmem_shared>>
          %dma_start3A_81 = arith.constant 9984 : i32
          %dma_start3A_82 = arith.constant 0 : i32
          %dma_start3A_83 = tpu.memref_slice %arg2[%dma_start3A_81, %dma_start3A_82] : memref<10000x128xf32, #tpu.memory_space<hbm>> -> memref<16x128xf32, #tpu.memory_space<hbm>>
          tpu.enqueue_dma source(%dma_start3A_83 : memref<16x128xf32, #tpu.memory_space<hbm>>) target(%dma_start3A_80 : memref<16x128xf32, #tpu.memory_space<vmem_shared>>) target_semaphore(%run_scoped3A : memref<!tpu.dma_semaphore, #tpu.memory_space<semaphore_mem>>)
          %dma_wait3A = arith.constant 9984 : i32
          %dma_wait3A_84 = arith.constant 0 : i32
          %dma_wait3A_85 = tpu.memref_slice %arg7[%dma_wait3A, %dma_wait3A_84] : memref<10000x128xf32, #tpu.memory_space<vmem_shared>> -> memref<16x128xf32, #tpu.memory_space<vmem_shared>>
          %dma_wait3A_86 = arith.constant 9984 : i32
          %dma_wait3A_87 = arith.constant 0 : i32
          %dma_wait3A_88 = tpu.memref_slice %arg2[%dma_wait3A_86, %dma_wait3A_87] : memref<10000x128xf32, #tpu.memory_space<hbm>> -> memref<16x128xf32, #tpu.memory_space<hbm>>
          tpu.wait_dma2 semaphore(%run_scoped3A : memref<!tpu.dma_semaphore, #tpu.memory_space<semaphore_mem>>) src(%dma_wait3A_88 : memref<16x128xf32, #tpu.memory_space<hbm>>) dst(%dma_wait3A_85 : memref<16x128xf32, #tpu.memory_space<vmem_shared>>)
          tpu.yield
        }) : () -> ()
      } else {
      }
    } else {
    }
    %ne3A = arith.constant 0 : i32
    %ne3A_9 = arith.cmpi ne, %arg0, %ne3A : i32
    %convert_element_type3A_10 = arith.extui %ne3A_9 : i1 to i32
    %cond3A_11 = arith.constant 0 : i32
    %cond3A_12 = arith.cmpi ne, %convert_element_type3A_10, %cond3A_11 : i32
    scf.if %cond3A_12 {
      "tpu.region"() ({
        %run_scoped3A = tpu.sem_alloc : memref<!tpu.dma_semaphore, #tpu.memory_space<semaphore_mem>>
        %dma_start3A_78 = arith.constant 0 : i32
        %dma_start3A_79 = tpu.memref_slice %arg7[%mul3A_2, %dma_start3A_78] : memref<10000x128xf32, #tpu.memory_space<vmem_shared>> -> memref<624x128xf32, #tpu.memory_space<vmem_shared>>
        %dma_start3A_80 = arith.constant 0 : i32
        %dma_start3A_81 = tpu.memref_slice %arg3[%mul3A_2, %dma_start3A_80] : memref<10000x128xf32, #tpu.memory_space<hbm>> -> memref<624x128xf32, #tpu.memory_space<hbm>>
        tpu.enqueue_dma source(%dma_start3A_81 : memref<624x128xf32, #tpu.memory_space<hbm>>) target(%dma_start3A_79 : memref<624x128xf32, #tpu.memory_space<vmem_shared>>) target_semaphore(%run_scoped3A : memref<!tpu.dma_semaphore, #tpu.memory_space<semaphore_mem>>)
        %dma_wait3A = arith.constant 0 : i32
        %dma_wait3A_82 = tpu.memref_slice %arg7[%mul3A_2, %dma_wait3A] : memref<10000x128xf32, #tpu.memory_space<vmem_shared>> -> memref<624x128xf32, #tpu.memory_space<vmem_shared>>
        %dma_wait3A_83 = arith.constant 0 : i32
        %dma_wait3A_84 = tpu.memref_slice %arg3[%mul3A_2, %dma_wait3A_83] : memref<10000x128xf32, #tpu.memory_space<hbm>> -> memref<624x128xf32, #tpu.memory_space<hbm>>
        tpu.wait_dma2 semaphore(%run_scoped3A : memref<!tpu.dma_semaphore, #tpu.memory_space<semaphore_mem>>) src(%dma_wait3A_84 : memref<624x128xf32, #tpu.memory_space<hbm>>) dst(%dma_wait3A_82 : memref<624x128xf32, #tpu.memory_space<vmem_shared>>)
        tpu.yield
      }) : () -> ()
      %eq3A_73 = arith.constant 15 : i32
      %eq3A_74 = arith.cmpi eq, %arg1, %eq3A_73 : i32
      %convert_element_type3A_75 = arith.extui %eq3A_74 : i1 to i32
      %cond3A_76 = arith.constant 0 : i32
      %cond3A_77 = arith.cmpi ne, %convert_element_type3A_75, %cond3A_76 : i32
      scf.if %cond3A_77 {
        "tpu.region"() ({
          %run_scoped3A = tpu.sem_alloc : memref<!tpu.dma_semaphore, #tpu.memory_space<semaphore_mem>>
          %dma_start3A_78 = arith.constant 9984 : i32
          %dma_start3A_79 = arith.constant 0 : i32
          %dma_start3A_80 = tpu.memref_slice %arg7[%dma_start3A_78, %dma_start3A_79] : memref<10000x128xf32, #tpu.memory_space<vmem_shared>> -> memref<16x128xf32, #tpu.memory_space<vmem_shared>>
          %dma_start3A_81 = arith.constant 9984 : i32
          %dma_start3A_82 = arith.constant 0 : i32
          %dma_start3A_83 = tpu.memref_slice %arg3[%dma_start3A_81, %dma_start3A_82] : memref<10000x128xf32, #tpu.memory_space<hbm>> -> memref<16x128xf32, #tpu.memory_space<hbm>>
          tpu.enqueue_dma source(%dma_start3A_83 : memref<16x128xf32, #tpu.memory_space<hbm>>) target(%dma_start3A_80 : memref<16x128xf32, #tpu.memory_space<vmem_shared>>) target_semaphore(%run_scoped3A : memref<!tpu.dma_semaphore, #tpu.memory_space<semaphore_mem>>)
          %dma_wait3A = arith.constant 9984 : i32
          %dma_wait3A_84 = arith.constant 0 : i32
          %dma_wait3A_85 = tpu.memref_slice %arg7[%dma_wait3A, %dma_wait3A_84] : memref<10000x128xf32, #tpu.memory_space<vmem_shared>> -> memref<16x128xf32, #tpu.memory_space<vmem_shared>>
          %dma_wait3A_86 = arith.constant 9984 : i32
          %dma_wait3A_87 = arith.constant 0 : i32
          %dma_wait3A_88 = tpu.memref_slice %arg3[%dma_wait3A_86, %dma_wait3A_87] : memref<10000x128xf32, #tpu.memory_space<hbm>> -> memref<16x128xf32, #tpu.memory_space<hbm>>
          tpu.wait_dma2 semaphore(%run_scoped3A : memref<!tpu.dma_semaphore, #tpu.memory_space<semaphore_mem>>) src(%dma_wait3A_88 : memref<16x128xf32, #tpu.memory_space<hbm>>) dst(%dma_wait3A_85 : memref<16x128xf32, #tpu.memory_space<vmem_shared>>)
          tpu.yield
        }) : () -> ()
      } else {
      }
    } else {
    }
    %dma_start3A = arith.constant 0 : i32
    %dma_start3A_13 = arith.constant 0 : i32
    %dma_start3A_14 = arith.constant 0 : i32
    %dma_start3A_15 = tpu.memref_slice %arg10[%dma_start3A, %dma_start3A_13, %dma_start3A_14] : memref<6x40x128xf32, #tpu.memory_space<vmem>> -> memref<1x40x128xf32, #tpu.memory_space<vmem>>
    %dma_start3A_16 = tpu.memref_squeeze %dma_start3A_15 : memref<1x40x128xf32, #tpu.memory_space<vmem>> -> memref<40x128xf32, #tpu.memory_space<vmem>>
    %dma_start3A_17 = arith.constant 0 : i32
    %dma_start3A_18 = tpu.memref_slice %arg8[%dma_start3A_17] : memref<10000xi32, #tpu.memory_space<vmem>> -> memref<40xi32, #tpu.memory_space<vmem>>
    %dma_start3A_19 = arith.constant 0 : i32
    %dma_start3A_20 = arith.constant 0 : i32
    %dma_start3A_21 = tpu.memref_slice %arg2[%dma_start3A_19, %dma_start3A_20] : memref<10000x128xf32, #tpu.memory_space<hbm>> -> memref<10000x128xf32, #tpu.memory_space<hbm>>
    tpu.enqueue_indirect_dma source(%dma_start3A_21 : memref<10000x128xf32, #tpu.memory_space<hbm>>) target(%dma_start3A_16 : memref<40x128xf32, #tpu.memory_space<vmem>>) offsets(%dma_start3A_18 : memref<40xi32, #tpu.memory_space<vmem>>) semaphore(%arg11 : memref<!tpu.dma_semaphore, #tpu.memory_space<semaphore_mem>>)
    %dma_start3A_22 = arith.constant 1 : i32
    %dma_start3A_23 = arith.constant 0 : i32
    %dma_start3A_24 = arith.constant 0 : i32
    %dma_start3A_25 = tpu.memref_slice %arg10[%dma_start3A_22, %dma_start3A_23, %dma_start3A_24] : memref<6x40x128xf32, #tpu.memory_space<vmem>> -> memref<1x40x128xf32, #tpu.memory_space<vmem>>
    %dma_start3A_26 = tpu.memref_squeeze %dma_start3A_25 : memref<1x40x128xf32, #tpu.memory_space<vmem>> -> memref<40x128xf32, #tpu.memory_space<vmem>>
    %dma_start3A_27 = arith.constant 40 : i32
    %dma_start3A_28 = tpu.memref_slice %arg8[%dma_start3A_27] : memref<10000xi32, #tpu.memory_space<vmem>> -> memref<40xi32, #tpu.memory_space<vmem>>
    %dma_start3A_29 = arith.constant 0 : i32
    %dma_start3A_30 = arith.constant 0 : i32
    %dma_start3A_31 = tpu.memref_slice %arg2[%dma_start3A_29, %dma_start3A_30] : memref<10000x128xf32, #tpu.memory_space<hbm>> -> memref<10000x128xf32, #tpu.memory_space<hbm>>
    tpu.enqueue_indirect_dma source(%dma_start3A_31 : memref<10000x128xf32, #tpu.memory_space<hbm>>) target(%dma_start3A_26 : memref<40x128xf32, #tpu.memory_space<vmem>>) offsets(%dma_start3A_28 : memref<40xi32, #tpu.memory_space<vmem>>) semaphore(%arg12 : memref<!tpu.dma_semaphore, #tpu.memory_space<semaphore_mem>>)
    %dma_start3A_32 = arith.constant 2 : i32
    %dma_start3A_33 = arith.constant 0 : i32
    %dma_start3A_34 = arith.constant 0 : i32
    %dma_start3A_35 = tpu.memref_slice %arg10[%dma_start3A_32, %dma_start3A_33, %dma_start3A_34] : memref<6x40x128xf32, #tpu.memory_space<vmem>> -> memref<1x40x128xf32, #tpu.memory_space<vmem>>
    %dma_start3A_36 = tpu.memref_squeeze %dma_start3A_35 : memref<1x40x128xf32, #tpu.memory_space<vmem>> -> memref<40x128xf32, #tpu.memory_space<vmem>>
    %dma_start3A_37 = arith.constant 80 : i32
    %dma_start3A_38 = tpu.memref_slice %arg8[%dma_start3A_37] : memref<10000xi32, #tpu.memory_space<vmem>> -> memref<40xi32, #tpu.memory_space<vmem>>
    %dma_start3A_39 = arith.constant 0 : i32
    %dma_start3A_40 = arith.constant 0 : i32
    %dma_start3A_41 = tpu.memref_slice %arg2[%dma_start3A_39, %dma_start3A_40] : memref<10000x128xf32, #tpu.memory_space<hbm>> -> memref<10000x128xf32, #tpu.memory_space<hbm>>
    tpu.enqueue_indirect_dma source(%dma_start3A_41 : memref<10000x128xf32, #tpu.memory_space<hbm>>) target(%dma_start3A_36 : memref<40x128xf32, #tpu.memory_space<vmem>>) offsets(%dma_start3A_38 : memref<40xi32, #tpu.memory_space<vmem>>) semaphore(%arg13 : memref<!tpu.dma_semaphore, #tpu.memory_space<semaphore_mem>>)
    %dma_start3A_42 = arith.constant 3 : i32
    %dma_start3A_43 = arith.constant 0 : i32
    %dma_start3A_44 = arith.constant 0 : i32
    %dma_start3A_45 = tpu.memref_slice %arg10[%dma_start3A_42, %dma_start3A_43, %dma_start3A_44] : memref<6x40x128xf32, #tpu.memory_space<vmem>> -> memref<1x40x128xf32, #tpu.memory_space<vmem>>
    %dma_start3A_46 = tpu.memref_squeeze %dma_start3A_45 : memref<1x40x128xf32, #tpu.memory_space<vmem>> -> memref<40x128xf32, #tpu.memory_space<vmem>>
    %dma_start3A_47 = arith.constant 120 : i32
    %dma_start3A_48 = tpu.memref_slice %arg8[%dma_start3A_47] : memref<10000xi32, #tpu.memory_space<vmem>> -> memref<40xi32, #tpu.memory_space<vmem>>
    %dma_start3A_49 = arith.constant 0 : i32
    %dma_start3A_50 = arith.constant 0 : i32
    %dma_start3A_51 = tpu.memref_slice %arg2[%dma_start3A_49, %dma_start3A_50] : memref<10000x128xf32, #tpu.memory_space<hbm>> -> memref<10000x128xf32, #tpu.memory_space<hbm>>
    tpu.enqueue_indirect_dma source(%dma_start3A_51 : memref<10000x128xf32, #tpu.memory_space<hbm>>) target(%dma_start3A_46 : memref<40x128xf32, #tpu.memory_space<vmem>>) offsets(%dma_start3A_48 : memref<40xi32, #tpu.memory_space<vmem>>) semaphore(%arg14 : memref<!tpu.dma_semaphore, #tpu.memory_space<semaphore_mem>>)
    %dma_start3A_52 = arith.constant 4 : i32
    %dma_start3A_53 = arith.constant 0 : i32
    %dma_start3A_54 = arith.constant 0 : i32
    %dma_start3A_55 = tpu.memref_slice %arg10[%dma_start3A_52, %dma_start3A_53, %dma_start3A_54] : memref<6x40x128xf32, #tpu.memory_space<vmem>> -> memref<1x40x128xf32, #tpu.memory_space<vmem>>
    %dma_start3A_56 = tpu.memref_squeeze %dma_start3A_55 : memref<1x40x128xf32, #tpu.memory_space<vmem>> -> memref<40x128xf32, #tpu.memory_space<vmem>>
    %dma_start3A_57 = arith.constant 160 : i32
    %dma_start3A_58 = tpu.memref_slice %arg8[%dma_start3A_57] : memref<10000xi32, #tpu.memory_space<vmem>> -> memref<40xi32, #tpu.memory_space<vmem>>
    %dma_start3A_59 = arith.constant 0 : i32
    %dma_start3A_60 = arith.constant 0 : i32
    %dma_start3A_61 = tpu.memref_slice %arg2[%dma_start3A_59, %dma_start3A_60] : memref<10000x128xf32, #tpu.memory_space<hbm>> -> memref<10000x128xf32, #tpu.memory_space<hbm>>
    tpu.enqueue_indirect_dma source(%dma_start3A_61 : memref<10000x128xf32, #tpu.memory_space<hbm>>) target(%dma_start3A_56 : memref<40x128xf32, #tpu.memory_space<vmem>>) offsets(%dma_start3A_58 : memref<40xi32, #tpu.memory_space<vmem>>) semaphore(%arg15 : memref<!tpu.dma_semaphore, #tpu.memory_space<semaphore_mem>>)
    %barrier3A = arith.constant 0 : index
    tpu.barrier barrier_id(%barrier3A)
    %scan3A = arith.constant 0 : i32
    %scan3A_62 = arith.constant 0 : i32
    %scan3A_63 = arith.constant 43 : i32
    %scan3A_64 = arith.addi %scan3A_62, %scan3A_63 : i32
    %scan3A_65 = arith.constant 1 : i32
    scf.for %scan3A_73 = %scan3A_62 to %scan3A_64 step %scan3A_65  : i32 {
      %mul3A_74 = arith.constant 6 : i32
      %mul3A_75 = arith.muli %scan3A_73, %mul3A_74 : i32
      %add3A_76 = arith.constant 0 : i32
      %add3A_77 = arith.addi %mul3A_75, %add3A_76 : i32
      %ge3A = arith.constant 1 : i32
      %ge3A_78 = arith.cmpi sge, %add3A_77, %ge3A : i32
      %sub3A = arith.constant 1 : i32
      %sub3A_79 = arith.subi %add3A_77, %sub3A : i32
      %lt3A = arith.constant 250 : i32
      %lt3A_80 = arith.cmpi slt, %sub3A_79, %lt3A : i32
      %and3A = arith.andi %ge3A_78, %lt3A_80 : i1
      %convert_element_type3A_81 = arith.extui %and3A : i1 to i32
      %cond3A_82 = arith.constant 0 : i32
      %cond3A_83 = arith.cmpi ne, %convert_element_type3A_81, %cond3A_82 : i32
      scf.if %cond3A_83 {
        %sub3A_238 = arith.constant 1 : i32
        %sub3A_239 = arith.subi %add3A_77, %sub3A_238 : i32
        %mul3A_240 = arith.constant 40 : i32
        %mul3A_241 = arith.muli %sub3A_239, %mul3A_240 : i32
        %dma_wait3A = arith.constant 5 : i32
        %dma_wait3A_242 = arith.constant 0 : i32
        %dma_wait3A_243 = arith.constant 0 : i32
        %dma_wait3A_244 = tpu.memref_slice %arg10[%dma_wait3A, %dma_wait3A_242, %dma_wait3A_243] : memref<6x40x128xf32, #tpu.memory_space<vmem>> -> memref<1x40x128xf32, #tpu.memory_space<vmem>>
        %dma_wait3A_245 = tpu.memref_squeeze %dma_wait3A_244 : memref<1x40x128xf32, #tpu.memory_space<vmem>> -> memref<40x128xf32, #tpu.memory_space<vmem>>
        %dma_wait3A_246 = tpu.memref_slice %arg9[%mul3A_241] : memref<10000xi32, #tpu.memory_space<vmem>> -> memref<40xi32, #tpu.memory_space<vmem>>
        %dma_wait3A_247 = arith.constant 0 : i32
        %dma_wait3A_248 = arith.constant 0 : i32
        %dma_wait3A_249 = tpu.memref_slice %arg7[%dma_wait3A_247, %dma_wait3A_248] : memref<10000x128xf32, #tpu.memory_space<vmem_shared>> -> memref<10000x128xf32, #tpu.memory_space<vmem_shared>>
        tpu.wait_indirect_dma semaphore(%arg22 : memref<!tpu.dma_semaphore, #tpu.memory_space<semaphore_mem>>) src(%dma_wait3A_245 : memref<40x128xf32, #tpu.memory_space<vmem>>) dst(%dma_wait3A_249 : memref<10000x128xf32, #tpu.memory_space<vmem_shared>>)
      } else {
      }
      %add3A_84 = arith.constant 6 : i32
      %add3A_85 = arith.addi %add3A_77, %add3A_84 : i32
      %sub3A_86 = arith.constant 1 : i32
      %sub3A_87 = arith.subi %add3A_85, %sub3A_86 : i32
      %lt3A_88 = arith.constant 250 : i32
      %lt3A_89 = arith.cmpi slt, %sub3A_87, %lt3A_88 : i32
      %convert_element_type3A_90 = arith.extui %lt3A_89 : i1 to i32
      %cond3A_91 = arith.constant 0 : i32
      %cond3A_92 = arith.cmpi ne, %convert_element_type3A_90, %cond3A_91 : i32
      scf.if %cond3A_92 {
        %add3A_238 = arith.constant 6 : i32
        %add3A_239 = arith.addi %add3A_77, %add3A_238 : i32
        %sub3A_240 = arith.constant 1 : i32
        %sub3A_241 = arith.subi %add3A_239, %sub3A_240 : i32
        %mul3A_242 = arith.constant 40 : i32
        %mul3A_243 = arith.muli %sub3A_241, %mul3A_242 : i32
        %dma_start3A_244 = arith.constant 5 : i32
        %dma_start3A_245 = arith.constant 0 : i32
        %dma_start3A_246 = arith.constant 0 : i32
        %dma_start3A_247 = tpu.memref_slice %arg10[%dma_start3A_244, %dma_start3A_245, %dma_start3A_246] : memref<6x40x128xf32, #tpu.memory_space<vmem>> -> memref<1x40x128xf32, #tpu.memory_space<vmem>>
        %dma_start3A_248 = tpu.memref_squeeze %dma_start3A_247 : memref<1x40x128xf32, #tpu.memory_space<vmem>> -> memref<40x128xf32, #tpu.memory_space<vmem>>
        %dma_start3A_249 = tpu.memref_slice %arg8[%mul3A_243] : memref<10000xi32, #tpu.memory_space<vmem>> -> memref<40xi32, #tpu.memory_space<vmem>>
        %dma_start3A_250 = arith.constant 0 : i32
        %dma_start3A_251 = arith.constant 0 : i32
        %dma_start3A_252 = tpu.memref_slice %arg2[%dma_start3A_250, %dma_start3A_251] : memref<10000x128xf32, #tpu.memory_space<hbm>> -> memref<10000x128xf32, #tpu.memory_space<hbm>>
        tpu.enqueue_indirect_dma source(%dma_start3A_252 : memref<10000x128xf32, #tpu.memory_space<hbm>>) target(%dma_start3A_248 : memref<40x128xf32, #tpu.memory_space<vmem>>) offsets(%dma_start3A_249 : memref<40xi32, #tpu.memory_space<vmem>>) semaphore(%arg16 : memref<!tpu.dma_semaphore, #tpu.memory_space<semaphore_mem>>)
      } else {
      }
      %lt3A_93 = arith.constant 250 : i32
      %lt3A_94 = arith.cmpi slt, %add3A_77, %lt3A_93 : i32
      %convert_element_type3A_95 = arith.extui %lt3A_94 : i1 to i32
      %cond3A_96 = arith.constant 0 : i32
      %cond3A_97 = arith.cmpi ne, %convert_element_type3A_95, %cond3A_96 : i32
      scf.if %cond3A_97 {
        %mul3A_238 = arith.constant 40 : i32
        %mul3A_239 = arith.muli %add3A_77, %mul3A_238 : i32
        %dma_wait3A = arith.constant 0 : i32
        %dma_wait3A_240 = arith.constant 0 : i32
        %dma_wait3A_241 = arith.constant 0 : i32
        %dma_wait3A_242 = tpu.memref_slice %arg10[%dma_wait3A, %dma_wait3A_240, %dma_wait3A_241] : memref<6x40x128xf32, #tpu.memory_space<vmem>> -> memref<1x40x128xf32, #tpu.memory_space<vmem>>
        %dma_wait3A_243 = tpu.memref_squeeze %dma_wait3A_242 : memref<1x40x128xf32, #tpu.memory_space<vmem>> -> memref<40x128xf32, #tpu.memory_space<vmem>>
        %dma_wait3A_244 = tpu.memref_slice %arg8[%mul3A_239] : memref<10000xi32, #tpu.memory_space<vmem>> -> memref<40xi32, #tpu.memory_space<vmem>>
        %dma_wait3A_245 = arith.constant 0 : i32
        %dma_wait3A_246 = arith.constant 0 : i32
        %dma_wait3A_247 = tpu.memref_slice %arg2[%dma_wait3A_245, %dma_wait3A_246] : memref<10000x128xf32, #tpu.memory_space<hbm>> -> memref<10000x128xf32, #tpu.memory_space<hbm>>
        tpu.wait_indirect_dma semaphore(%arg11 : memref<!tpu.dma_semaphore, #tpu.memory_space<semaphore_mem>>) src(%dma_wait3A_247 : memref<10000x128xf32, #tpu.memory_space<hbm>>) dst(%dma_wait3A_243 : memref<40x128xf32, #tpu.memory_space<vmem>>)
        %mul3A_248 = arith.constant 40 : i32
        %mul3A_249 = arith.muli %add3A_77, %mul3A_248 : i32
        %dma_start3A_250 = arith.constant 0 : i32
        %dma_start3A_251 = arith.constant 0 : i32
        %dma_start3A_252 = arith.constant 0 : i32
        %dma_start3A_253 = tpu.memref_slice %arg10[%dma_start3A_250, %dma_start3A_251, %dma_start3A_252] : memref<6x40x128xf32, #tpu.memory_space<vmem>> -> memref<1x40x128xf32, #tpu.memory_space<vmem>>
        %dma_start3A_254 = tpu.memref_squeeze %dma_start3A_253 : memref<1x40x128xf32, #tpu.memory_space<vmem>> -> memref<40x128xf32, #tpu.memory_space<vmem>>
        %dma_start3A_255 = tpu.memref_slice %arg9[%mul3A_249] : memref<10000xi32, #tpu.memory_space<vmem>> -> memref<40xi32, #tpu.memory_space<vmem>>
        %dma_start3A_256 = arith.constant 0 : i32
        %dma_start3A_257 = arith.constant 0 : i32
        %dma_start3A_258 = tpu.memref_slice %arg7[%dma_start3A_256, %dma_start3A_257] : memref<10000x128xf32, #tpu.memory_space<vmem_shared>> -> memref<10000x128xf32, #tpu.memory_space<vmem_shared>>
        tpu.enqueue_indirect_dma source(%dma_start3A_254 : memref<40x128xf32, #tpu.memory_space<vmem>>) target(%dma_start3A_258 : memref<10000x128xf32, #tpu.memory_space<vmem_shared>>) offsets(%dma_start3A_255 : memref<40xi32, #tpu.memory_space<vmem>>) semaphore(%arg17 : memref<!tpu.dma_semaphore, #tpu.memory_space<semaphore_mem>>) {add = true}
      } else {
      }
      %mul3A_98 = arith.constant 6 : i32
      %mul3A_99 = arith.muli %scan3A_73, %mul3A_98 : i32
      %add3A_100 = arith.constant 1 : i32
      %add3A_101 = arith.addi %mul3A_99, %add3A_100 : i32
      %ge3A_102 = arith.constant 1 : i32
      %ge3A_103 = arith.cmpi sge, %add3A_101, %ge3A_102 : i32
      %sub3A_104 = arith.constant 1 : i32
      %sub3A_105 = arith.subi %add3A_101, %sub3A_104 : i32
      %lt3A_106 = arith.constant 250 : i32
      %lt3A_107 = arith.cmpi slt, %sub3A_105, %lt3A_106 : i32
      %and3A_108 = arith.andi %ge3A_103, %lt3A_107 : i1
      %convert_element_type3A_109 = arith.extui %and3A_108 : i1 to i32
      %cond3A_110 = arith.constant 0 : i32
      %cond3A_111 = arith.cmpi ne, %convert_element_type3A_109, %cond3A_110 : i32
      scf.if %cond3A_111 {
        %sub3A_238 = arith.constant 1 : i32
        %sub3A_239 = arith.subi %add3A_101, %sub3A_238 : i32
        %mul3A_240 = arith.constant 40 : i32
        %mul3A_241 = arith.muli %sub3A_239, %mul3A_240 : i32
        %dma_wait3A = arith.constant 0 : i32
        %dma_wait3A_242 = arith.constant 0 : i32
        %dma_wait3A_243 = arith.constant 0 : i32
        %dma_wait3A_244 = tpu.memref_slice %arg10[%dma_wait3A, %dma_wait3A_242, %dma_wait3A_243] : memref<6x40x128xf32, #tpu.memory_space<vmem>> -> memref<1x40x128xf32, #tpu.memory_space<vmem>>
        %dma_wait3A_245 = tpu.memref_squeeze %dma_wait3A_244 : memref<1x40x128xf32, #tpu.memory_space<vmem>> -> memref<40x128xf32, #tpu.memory_space<vmem>>
        %dma_wait3A_246 = tpu.memref_slice %arg9[%mul3A_241] : memref<10000xi32, #tpu.memory_space<vmem>> -> memref<40xi32, #tpu.memory_space<vmem>>
        %dma_wait3A_247 = arith.constant 0 : i32
        %dma_wait3A_248 = arith.constant 0 : i32
        %dma_wait3A_249 = tpu.memref_slice %arg7[%dma_wait3A_247, %dma_wait3A_248] : memref<10000x128xf32, #tpu.memory_space<vmem_shared>> -> memref<10000x128xf32, #tpu.memory_space<vmem_shared>>
        tpu.wait_indirect_dma semaphore(%arg17 : memref<!tpu.dma_semaphore, #tpu.memory_space<semaphore_mem>>) src(%dma_wait3A_245 : memref<40x128xf32, #tpu.memory_space<vmem>>) dst(%dma_wait3A_249 : memref<10000x128xf32, #tpu.memory_space<vmem_shared>>)
      } else {
      }
      %add3A_112 = arith.constant 6 : i32
      %add3A_113 = arith.addi %add3A_101, %add3A_112 : i32
      %sub3A_114 = arith.constant 1 : i32
      %sub3A_115 = arith.subi %add3A_113, %sub3A_114 : i32
      %lt3A_116 = arith.constant 250 : i32
      %lt3A_117 = arith.cmpi slt, %sub3A_115, %lt3A_116 : i32
      %convert_element_type3A_118 = arith.extui %lt3A_117 : i1 to i32
      %cond3A_119 = arith.constant 0 : i32
      %cond3A_120 = arith.cmpi ne, %convert_element_type3A_118, %cond3A_119 : i32
      scf.if %cond3A_120 {
        %add3A_238 = arith.constant 6 : i32
        %add3A_239 = arith.addi %add3A_101, %add3A_238 : i32
        %sub3A_240 = arith.constant 1 : i32
        %sub3A_241 = arith.subi %add3A_239, %sub3A_240 : i32
        %mul3A_242 = arith.constant 40 : i32
        %mul3A_243 = arith.muli %sub3A_241, %mul3A_242 : i32
        %dma_start3A_244 = arith.constant 0 : i32
        %dma_start3A_245 = arith.constant 0 : i32
        %dma_start3A_246 = arith.constant 0 : i32
        %dma_start3A_247 = tpu.memref_slice %arg10[%dma_start3A_244, %dma_start3A_245, %dma_start3A_246] : memref<6x40x128xf32, #tpu.memory_space<vmem>> -> memref<1x40x128xf32, #tpu.memory_space<vmem>>
        %dma_start3A_248 = tpu.memref_squeeze %dma_start3A_247 : memref<1x40x128xf32, #tpu.memory_space<vmem>> -> memref<40x128xf32, #tpu.memory_space<vmem>>
        %dma_start3A_249 = tpu.memref_slice %arg8[%mul3A_243] : memref<10000xi32, #tpu.memory_space<vmem>> -> memref<40xi32, #tpu.memory_space<vmem>>
        %dma_start3A_250 = arith.constant 0 : i32
        %dma_start3A_251 = arith.constant 0 : i32
        %dma_start3A_252 = tpu.memref_slice %arg2[%dma_start3A_250, %dma_start3A_251] : memref<10000x128xf32, #tpu.memory_space<hbm>> -> memref<10000x128xf32, #tpu.memory_space<hbm>>
        tpu.enqueue_indirect_dma source(%dma_start3A_252 : memref<10000x128xf32, #tpu.memory_space<hbm>>) target(%dma_start3A_248 : memref<40x128xf32, #tpu.memory_space<vmem>>) offsets(%dma_start3A_249 : memref<40xi32, #tpu.memory_space<vmem>>) semaphore(%arg11 : memref<!tpu.dma_semaphore, #tpu.memory_space<semaphore_mem>>)
      } else {
      }
      %lt3A_121 = arith.constant 250 : i32
      %lt3A_122 = arith.cmpi slt, %add3A_101, %lt3A_121 : i32
      %convert_element_type3A_123 = arith.extui %lt3A_122 : i1 to i32
      %cond3A_124 = arith.constant 0 : i32
      %cond3A_125 = arith.cmpi ne, %convert_element_type3A_123, %cond3A_124 : i32
      scf.if %cond3A_125 {
        %mul3A_238 = arith.constant 40 : i32
        %mul3A_239 = arith.muli %add3A_101, %mul3A_238 : i32
        %dma_wait3A = arith.constant 1 : i32
        %dma_wait3A_240 = arith.constant 0 : i32
        %dma_wait3A_241 = arith.constant 0 : i32
        %dma_wait3A_242 = tpu.memref_slice %arg10[%dma_wait3A, %dma_wait3A_240, %dma_wait3A_241] : memref<6x40x128xf32, #tpu.memory_space<vmem>> -> memref<1x40x128xf32, #tpu.memory_space<vmem>>
        %dma_wait3A_243 = tpu.memref_squeeze %dma_wait3A_242 : memref<1x40x128xf32, #tpu.memory_space<vmem>> -> memref<40x128xf32, #tpu.memory_space<vmem>>
        %dma_wait3A_244 = tpu.memref_slice %arg8[%mul3A_239] : memref<10000xi32, #tpu.memory_space<vmem>> -> memref<40xi32, #tpu.memory_space<vmem>>
        %dma_wait3A_245 = arith.constant 0 : i32
        %dma_wait3A_246 = arith.constant 0 : i32
        %dma_wait3A_247 = tpu.memref_slice %arg2[%dma_wait3A_245, %dma_wait3A_246] : memref<10000x128xf32, #tpu.memory_space<hbm>> -> memref<10000x128xf32, #tpu.memory_space<hbm>>
        tpu.wait_indirect_dma semaphore(%arg12 : memref<!tpu.dma_semaphore, #tpu.memory_space<semaphore_mem>>) src(%dma_wait3A_247 : memref<10000x128xf32, #tpu.memory_space<hbm>>) dst(%dma_wait3A_243 : memref<40x128xf32, #tpu.memory_space<vmem>>)
        %mul3A_248 = arith.constant 40 : i32
        %mul3A_249 = arith.muli %add3A_101, %mul3A_248 : i32
        %dma_start3A_250 = arith.constant 1 : i32
        %dma_start3A_251 = arith.constant 0 : i32
        %dma_start3A_252 = arith.constant 0 : i32
        %dma_start3A_253 = tpu.memref_slice %arg10[%dma_start3A_250, %dma_start3A_251, %dma_start3A_252] : memref<6x40x128xf32, #tpu.memory_space<vmem>> -> memref<1x40x128xf32, #tpu.memory_space<vmem>>
        %dma_start3A_254 = tpu.memref_squeeze %dma_start3A_253 : memref<1x40x128xf32, #tpu.memory_space<vmem>> -> memref<40x128xf32, #tpu.memory_space<vmem>>
        %dma_start3A_255 = tpu.memref_slice %arg9[%mul3A_249] : memref<10000xi32, #tpu.memory_space<vmem>> -> memref<40xi32, #tpu.memory_space<vmem>>
        %dma_start3A_256 = arith.constant 0 : i32
        %dma_start3A_257 = arith.constant 0 : i32
        %dma_start3A_258 = tpu.memref_slice %arg7[%dma_start3A_256, %dma_start3A_257] : memref<10000x128xf32, #tpu.memory_space<vmem_shared>> -> memref<10000x128xf32, #tpu.memory_space<vmem_shared>>
        tpu.enqueue_indirect_dma source(%dma_start3A_254 : memref<40x128xf32, #tpu.memory_space<vmem>>) target(%dma_start3A_258 : memref<10000x128xf32, #tpu.memory_space<vmem_shared>>) offsets(%dma_start3A_255 : memref<40xi32, #tpu.memory_space<vmem>>) semaphore(%arg18 : memref<!tpu.dma_semaphore, #tpu.memory_space<semaphore_mem>>) {add = true}
      } else {
      }
      %mul3A_126 = arith.constant 6 : i32
      %mul3A_127 = arith.muli %scan3A_73, %mul3A_126 : i32
      %add3A_128 = arith.constant 2 : i32
      %add3A_129 = arith.addi %mul3A_127, %add3A_128 : i32
      %ge3A_130 = arith.constant 1 : i32
      %ge3A_131 = arith.cmpi sge, %add3A_129, %ge3A_130 : i32
      %sub3A_132 = arith.constant 1 : i32
      %sub3A_133 = arith.subi %add3A_129, %sub3A_132 : i32
      %lt3A_134 = arith.constant 250 : i32
      %lt3A_135 = arith.cmpi slt, %sub3A_133, %lt3A_134 : i32
      %and3A_136 = arith.andi %ge3A_131, %lt3A_135 : i1
      %convert_element_type3A_137 = arith.extui %and3A_136 : i1 to i32
      %cond3A_138 = arith.constant 0 : i32
      %cond3A_139 = arith.cmpi ne, %convert_element_type3A_137, %cond3A_138 : i32
      scf.if %cond3A_139 {
        %sub3A_238 = arith.constant 1 : i32
        %sub3A_239 = arith.subi %add3A_129, %sub3A_238 : i32
        %mul3A_240 = arith.constant 40 : i32
        %mul3A_241 = arith.muli %sub3A_239, %mul3A_240 : i32
        %dma_wait3A = arith.constant 1 : i32
        %dma_wait3A_242 = arith.constant 0 : i32
        %dma_wait3A_243 = arith.constant 0 : i32
        %dma_wait3A_244 = tpu.memref_slice %arg10[%dma_wait3A, %dma_wait3A_242, %dma_wait3A_243] : memref<6x40x128xf32, #tpu.memory_space<vmem>> -> memref<1x40x128xf32, #tpu.memory_space<vmem>>
        %dma_wait3A_245 = tpu.memref_squeeze %dma_wait3A_244 : memref<1x40x128xf32, #tpu.memory_space<vmem>> -> memref<40x128xf32, #tpu.memory_space<vmem>>
        %dma_wait3A_246 = tpu.memref_slice %arg9[%mul3A_241] : memref<10000xi32, #tpu.memory_space<vmem>> -> memref<40xi32, #tpu.memory_space<vmem>>
        %dma_wait3A_247 = arith.constant 0 : i32
        %dma_wait3A_248 = arith.constant 0 : i32
        %dma_wait3A_249 = tpu.memref_slice %arg7[%dma_wait3A_247, %dma_wait3A_248] : memref<10000x128xf32, #tpu.memory_space<vmem_shared>> -> memref<10000x128xf32, #tpu.memory_space<vmem_shared>>
        tpu.wait_indirect_dma semaphore(%arg18 : memref<!tpu.dma_semaphore, #tpu.memory_space<semaphore_mem>>) src(%dma_wait3A_245 : memref<40x128xf32, #tpu.memory_space<vmem>>) dst(%dma_wait3A_249 : memref<10000x128xf32, #tpu.memory_space<vmem_shared>>)
      } else {
      }
      %add3A_140 = arith.constant 6 : i32
      %add3A_141 = arith.addi %add3A_129, %add3A_140 : i32
      %sub3A_142 = arith.constant 1 : i32
      %sub3A_143 = arith.subi %add3A_141, %sub3A_142 : i32
      %lt3A_144 = arith.constant 250 : i32
      %lt3A_145 = arith.cmpi slt, %sub3A_143, %lt3A_144 : i32
      %convert_element_type3A_146 = arith.extui %lt3A_145 : i1 to i32
      %cond3A_147 = arith.constant 0 : i32
      %cond3A_148 = arith.cmpi ne, %convert_element_type3A_146, %cond3A_147 : i32
      scf.if %cond3A_148 {
        %add3A_238 = arith.constant 6 : i32
        %add3A_239 = arith.addi %add3A_129, %add3A_238 : i32
        %sub3A_240 = arith.constant 1 : i32
        %sub3A_241 = arith.subi %add3A_239, %sub3A_240 : i32
        %mul3A_242 = arith.constant 40 : i32
        %mul3A_243 = arith.muli %sub3A_241, %mul3A_242 : i32
        %dma_start3A_244 = arith.constant 1 : i32
        %dma_start3A_245 = arith.constant 0 : i32
        %dma_start3A_246 = arith.constant 0 : i32
        %dma_start3A_247 = tpu.memref_slice %arg10[%dma_start3A_244, %dma_start3A_245, %dma_start3A_246] : memref<6x40x128xf32, #tpu.memory_space<vmem>> -> memref<1x40x128xf32, #tpu.memory_space<vmem>>
        %dma_start3A_248 = tpu.memref_squeeze %dma_start3A_247 : memref<1x40x128xf32, #tpu.memory_space<vmem>> -> memref<40x128xf32, #tpu.memory_space<vmem>>
        %dma_start3A_249 = tpu.memref_slice %arg8[%mul3A_243] : memref<10000xi32, #tpu.memory_space<vmem>> -> memref<40xi32, #tpu.memory_space<vmem>>
        %dma_start3A_250 = arith.constant 0 : i32
        %dma_start3A_251 = arith.constant 0 : i32
        %dma_start3A_252 = tpu.memref_slice %arg2[%dma_start3A_250, %dma_start3A_251] : memref<10000x128xf32, #tpu.memory_space<hbm>> -> memref<10000x128xf32, #tpu.memory_space<hbm>>
        tpu.enqueue_indirect_dma source(%dma_start3A_252 : memref<10000x128xf32, #tpu.memory_space<hbm>>) target(%dma_start3A_248 : memref<40x128xf32, #tpu.memory_space<vmem>>) offsets(%dma_start3A_249 : memref<40xi32, #tpu.memory_space<vmem>>) semaphore(%arg12 : memref<!tpu.dma_semaphore, #tpu.memory_space<semaphore_mem>>)
      } else {
      }
      %lt3A_149 = arith.constant 250 : i32
      %lt3A_150 = arith.cmpi slt, %add3A_129, %lt3A_149 : i32
      %convert_element_type3A_151 = arith.extui %lt3A_150 : i1 to i32
      %cond3A_152 = arith.constant 0 : i32
      %cond3A_153 = arith.cmpi ne, %convert_element_type3A_151, %cond3A_152 : i32
      scf.if %cond3A_153 {
        %mul3A_238 = arith.constant 40 : i32
        %mul3A_239 = arith.muli %add3A_129, %mul3A_238 : i32
        %dma_wait3A = arith.constant 2 : i32
        %dma_wait3A_240 = arith.constant 0 : i32
        %dma_wait3A_241 = arith.constant 0 : i32
        %dma_wait3A_242 = tpu.memref_slice %arg10[%dma_wait3A, %dma_wait3A_240, %dma_wait3A_241] : memref<6x40x128xf32, #tpu.memory_space<vmem>> -> memref<1x40x128xf32, #tpu.memory_space<vmem>>
        %dma_wait3A_243 = tpu.memref_squeeze %dma_wait3A_242 : memref<1x40x128xf32, #tpu.memory_space<vmem>> -> memref<40x128xf32, #tpu.memory_space<vmem>>
        %dma_wait3A_244 = tpu.memref_slice %arg8[%mul3A_239] : memref<10000xi32, #tpu.memory_space<vmem>> -> memref<40xi32, #tpu.memory_space<vmem>>
        %dma_wait3A_245 = arith.constant 0 : i32
        %dma_wait3A_246 = arith.constant 0 : i32
        %dma_wait3A_247 = tpu.memref_slice %arg2[%dma_wait3A_245, %dma_wait3A_246] : memref<10000x128xf32, #tpu.memory_space<hbm>> -> memref<10000x128xf32, #tpu.memory_space<hbm>>
        tpu.wait_indirect_dma semaphore(%arg13 : memref<!tpu.dma_semaphore, #tpu.memory_space<semaphore_mem>>) src(%dma_wait3A_247 : memref<10000x128xf32, #tpu.memory_space<hbm>>) dst(%dma_wait3A_243 : memref<40x128xf32, #tpu.memory_space<vmem>>)
        %mul3A_248 = arith.constant 40 : i32
        %mul3A_249 = arith.muli %add3A_129, %mul3A_248 : i32
        %dma_start3A_250 = arith.constant 2 : i32
        %dma_start3A_251 = arith.constant 0 : i32
        %dma_start3A_252 = arith.constant 0 : i32
        %dma_start3A_253 = tpu.memref_slice %arg10[%dma_start3A_250, %dma_start3A_251, %dma_start3A_252] : memref<6x40x128xf32, #tpu.memory_space<vmem>> -> memref<1x40x128xf32, #tpu.memory_space<vmem>>
        %dma_start3A_254 = tpu.memref_squeeze %dma_start3A_253 : memref<1x40x128xf32, #tpu.memory_space<vmem>> -> memref<40x128xf32, #tpu.memory_space<vmem>>
        %dma_start3A_255 = tpu.memref_slice %arg9[%mul3A_249] : memref<10000xi32, #tpu.memory_space<vmem>> -> memref<40xi32, #tpu.memory_space<vmem>>
        %dma_start3A_256 = arith.constant 0 : i32
        %dma_start3A_257 = arith.constant 0 : i32
        %dma_start3A_258 = tpu.memref_slice %arg7[%dma_start3A_256, %dma_start3A_257] : memref<10000x128xf32, #tpu.memory_space<vmem_shared>> -> memref<10000x128xf32, #tpu.memory_space<vmem_shared>>
        tpu.enqueue_indirect_dma source(%dma_start3A_254 : memref<40x128xf32, #tpu.memory_space<vmem>>) target(%dma_start3A_258 : memref<10000x128xf32, #tpu.memory_space<vmem_shared>>) offsets(%dma_start3A_255 : memref<40xi32, #tpu.memory_space<vmem>>) semaphore(%arg19 : memref<!tpu.dma_semaphore, #tpu.memory_space<semaphore_mem>>) {add = true}
      } else {
      }
      %mul3A_154 = arith.constant 6 : i32
      %mul3A_155 = arith.muli %scan3A_73, %mul3A_154 : i32
      %add3A_156 = arith.constant 3 : i32
      %add3A_157 = arith.addi %mul3A_155, %add3A_156 : i32
      %ge3A_158 = arith.constant 1 : i32
      %ge3A_159 = arith.cmpi sge, %add3A_157, %ge3A_158 : i32
      %sub3A_160 = arith.constant 1 : i32
      %sub3A_161 = arith.subi %add3A_157, %sub3A_160 : i32
      %lt3A_162 = arith.constant 250 : i32
      %lt3A_163 = arith.cmpi slt, %sub3A_161, %lt3A_162 : i32
      %and3A_164 = arith.andi %ge3A_159, %lt3A_163 : i1
      %convert_element_type3A_165 = arith.extui %and3A_164 : i1 to i32
      %cond3A_166 = arith.constant 0 : i32
      %cond3A_167 = arith.cmpi ne, %convert_element_type3A_165, %cond3A_166 : i32
      scf.if %cond3A_167 {
        %sub3A_238 = arith.constant 1 : i32
        %sub3A_239 = arith.subi %add3A_157, %sub3A_238 : i32
        %mul3A_240 = arith.constant 40 : i32
        %mul3A_241 = arith.muli %sub3A_239, %mul3A_240 : i32
        %dma_wait3A = arith.constant 2 : i32
        %dma_wait3A_242 = arith.constant 0 : i32
        %dma_wait3A_243 = arith.constant 0 : i32
        %dma_wait3A_244 = tpu.memref_slice %arg10[%dma_wait3A, %dma_wait3A_242, %dma_wait3A_243] : memref<6x40x128xf32, #tpu.memory_space<vmem>> -> memref<1x40x128xf32, #tpu.memory_space<vmem>>
        %dma_wait3A_245 = tpu.memref_squeeze %dma_wait3A_244 : memref<1x40x128xf32, #tpu.memory_space<vmem>> -> memref<40x128xf32, #tpu.memory_space<vmem>>
        %dma_wait3A_246 = tpu.memref_slice %arg9[%mul3A_241] : memref<10000xi32, #tpu.memory_space<vmem>> -> memref<40xi32, #tpu.memory_space<vmem>>
        %dma_wait3A_247 = arith.constant 0 : i32
        %dma_wait3A_248 = arith.constant 0 : i32
        %dma_wait3A_249 = tpu.memref_slice %arg7[%dma_wait3A_247, %dma_wait3A_248] : memref<10000x128xf32, #tpu.memory_space<vmem_shared>> -> memref<10000x128xf32, #tpu.memory_space<vmem_shared>>
        tpu.wait_indirect_dma semaphore(%arg19 : memref<!tpu.dma_semaphore, #tpu.memory_space<semaphore_mem>>) src(%dma_wait3A_245 : memref<40x128xf32, #tpu.memory_space<vmem>>) dst(%dma_wait3A_249 : memref<10000x128xf32, #tpu.memory_space<vmem_shared>>)
      } else {
      }
      %add3A_168 = arith.constant 6 : i32
      %add3A_169 = arith.addi %add3A_157, %add3A_168 : i32
      %sub3A_170 = arith.constant 1 : i32
      %sub3A_171 = arith.subi %add3A_169, %sub3A_170 : i32
      %lt3A_172 = arith.constant 250 : i32
      %lt3A_173 = arith.cmpi slt, %sub3A_171, %lt3A_172 : i32
      %convert_element_type3A_174 = arith.extui %lt3A_173 : i1 to i32
      %cond3A_175 = arith.constant 0 : i32
      %cond3A_176 = arith.cmpi ne, %convert_element_type3A_174, %cond3A_175 : i32
      scf.if %cond3A_176 {
        %add3A_238 = arith.constant 6 : i32
        %add3A_239 = arith.addi %add3A_157, %add3A_238 : i32
        %sub3A_240 = arith.constant 1 : i32
        %sub3A_241 = arith.subi %add3A_239, %sub3A_240 : i32
        %mul3A_242 = arith.constant 40 : i32
        %mul3A_243 = arith.muli %sub3A_241, %mul3A_242 : i32
        %dma_start3A_244 = arith.constant 2 : i32
        %dma_start3A_245 = arith.constant 0 : i32
        %dma_start3A_246 = arith.constant 0 : i32
        %dma_start3A_247 = tpu.memref_slice %arg10[%dma_start3A_244, %dma_start3A_245, %dma_start3A_246] : memref<6x40x128xf32, #tpu.memory_space<vmem>> -> memref<1x40x128xf32, #tpu.memory_space<vmem>>
        %dma_start3A_248 = tpu.memref_squeeze %dma_start3A_247 : memref<1x40x128xf32, #tpu.memory_space<vmem>> -> memref<40x128xf32, #tpu.memory_space<vmem>>
        %dma_start3A_249 = tpu.memref_slice %arg8[%mul3A_243] : memref<10000xi32, #tpu.memory_space<vmem>> -> memref<40xi32, #tpu.memory_space<vmem>>
        %dma_start3A_250 = arith.constant 0 : i32
        %dma_start3A_251 = arith.constant 0 : i32
        %dma_start3A_252 = tpu.memref_slice %arg2[%dma_start3A_250, %dma_start3A_251] : memref<10000x128xf32, #tpu.memory_space<hbm>> -> memref<10000x128xf32, #tpu.memory_space<hbm>>
        tpu.enqueue_indirect_dma source(%dma_start3A_252 : memref<10000x128xf32, #tpu.memory_space<hbm>>) target(%dma_start3A_248 : memref<40x128xf32, #tpu.memory_space<vmem>>) offsets(%dma_start3A_249 : memref<40xi32, #tpu.memory_space<vmem>>) semaphore(%arg13 : memref<!tpu.dma_semaphore, #tpu.memory_space<semaphore_mem>>)
      } else {
      }
      %lt3A_177 = arith.constant 250 : i32
      %lt3A_178 = arith.cmpi slt, %add3A_157, %lt3A_177 : i32
      %convert_element_type3A_179 = arith.extui %lt3A_178 : i1 to i32
      %cond3A_180 = arith.constant 0 : i32
      %cond3A_181 = arith.cmpi ne, %convert_element_type3A_179, %cond3A_180 : i32
      scf.if %cond3A_181 {
        %mul3A_238 = arith.constant 40 : i32
        %mul3A_239 = arith.muli %add3A_157, %mul3A_238 : i32
        %dma_wait3A = arith.constant 3 : i32
        %dma_wait3A_240 = arith.constant 0 : i32
        %dma_wait3A_241 = arith.constant 0 : i32
        %dma_wait3A_242 = tpu.memref_slice %arg10[%dma_wait3A, %dma_wait3A_240, %dma_wait3A_241] : memref<6x40x128xf32, #tpu.memory_space<vmem>> -> memref<1x40x128xf32, #tpu.memory_space<vmem>>
        %dma_wait3A_243 = tpu.memref_squeeze %dma_wait3A_242 : memref<1x40x128xf32, #tpu.memory_space<vmem>> -> memref<40x128xf32, #tpu.memory_space<vmem>>
        %dma_wait3A_244 = tpu.memref_slice %arg8[%mul3A_239] : memref<10000xi32, #tpu.memory_space<vmem>> -> memref<40xi32, #tpu.memory_space<vmem>>
        %dma_wait3A_245 = arith.constant 0 : i32
        %dma_wait3A_246 = arith.constant 0 : i32
        %dma_wait3A_247 = tpu.memref_slice %arg2[%dma_wait3A_245, %dma_wait3A_246] : memref<10000x128xf32, #tpu.memory_space<hbm>> -> memref<10000x128xf32, #tpu.memory_space<hbm>>
        tpu.wait_indirect_dma semaphore(%arg14 : memref<!tpu.dma_semaphore, #tpu.memory_space<semaphore_mem>>) src(%dma_wait3A_247 : memref<10000x128xf32, #tpu.memory_space<hbm>>) dst(%dma_wait3A_243 : memref<40x128xf32, #tpu.memory_space<vmem>>)
        %mul3A_248 = arith.constant 40 : i32
        %mul3A_249 = arith.muli %add3A_157, %mul3A_248 : i32
        %dma_start3A_250 = arith.constant 3 : i32
        %dma_start3A_251 = arith.constant 0 : i32
        %dma_start3A_252 = arith.constant 0 : i32
        %dma_start3A_253 = tpu.memref_slice %arg10[%dma_start3A_250, %dma_start3A_251, %dma_start3A_252] : memref<6x40x128xf32, #tpu.memory_space<vmem>> -> memref<1x40x128xf32, #tpu.memory_space<vmem>>
        %dma_start3A_254 = tpu.memref_squeeze %dma_start3A_253 : memref<1x40x128xf32, #tpu.memory_space<vmem>> -> memref<40x128xf32, #tpu.memory_space<vmem>>
        %dma_start3A_255 = tpu.memref_slice %arg9[%mul3A_249] : memref<10000xi32, #tpu.memory_space<vmem>> -> memref<40xi32, #tpu.memory_space<vmem>>
        %dma_start3A_256 = arith.constant 0 : i32
        %dma_start3A_257 = arith.constant 0 : i32
        %dma_start3A_258 = tpu.memref_slice %arg7[%dma_start3A_256, %dma_start3A_257] : memref<10000x128xf32, #tpu.memory_space<vmem_shared>> -> memref<10000x128xf32, #tpu.memory_space<vmem_shared>>
        tpu.enqueue_indirect_dma source(%dma_start3A_254 : memref<40x128xf32, #tpu.memory_space<vmem>>) target(%dma_start3A_258 : memref<10000x128xf32, #tpu.memory_space<vmem_shared>>) offsets(%dma_start3A_255 : memref<40xi32, #tpu.memory_space<vmem>>) semaphore(%arg20 : memref<!tpu.dma_semaphore, #tpu.memory_space<semaphore_mem>>) {add = true}
      } else {
      }
      %mul3A_182 = arith.constant 6 : i32
      %mul3A_183 = arith.muli %scan3A_73, %mul3A_182 : i32
      %add3A_184 = arith.constant 4 : i32
      %add3A_185 = arith.addi %mul3A_183, %add3A_184 : i32
      %ge3A_186 = arith.constant 1 : i32
      %ge3A_187 = arith.cmpi sge, %add3A_185, %ge3A_186 : i32
      %sub3A_188 = arith.constant 1 : i32
      %sub3A_189 = arith.subi %add3A_185, %sub3A_188 : i32
      %lt3A_190 = arith.constant 250 : i32
      %lt3A_191 = arith.cmpi slt, %sub3A_189, %lt3A_190 : i32
      %and3A_192 = arith.andi %ge3A_187, %lt3A_191 : i1
      %convert_element_type3A_193 = arith.extui %and3A_192 : i1 to i32
      %cond3A_194 = arith.constant 0 : i32
      %cond3A_195 = arith.cmpi ne, %convert_element_type3A_193, %cond3A_194 : i32
      scf.if %cond3A_195 {
        %sub3A_238 = arith.constant 1 : i32
        %sub3A_239 = arith.subi %add3A_185, %sub3A_238 : i32
        %mul3A_240 = arith.constant 40 : i32
        %mul3A_241 = arith.muli %sub3A_239, %mul3A_240 : i32
        %dma_wait3A = arith.constant 3 : i32
        %dma_wait3A_242 = arith.constant 0 : i32
        %dma_wait3A_243 = arith.constant 0 : i32
        %dma_wait3A_244 = tpu.memref_slice %arg10[%dma_wait3A, %dma_wait3A_242, %dma_wait3A_243] : memref<6x40x128xf32, #tpu.memory_space<vmem>> -> memref<1x40x128xf32, #tpu.memory_space<vmem>>
        %dma_wait3A_245 = tpu.memref_squeeze %dma_wait3A_244 : memref<1x40x128xf32, #tpu.memory_space<vmem>> -> memref<40x128xf32, #tpu.memory_space<vmem>>
        %dma_wait3A_246 = tpu.memref_slice %arg9[%mul3A_241] : memref<10000xi32, #tpu.memory_space<vmem>> -> memref<40xi32, #tpu.memory_space<vmem>>
        %dma_wait3A_247 = arith.constant 0 : i32
        %dma_wait3A_248 = arith.constant 0 : i32
        %dma_wait3A_249 = tpu.memref_slice %arg7[%dma_wait3A_247, %dma_wait3A_248] : memref<10000x128xf32, #tpu.memory_space<vmem_shared>> -> memref<10000x128xf32, #tpu.memory_space<vmem_shared>>
        tpu.wait_indirect_dma semaphore(%arg20 : memref<!tpu.dma_semaphore, #tpu.memory_space<semaphore_mem>>) src(%dma_wait3A_245 : memref<40x128xf32, #tpu.memory_space<vmem>>) dst(%dma_wait3A_249 : memref<10000x128xf32, #tpu.memory_space<vmem_shared>>)
      } else {
      }
      %add3A_196 = arith.constant 6 : i32
      %add3A_197 = arith.addi %add3A_185, %add3A_196 : i32
      %sub3A_198 = arith.constant 1 : i32
      %sub3A_199 = arith.subi %add3A_197, %sub3A_198 : i32
      %lt3A_200 = arith.constant 250 : i32
      %lt3A_201 = arith.cmpi slt, %sub3A_199, %lt3A_200 : i32
      %convert_element_type3A_202 = arith.extui %lt3A_201 : i1 to i32
      %cond3A_203 = arith.constant 0 : i32
      %cond3A_204 = arith.cmpi ne, %convert_element_type3A_202, %cond3A_203 : i32
      scf.if %cond3A_204 {
        %add3A_238 = arith.constant 6 : i32
        %add3A_239 = arith.addi %add3A_185, %add3A_238 : i32
        %sub3A_240 = arith.constant 1 : i32
        %sub3A_241 = arith.subi %add3A_239, %sub3A_240 : i32
        %mul3A_242 = arith.constant 40 : i32
        %mul3A_243 = arith.muli %sub3A_241, %mul3A_242 : i32
        %dma_start3A_244 = arith.constant 3 : i32
        %dma_start3A_245 = arith.constant 0 : i32
        %dma_start3A_246 = arith.constant 0 : i32
        %dma_start3A_247 = tpu.memref_slice %arg10[%dma_start3A_244, %dma_start3A_245, %dma_start3A_246] : memref<6x40x128xf32, #tpu.memory_space<vmem>> -> memref<1x40x128xf32, #tpu.memory_space<vmem>>
        %dma_start3A_248 = tpu.memref_squeeze %dma_start3A_247 : memref<1x40x128xf32, #tpu.memory_space<vmem>> -> memref<40x128xf32, #tpu.memory_space<vmem>>
        %dma_start3A_249 = tpu.memref_slice %arg8[%mul3A_243] : memref<10000xi32, #tpu.memory_space<vmem>> -> memref<40xi32, #tpu.memory_space<vmem>>
        %dma_start3A_250 = arith.constant 0 : i32
        %dma_start3A_251 = arith.constant 0 : i32
        %dma_start3A_252 = tpu.memref_slice %arg2[%dma_start3A_250, %dma_start3A_251] : memref<10000x128xf32, #tpu.memory_space<hbm>> -> memref<10000x128xf32, #tpu.memory_space<hbm>>
        tpu.enqueue_indirect_dma source(%dma_start3A_252 : memref<10000x128xf32, #tpu.memory_space<hbm>>) target(%dma_start3A_248 : memref<40x128xf32, #tpu.memory_space<vmem>>) offsets(%dma_start3A_249 : memref<40xi32, #tpu.memory_space<vmem>>) semaphore(%arg14 : memref<!tpu.dma_semaphore, #tpu.memory_space<semaphore_mem>>)
      } else {
      }
      %lt3A_205 = arith.constant 250 : i32
      %lt3A_206 = arith.cmpi slt, %add3A_185, %lt3A_205 : i32
      %convert_element_type3A_207 = arith.extui %lt3A_206 : i1 to i32
      %cond3A_208 = arith.constant 0 : i32
      %cond3A_209 = arith.cmpi ne, %convert_element_type3A_207, %cond3A_208 : i32
      scf.if %cond3A_209 {
        %mul3A_238 = arith.constant 40 : i32
        %mul3A_239 = arith.muli %add3A_185, %mul3A_238 : i32
        %dma_wait3A = arith.constant 4 : i32
        %dma_wait3A_240 = arith.constant 0 : i32
        %dma_wait3A_241 = arith.constant 0 : i32
        %dma_wait3A_242 = tpu.memref_slice %arg10[%dma_wait3A, %dma_wait3A_240, %dma_wait3A_241] : memref<6x40x128xf32, #tpu.memory_space<vmem>> -> memref<1x40x128xf32, #tpu.memory_space<vmem>>
        %dma_wait3A_243 = tpu.memref_squeeze %dma_wait3A_242 : memref<1x40x128xf32, #tpu.memory_space<vmem>> -> memref<40x128xf32, #tpu.memory_space<vmem>>
        %dma_wait3A_244 = tpu.memref_slice %arg8[%mul3A_239] : memref<10000xi32, #tpu.memory_space<vmem>> -> memref<40xi32, #tpu.memory_space<vmem>>
        %dma_wait3A_245 = arith.constant 0 : i32
        %dma_wait3A_246 = arith.constant 0 : i32
        %dma_wait3A_247 = tpu.memref_slice %arg2[%dma_wait3A_245, %dma_wait3A_246] : memref<10000x128xf32, #tpu.memory_space<hbm>> -> memref<10000x128xf32, #tpu.memory_space<hbm>>
        tpu.wait_indirect_dma semaphore(%arg15 : memref<!tpu.dma_semaphore, #tpu.memory_space<semaphore_mem>>) src(%dma_wait3A_247 : memref<10000x128xf32, #tpu.memory_space<hbm>>) dst(%dma_wait3A_243 : memref<40x128xf32, #tpu.memory_space<vmem>>)
        %mul3A_248 = arith.constant 40 : i32
        %mul3A_249 = arith.muli %add3A_185, %mul3A_248 : i32
        %dma_start3A_250 = arith.constant 4 : i32
        %dma_start3A_251 = arith.constant 0 : i32
        %dma_start3A_252 = arith.constant 0 : i32
        %dma_start3A_253 = tpu.memref_slice %arg10[%dma_start3A_250, %dma_start3A_251, %dma_start3A_252] : memref<6x40x128xf32, #tpu.memory_space<vmem>> -> memref<1x40x128xf32, #tpu.memory_space<vmem>>
        %dma_start3A_254 = tpu.memref_squeeze %dma_start3A_253 : memref<1x40x128xf32, #tpu.memory_space<vmem>> -> memref<40x128xf32, #tpu.memory_space<vmem>>
        %dma_start3A_255 = tpu.memref_slice %arg9[%mul3A_249] : memref<10000xi32, #tpu.memory_space<vmem>> -> memref<40xi32, #tpu.memory_space<vmem>>
        %dma_start3A_256 = arith.constant 0 : i32
        %dma_start3A_257 = arith.constant 0 : i32
        %dma_start3A_258 = tpu.memref_slice %arg7[%dma_start3A_256, %dma_start3A_257] : memref<10000x128xf32, #tpu.memory_space<vmem_shared>> -> memref<10000x128xf32, #tpu.memory_space<vmem_shared>>
        tpu.enqueue_indirect_dma source(%dma_start3A_254 : memref<40x128xf32, #tpu.memory_space<vmem>>) target(%dma_start3A_258 : memref<10000x128xf32, #tpu.memory_space<vmem_shared>>) offsets(%dma_start3A_255 : memref<40xi32, #tpu.memory_space<vmem>>) semaphore(%arg21 : memref<!tpu.dma_semaphore, #tpu.memory_space<semaphore_mem>>) {add = true}
      } else {
      }
      %mul3A_210 = arith.constant 6 : i32
      %mul3A_211 = arith.muli %scan3A_73, %mul3A_210 : i32
      %add3A_212 = arith.constant 5 : i32
      %add3A_213 = arith.addi %mul3A_211, %add3A_212 : i32
      %ge3A_214 = arith.constant 1 : i32
      %ge3A_215 = arith.cmpi sge, %add3A_213, %ge3A_214 : i32
      %sub3A_216 = arith.constant 1 : i32
      %sub3A_217 = arith.subi %add3A_213, %sub3A_216 : i32
      %lt3A_218 = arith.constant 250 : i32
      %lt3A_219 = arith.cmpi slt, %sub3A_217, %lt3A_218 : i32
      %and3A_220 = arith.andi %ge3A_215, %lt3A_219 : i1
      %convert_element_type3A_221 = arith.extui %and3A_220 : i1 to i32
      %cond3A_222 = arith.constant 0 : i32
      %cond3A_223 = arith.cmpi ne, %convert_element_type3A_221, %cond3A_222 : i32
      scf.if %cond3A_223 {
        %sub3A_238 = arith.constant 1 : i32
        %sub3A_239 = arith.subi %add3A_213, %sub3A_238 : i32
        %mul3A_240 = arith.constant 40 : i32
        %mul3A_241 = arith.muli %sub3A_239, %mul3A_240 : i32
        %dma_wait3A = arith.constant 4 : i32
        %dma_wait3A_242 = arith.constant 0 : i32
        %dma_wait3A_243 = arith.constant 0 : i32
        %dma_wait3A_244 = tpu.memref_slice %arg10[%dma_wait3A, %dma_wait3A_242, %dma_wait3A_243] : memref<6x40x128xf32, #tpu.memory_space<vmem>> -> memref<1x40x128xf32, #tpu.memory_space<vmem>>
        %dma_wait3A_245 = tpu.memref_squeeze %dma_wait3A_244 : memref<1x40x128xf32, #tpu.memory_space<vmem>> -> memref<40x128xf32, #tpu.memory_space<vmem>>
        %dma_wait3A_246 = tpu.memref_slice %arg9[%mul3A_241] : memref<10000xi32, #tpu.memory_space<vmem>> -> memref<40xi32, #tpu.memory_space<vmem>>
        %dma_wait3A_247 = arith.constant 0 : i32
        %dma_wait3A_248 = arith.constant 0 : i32
        %dma_wait3A_249 = tpu.memref_slice %arg7[%dma_wait3A_247, %dma_wait3A_248] : memref<10000x128xf32, #tpu.memory_space<vmem_shared>> -> memref<10000x128xf32, #tpu.memory_space<vmem_shared>>
        tpu.wait_indirect_dma semaphore(%arg21 : memref<!tpu.dma_semaphore, #tpu.memory_space<semaphore_mem>>) src(%dma_wait3A_245 : memref<40x128xf32, #tpu.memory_space<vmem>>) dst(%dma_wait3A_249 : memref<10000x128xf32, #tpu.memory_space<vmem_shared>>)
      } else {
      }
      %add3A_224 = arith.constant 6 : i32
      %add3A_225 = arith.addi %add3A_213, %add3A_224 : i32
      %sub3A_226 = arith.constant 1 : i32
      %sub3A_227 = arith.subi %add3A_225, %sub3A_226 : i32
      %lt3A_228 = arith.constant 250 : i32
      %lt3A_229 = arith.cmpi slt, %sub3A_227, %lt3A_228 : i32
      %convert_element_type3A_230 = arith.extui %lt3A_229 : i1 to i32
      %cond3A_231 = arith.constant 0 : i32
      %cond3A_232 = arith.cmpi ne, %convert_element_type3A_230, %cond3A_231 : i32
      scf.if %cond3A_232 {
        %add3A_238 = arith.constant 6 : i32
        %add3A_239 = arith.addi %add3A_213, %add3A_238 : i32
        %sub3A_240 = arith.constant 1 : i32
        %sub3A_241 = arith.subi %add3A_239, %sub3A_240 : i32
        %mul3A_242 = arith.constant 40 : i32
        %mul3A_243 = arith.muli %sub3A_241, %mul3A_242 : i32
        %dma_start3A_244 = arith.constant 4 : i32
        %dma_start3A_245 = arith.constant 0 : i32
        %dma_start3A_246 = arith.constant 0 : i32
        %dma_start3A_247 = tpu.memref_slice %arg10[%dma_start3A_244, %dma_start3A_245, %dma_start3A_246] : memref<6x40x128xf32, #tpu.memory_space<vmem>> -> memref<1x40x128xf32, #tpu.memory_space<vmem>>
        %dma_start3A_248 = tpu.memref_squeeze %dma_start3A_247 : memref<1x40x128xf32, #tpu.memory_space<vmem>> -> memref<40x128xf32, #tpu.memory_space<vmem>>
        %dma_start3A_249 = tpu.memref_slice %arg8[%mul3A_243] : memref<10000xi32, #tpu.memory_space<vmem>> -> memref<40xi32, #tpu.memory_space<vmem>>
        %dma_start3A_250 = arith.constant 0 : i32
        %dma_start3A_251 = arith.constant 0 : i32
        %dma_start3A_252 = tpu.memref_slice %arg2[%dma_start3A_250, %dma_start3A_251] : memref<10000x128xf32, #tpu.memory_space<hbm>> -> memref<10000x128xf32, #tpu.memory_space<hbm>>
        tpu.enqueue_indirect_dma source(%dma_start3A_252 : memref<10000x128xf32, #tpu.memory_space<hbm>>) target(%dma_start3A_248 : memref<40x128xf32, #tpu.memory_space<vmem>>) offsets(%dma_start3A_249 : memref<40xi32, #tpu.memory_space<vmem>>) semaphore(%arg15 : memref<!tpu.dma_semaphore, #tpu.memory_space<semaphore_mem>>)
      } else {
      }
      %lt3A_233 = arith.constant 250 : i32
      %lt3A_234 = arith.cmpi slt, %add3A_213, %lt3A_233 : i32
      %convert_element_type3A_235 = arith.extui %lt3A_234 : i1 to i32
      %cond3A_236 = arith.constant 0 : i32
      %cond3A_237 = arith.cmpi ne, %convert_element_type3A_235, %cond3A_236 : i32
      scf.if %cond3A_237 {
        %mul3A_238 = arith.constant 40 : i32
        %mul3A_239 = arith.muli %add3A_213, %mul3A_238 : i32
        %dma_wait3A = arith.constant 5 : i32
        %dma_wait3A_240 = arith.constant 0 : i32
        %dma_wait3A_241 = arith.constant 0 : i32
        %dma_wait3A_242 = tpu.memref_slice %arg10[%dma_wait3A, %dma_wait3A_240, %dma_wait3A_241] : memref<6x40x128xf32, #tpu.memory_space<vmem>> -> memref<1x40x128xf32, #tpu.memory_space<vmem>>
        %dma_wait3A_243 = tpu.memref_squeeze %dma_wait3A_242 : memref<1x40x128xf32, #tpu.memory_space<vmem>> -> memref<40x128xf32, #tpu.memory_space<vmem>>
        %dma_wait3A_244 = tpu.memref_slice %arg8[%mul3A_239] : memref<10000xi32, #tpu.memory_space<vmem>> -> memref<40xi32, #tpu.memory_space<vmem>>
        %dma_wait3A_245 = arith.constant 0 : i32
        %dma_wait3A_246 = arith.constant 0 : i32
        %dma_wait3A_247 = tpu.memref_slice %arg2[%dma_wait3A_245, %dma_wait3A_246] : memref<10000x128xf32, #tpu.memory_space<hbm>> -> memref<10000x128xf32, #tpu.memory_space<hbm>>
        tpu.wait_indirect_dma semaphore(%arg16 : memref<!tpu.dma_semaphore, #tpu.memory_space<semaphore_mem>>) src(%dma_wait3A_247 : memref<10000x128xf32, #tpu.memory_space<hbm>>) dst(%dma_wait3A_243 : memref<40x128xf32, #tpu.memory_space<vmem>>)
        %mul3A_248 = arith.constant 40 : i32
        %mul3A_249 = arith.muli %add3A_213, %mul3A_248 : i32
        %dma_start3A_250 = arith.constant 5 : i32
        %dma_start3A_251 = arith.constant 0 : i32
        %dma_start3A_252 = arith.constant 0 : i32
        %dma_start3A_253 = tpu.memref_slice %arg10[%dma_start3A_250, %dma_start3A_251, %dma_start3A_252] : memref<6x40x128xf32, #tpu.memory_space<vmem>> -> memref<1x40x128xf32, #tpu.memory_space<vmem>>
        %dma_start3A_254 = tpu.memref_squeeze %dma_start3A_253 : memref<1x40x128xf32, #tpu.memory_space<vmem>> -> memref<40x128xf32, #tpu.memory_space<vmem>>
        %dma_start3A_255 = tpu.memref_slice %arg9[%mul3A_249] : memref<10000xi32, #tpu.memory_space<vmem>> -> memref<40xi32, #tpu.memory_space<vmem>>
        %dma_start3A_256 = arith.constant 0 : i32
        %dma_start3A_257 = arith.constant 0 : i32
        %dma_start3A_258 = tpu.memref_slice %arg7[%dma_start3A_256, %dma_start3A_257] : memref<10000x128xf32, #tpu.memory_space<vmem_shared>> -> memref<10000x128xf32, #tpu.memory_space<vmem_shared>>
        tpu.enqueue_indirect_dma source(%dma_start3A_254 : memref<40x128xf32, #tpu.memory_space<vmem>>) target(%dma_start3A_258 : memref<10000x128xf32, #tpu.memory_space<vmem_shared>>) offsets(%dma_start3A_255 : memref<40xi32, #tpu.memory_space<vmem>>) semaphore(%arg22 : memref<!tpu.dma_semaphore, #tpu.memory_space<semaphore_mem>>) {add = true}
      } else {
      }
    }
    %scan3A_66 = arith.constant 43 : i32
    %barrier3A_67 = arith.constant 0 : index
    tpu.barrier barrier_id(%barrier3A_67)
    "tpu.region"() ({
      %run_scoped3A = tpu.sem_alloc : memref<!tpu.dma_semaphore, #tpu.memory_space<semaphore_mem>>
      %dma_start3A_73 = arith.constant 0 : i32
      %dma_start3A_74 = arith.constant 0 : i32
      %dma_start3A_75 = tpu.memref_slice %arg6[%arg0, %dma_start3A_73, %dma_start3A_74] : memref<2x10000x128xf32, #tpu.memory_space<hbm>> -> memref<1x10000x128xf32, #tpu.memory_space<hbm>>
      %dma_start3A_76 = tpu.memref_squeeze %dma_start3A_75 : memref<1x10000x128xf32, #tpu.memory_space<hbm>> -> memref<10000x128xf32, #tpu.memory_space<hbm>>
      %dma_start3A_77 = arith.constant 0 : i32
      %dma_start3A_78 = tpu.memref_slice %dma_start3A_76[%mul3A_2, %dma_start3A_77] : memref<10000x128xf32, #tpu.memory_space<hbm>> -> memref<624x128xf32, #tpu.memory_space<hbm>>
      %dma_start3A_79 = arith.constant 0 : i32
      %dma_start3A_80 = tpu.memref_slice %arg7[%mul3A_2, %dma_start3A_79] : memref<10000x128xf32, #tpu.memory_space<vmem_shared>> -> memref<624x128xf32, #tpu.memory_space<vmem_shared>>
      tpu.enqueue_dma source(%dma_start3A_80 : memref<624x128xf32, #tpu.memory_space<vmem_shared>>) target(%dma_start3A_78 : memref<624x128xf32, #tpu.memory_space<hbm>>) target_semaphore(%run_scoped3A : memref<!tpu.dma_semaphore, #tpu.memory_space<semaphore_mem>>)
      %dma_wait3A = arith.constant 0 : i32
      %dma_wait3A_81 = arith.constant 0 : i32
      %dma_wait3A_82 = tpu.memref_slice %arg6[%arg0, %dma_wait3A, %dma_wait3A_81] : memref<2x10000x128xf32, #tpu.memory_space<hbm>> -> memref<1x10000x128xf32, #tpu.memory_space<hbm>>
      %dma_wait3A_83 = tpu.memref_squeeze %dma_wait3A_82 : memref<1x10000x128xf32, #tpu.memory_space<hbm>> -> memref<10000x128xf32, #tpu.memory_space<hbm>>
      %dma_wait3A_84 = arith.constant 0 : i32
      %dma_wait3A_85 = tpu.memref_slice %dma_wait3A_83[%mul3A_2, %dma_wait3A_84] : memref<10000x128xf32, #tpu.memory_space<hbm>> -> memref<624x128xf32, #tpu.memory_space<hbm>>
      %dma_wait3A_86 = arith.constant 0 : i32
      %dma_wait3A_87 = tpu.memref_slice %arg7[%mul3A_2, %dma_wait3A_86] : memref<10000x128xf32, #tpu.memory_space<vmem_shared>> -> memref<624x128xf32, #tpu.memory_space<vmem_shared>>
      tpu.wait_dma2 semaphore(%run_scoped3A : memref<!tpu.dma_semaphore, #tpu.memory_space<semaphore_mem>>) src(%dma_wait3A_87 : memref<624x128xf32, #tpu.memory_space<vmem_shared>>) dst(%dma_wait3A_85 : memref<624x128xf32, #tpu.memory_space<hbm>>)
      tpu.yield
    }) : () -> ()
    %eq3A_68 = arith.constant 15 : i32
    %eq3A_69 = arith.cmpi eq, %arg1, %eq3A_68 : i32
    %convert_element_type3A_70 = arith.extui %eq3A_69 : i1 to i32
    %cond3A_71 = arith.constant 0 : i32
    %cond3A_72 = arith.cmpi ne, %convert_element_type3A_70, %cond3A_71 : i32
    scf.if %cond3A_72 {
      "tpu.region"() ({
        %run_scoped3A = tpu.sem_alloc : memref<!tpu.dma_semaphore, #tpu.memory_space<semaphore_mem>>
        %dma_start3A_73 = arith.constant 0 : i32
        %dma_start3A_74 = arith.constant 0 : i32
        %dma_start3A_75 = tpu.memref_slice %arg6[%arg0, %dma_start3A_73, %dma_start3A_74] : memref<2x10000x128xf32, #tpu.memory_space<hbm>> -> memref<1x10000x128xf32, #tpu.memory_space<hbm>>
        %dma_start3A_76 = tpu.memref_squeeze %dma_start3A_75 : memref<1x10000x128xf32, #tpu.memory_space<hbm>> -> memref<10000x128xf32, #tpu.memory_space<hbm>>
        %dma_start3A_77 = arith.constant 9984 : i32
        %dma_start3A_78 = arith.constant 0 : i32
        %dma_start3A_79 = tpu.memref_slice %dma_start3A_76[%dma_start3A_77, %dma_start3A_78] : memref<10000x128xf32, #tpu.memory_space<hbm>> -> memref<16x128xf32, #tpu.memory_space<hbm>>
        %dma_start3A_80 = arith.constant 9984 : i32
        %dma_start3A_81 = arith.constant 0 : i32
        %dma_start3A_82 = tpu.memref_slice %arg7[%dma_start3A_80, %dma_start3A_81] : memref<10000x128xf32, #tpu.memory_space<vmem_shared>> -> memref<16x128xf32, #tpu.memory_space<vmem_shared>>
        tpu.enqueue_dma source(%dma_start3A_82 : memref<16x128xf32, #tpu.memory_space<vmem_shared>>) target(%dma_start3A_79 : memref<16x128xf32, #tpu.memory_space<hbm>>) target_semaphore(%run_scoped3A : memref<!tpu.dma_semaphore, #tpu.memory_space<semaphore_mem>>)
        %dma_wait3A = arith.constant 0 : i32
        %dma_wait3A_83 = arith.constant 0 : i32
        %dma_wait3A_84 = tpu.memref_slice %arg6[%arg0, %dma_wait3A, %dma_wait3A_83] : memref<2x10000x128xf32, #tpu.memory_space<hbm>> -> memref<1x10000x128xf32, #tpu.memory_space<hbm>>
        %dma_wait3A_85 = tpu.memref_squeeze %dma_wait3A_84 : memref<1x10000x128xf32, #tpu.memory_space<hbm>> -> memref<10000x128xf32, #tpu.memory_space<hbm>>
        %dma_wait3A_86 = arith.constant 9984 : i32
        %dma_wait3A_87 = arith.constant 0 : i32
        %dma_wait3A_88 = tpu.memref_slice %dma_wait3A_85[%dma_wait3A_86, %dma_wait3A_87] : memref<10000x128xf32, #tpu.memory_space<hbm>> -> memref<16x128xf32, #tpu.memory_space<hbm>>
        %dma_wait3A_89 = arith.constant 9984 : i32
        %dma_wait3A_90 = arith.constant 0 : i32
        %dma_wait3A_91 = tpu.memref_slice %arg7[%dma_wait3A_89, %dma_wait3A_90] : memref<10000x128xf32, #tpu.memory_space<vmem_shared>> -> memref<16x128xf32, #tpu.memory_space<vmem_shared>>
        tpu.wait_dma2 semaphore(%run_scoped3A : memref<!tpu.dma_semaphore, #tpu.memory_space<semaphore_mem>>) src(%dma_wait3A_91 : memref<16x128xf32, #tpu.memory_space<vmem_shared>>) dst(%dma_wait3A_88 : memref<16x128xf32, #tpu.memory_space<hbm>>)
        tpu.yield
      }) : () -> ()
    } else {
    }
    return
  }
}

#map = affine_map<(d0, d1) -> (0, 0)>
#map1 = affine_map<(d0, d1) -> (0)>
#map2 = affine_map<(d0, d1) -> (0, 0, 0)>
module attributes {stable_mosaic.version = 14 : i64} {
  func.func @_sc_scatter(%arg0: i32, %arg1: i32, %arg2: memref<10000x128xf32, #tpu.memory_space<hbm>>, %arg3: memref<10000x128xf32, #tpu.memory_space<hbm>>, %arg4: memref<320000xi32, #tpu.memory_space<hbm>>, %arg5: memref<320000xi32, #tpu.memory_space<hbm>>, %arg6: memref<2x10000x128xf32, #tpu.memory_space<hbm>>, %arg7: memref<10000x128xf32, #tpu.memory_space<vmem_shared>>, %arg8: memref<10000xi32, #tpu.memory_space<vmem>>, %arg9: memref<10000xi32, #tpu.memory_space<vmem>>, %arg10: memref<6x40x128xf32, #tpu.memory_space<vmem>>, %arg11: memref<!tpu.dma_semaphore, #tpu.memory_space<semaphore_mem>>, %arg12: memref<!tpu.dma_semaphore, #tpu.memory_space<semaphore_mem>>, %arg13: memref<!tpu.dma_semaphore, #tpu.memory_space<semaphore_mem>>, %arg14: memref<!tpu.dma_semaphore, #tpu.memory_space<semaphore_mem>>, %arg15: memref<!tpu.dma_semaphore, #tpu.memory_space<semaphore_mem>>, %arg16: memref<!tpu.dma_semaphore, #tpu.memory_space<semaphore_mem>>, %arg17: memref<!tpu.dma_semaphore, #tpu.memory_space<semaphore_mem>>, %arg18: memref<!tpu.dma_semaphore, #tpu.memory_space<semaphore_mem>>, %arg19: memref<!tpu.dma_semaphore, #tpu.memory_space<semaphore_mem>>, %arg20: memref<!tpu.dma_semaphore, #tpu.memory_space<semaphore_mem>>, %arg21: memref<!tpu.dma_semaphore, #tpu.memory_space<semaphore_mem>>, %arg22: memref<!tpu.dma_semaphore, #tpu.memory_space<semaphore_mem>>) attributes {dimension_semantics = [#tpu.dimension_semantics<core_parallel>, #tpu.dimension_semantics<subcore_parallel>], iteration_bounds = array<i64: 2, 16>, scalar_prefetch = 0 : i64, scratch_operands = 16 : i64, tpu.core_type = #tpu.core_type<sc_vector_subcore>, window_params = [{transform_indices = #map}, {transform_indices = #map}, {transform_indices = #map1}, {transform_indices = #map1}, {transform_indices = #map2}]} {
    %mul3A = arith.constant 16 : i32
    %mul3A_0 = arith.muli %arg0, %mul3A : i32
    %add3A = arith.addi %mul3A_0, %arg1 : i32
    %mul3A_1 = arith.constant 624 : i32
    %mul3A_2 = arith.muli %arg1, %mul3A_1 : i32
    %mul3A_3 = arith.constant 10000 : i32
    %mul3A_4 = arith.muli %add3A, %mul3A_3 : i32
    "tpu.region"() ({
      %run_scoped3A = tpu.sem_alloc : memref<!tpu.dma_semaphore, #tpu.memory_space<semaphore_mem>>
      %dma_start3A_73 = tpu.memref_slice %arg4[%mul3A_4] : memref<320000xi32, #tpu.memory_space<hbm>> -> memref<10000xi32, #tpu.memory_space<hbm>>
      %dma_start3A_74 = tpu.memref_slice %arg4[%mul3A_4] : memref<320000xi32, #tpu.memory_space<hbm>> -> memref<10000xi32, #tpu.memory_space<hbm>>
      tpu.enqueue_dma source(%dma_start3A_74 : memref<10000xi32, #tpu.memory_space<hbm>>) target(%arg8 : memref<10000xi32, #tpu.memory_space<vmem>>) target_semaphore(%run_scoped3A : memref<!tpu.dma_semaphore, #tpu.memory_space<semaphore_mem>>)
      %dma_wait3A = tpu.memref_slice %arg4[%mul3A_4] : memref<320000xi32, #tpu.memory_space<hbm>> -> memref<10000xi32, #tpu.memory_space<hbm>>
      %dma_wait3A_75 = tpu.memref_slice %arg4[%mul3A_4] : memref<320000xi32, #tpu.memory_space<hbm>> -> memref<10000xi32, #tpu.memory_space<hbm>>
      tpu.wait_dma2 semaphore(%run_scoped3A : memref<!tpu.dma_semaphore, #tpu.memory_space<semaphore_mem>>) src(%dma_wait3A_75 : memref<10000xi32, #tpu.memory_space<hbm>>) dst(%arg8 : memref<10000xi32, #tpu.memory_space<vmem>>)
      tpu.yield
    }) : () -> ()
    %mul3A_5 = arith.constant 10000 : i32
    %mul3A_6 = arith.muli %add3A, %mul3A_5 : i32
    "tpu.region"() ({
      %run_scoped3A = tpu.sem_alloc : memref<!tpu.dma_semaphore, #tpu.memory_space<semaphore_mem>>
      %dma_start3A_73 = tpu.memref_slice %arg5[%mul3A_6] : memref<320000xi32, #tpu.memory_space<hbm>> -> memref<10000xi32, #tpu.memory_space<hbm>>
      %dma_start3A_74 = tpu.memref_slice %arg5[%mul3A_6] : memref<320000xi32, #tpu.memory_space<hbm>> -> memref<10000xi32, #tpu.memory_space<hbm>>
      tpu.enqueue_dma source(%dma_start3A_74 : memref<10000xi32, #tpu.memory_space<hbm>>) target(%arg9 : memref<10000xi32, #tpu.memory_space<vmem>>) target_semaphore(%run_scoped3A : memref<!tpu.dma_semaphore, #tpu.memory_space<semaphore_mem>>)
      %dma_wait3A = tpu.memref_slice %arg5[%mul3A_6] : memref<320000xi32, #tpu.memory_space<hbm>> -> memref<10000xi32, #tpu.memory_space<hbm>>
      %dma_wait3A_75 = tpu.memref_slice %arg5[%mul3A_6] : memref<320000xi32, #tpu.memory_space<hbm>> -> memref<10000xi32, #tpu.memory_space<hbm>>
      tpu.wait_dma2 semaphore(%run_scoped3A : memref<!tpu.dma_semaphore, #tpu.memory_space<semaphore_mem>>) src(%dma_wait3A_75 : memref<10000xi32, #tpu.memory_space<hbm>>) dst(%arg9 : memref<10000xi32, #tpu.memory_space<vmem>>)
      tpu.yield
    }) : () -> ()
    %eq3A = arith.constant 0 : i32
    %eq3A_7 = arith.cmpi eq, %arg0, %eq3A : i32
    %convert_element_type3A = arith.extui %eq3A_7 : i1 to i32
    %cond3A = arith.constant 0 : i32
    %cond3A_8 = arith.cmpi ne, %convert_element_type3A, %cond3A : i32
    scf.if %cond3A_8 {
      "tpu.region"() ({
        %run_scoped3A = tpu.sem_alloc : memref<!tpu.dma_semaphore, #tpu.memory_space<semaphore_mem>>
        %dma_start3A_78 = arith.constant 0 : i32
        %dma_start3A_79 = tpu.memref_slice %arg7[%mul3A_2, %dma_start3A_78] : memref<10000x128xf32, #tpu.memory_space<vmem_shared>> -> memref<624x128xf32, #tpu.memory_space<vmem_shared>>
        %dma_start3A_80 = arith.constant 0 : i32
        %dma_start3A_81 = tpu.memref_slice %arg2[%mul3A_2, %dma_start3A_80] : memref<10000x128xf32, #tpu.memory_space<hbm>> -> memref<624x128xf32, #tpu.memory_space<hbm>>
        tpu.enqueue_dma source(%dma_start3A_81 : memref<624x128xf32, #tpu.memory_space<hbm>>) target(%dma_start3A_79 : memref<624x128xf32, #tpu.memory_space<vmem_shared>>) target_semaphore(%run_scoped3A : memref<!tpu.dma_semaphore, #tpu.memory_space<semaphore_mem>>)
        %dma_wait3A = arith.constant 0 : i32
        %dma_wait3A_82 = tpu.memref_slice %arg7[%mul3A_2, %dma_wait3A] : memref<10000x128xf32, #tpu.memory_space<vmem_shared>> -> memref<624x128xf32, #tpu.memory_space<vmem_shared>>
        %dma_wait3A_83 = arith.constant 0 : i32
        %dma_wait3A_84 = tpu.memref_slice %arg2[%mul3A_2, %dma_wait3A_83] : memref<10000x128xf32, #tpu.memory_space<hbm>> -> memref<624x128xf32, #tpu.memory_space<hbm>>
        tpu.wait_dma2 semaphore(%run_scoped3A : memref<!tpu.dma_semaphore, #tpu.memory_space<semaphore_mem>>) src(%dma_wait3A_84 : memref<624x128xf32, #tpu.memory_space<hbm>>) dst(%dma_wait3A_82 : memref<624x128xf32, #tpu.memory_space<vmem_shared>>)
        tpu.yield
      }) : () -> ()
      %eq3A_73 = arith.constant 15 : i32
      %eq3A_74 = arith.cmpi eq, %arg1, %eq3A_73 : i32
      %convert_element_type3A_75 = arith.extui %eq3A_74 : i1 to i32
      %cond3A_76 = arith.constant 0 : i32
      %cond3A_77 = arith.cmpi ne, %convert_element_type3A_75, %cond3A_76 : i32
      scf.if %cond3A_77 {
        "tpu.region"() ({
          %run_scoped3A = tpu.sem_alloc : memref<!tpu.dma_semaphore, #tpu.memory_space<semaphore_mem>>
          %dma_start3A_78 = arith.constant 9984 : i32
          %dma_start3A_79 = arith.constant 0 : i32
          %dma_start3A_80 = tpu.memref_slice %arg7[%dma_start3A_78, %dma_start3A_79] : memref<10000x128xf32, #tpu.memory_space<vmem_shared>> -> memref<16x128xf32, #tpu.memory_space<vmem_shared>>
          %dma_start3A_81 = arith.constant 9984 : i32
          %dma_start3A_82 = arith.constant 0 : i32
          %dma_start3A_83 = tpu.memref_slice %arg2[%dma_start3A_81, %dma_start3A_82] : memref<10000x128xf32, #tpu.memory_space<hbm>> -> memref<16x128xf32, #tpu.memory_space<hbm>>
          tpu.enqueue_dma source(%dma_start3A_83 : memref<16x128xf32, #tpu.memory_space<hbm>>) target(%dma_start3A_80 : memref<16x128xf32, #tpu.memory_space<vmem_shared>>) target_semaphore(%run_scoped3A : memref<!tpu.dma_semaphore, #tpu.memory_space<semaphore_mem>>)
          %dma_wait3A = arith.constant 9984 : i32
          %dma_wait3A_84 = arith.constant 0 : i32
          %dma_wait3A_85 = tpu.memref_slice %arg7[%dma_wait3A, %dma_wait3A_84] : memref<10000x128xf32, #tpu.memory_space<vmem_shared>> -> memref<16x128xf32, #tpu.memory_space<vmem_shared>>
          %dma_wait3A_86 = arith.constant 9984 : i32
          %dma_wait3A_87 = arith.constant 0 : i32
          %dma_wait3A_88 = tpu.memref_slice %arg2[%dma_wait3A_86, %dma_wait3A_87] : memref<10000x128xf32, #tpu.memory_space<hbm>> -> memref<16x128xf32, #tpu.memory_space<hbm>>
          tpu.wait_dma2 semaphore(%run_scoped3A : memref<!tpu.dma_semaphore, #tpu.memory_space<semaphore_mem>>) src(%dma_wait3A_88 : memref<16x128xf32, #tpu.memory_space<hbm>>) dst(%dma_wait3A_85 : memref<16x128xf32, #tpu.memory_space<vmem_shared>>)
          tpu.yield
        }) : () -> ()
      } else {
      }
    } else {
    }
    %ne3A = arith.constant 0 : i32
    %ne3A_9 = arith.cmpi ne, %arg0, %ne3A : i32
    %convert_element_type3A_10 = arith.extui %ne3A_9 : i1 to i32
    %cond3A_11 = arith.constant 0 : i32
    %cond3A_12 = arith.cmpi ne, %convert_element_type3A_10, %cond3A_11 : i32
    scf.if %cond3A_12 {
      "tpu.region"() ({
        %run_scoped3A = tpu.sem_alloc : memref<!tpu.dma_semaphore, #tpu.memory_space<semaphore_mem>>
        %dma_start3A_78 = arith.constant 0 : i32
        %dma_start3A_79 = tpu.memref_slice %arg7[%mul3A_2, %dma_start3A_78] : memref<10000x128xf32, #tpu.memory_space<vmem_shared>> -> memref<624x128xf32, #tpu.memory_space<vmem_shared>>
        %dma_start3A_80 = arith.constant 0 : i32
        %dma_start3A_81 = tpu.memref_slice %arg3[%mul3A_2, %dma_start3A_80] : memref<10000x128xf32, #tpu.memory_space<hbm>> -> memref<624x128xf32, #tpu.memory_space<hbm>>
        tpu.enqueue_dma source(%dma_start3A_81 : memref<624x128xf32, #tpu.memory_space<hbm>>) target(%dma_start3A_79 : memref<624x128xf32, #tpu.memory_space<vmem_shared>>) target_semaphore(%run_scoped3A : memref<!tpu.dma_semaphore, #tpu.memory_space<semaphore_mem>>)
        %dma_wait3A = arith.constant 0 : i32
        %dma_wait3A_82 = tpu.memref_slice %arg7[%mul3A_2, %dma_wait3A] : memref<10000x128xf32, #tpu.memory_space<vmem_shared>> -> memref<624x128xf32, #tpu.memory_space<vmem_shared>>
        %dma_wait3A_83 = arith.constant 0 : i32
        %dma_wait3A_84 = tpu.memref_slice %arg3[%mul3A_2, %dma_wait3A_83] : memref<10000x128xf32, #tpu.memory_space<hbm>> -> memref<624x128xf32, #tpu.memory_space<hbm>>
        tpu.wait_dma2 semaphore(%run_scoped3A : memref<!tpu.dma_semaphore, #tpu.memory_space<semaphore_mem>>) src(%dma_wait3A_84 : memref<624x128xf32, #tpu.memory_space<hbm>>) dst(%dma_wait3A_82 : memref<624x128xf32, #tpu.memory_space<vmem_shared>>)
        tpu.yield
      }) : () -> ()
      %eq3A_73 = arith.constant 15 : i32
      %eq3A_74 = arith.cmpi eq, %arg1, %eq3A_73 : i32
      %convert_element_type3A_75 = arith.extui %eq3A_74 : i1 to i32
      %cond3A_76 = arith.constant 0 : i32
      %cond3A_77 = arith.cmpi ne, %convert_element_type3A_75, %cond3A_76 : i32
      scf.if %cond3A_77 {
        "tpu.region"() ({
          %run_scoped3A = tpu.sem_alloc : memref<!tpu.dma_semaphore, #tpu.memory_space<semaphore_mem>>
          %dma_start3A_78 = arith.constant 9984 : i32
          %dma_start3A_79 = arith.constant 0 : i32
          %dma_start3A_80 = tpu.memref_slice %arg7[%dma_start3A_78, %dma_start3A_79] : memref<10000x128xf32, #tpu.memory_space<vmem_shared>> -> memref<16x128xf32, #tpu.memory_space<vmem_shared>>
          %dma_start3A_81 = arith.constant 9984 : i32
          %dma_start3A_82 = arith.constant 0 : i32
          %dma_start3A_83 = tpu.memref_slice %arg3[%dma_start3A_81, %dma_start3A_82] : memref<10000x128xf32, #tpu.memory_space<hbm>> -> memref<16x128xf32, #tpu.memory_space<hbm>>
          tpu.enqueue_dma source(%dma_start3A_83 : memref<16x128xf32, #tpu.memory_space<hbm>>) target(%dma_start3A_80 : memref<16x128xf32, #tpu.memory_space<vmem_shared>>) target_semaphore(%run_scoped3A : memref<!tpu.dma_semaphore, #tpu.memory_space<semaphore_mem>>)
          %dma_wait3A = arith.constant 9984 : i32
          %dma_wait3A_84 = arith.constant 0 : i32
          %dma_wait3A_85 = tpu.memref_slice %arg7[%dma_wait3A, %dma_wait3A_84] : memref<10000x128xf32, #tpu.memory_space<vmem_shared>> -> memref<16x128xf32, #tpu.memory_space<vmem_shared>>
          %dma_wait3A_86 = arith.constant 9984 : i32
          %dma_wait3A_87 = arith.constant 0 : i32
          %dma_wait3A_88 = tpu.memref_slice %arg3[%dma_wait3A_86, %dma_wait3A_87] : memref<10000x128xf32, #tpu.memory_space<hbm>> -> memref<16x128xf32, #tpu.memory_space<hbm>>
          tpu.wait_dma2 semaphore(%run_scoped3A : memref<!tpu.dma_semaphore, #tpu.memory_space<semaphore_mem>>) src(%dma_wait3A_88 : memref<16x128xf32, #tpu.memory_space<hbm>>) dst(%dma_wait3A_85 : memref<16x128xf32, #tpu.memory_space<vmem_shared>>)
          tpu.yield
        }) : () -> ()
      } else {
      }
    } else {
    }
    %dma_start3A = arith.constant 0 : i32
    %dma_start3A_13 = arith.constant 0 : i32
    %dma_start3A_14 = arith.constant 0 : i32
    %dma_start3A_15 = tpu.memref_slice %arg10[%dma_start3A, %dma_start3A_13, %dma_start3A_14] : memref<6x40x128xf32, #tpu.memory_space<vmem>> -> memref<1x40x128xf32, #tpu.memory_space<vmem>>
    %dma_start3A_16 = tpu.memref_squeeze %dma_start3A_15 : memref<1x40x128xf32, #tpu.memory_space<vmem>> -> memref<40x128xf32, #tpu.memory_space<vmem>>
    %dma_start3A_17 = arith.constant 0 : i32
    %dma_start3A_18 = tpu.memref_slice %arg8[%dma_start3A_17] : memref<10000xi32, #tpu.memory_space<vmem>> -> memref<40xi32, #tpu.memory_space<vmem>>
    %dma_start3A_19 = arith.constant 0 : i32
    %dma_start3A_20 = arith.constant 0 : i32
    %dma_start3A_21 = tpu.memref_slice %arg2[%dma_start3A_19, %dma_start3A_20] : memref<10000x128xf32, #tpu.memory_space<hbm>> -> memref<10000x128xf32, #tpu.memory_space<hbm>>
    tpu.enqueue_indirect_dma source(%dma_start3A_21 : memref<10000x128xf32, #tpu.memory_space<hbm>>) target(%dma_start3A_16 : memref<40x128xf32, #tpu.memory_space<vmem>>) offsets(%dma_start3A_18 : memref<40xi32, #tpu.memory_space<vmem>>) semaphore(%arg11 : memref<!tpu.dma_semaphore, #tpu.memory_space<semaphore_mem>>)
    %dma_start3A_22 = arith.constant 1 : i32
    %dma_start3A_23 = arith.constant 0 : i32
    %dma_start3A_24 = arith.constant 0 : i32
    %dma_start3A_25 = tpu.memref_slice %arg10[%dma_start3A_22, %dma_start3A_23, %dma_start3A_24] : memref<6x40x128xf32, #tpu.memory_space<vmem>> -> memref<1x40x128xf32, #tpu.memory_space<vmem>>
    %dma_start3A_26 = tpu.memref_squeeze %dma_start3A_25 : memref<1x40x128xf32, #tpu.memory_space<vmem>> -> memref<40x128xf32, #tpu.memory_space<vmem>>
    %dma_start3A_27 = arith.constant 40 : i32
    %dma_start3A_28 = tpu.memref_slice %arg8[%dma_start3A_27] : memref<10000xi32, #tpu.memory_space<vmem>> -> memref<40xi32, #tpu.memory_space<vmem>>
    %dma_start3A_29 = arith.constant 0 : i32
    %dma_start3A_30 = arith.constant 0 : i32
    %dma_start3A_31 = tpu.memref_slice %arg2[%dma_start3A_29, %dma_start3A_30] : memref<10000x128xf32, #tpu.memory_space<hbm>> -> memref<10000x128xf32, #tpu.memory_space<hbm>>
    tpu.enqueue_indirect_dma source(%dma_start3A_31 : memref<10000x128xf32, #tpu.memory_space<hbm>>) target(%dma_start3A_26 : memref<40x128xf32, #tpu.memory_space<vmem>>) offsets(%dma_start3A_28 : memref<40xi32, #tpu.memory_space<vmem>>) semaphore(%arg12 : memref<!tpu.dma_semaphore, #tpu.memory_space<semaphore_mem>>)
    %dma_start3A_32 = arith.constant 2 : i32
    %dma_start3A_33 = arith.constant 0 : i32
    %dma_start3A_34 = arith.constant 0 : i32
    %dma_start3A_35 = tpu.memref_slice %arg10[%dma_start3A_32, %dma_start3A_33, %dma_start3A_34] : memref<6x40x128xf32, #tpu.memory_space<vmem>> -> memref<1x40x128xf32, #tpu.memory_space<vmem>>
    %dma_start3A_36 = tpu.memref_squeeze %dma_start3A_35 : memref<1x40x128xf32, #tpu.memory_space<vmem>> -> memref<40x128xf32, #tpu.memory_space<vmem>>
    %dma_start3A_37 = arith.constant 80 : i32
    %dma_start3A_38 = tpu.memref_slice %arg8[%dma_start3A_37] : memref<10000xi32, #tpu.memory_space<vmem>> -> memref<40xi32, #tpu.memory_space<vmem>>
    %dma_start3A_39 = arith.constant 0 : i32
    %dma_start3A_40 = arith.constant 0 : i32
    %dma_start3A_41 = tpu.memref_slice %arg2[%dma_start3A_39, %dma_start3A_40] : memref<10000x128xf32, #tpu.memory_space<hbm>> -> memref<10000x128xf32, #tpu.memory_space<hbm>>
    tpu.enqueue_indirect_dma source(%dma_start3A_41 : memref<10000x128xf32, #tpu.memory_space<hbm>>) target(%dma_start3A_36 : memref<40x128xf32, #tpu.memory_space<vmem>>) offsets(%dma_start3A_38 : memref<40xi32, #tpu.memory_space<vmem>>) semaphore(%arg13 : memref<!tpu.dma_semaphore, #tpu.memory_space<semaphore_mem>>)
    %dma_start3A_42 = arith.constant 3 : i32
    %dma_start3A_43 = arith.constant 0 : i32
    %dma_start3A_44 = arith.constant 0 : i32
    %dma_start3A_45 = tpu.memref_slice %arg10[%dma_start3A_42, %dma_start3A_43, %dma_start3A_44] : memref<6x40x128xf32, #tpu.memory_space<vmem>> -> memref<1x40x128xf32, #tpu.memory_space<vmem>>
    %dma_start3A_46 = tpu.memref_squeeze %dma_start3A_45 : memref<1x40x128xf32, #tpu.memory_space<vmem>> -> memref<40x128xf32, #tpu.memory_space<vmem>>
    %dma_start3A_47 = arith.constant 120 : i32
    %dma_start3A_48 = tpu.memref_slice %arg8[%dma_start3A_47] : memref<10000xi32, #tpu.memory_space<vmem>> -> memref<40xi32, #tpu.memory_space<vmem>>
    %dma_start3A_49 = arith.constant 0 : i32
    %dma_start3A_50 = arith.constant 0 : i32
    %dma_start3A_51 = tpu.memref_slice %arg2[%dma_start3A_49, %dma_start3A_50] : memref<10000x128xf32, #tpu.memory_space<hbm>> -> memref<10000x128xf32, #tpu.memory_space<hbm>>
    tpu.enqueue_indirect_dma source(%dma_start3A_51 : memref<10000x128xf32, #tpu.memory_space<hbm>>) target(%dma_start3A_46 : memref<40x128xf32, #tpu.memory_space<vmem>>) offsets(%dma_start3A_48 : memref<40xi32, #tpu.memory_space<vmem>>) semaphore(%arg14 : memref<!tpu.dma_semaphore, #tpu.memory_space<semaphore_mem>>)
    %dma_start3A_52 = arith.constant 4 : i32
    %dma_start3A_53 = arith.constant 0 : i32
    %dma_start3A_54 = arith.constant 0 : i32
    %dma_start3A_55 = tpu.memref_slice %arg10[%dma_start3A_52, %dma_start3A_53, %dma_start3A_54] : memref<6x40x128xf32, #tpu.memory_space<vmem>> -> memref<1x40x128xf32, #tpu.memory_space<vmem>>
    %dma_start3A_56 = tpu.memref_squeeze %dma_start3A_55 : memref<1x40x128xf32, #tpu.memory_space<vmem>> -> memref<40x128xf32, #tpu.memory_space<vmem>>
    %dma_start3A_57 = arith.constant 160 : i32
    %dma_start3A_58 = tpu.memref_slice %arg8[%dma_start3A_57] : memref<10000xi32, #tpu.memory_space<vmem>> -> memref<40xi32, #tpu.memory_space<vmem>>
    %dma_start3A_59 = arith.constant 0 : i32
    %dma_start3A_60 = arith.constant 0 : i32
    %dma_start3A_61 = tpu.memref_slice %arg2[%dma_start3A_59, %dma_start3A_60] : memref<10000x128xf32, #tpu.memory_space<hbm>> -> memref<10000x128xf32, #tpu.memory_space<hbm>>
    tpu.enqueue_indirect_dma source(%dma_start3A_61 : memref<10000x128xf32, #tpu.memory_space<hbm>>) target(%dma_start3A_56 : memref<40x128xf32, #tpu.memory_space<vmem>>) offsets(%dma_start3A_58 : memref<40xi32, #tpu.memory_space<vmem>>) semaphore(%arg15 : memref<!tpu.dma_semaphore, #tpu.memory_space<semaphore_mem>>)
    %barrier3A = arith.constant 0 : index
    tpu.barrier barrier_id(%barrier3A)
    %scan3A = arith.constant 0 : i32
    %scan3A_62 = arith.constant 0 : i32
    %scan3A_63 = arith.constant 43 : i32
    %scan3A_64 = arith.addi %scan3A_62, %scan3A_63 : i32
    %scan3A_65 = arith.constant 1 : i32
    scf.for %scan3A_73 = %scan3A_62 to %scan3A_64 step %scan3A_65  : i32 {
      %mul3A_74 = arith.constant 6 : i32
      %mul3A_75 = arith.muli %scan3A_73, %mul3A_74 : i32
      %add3A_76 = arith.constant 0 : i32
      %add3A_77 = arith.addi %mul3A_75, %add3A_76 : i32
      %ge3A = arith.constant 1 : i32
      %ge3A_78 = arith.cmpi sge, %add3A_77, %ge3A : i32
      %sub3A = arith.constant 1 : i32
      %sub3A_79 = arith.subi %add3A_77, %sub3A : i32
      %lt3A = arith.constant 250 : i32
      %lt3A_80 = arith.cmpi slt, %sub3A_79, %lt3A : i32
      %and3A = arith.andi %ge3A_78, %lt3A_80 : i1
      %convert_element_type3A_81 = arith.extui %and3A : i1 to i32
      %cond3A_82 = arith.constant 0 : i32
      %cond3A_83 = arith.cmpi ne, %convert_element_type3A_81, %cond3A_82 : i32
      scf.if %cond3A_83 {
        %sub3A_238 = arith.constant 1 : i32
        %sub3A_239 = arith.subi %add3A_77, %sub3A_238 : i32
        %mul3A_240 = arith.constant 40 : i32
        %mul3A_241 = arith.muli %sub3A_239, %mul3A_240 : i32
        %dma_wait3A = arith.constant 5 : i32
        %dma_wait3A_242 = arith.constant 0 : i32
        %dma_wait3A_243 = arith.constant 0 : i32
        %dma_wait3A_244 = tpu.memref_slice %arg10[%dma_wait3A, %dma_wait3A_242, %dma_wait3A_243] : memref<6x40x128xf32, #tpu.memory_space<vmem>> -> memref<1x40x128xf32, #tpu.memory_space<vmem>>
        %dma_wait3A_245 = tpu.memref_squeeze %dma_wait3A_244 : memref<1x40x128xf32, #tpu.memory_space<vmem>> -> memref<40x128xf32, #tpu.memory_space<vmem>>
        %dma_wait3A_246 = tpu.memref_slice %arg9[%mul3A_241] : memref<10000xi32, #tpu.memory_space<vmem>> -> memref<40xi32, #tpu.memory_space<vmem>>
        %dma_wait3A_247 = arith.constant 0 : i32
        %dma_wait3A_248 = arith.constant 0 : i32
        %dma_wait3A_249 = tpu.memref_slice %arg7[%dma_wait3A_247, %dma_wait3A_248] : memref<10000x128xf32, #tpu.memory_space<vmem_shared>> -> memref<10000x128xf32, #tpu.memory_space<vmem_shared>>
        tpu.wait_indirect_dma semaphore(%arg22 : memref<!tpu.dma_semaphore, #tpu.memory_space<semaphore_mem>>) src(%dma_wait3A_245 : memref<40x128xf32, #tpu.memory_space<vmem>>) dst(%dma_wait3A_249 : memref<10000x128xf32, #tpu.memory_space<vmem_shared>>)
      } else {
      }
      %add3A_84 = arith.constant 6 : i32
      %add3A_85 = arith.addi %add3A_77, %add3A_84 : i32
      %sub3A_86 = arith.constant 1 : i32
      %sub3A_87 = arith.subi %add3A_85, %sub3A_86 : i32
      %lt3A_88 = arith.constant 250 : i32
      %lt3A_89 = arith.cmpi slt, %sub3A_87, %lt3A_88 : i32
      %convert_element_type3A_90 = arith.extui %lt3A_89 : i1 to i32
      %cond3A_91 = arith.constant 0 : i32
      %cond3A_92 = arith.cmpi ne, %convert_element_type3A_90, %cond3A_91 : i32
      scf.if %cond3A_92 {
        %add3A_238 = arith.constant 6 : i32
        %add3A_239 = arith.addi %add3A_77, %add3A_238 : i32
        %sub3A_240 = arith.constant 1 : i32
        %sub3A_241 = arith.subi %add3A_239, %sub3A_240 : i32
        %mul3A_242 = arith.constant 40 : i32
        %mul3A_243 = arith.muli %sub3A_241, %mul3A_242 : i32
        %dma_start3A_244 = arith.constant 5 : i32
        %dma_start3A_245 = arith.constant 0 : i32
        %dma_start3A_246 = arith.constant 0 : i32
        %dma_start3A_247 = tpu.memref_slice %arg10[%dma_start3A_244, %dma_start3A_245, %dma_start3A_246] : memref<6x40x128xf32, #tpu.memory_space<vmem>> -> memref<1x40x128xf32, #tpu.memory_space<vmem>>
        %dma_start3A_248 = tpu.memref_squeeze %dma_start3A_247 : memref<1x40x128xf32, #tpu.memory_space<vmem>> -> memref<40x128xf32, #tpu.memory_space<vmem>>
        %dma_start3A_249 = tpu.memref_slice %arg8[%mul3A_243] : memref<10000xi32, #tpu.memory_space<vmem>> -> memref<40xi32, #tpu.memory_space<vmem>>
        %dma_start3A_250 = arith.constant 0 : i32
        %dma_start3A_251 = arith.constant 0 : i32
        %dma_start3A_252 = tpu.memref_slice %arg2[%dma_start3A_250, %dma_start3A_251] : memref<10000x128xf32, #tpu.memory_space<hbm>> -> memref<10000x128xf32, #tpu.memory_space<hbm>>
        tpu.enqueue_indirect_dma source(%dma_start3A_252 : memref<10000x128xf32, #tpu.memory_space<hbm>>) target(%dma_start3A_248 : memref<40x128xf32, #tpu.memory_space<vmem>>) offsets(%dma_start3A_249 : memref<40xi32, #tpu.memory_space<vmem>>) semaphore(%arg16 : memref<!tpu.dma_semaphore, #tpu.memory_space<semaphore_mem>>)
      } else {
      }
      %lt3A_93 = arith.constant 250 : i32
      %lt3A_94 = arith.cmpi slt, %add3A_77, %lt3A_93 : i32
      %convert_element_type3A_95 = arith.extui %lt3A_94 : i1 to i32
      %cond3A_96 = arith.constant 0 : i32
      %cond3A_97 = arith.cmpi ne, %convert_element_type3A_95, %cond3A_96 : i32
      scf.if %cond3A_97 {
        %mul3A_238 = arith.constant 40 : i32
        %mul3A_239 = arith.muli %add3A_77, %mul3A_238 : i32
        %dma_wait3A = arith.constant 0 : i32
        %dma_wait3A_240 = arith.constant 0 : i32
        %dma_wait3A_241 = arith.constant 0 : i32
        %dma_wait3A_242 = tpu.memref_slice %arg10[%dma_wait3A, %dma_wait3A_240, %dma_wait3A_241] : memref<6x40x128xf32, #tpu.memory_space<vmem>> -> memref<1x40x128xf32, #tpu.memory_space<vmem>>
        %dma_wait3A_243 = tpu.memref_squeeze %dma_wait3A_242 : memref<1x40x128xf32, #tpu.memory_space<vmem>> -> memref<40x128xf32, #tpu.memory_space<vmem>>
        %dma_wait3A_244 = tpu.memref_slice %arg8[%mul3A_239] : memref<10000xi32, #tpu.memory_space<vmem>> -> memref<40xi32, #tpu.memory_space<vmem>>
        %dma_wait3A_245 = arith.constant 0 : i32
        %dma_wait3A_246 = arith.constant 0 : i32
        %dma_wait3A_247 = tpu.memref_slice %arg2[%dma_wait3A_245, %dma_wait3A_246] : memref<10000x128xf32, #tpu.memory_space<hbm>> -> memref<10000x128xf32, #tpu.memory_space<hbm>>
        tpu.wait_indirect_dma semaphore(%arg11 : memref<!tpu.dma_semaphore, #tpu.memory_space<semaphore_mem>>) src(%dma_wait3A_247 : memref<10000x128xf32, #tpu.memory_space<hbm>>) dst(%dma_wait3A_243 : memref<40x128xf32, #tpu.memory_space<vmem>>)
        %mul3A_248 = arith.constant 40 : i32
        %mul3A_249 = arith.muli %add3A_77, %mul3A_248 : i32
        %dma_start3A_250 = arith.constant 0 : i32
        %dma_start3A_251 = arith.constant 0 : i32
        %dma_start3A_252 = arith.constant 0 : i32
        %dma_start3A_253 = tpu.memref_slice %arg10[%dma_start3A_250, %dma_start3A_251, %dma_start3A_252] : memref<6x40x128xf32, #tpu.memory_space<vmem>> -> memref<1x40x128xf32, #tpu.memory_space<vmem>>
        %dma_start3A_254 = tpu.memref_squeeze %dma_start3A_253 : memref<1x40x128xf32, #tpu.memory_space<vmem>> -> memref<40x128xf32, #tpu.memory_space<vmem>>
        %dma_start3A_255 = tpu.memref_slice %arg9[%mul3A_249] : memref<10000xi32, #tpu.memory_space<vmem>> -> memref<40xi32, #tpu.memory_space<vmem>>
        %dma_start3A_256 = arith.constant 0 : i32
        %dma_start3A_257 = arith.constant 0 : i32
        %dma_start3A_258 = tpu.memref_slice %arg7[%dma_start3A_256, %dma_start3A_257] : memref<10000x128xf32, #tpu.memory_space<vmem_shared>> -> memref<10000x128xf32, #tpu.memory_space<vmem_shared>>
        tpu.enqueue_indirect_dma source(%dma_start3A_254 : memref<40x128xf32, #tpu.memory_space<vmem>>) target(%dma_start3A_258 : memref<10000x128xf32, #tpu.memory_space<vmem_shared>>) offsets(%dma_start3A_255 : memref<40xi32, #tpu.memory_space<vmem>>) semaphore(%arg17 : memref<!tpu.dma_semaphore, #tpu.memory_space<semaphore_mem>>) {add = true}
      } else {
      }
      %mul3A_98 = arith.constant 6 : i32
      %mul3A_99 = arith.muli %scan3A_73, %mul3A_98 : i32
      %add3A_100 = arith.constant 1 : i32
      %add3A_101 = arith.addi %mul3A_99, %add3A_100 : i32
      %ge3A_102 = arith.constant 1 : i32
      %ge3A_103 = arith.cmpi sge, %add3A_101, %ge3A_102 : i32
      %sub3A_104 = arith.constant 1 : i32
      %sub3A_105 = arith.subi %add3A_101, %sub3A_104 : i32
      %lt3A_106 = arith.constant 250 : i32
      %lt3A_107 = arith.cmpi slt, %sub3A_105, %lt3A_106 : i32
      %and3A_108 = arith.andi %ge3A_103, %lt3A_107 : i1
      %convert_element_type3A_109 = arith.extui %and3A_108 : i1 to i32
      %cond3A_110 = arith.constant 0 : i32
      %cond3A_111 = arith.cmpi ne, %convert_element_type3A_109, %cond3A_110 : i32
      scf.if %cond3A_111 {
        %sub3A_238 = arith.constant 1 : i32
        %sub3A_239 = arith.subi %add3A_101, %sub3A_238 : i32
        %mul3A_240 = arith.constant 40 : i32
        %mul3A_241 = arith.muli %sub3A_239, %mul3A_240 : i32
        %dma_wait3A = arith.constant 0 : i32
        %dma_wait3A_242 = arith.constant 0 : i32
        %dma_wait3A_243 = arith.constant 0 : i32
        %dma_wait3A_244 = tpu.memref_slice %arg10[%dma_wait3A, %dma_wait3A_242, %dma_wait3A_243] : memref<6x40x128xf32, #tpu.memory_space<vmem>> -> memref<1x40x128xf32, #tpu.memory_space<vmem>>
        %dma_wait3A_245 = tpu.memref_squeeze %dma_wait3A_244 : memref<1x40x128xf32, #tpu.memory_space<vmem>> -> memref<40x128xf32, #tpu.memory_space<vmem>>
        %dma_wait3A_246 = tpu.memref_slice %arg9[%mul3A_241] : memref<10000xi32, #tpu.memory_space<vmem>> -> memref<40xi32, #tpu.memory_space<vmem>>
        %dma_wait3A_247 = arith.constant 0 : i32
        %dma_wait3A_248 = arith.constant 0 : i32
        %dma_wait3A_249 = tpu.memref_slice %arg7[%dma_wait3A_247, %dma_wait3A_248] : memref<10000x128xf32, #tpu.memory_space<vmem_shared>> -> memref<10000x128xf32, #tpu.memory_space<vmem_shared>>
        tpu.wait_indirect_dma semaphore(%arg17 : memref<!tpu.dma_semaphore, #tpu.memory_space<semaphore_mem>>) src(%dma_wait3A_245 : memref<40x128xf32, #tpu.memory_space<vmem>>) dst(%dma_wait3A_249 : memref<10000x128xf32, #tpu.memory_space<vmem_shared>>)
      } else {
      }
      %add3A_112 = arith.constant 6 : i32
      %add3A_113 = arith.addi %add3A_101, %add3A_112 : i32
      %sub3A_114 = arith.constant 1 : i32
      %sub3A_115 = arith.subi %add3A_113, %sub3A_114 : i32
      %lt3A_116 = arith.constant 250 : i32
      %lt3A_117 = arith.cmpi slt, %sub3A_115, %lt3A_116 : i32
      %convert_element_type3A_118 = arith.extui %lt3A_117 : i1 to i32
      %cond3A_119 = arith.constant 0 : i32
      %cond3A_120 = arith.cmpi ne, %convert_element_type3A_118, %cond3A_119 : i32
      scf.if %cond3A_120 {
        %add3A_238 = arith.constant 6 : i32
        %add3A_239 = arith.addi %add3A_101, %add3A_238 : i32
        %sub3A_240 = arith.constant 1 : i32
        %sub3A_241 = arith.subi %add3A_239, %sub3A_240 : i32
        %mul3A_242 = arith.constant 40 : i32
        %mul3A_243 = arith.muli %sub3A_241, %mul3A_242 : i32
        %dma_start3A_244 = arith.constant 0 : i32
        %dma_start3A_245 = arith.constant 0 : i32
        %dma_start3A_246 = arith.constant 0 : i32
        %dma_start3A_247 = tpu.memref_slice %arg10[%dma_start3A_244, %dma_start3A_245, %dma_start3A_246] : memref<6x40x128xf32, #tpu.memory_space<vmem>> -> memref<1x40x128xf32, #tpu.memory_space<vmem>>
        %dma_start3A_248 = tpu.memref_squeeze %dma_start3A_247 : memref<1x40x128xf32, #tpu.memory_space<vmem>> -> memref<40x128xf32, #tpu.memory_space<vmem>>
        %dma_start3A_249 = tpu.memref_slice %arg8[%mul3A_243] : memref<10000xi32, #tpu.memory_space<vmem>> -> memref<40xi32, #tpu.memory_space<vmem>>
        %dma_start3A_250 = arith.constant 0 : i32
        %dma_start3A_251 = arith.constant 0 : i32
        %dma_start3A_252 = tpu.memref_slice %arg2[%dma_start3A_250, %dma_start3A_251] : memref<10000x128xf32, #tpu.memory_space<hbm>> -> memref<10000x128xf32, #tpu.memory_space<hbm>>
        tpu.enqueue_indirect_dma source(%dma_start3A_252 : memref<10000x128xf32, #tpu.memory_space<hbm>>) target(%dma_start3A_248 : memref<40x128xf32, #tpu.memory_space<vmem>>) offsets(%dma_start3A_249 : memref<40xi32, #tpu.memory_space<vmem>>) semaphore(%arg11 : memref<!tpu.dma_semaphore, #tpu.memory_space<semaphore_mem>>)
      } else {
      }
      %lt3A_121 = arith.constant 250 : i32
      %lt3A_122 = arith.cmpi slt, %add3A_101, %lt3A_121 : i32
      %convert_element_type3A_123 = arith.extui %lt3A_122 : i1 to i32
      %cond3A_124 = arith.constant 0 : i32
      %cond3A_125 = arith.cmpi ne, %convert_element_type3A_123, %cond3A_124 : i32
      scf.if %cond3A_125 {
        %mul3A_238 = arith.constant 40 : i32
        %mul3A_239 = arith.muli %add3A_101, %mul3A_238 : i32
        %dma_wait3A = arith.constant 1 : i32
        %dma_wait3A_240 = arith.constant 0 : i32
        %dma_wait3A_241 = arith.constant 0 : i32
        %dma_wait3A_242 = tpu.memref_slice %arg10[%dma_wait3A, %dma_wait3A_240, %dma_wait3A_241] : memref<6x40x128xf32, #tpu.memory_space<vmem>> -> memref<1x40x128xf32, #tpu.memory_space<vmem>>
        %dma_wait3A_243 = tpu.memref_squeeze %dma_wait3A_242 : memref<1x40x128xf32, #tpu.memory_space<vmem>> -> memref<40x128xf32, #tpu.memory_space<vmem>>
        %dma_wait3A_244 = tpu.memref_slice %arg8[%mul3A_239] : memref<10000xi32, #tpu.memory_space<vmem>> -> memref<40xi32, #tpu.memory_space<vmem>>
        %dma_wait3A_245 = arith.constant 0 : i32
        %dma_wait3A_246 = arith.constant 0 : i32
        %dma_wait3A_247 = tpu.memref_slice %arg2[%dma_wait3A_245, %dma_wait3A_246] : memref<10000x128xf32, #tpu.memory_space<hbm>> -> memref<10000x128xf32, #tpu.memory_space<hbm>>
        tpu.wait_indirect_dma semaphore(%arg12 : memref<!tpu.dma_semaphore, #tpu.memory_space<semaphore_mem>>) src(%dma_wait3A_247 : memref<10000x128xf32, #tpu.memory_space<hbm>>) dst(%dma_wait3A_243 : memref<40x128xf32, #tpu.memory_space<vmem>>)
        %mul3A_248 = arith.constant 40 : i32
        %mul3A_249 = arith.muli %add3A_101, %mul3A_248 : i32
        %dma_start3A_250 = arith.constant 1 : i32
        %dma_start3A_251 = arith.constant 0 : i32
        %dma_start3A_252 = arith.constant 0 : i32
        %dma_start3A_253 = tpu.memref_slice %arg10[%dma_start3A_250, %dma_start3A_251, %dma_start3A_252] : memref<6x40x128xf32, #tpu.memory_space<vmem>> -> memref<1x40x128xf32, #tpu.memory_space<vmem>>
        %dma_start3A_254 = tpu.memref_squeeze %dma_start3A_253 : memref<1x40x128xf32, #tpu.memory_space<vmem>> -> memref<40x128xf32, #tpu.memory_space<vmem>>
        %dma_start3A_255 = tpu.memref_slice %arg9[%mul3A_249] : memref<10000xi32, #tpu.memory_space<vmem>> -> memref<40xi32, #tpu.memory_space<vmem>>
        %dma_start3A_256 = arith.constant 0 : i32
        %dma_start3A_257 = arith.constant 0 : i32
        %dma_start3A_258 = tpu.memref_slice %arg7[%dma_start3A_256, %dma_start3A_257] : memref<10000x128xf32, #tpu.memory_space<vmem_shared>> -> memref<10000x128xf32, #tpu.memory_space<vmem_shared>>
        tpu.enqueue_indirect_dma source(%dma_start3A_254 : memref<40x128xf32, #tpu.memory_space<vmem>>) target(%dma_start3A_258 : memref<10000x128xf32, #tpu.memory_space<vmem_shared>>) offsets(%dma_start3A_255 : memref<40xi32, #tpu.memory_space<vmem>>) semaphore(%arg18 : memref<!tpu.dma_semaphore, #tpu.memory_space<semaphore_mem>>) {add = true}
      } else {
      }
      %mul3A_126 = arith.constant 6 : i32
      %mul3A_127 = arith.muli %scan3A_73, %mul3A_126 : i32
      %add3A_128 = arith.constant 2 : i32
      %add3A_129 = arith.addi %mul3A_127, %add3A_128 : i32
      %ge3A_130 = arith.constant 1 : i32
      %ge3A_131 = arith.cmpi sge, %add3A_129, %ge3A_130 : i32
      %sub3A_132 = arith.constant 1 : i32
      %sub3A_133 = arith.subi %add3A_129, %sub3A_132 : i32
      %lt3A_134 = arith.constant 250 : i32
      %lt3A_135 = arith.cmpi slt, %sub3A_133, %lt3A_134 : i32
      %and3A_136 = arith.andi %ge3A_131, %lt3A_135 : i1
      %convert_element_type3A_137 = arith.extui %and3A_136 : i1 to i32
      %cond3A_138 = arith.constant 0 : i32
      %cond3A_139 = arith.cmpi ne, %convert_element_type3A_137, %cond3A_138 : i32
      scf.if %cond3A_139 {
        %sub3A_238 = arith.constant 1 : i32
        %sub3A_239 = arith.subi %add3A_129, %sub3A_238 : i32
        %mul3A_240 = arith.constant 40 : i32
        %mul3A_241 = arith.muli %sub3A_239, %mul3A_240 : i32
        %dma_wait3A = arith.constant 1 : i32
        %dma_wait3A_242 = arith.constant 0 : i32
        %dma_wait3A_243 = arith.constant 0 : i32
        %dma_wait3A_244 = tpu.memref_slice %arg10[%dma_wait3A, %dma_wait3A_242, %dma_wait3A_243] : memref<6x40x128xf32, #tpu.memory_space<vmem>> -> memref<1x40x128xf32, #tpu.memory_space<vmem>>
        %dma_wait3A_245 = tpu.memref_squeeze %dma_wait3A_244 : memref<1x40x128xf32, #tpu.memory_space<vmem>> -> memref<40x128xf32, #tpu.memory_space<vmem>>
        %dma_wait3A_246 = tpu.memref_slice %arg9[%mul3A_241] : memref<10000xi32, #tpu.memory_space<vmem>> -> memref<40xi32, #tpu.memory_space<vmem>>
        %dma_wait3A_247 = arith.constant 0 : i32
        %dma_wait3A_248 = arith.constant 0 : i32
        %dma_wait3A_249 = tpu.memref_slice %arg7[%dma_wait3A_247, %dma_wait3A_248] : memref<10000x128xf32, #tpu.memory_space<vmem_shared>> -> memref<10000x128xf32, #tpu.memory_space<vmem_shared>>
        tpu.wait_indirect_dma semaphore(%arg18 : memref<!tpu.dma_semaphore, #tpu.memory_space<semaphore_mem>>) src(%dma_wait3A_245 : memref<40x128xf32, #tpu.memory_space<vmem>>) dst(%dma_wait3A_249 : memref<10000x128xf32, #tpu.memory_space<vmem_shared>>)
      } else {
      }
      %add3A_140 = arith.constant 6 : i32
      %add3A_141 = arith.addi %add3A_129, %add3A_140 : i32
      %sub3A_142 = arith.constant 1 : i32
      %sub3A_143 = arith.subi %add3A_141, %sub3A_142 : i32
      %lt3A_144 = arith.constant 250 : i32
      %lt3A_145 = arith.cmpi slt, %sub3A_143, %lt3A_144 : i32
      %convert_element_type3A_146 = arith.extui %lt3A_145 : i1 to i32
      %cond3A_147 = arith.constant 0 : i32
      %cond3A_148 = arith.cmpi ne, %convert_element_type3A_146, %cond3A_147 : i32
      scf.if %cond3A_148 {
        %add3A_238 = arith.constant 6 : i32
        %add3A_239 = arith.addi %add3A_129, %add3A_238 : i32
        %sub3A_240 = arith.constant 1 : i32
        %sub3A_241 = arith.subi %add3A_239, %sub3A_240 : i32
        %mul3A_242 = arith.constant 40 : i32
        %mul3A_243 = arith.muli %sub3A_241, %mul3A_242 : i32
        %dma_start3A_244 = arith.constant 1 : i32
        %dma_start3A_245 = arith.constant 0 : i32
        %dma_start3A_246 = arith.constant 0 : i32
        %dma_start3A_247 = tpu.memref_slice %arg10[%dma_start3A_244, %dma_start3A_245, %dma_start3A_246] : memref<6x40x128xf32, #tpu.memory_space<vmem>> -> memref<1x40x128xf32, #tpu.memory_space<vmem>>
        %dma_start3A_248 = tpu.memref_squeeze %dma_start3A_247 : memref<1x40x128xf32, #tpu.memory_space<vmem>> -> memref<40x128xf32, #tpu.memory_space<vmem>>
        %dma_start3A_249 = tpu.memref_slice %arg8[%mul3A_243] : memref<10000xi32, #tpu.memory_space<vmem>> -> memref<40xi32, #tpu.memory_space<vmem>>
        %dma_start3A_250 = arith.constant 0 : i32
        %dma_start3A_251 = arith.constant 0 : i32
        %dma_start3A_252 = tpu.memref_slice %arg2[%dma_start3A_250, %dma_start3A_251] : memref<10000x128xf32, #tpu.memory_space<hbm>> -> memref<10000x128xf32, #tpu.memory_space<hbm>>
        tpu.enqueue_indirect_dma source(%dma_start3A_252 : memref<10000x128xf32, #tpu.memory_space<hbm>>) target(%dma_start3A_248 : memref<40x128xf32, #tpu.memory_space<vmem>>) offsets(%dma_start3A_249 : memref<40xi32, #tpu.memory_space<vmem>>) semaphore(%arg12 : memref<!tpu.dma_semaphore, #tpu.memory_space<semaphore_mem>>)
      } else {
      }
      %lt3A_149 = arith.constant 250 : i32
      %lt3A_150 = arith.cmpi slt, %add3A_129, %lt3A_149 : i32
      %convert_element_type3A_151 = arith.extui %lt3A_150 : i1 to i32
      %cond3A_152 = arith.constant 0 : i32
      %cond3A_153 = arith.cmpi ne, %convert_element_type3A_151, %cond3A_152 : i32
      scf.if %cond3A_153 {
        %mul3A_238 = arith.constant 40 : i32
        %mul3A_239 = arith.muli %add3A_129, %mul3A_238 : i32
        %dma_wait3A = arith.constant 2 : i32
        %dma_wait3A_240 = arith.constant 0 : i32
        %dma_wait3A_241 = arith.constant 0 : i32
        %dma_wait3A_242 = tpu.memref_slice %arg10[%dma_wait3A, %dma_wait3A_240, %dma_wait3A_241] : memref<6x40x128xf32, #tpu.memory_space<vmem>> -> memref<1x40x128xf32, #tpu.memory_space<vmem>>
        %dma_wait3A_243 = tpu.memref_squeeze %dma_wait3A_242 : memref<1x40x128xf32, #tpu.memory_space<vmem>> -> memref<40x128xf32, #tpu.memory_space<vmem>>
        %dma_wait3A_244 = tpu.memref_slice %arg8[%mul3A_239] : memref<10000xi32, #tpu.memory_space<vmem>> -> memref<40xi32, #tpu.memory_space<vmem>>
        %dma_wait3A_245 = arith.constant 0 : i32
        %dma_wait3A_246 = arith.constant 0 : i32
        %dma_wait3A_247 = tpu.memref_slice %arg2[%dma_wait3A_245, %dma_wait3A_246] : memref<10000x128xf32, #tpu.memory_space<hbm>> -> memref<10000x128xf32, #tpu.memory_space<hbm>>
        tpu.wait_indirect_dma semaphore(%arg13 : memref<!tpu.dma_semaphore, #tpu.memory_space<semaphore_mem>>) src(%dma_wait3A_247 : memref<10000x128xf32, #tpu.memory_space<hbm>>) dst(%dma_wait3A_243 : memref<40x128xf32, #tpu.memory_space<vmem>>)
        %mul3A_248 = arith.constant 40 : i32
        %mul3A_249 = arith.muli %add3A_129, %mul3A_248 : i32
        %dma_start3A_250 = arith.constant 2 : i32
        %dma_start3A_251 = arith.constant 0 : i32
        %dma_start3A_252 = arith.constant 0 : i32
        %dma_start3A_253 = tpu.memref_slice %arg10[%dma_start3A_250, %dma_start3A_251, %dma_start3A_252] : memref<6x40x128xf32, #tpu.memory_space<vmem>> -> memref<1x40x128xf32, #tpu.memory_space<vmem>>
        %dma_start3A_254 = tpu.memref_squeeze %dma_start3A_253 : memref<1x40x128xf32, #tpu.memory_space<vmem>> -> memref<40x128xf32, #tpu.memory_space<vmem>>
        %dma_start3A_255 = tpu.memref_slice %arg9[%mul3A_249] : memref<10000xi32, #tpu.memory_space<vmem>> -> memref<40xi32, #tpu.memory_space<vmem>>
        %dma_start3A_256 = arith.constant 0 : i32
        %dma_start3A_257 = arith.constant 0 : i32
        %dma_start3A_258 = tpu.memref_slice %arg7[%dma_start3A_256, %dma_start3A_257] : memref<10000x128xf32, #tpu.memory_space<vmem_shared>> -> memref<10000x128xf32, #tpu.memory_space<vmem_shared>>
        tpu.enqueue_indirect_dma source(%dma_start3A_254 : memref<40x128xf32, #tpu.memory_space<vmem>>) target(%dma_start3A_258 : memref<10000x128xf32, #tpu.memory_space<vmem_shared>>) offsets(%dma_start3A_255 : memref<40xi32, #tpu.memory_space<vmem>>) semaphore(%arg19 : memref<!tpu.dma_semaphore, #tpu.memory_space<semaphore_mem>>) {add = true}
      } else {
      }
      %mul3A_154 = arith.constant 6 : i32
      %mul3A_155 = arith.muli %scan3A_73, %mul3A_154 : i32
      %add3A_156 = arith.constant 3 : i32
      %add3A_157 = arith.addi %mul3A_155, %add3A_156 : i32
      %ge3A_158 = arith.constant 1 : i32
      %ge3A_159 = arith.cmpi sge, %add3A_157, %ge3A_158 : i32
      %sub3A_160 = arith.constant 1 : i32
      %sub3A_161 = arith.subi %add3A_157, %sub3A_160 : i32
      %lt3A_162 = arith.constant 250 : i32
      %lt3A_163 = arith.cmpi slt, %sub3A_161, %lt3A_162 : i32
      %and3A_164 = arith.andi %ge3A_159, %lt3A_163 : i1
      %convert_element_type3A_165 = arith.extui %and3A_164 : i1 to i32
      %cond3A_166 = arith.constant 0 : i32
      %cond3A_167 = arith.cmpi ne, %convert_element_type3A_165, %cond3A_166 : i32
      scf.if %cond3A_167 {
        %sub3A_238 = arith.constant 1 : i32
        %sub3A_239 = arith.subi %add3A_157, %sub3A_238 : i32
        %mul3A_240 = arith.constant 40 : i32
        %mul3A_241 = arith.muli %sub3A_239, %mul3A_240 : i32
        %dma_wait3A = arith.constant 2 : i32
        %dma_wait3A_242 = arith.constant 0 : i32
        %dma_wait3A_243 = arith.constant 0 : i32
        %dma_wait3A_244 = tpu.memref_slice %arg10[%dma_wait3A, %dma_wait3A_242, %dma_wait3A_243] : memref<6x40x128xf32, #tpu.memory_space<vmem>> -> memref<1x40x128xf32, #tpu.memory_space<vmem>>
        %dma_wait3A_245 = tpu.memref_squeeze %dma_wait3A_244 : memref<1x40x128xf32, #tpu.memory_space<vmem>> -> memref<40x128xf32, #tpu.memory_space<vmem>>
        %dma_wait3A_246 = tpu.memref_slice %arg9[%mul3A_241] : memref<10000xi32, #tpu.memory_space<vmem>> -> memref<40xi32, #tpu.memory_space<vmem>>
        %dma_wait3A_247 = arith.constant 0 : i32
        %dma_wait3A_248 = arith.constant 0 : i32
        %dma_wait3A_249 = tpu.memref_slice %arg7[%dma_wait3A_247, %dma_wait3A_248] : memref<10000x128xf32, #tpu.memory_space<vmem_shared>> -> memref<10000x128xf32, #tpu.memory_space<vmem_shared>>
        tpu.wait_indirect_dma semaphore(%arg19 : memref<!tpu.dma_semaphore, #tpu.memory_space<semaphore_mem>>) src(%dma_wait3A_245 : memref<40x128xf32, #tpu.memory_space<vmem>>) dst(%dma_wait3A_249 : memref<10000x128xf32, #tpu.memory_space<vmem_shared>>)
      } else {
      }
      %add3A_168 = arith.constant 6 : i32
      %add3A_169 = arith.addi %add3A_157, %add3A_168 : i32
      %sub3A_170 = arith.constant 1 : i32
      %sub3A_171 = arith.subi %add3A_169, %sub3A_170 : i32
      %lt3A_172 = arith.constant 250 : i32
      %lt3A_173 = arith.cmpi slt, %sub3A_171, %lt3A_172 : i32
      %convert_element_type3A_174 = arith.extui %lt3A_173 : i1 to i32
      %cond3A_175 = arith.constant 0 : i32
      %cond3A_176 = arith.cmpi ne, %convert_element_type3A_174, %cond3A_175 : i32
      scf.if %cond3A_176 {
        %add3A_238 = arith.constant 6 : i32
        %add3A_239 = arith.addi %add3A_157, %add3A_238 : i32
        %sub3A_240 = arith.constant 1 : i32
        %sub3A_241 = arith.subi %add3A_239, %sub3A_240 : i32
        %mul3A_242 = arith.constant 40 : i32
        %mul3A_243 = arith.muli %sub3A_241, %mul3A_242 : i32
        %dma_start3A_244 = arith.constant 2 : i32
        %dma_start3A_245 = arith.constant 0 : i32
        %dma_start3A_246 = arith.constant 0 : i32
        %dma_start3A_247 = tpu.memref_slice %arg10[%dma_start3A_244, %dma_start3A_245, %dma_start3A_246] : memref<6x40x128xf32, #tpu.memory_space<vmem>> -> memref<1x40x128xf32, #tpu.memory_space<vmem>>
        %dma_start3A_248 = tpu.memref_squeeze %dma_start3A_247 : memref<1x40x128xf32, #tpu.memory_space<vmem>> -> memref<40x128xf32, #tpu.memory_space<vmem>>
        %dma_start3A_249 = tpu.memref_slice %arg8[%mul3A_243] : memref<10000xi32, #tpu.memory_space<vmem>> -> memref<40xi32, #tpu.memory_space<vmem>>
        %dma_start3A_250 = arith.constant 0 : i32
        %dma_start3A_251 = arith.constant 0 : i32
        %dma_start3A_252 = tpu.memref_slice %arg2[%dma_start3A_250, %dma_start3A_251] : memref<10000x128xf32, #tpu.memory_space<hbm>> -> memref<10000x128xf32, #tpu.memory_space<hbm>>
        tpu.enqueue_indirect_dma source(%dma_start3A_252 : memref<10000x128xf32, #tpu.memory_space<hbm>>) target(%dma_start3A_248 : memref<40x128xf32, #tpu.memory_space<vmem>>) offsets(%dma_start3A_249 : memref<40xi32, #tpu.memory_space<vmem>>) semaphore(%arg13 : memref<!tpu.dma_semaphore, #tpu.memory_space<semaphore_mem>>)
      } else {
      }
      %lt3A_177 = arith.constant 250 : i32
      %lt3A_178 = arith.cmpi slt, %add3A_157, %lt3A_177 : i32
      %convert_element_type3A_179 = arith.extui %lt3A_178 : i1 to i32
      %cond3A_180 = arith.constant 0 : i32
      %cond3A_181 = arith.cmpi ne, %convert_element_type3A_179, %cond3A_180 : i32
      scf.if %cond3A_181 {
        %mul3A_238 = arith.constant 40 : i32
        %mul3A_239 = arith.muli %add3A_157, %mul3A_238 : i32
        %dma_wait3A = arith.constant 3 : i32
        %dma_wait3A_240 = arith.constant 0 : i32
        %dma_wait3A_241 = arith.constant 0 : i32
        %dma_wait3A_242 = tpu.memref_slice %arg10[%dma_wait3A, %dma_wait3A_240, %dma_wait3A_241] : memref<6x40x128xf32, #tpu.memory_space<vmem>> -> memref<1x40x128xf32, #tpu.memory_space<vmem>>
        %dma_wait3A_243 = tpu.memref_squeeze %dma_wait3A_242 : memref<1x40x128xf32, #tpu.memory_space<vmem>> -> memref<40x128xf32, #tpu.memory_space<vmem>>
        %dma_wait3A_244 = tpu.memref_slice %arg8[%mul3A_239] : memref<10000xi32, #tpu.memory_space<vmem>> -> memref<40xi32, #tpu.memory_space<vmem>>
        %dma_wait3A_245 = arith.constant 0 : i32
        %dma_wait3A_246 = arith.constant 0 : i32
        %dma_wait3A_247 = tpu.memref_slice %arg2[%dma_wait3A_245, %dma_wait3A_246] : memref<10000x128xf32, #tpu.memory_space<hbm>> -> memref<10000x128xf32, #tpu.memory_space<hbm>>
        tpu.wait_indirect_dma semaphore(%arg14 : memref<!tpu.dma_semaphore, #tpu.memory_space<semaphore_mem>>) src(%dma_wait3A_247 : memref<10000x128xf32, #tpu.memory_space<hbm>>) dst(%dma_wait3A_243 : memref<40x128xf32, #tpu.memory_space<vmem>>)
        %mul3A_248 = arith.constant 40 : i32
        %mul3A_249 = arith.muli %add3A_157, %mul3A_248 : i32
        %dma_start3A_250 = arith.constant 3 : i32
        %dma_start3A_251 = arith.constant 0 : i32
        %dma_start3A_252 = arith.constant 0 : i32
        %dma_start3A_253 = tpu.memref_slice %arg10[%dma_start3A_250, %dma_start3A_251, %dma_start3A_252] : memref<6x40x128xf32, #tpu.memory_space<vmem>> -> memref<1x40x128xf32, #tpu.memory_space<vmem>>
        %dma_start3A_254 = tpu.memref_squeeze %dma_start3A_253 : memref<1x40x128xf32, #tpu.memory_space<vmem>> -> memref<40x128xf32, #tpu.memory_space<vmem>>
        %dma_start3A_255 = tpu.memref_slice %arg9[%mul3A_249] : memref<10000xi32, #tpu.memory_space<vmem>> -> memref<40xi32, #tpu.memory_space<vmem>>
        %dma_start3A_256 = arith.constant 0 : i32
        %dma_start3A_257 = arith.constant 0 : i32
        %dma_start3A_258 = tpu.memref_slice %arg7[%dma_start3A_256, %dma_start3A_257] : memref<10000x128xf32, #tpu.memory_space<vmem_shared>> -> memref<10000x128xf32, #tpu.memory_space<vmem_shared>>
        tpu.enqueue_indirect_dma source(%dma_start3A_254 : memref<40x128xf32, #tpu.memory_space<vmem>>) target(%dma_start3A_258 : memref<10000x128xf32, #tpu.memory_space<vmem_shared>>) offsets(%dma_start3A_255 : memref<40xi32, #tpu.memory_space<vmem>>) semaphore(%arg20 : memref<!tpu.dma_semaphore, #tpu.memory_space<semaphore_mem>>) {add = true}
      } else {
      }
      %mul3A_182 = arith.constant 6 : i32
      %mul3A_183 = arith.muli %scan3A_73, %mul3A_182 : i32
      %add3A_184 = arith.constant 4 : i32
      %add3A_185 = arith.addi %mul3A_183, %add3A_184 : i32
      %ge3A_186 = arith.constant 1 : i32
      %ge3A_187 = arith.cmpi sge, %add3A_185, %ge3A_186 : i32
      %sub3A_188 = arith.constant 1 : i32
      %sub3A_189 = arith.subi %add3A_185, %sub3A_188 : i32
      %lt3A_190 = arith.constant 250 : i32
      %lt3A_191 = arith.cmpi slt, %sub3A_189, %lt3A_190 : i32
      %and3A_192 = arith.andi %ge3A_187, %lt3A_191 : i1
      %convert_element_type3A_193 = arith.extui %and3A_192 : i1 to i32
      %cond3A_194 = arith.constant 0 : i32
      %cond3A_195 = arith.cmpi ne, %convert_element_type3A_193, %cond3A_194 : i32
      scf.if %cond3A_195 {
        %sub3A_238 = arith.constant 1 : i32
        %sub3A_239 = arith.subi %add3A_185, %sub3A_238 : i32
        %mul3A_240 = arith.constant 40 : i32
        %mul3A_241 = arith.muli %sub3A_239, %mul3A_240 : i32
        %dma_wait3A = arith.constant 3 : i32
        %dma_wait3A_242 = arith.constant 0 : i32
        %dma_wait3A_243 = arith.constant 0 : i32
        %dma_wait3A_244 = tpu.memref_slice %arg10[%dma_wait3A, %dma_wait3A_242, %dma_wait3A_243] : memref<6x40x128xf32, #tpu.memory_space<vmem>> -> memref<1x40x128xf32, #tpu.memory_space<vmem>>
        %dma_wait3A_245 = tpu.memref_squeeze %dma_wait3A_244 : memref<1x40x128xf32, #tpu.memory_space<vmem>> -> memref<40x128xf32, #tpu.memory_space<vmem>>
        %dma_wait3A_246 = tpu.memref_slice %arg9[%mul3A_241] : memref<10000xi32, #tpu.memory_space<vmem>> -> memref<40xi32, #tpu.memory_space<vmem>>
        %dma_wait3A_247 = arith.constant 0 : i32
        %dma_wait3A_248 = arith.constant 0 : i32
        %dma_wait3A_249 = tpu.memref_slice %arg7[%dma_wait3A_247, %dma_wait3A_248] : memref<10000x128xf32, #tpu.memory_space<vmem_shared>> -> memref<10000x128xf32, #tpu.memory_space<vmem_shared>>
        tpu.wait_indirect_dma semaphore(%arg20 : memref<!tpu.dma_semaphore, #tpu.memory_space<semaphore_mem>>) src(%dma_wait3A_245 : memref<40x128xf32, #tpu.memory_space<vmem>>) dst(%dma_wait3A_249 : memref<10000x128xf32, #tpu.memory_space<vmem_shared>>)
      } else {
      }
      %add3A_196 = arith.constant 6 : i32
      %add3A_197 = arith.addi %add3A_185, %add3A_196 : i32
      %sub3A_198 = arith.constant 1 : i32
      %sub3A_199 = arith.subi %add3A_197, %sub3A_198 : i32
      %lt3A_200 = arith.constant 250 : i32
      %lt3A_201 = arith.cmpi slt, %sub3A_199, %lt3A_200 : i32
      %convert_element_type3A_202 = arith.extui %lt3A_201 : i1 to i32
      %cond3A_203 = arith.constant 0 : i32
      %cond3A_204 = arith.cmpi ne, %convert_element_type3A_202, %cond3A_203 : i32
      scf.if %cond3A_204 {
        %add3A_238 = arith.constant 6 : i32
        %add3A_239 = arith.addi %add3A_185, %add3A_238 : i32
        %sub3A_240 = arith.constant 1 : i32
        %sub3A_241 = arith.subi %add3A_239, %sub3A_240 : i32
        %mul3A_242 = arith.constant 40 : i32
        %mul3A_243 = arith.muli %sub3A_241, %mul3A_242 : i32
        %dma_start3A_244 = arith.constant 3 : i32
        %dma_start3A_245 = arith.constant 0 : i32
        %dma_start3A_246 = arith.constant 0 : i32
        %dma_start3A_247 = tpu.memref_slice %arg10[%dma_start3A_244, %dma_start3A_245, %dma_start3A_246] : memref<6x40x128xf32, #tpu.memory_space<vmem>> -> memref<1x40x128xf32, #tpu.memory_space<vmem>>
        %dma_start3A_248 = tpu.memref_squeeze %dma_start3A_247 : memref<1x40x128xf32, #tpu.memory_space<vmem>> -> memref<40x128xf32, #tpu.memory_space<vmem>>
        %dma_start3A_249 = tpu.memref_slice %arg8[%mul3A_243] : memref<10000xi32, #tpu.memory_space<vmem>> -> memref<40xi32, #tpu.memory_space<vmem>>
        %dma_start3A_250 = arith.constant 0 : i32
        %dma_start3A_251 = arith.constant 0 : i32
        %dma_start3A_252 = tpu.memref_slice %arg2[%dma_start3A_250, %dma_start3A_251] : memref<10000x128xf32, #tpu.memory_space<hbm>> -> memref<10000x128xf32, #tpu.memory_space<hbm>>
        tpu.enqueue_indirect_dma source(%dma_start3A_252 : memref<10000x128xf32, #tpu.memory_space<hbm>>) target(%dma_start3A_248 : memref<40x128xf32, #tpu.memory_space<vmem>>) offsets(%dma_start3A_249 : memref<40xi32, #tpu.memory_space<vmem>>) semaphore(%arg14 : memref<!tpu.dma_semaphore, #tpu.memory_space<semaphore_mem>>)
      } else {
      }
      %lt3A_205 = arith.constant 250 : i32
      %lt3A_206 = arith.cmpi slt, %add3A_185, %lt3A_205 : i32
      %convert_element_type3A_207 = arith.extui %lt3A_206 : i1 to i32
      %cond3A_208 = arith.constant 0 : i32
      %cond3A_209 = arith.cmpi ne, %convert_element_type3A_207, %cond3A_208 : i32
      scf.if %cond3A_209 {
        %mul3A_238 = arith.constant 40 : i32
        %mul3A_239 = arith.muli %add3A_185, %mul3A_238 : i32
        %dma_wait3A = arith.constant 4 : i32
        %dma_wait3A_240 = arith.constant 0 : i32
        %dma_wait3A_241 = arith.constant 0 : i32
        %dma_wait3A_242 = tpu.memref_slice %arg10[%dma_wait3A, %dma_wait3A_240, %dma_wait3A_241] : memref<6x40x128xf32, #tpu.memory_space<vmem>> -> memref<1x40x128xf32, #tpu.memory_space<vmem>>
        %dma_wait3A_243 = tpu.memref_squeeze %dma_wait3A_242 : memref<1x40x128xf32, #tpu.memory_space<vmem>> -> memref<40x128xf32, #tpu.memory_space<vmem>>
        %dma_wait3A_244 = tpu.memref_slice %arg8[%mul3A_239] : memref<10000xi32, #tpu.memory_space<vmem>> -> memref<40xi32, #tpu.memory_space<vmem>>
        %dma_wait3A_245 = arith.constant 0 : i32
        %dma_wait3A_246 = arith.constant 0 : i32
        %dma_wait3A_247 = tpu.memref_slice %arg2[%dma_wait3A_245, %dma_wait3A_246] : memref<10000x128xf32, #tpu.memory_space<hbm>> -> memref<10000x128xf32, #tpu.memory_space<hbm>>
        tpu.wait_indirect_dma semaphore(%arg15 : memref<!tpu.dma_semaphore, #tpu.memory_space<semaphore_mem>>) src(%dma_wait3A_247 : memref<10000x128xf32, #tpu.memory_space<hbm>>) dst(%dma_wait3A_243 : memref<40x128xf32, #tpu.memory_space<vmem>>)
        %mul3A_248 = arith.constant 40 : i32
        %mul3A_249 = arith.muli %add3A_185, %mul3A_248 : i32
        %dma_start3A_250 = arith.constant 4 : i32
        %dma_start3A_251 = arith.constant 0 : i32
        %dma_start3A_252 = arith.constant 0 : i32
        %dma_start3A_253 = tpu.memref_slice %arg10[%dma_start3A_250, %dma_start3A_251, %dma_start3A_252] : memref<6x40x128xf32, #tpu.memory_space<vmem>> -> memref<1x40x128xf32, #tpu.memory_space<vmem>>
        %dma_start3A_254 = tpu.memref_squeeze %dma_start3A_253 : memref<1x40x128xf32, #tpu.memory_space<vmem>> -> memref<40x128xf32, #tpu.memory_space<vmem>>
        %dma_start3A_255 = tpu.memref_slice %arg9[%mul3A_249] : memref<10000xi32, #tpu.memory_space<vmem>> -> memref<40xi32, #tpu.memory_space<vmem>>
        %dma_start3A_256 = arith.constant 0 : i32
        %dma_start3A_257 = arith.constant 0 : i32
        %dma_start3A_258 = tpu.memref_slice %arg7[%dma_start3A_256, %dma_start3A_257] : memref<10000x128xf32, #tpu.memory_space<vmem_shared>> -> memref<10000x128xf32, #tpu.memory_space<vmem_shared>>
        tpu.enqueue_indirect_dma source(%dma_start3A_254 : memref<40x128xf32, #tpu.memory_space<vmem>>) target(%dma_start3A_258 : memref<10000x128xf32, #tpu.memory_space<vmem_shared>>) offsets(%dma_start3A_255 : memref<40xi32, #tpu.memory_space<vmem>>) semaphore(%arg21 : memref<!tpu.dma_semaphore, #tpu.memory_space<semaphore_mem>>) {add = true}
      } else {
      }
      %mul3A_210 = arith.constant 6 : i32
      %mul3A_211 = arith.muli %scan3A_73, %mul3A_210 : i32
      %add3A_212 = arith.constant 5 : i32
      %add3A_213 = arith.addi %mul3A_211, %add3A_212 : i32
      %ge3A_214 = arith.constant 1 : i32
      %ge3A_215 = arith.cmpi sge, %add3A_213, %ge3A_214 : i32
      %sub3A_216 = arith.constant 1 : i32
      %sub3A_217 = arith.subi %add3A_213, %sub3A_216 : i32
      %lt3A_218 = arith.constant 250 : i32
      %lt3A_219 = arith.cmpi slt, %sub3A_217, %lt3A_218 : i32
      %and3A_220 = arith.andi %ge3A_215, %lt3A_219 : i1
      %convert_element_type3A_221 = arith.extui %and3A_220 : i1 to i32
      %cond3A_222 = arith.constant 0 : i32
      %cond3A_223 = arith.cmpi ne, %convert_element_type3A_221, %cond3A_222 : i32
      scf.if %cond3A_223 {
        %sub3A_238 = arith.constant 1 : i32
        %sub3A_239 = arith.subi %add3A_213, %sub3A_238 : i32
        %mul3A_240 = arith.constant 40 : i32
        %mul3A_241 = arith.muli %sub3A_239, %mul3A_240 : i32
        %dma_wait3A = arith.constant 4 : i32
        %dma_wait3A_242 = arith.constant 0 : i32
        %dma_wait3A_243 = arith.constant 0 : i32
        %dma_wait3A_244 = tpu.memref_slice %arg10[%dma_wait3A, %dma_wait3A_242, %dma_wait3A_243] : memref<6x40x128xf32, #tpu.memory_space<vmem>> -> memref<1x40x128xf32, #tpu.memory_space<vmem>>
        %dma_wait3A_245 = tpu.memref_squeeze %dma_wait3A_244 : memref<1x40x128xf32, #tpu.memory_space<vmem>> -> memref<40x128xf32, #tpu.memory_space<vmem>>
        %dma_wait3A_246 = tpu.memref_slice %arg9[%mul3A_241] : memref<10000xi32, #tpu.memory_space<vmem>> -> memref<40xi32, #tpu.memory_space<vmem>>
        %dma_wait3A_247 = arith.constant 0 : i32
        %dma_wait3A_248 = arith.constant 0 : i32
        %dma_wait3A_249 = tpu.memref_slice %arg7[%dma_wait3A_247, %dma_wait3A_248] : memref<10000x128xf32, #tpu.memory_space<vmem_shared>> -> memref<10000x128xf32, #tpu.memory_space<vmem_shared>>
        tpu.wait_indirect_dma semaphore(%arg21 : memref<!tpu.dma_semaphore, #tpu.memory_space<semaphore_mem>>) src(%dma_wait3A_245 : memref<40x128xf32, #tpu.memory_space<vmem>>) dst(%dma_wait3A_249 : memref<10000x128xf32, #tpu.memory_space<vmem_shared>>)
      } else {
      }
      %add3A_224 = arith.constant 6 : i32
      %add3A_225 = arith.addi %add3A_213, %add3A_224 : i32
      %sub3A_226 = arith.constant 1 : i32
      %sub3A_227 = arith.subi %add3A_225, %sub3A_226 : i32
      %lt3A_228 = arith.constant 250 : i32
      %lt3A_229 = arith.cmpi slt, %sub3A_227, %lt3A_228 : i32
      %convert_element_type3A_230 = arith.extui %lt3A_229 : i1 to i32
      %cond3A_231 = arith.constant 0 : i32
      %cond3A_232 = arith.cmpi ne, %convert_element_type3A_230, %cond3A_231 : i32
      scf.if %cond3A_232 {
        %add3A_238 = arith.constant 6 : i32
        %add3A_239 = arith.addi %add3A_213, %add3A_238 : i32
        %sub3A_240 = arith.constant 1 : i32
        %sub3A_241 = arith.subi %add3A_239, %sub3A_240 : i32
        %mul3A_242 = arith.constant 40 : i32
        %mul3A_243 = arith.muli %sub3A_241, %mul3A_242 : i32
        %dma_start3A_244 = arith.constant 4 : i32
        %dma_start3A_245 = arith.constant 0 : i32
        %dma_start3A_246 = arith.constant 0 : i32
        %dma_start3A_247 = tpu.memref_slice %arg10[%dma_start3A_244, %dma_start3A_245, %dma_start3A_246] : memref<6x40x128xf32, #tpu.memory_space<vmem>> -> memref<1x40x128xf32, #tpu.memory_space<vmem>>
        %dma_start3A_248 = tpu.memref_squeeze %dma_start3A_247 : memref<1x40x128xf32, #tpu.memory_space<vmem>> -> memref<40x128xf32, #tpu.memory_space<vmem>>
        %dma_start3A_249 = tpu.memref_slice %arg8[%mul3A_243] : memref<10000xi32, #tpu.memory_space<vmem>> -> memref<40xi32, #tpu.memory_space<vmem>>
        %dma_start3A_250 = arith.constant 0 : i32
        %dma_start3A_251 = arith.constant 0 : i32
        %dma_start3A_252 = tpu.memref_slice %arg2[%dma_start3A_250, %dma_start3A_251] : memref<10000x128xf32, #tpu.memory_space<hbm>> -> memref<10000x128xf32, #tpu.memory_space<hbm>>
        tpu.enqueue_indirect_dma source(%dma_start3A_252 : memref<10000x128xf32, #tpu.memory_space<hbm>>) target(%dma_start3A_248 : memref<40x128xf32, #tpu.memory_space<vmem>>) offsets(%dma_start3A_249 : memref<40xi32, #tpu.memory_space<vmem>>) semaphore(%arg15 : memref<!tpu.dma_semaphore, #tpu.memory_space<semaphore_mem>>)
      } else {
      }
      %lt3A_233 = arith.constant 250 : i32
      %lt3A_234 = arith.cmpi slt, %add3A_213, %lt3A_233 : i32
      %convert_element_type3A_235 = arith.extui %lt3A_234 : i1 to i32
      %cond3A_236 = arith.constant 0 : i32
      %cond3A_237 = arith.cmpi ne, %convert_element_type3A_235, %cond3A_236 : i32
      scf.if %cond3A_237 {
        %mul3A_238 = arith.constant 40 : i32
        %mul3A_239 = arith.muli %add3A_213, %mul3A_238 : i32
        %dma_wait3A = arith.constant 5 : i32
        %dma_wait3A_240 = arith.constant 0 : i32
        %dma_wait3A_241 = arith.constant 0 : i32
        %dma_wait3A_242 = tpu.memref_slice %arg10[%dma_wait3A, %dma_wait3A_240, %dma_wait3A_241] : memref<6x40x128xf32, #tpu.memory_space<vmem>> -> memref<1x40x128xf32, #tpu.memory_space<vmem>>
        %dma_wait3A_243 = tpu.memref_squeeze %dma_wait3A_242 : memref<1x40x128xf32, #tpu.memory_space<vmem>> -> memref<40x128xf32, #tpu.memory_space<vmem>>
        %dma_wait3A_244 = tpu.memref_slice %arg8[%mul3A_239] : memref<10000xi32, #tpu.memory_space<vmem>> -> memref<40xi32, #tpu.memory_space<vmem>>
        %dma_wait3A_245 = arith.constant 0 : i32
        %dma_wait3A_246 = arith.constant 0 : i32
        %dma_wait3A_247 = tpu.memref_slice %arg2[%dma_wait3A_245, %dma_wait3A_246] : memref<10000x128xf32, #tpu.memory_space<hbm>> -> memref<10000x128xf32, #tpu.memory_space<hbm>>
        tpu.wait_indirect_dma semaphore(%arg16 : memref<!tpu.dma_semaphore, #tpu.memory_space<semaphore_mem>>) src(%dma_wait3A_247 : memref<10000x128xf32, #tpu.memory_space<hbm>>) dst(%dma_wait3A_243 : memref<40x128xf32, #tpu.memory_space<vmem>>)
        %mul3A_248 = arith.constant 40 : i32
        %mul3A_249 = arith.muli %add3A_213, %mul3A_248 : i32
        %dma_start3A_250 = arith.constant 5 : i32
        %dma_start3A_251 = arith.constant 0 : i32
        %dma_start3A_252 = arith.constant 0 : i32
        %dma_start3A_253 = tpu.memref_slice %arg10[%dma_start3A_250, %dma_start3A_251, %dma_start3A_252] : memref<6x40x128xf32, #tpu.memory_space<vmem>> -> memref<1x40x128xf32, #tpu.memory_space<vmem>>
        %dma_start3A_254 = tpu.memref_squeeze %dma_start3A_253 : memref<1x40x128xf32, #tpu.memory_space<vmem>> -> memref<40x128xf32, #tpu.memory_space<vmem>>
        %dma_start3A_255 = tpu.memref_slice %arg9[%mul3A_249] : memref<10000xi32, #tpu.memory_space<vmem>> -> memref<40xi32, #tpu.memory_space<vmem>>
        %dma_start3A_256 = arith.constant 0 : i32
        %dma_start3A_257 = arith.constant 0 : i32
        %dma_start3A_258 = tpu.memref_slice %arg7[%dma_start3A_256, %dma_start3A_257] : memref<10000x128xf32, #tpu.memory_space<vmem_shared>> -> memref<10000x128xf32, #tpu.memory_space<vmem_shared>>
        tpu.enqueue_indirect_dma source(%dma_start3A_254 : memref<40x128xf32, #tpu.memory_space<vmem>>) target(%dma_start3A_258 : memref<10000x128xf32, #tpu.memory_space<vmem_shared>>) offsets(%dma_start3A_255 : memref<40xi32, #tpu.memory_space<vmem>>) semaphore(%arg22 : memref<!tpu.dma_semaphore, #tpu.memory_space<semaphore_mem>>) {add = true}
      } else {
      }
    }
    %scan3A_66 = arith.constant 43 : i32
    %barrier3A_67 = arith.constant 0 : index
    tpu.barrier barrier_id(%barrier3A_67)
    "tpu.region"() ({
      %run_scoped3A = tpu.sem_alloc : memref<!tpu.dma_semaphore, #tpu.memory_space<semaphore_mem>>
      %dma_start3A_73 = arith.constant 0 : i32
      %dma_start3A_74 = arith.constant 0 : i32
      %dma_start3A_75 = tpu.memref_slice %arg6[%arg0, %dma_start3A_73, %dma_start3A_74] : memref<2x10000x128xf32, #tpu.memory_space<hbm>> -> memref<1x10000x128xf32, #tpu.memory_space<hbm>>
      %dma_start3A_76 = tpu.memref_squeeze %dma_start3A_75 : memref<1x10000x128xf32, #tpu.memory_space<hbm>> -> memref<10000x128xf32, #tpu.memory_space<hbm>>
      %dma_start3A_77 = arith.constant 0 : i32
      %dma_start3A_78 = tpu.memref_slice %dma_start3A_76[%mul3A_2, %dma_start3A_77] : memref<10000x128xf32, #tpu.memory_space<hbm>> -> memref<624x128xf32, #tpu.memory_space<hbm>>
      %dma_start3A_79 = arith.constant 0 : i32
      %dma_start3A_80 = tpu.memref_slice %arg7[%mul3A_2, %dma_start3A_79] : memref<10000x128xf32, #tpu.memory_space<vmem_shared>> -> memref<624x128xf32, #tpu.memory_space<vmem_shared>>
      tpu.enqueue_dma source(%dma_start3A_80 : memref<624x128xf32, #tpu.memory_space<vmem_shared>>) target(%dma_start3A_78 : memref<624x128xf32, #tpu.memory_space<hbm>>) target_semaphore(%run_scoped3A : memref<!tpu.dma_semaphore, #tpu.memory_space<semaphore_mem>>)
      %dma_wait3A = arith.constant 0 : i32
      %dma_wait3A_81 = arith.constant 0 : i32
      %dma_wait3A_82 = tpu.memref_slice %arg6[%arg0, %dma_wait3A, %dma_wait3A_81] : memref<2x10000x128xf32, #tpu.memory_space<hbm>> -> memref<1x10000x128xf32, #tpu.memory_space<hbm>>
      %dma_wait3A_83 = tpu.memref_squeeze %dma_wait3A_82 : memref<1x10000x128xf32, #tpu.memory_space<hbm>> -> memref<10000x128xf32, #tpu.memory_space<hbm>>
      %dma_wait3A_84 = arith.constant 0 : i32
      %dma_wait3A_85 = tpu.memref_slice %dma_wait3A_83[%mul3A_2, %dma_wait3A_84] : memref<10000x128xf32, #tpu.memory_space<hbm>> -> memref<624x128xf32, #tpu.memory_space<hbm>>
      %dma_wait3A_86 = arith.constant 0 : i32
      %dma_wait3A_87 = tpu.memref_slice %arg7[%mul3A_2, %dma_wait3A_86] : memref<10000x128xf32, #tpu.memory_space<vmem_shared>> -> memref<624x128xf32, #tpu.memory_space<vmem_shared>>
      tpu.wait_dma2 semaphore(%run_scoped3A : memref<!tpu.dma_semaphore, #tpu.memory_space<semaphore_mem>>) src(%dma_wait3A_87 : memref<624x128xf32, #tpu.memory_space<vmem_shared>>) dst(%dma_wait3A_85 : memref<624x128xf32, #tpu.memory_space<hbm>>)
      tpu.yield
    }) : () -> ()
    %eq3A_68 = arith.constant 15 : i32
    %eq3A_69 = arith.cmpi eq, %arg1, %eq3A_68 : i32
    %convert_element_type3A_70 = arith.extui %eq3A_69 : i1 to i32
    %cond3A_71 = arith.constant 0 : i32
    %cond3A_72 = arith.cmpi ne, %convert_element_type3A_70, %cond3A_71 : i32
    scf.if %cond3A_72 {
      "tpu.region"() ({
        %run_scoped3A = tpu.sem_alloc : memref<!tpu.dma_semaphore, #tpu.memory_space<semaphore_mem>>
        %dma_start3A_73 = arith.constant 0 : i32
        %dma_start3A_74 = arith.constant 0 : i32
        %dma_start3A_75 = tpu.memref_slice %arg6[%arg0, %dma_start3A_73, %dma_start3A_74] : memref<2x10000x128xf32, #tpu.memory_space<hbm>> -> memref<1x10000x128xf32, #tpu.memory_space<hbm>>
        %dma_start3A_76 = tpu.memref_squeeze %dma_start3A_75 : memref<1x10000x128xf32, #tpu.memory_space<hbm>> -> memref<10000x128xf32, #tpu.memory_space<hbm>>
        %dma_start3A_77 = arith.constant 9984 : i32
        %dma_start3A_78 = arith.constant 0 : i32
        %dma_start3A_79 = tpu.memref_slice %dma_start3A_76[%dma_start3A_77, %dma_start3A_78] : memref<10000x128xf32, #tpu.memory_space<hbm>> -> memref<16x128xf32, #tpu.memory_space<hbm>>
        %dma_start3A_80 = arith.constant 9984 : i32
        %dma_start3A_81 = arith.constant 0 : i32
        %dma_start3A_82 = tpu.memref_slice %arg7[%dma_start3A_80, %dma_start3A_81] : memref<10000x128xf32, #tpu.memory_space<vmem_shared>> -> memref<16x128xf32, #tpu.memory_space<vmem_shared>>
        tpu.enqueue_dma source(%dma_start3A_82 : memref<16x128xf32, #tpu.memory_space<vmem_shared>>) target(%dma_start3A_79 : memref<16x128xf32, #tpu.memory_space<hbm>>) target_semaphore(%run_scoped3A : memref<!tpu.dma_semaphore, #tpu.memory_space<semaphore_mem>>)
        %dma_wait3A = arith.constant 0 : i32
        %dma_wait3A_83 = arith.constant 0 : i32
        %dma_wait3A_84 = tpu.memref_slice %arg6[%arg0, %dma_wait3A, %dma_wait3A_83] : memref<2x10000x128xf32, #tpu.memory_space<hbm>> -> memref<1x10000x128xf32, #tpu.memory_space<hbm>>
        %dma_wait3A_85 = tpu.memref_squeeze %dma_wait3A_84 : memref<1x10000x128xf32, #tpu.memory_space<hbm>> -> memref<10000x128xf32, #tpu.memory_space<hbm>>
        %dma_wait3A_86 = arith.constant 9984 : i32
        %dma_wait3A_87 = arith.constant 0 : i32
        %dma_wait3A_88 = tpu.memref_slice %dma_wait3A_85[%dma_wait3A_86, %dma_wait3A_87] : memref<10000x128xf32, #tpu.memory_space<hbm>> -> memref<16x128xf32, #tpu.memory_space<hbm>>
        %dma_wait3A_89 = arith.constant 9984 : i32
        %dma_wait3A_90 = arith.constant 0 : i32
        %dma_wait3A_91 = tpu.memref_slice %arg7[%dma_wait3A_89, %dma_wait3A_90] : memref<10000x128xf32, #tpu.memory_space<vmem_shared>> -> memref<16x128xf32, #tpu.memory_space<vmem_shared>>
        tpu.wait_dma2 semaphore(%run_scoped3A : memref<!tpu.dma_semaphore, #tpu.memory_space<semaphore_mem>>) src(%dma_wait3A_91 : memref<16x128xf32, #tpu.memory_space<vmem_shared>>) dst(%dma_wait3A_88 : memref<16x128xf32, #tpu.memory_space<hbm>>)
        tpu.yield
      }) : () -> ()
    } else {
    }
    return
  }
}

module attributes {stable_mosaic.version = 14 : i64} {
  func.func @_tc_prep_body(%arg0: i32, %arg1: memref<2000x2xf32, #tpu.memory_space<vmem>>, %arg2: memref<2000x128xf32, #tpu.memory_space<vmem>>, %arg3: memref<128x128xf32, #tpu.memory_space<vmem>>, %arg4: memref<2000x128xf32, #tpu.memory_space<vmem>>, %arg5: memref<2000x1xf32, #tpu.memory_space<vmem>>) attributes {dimension_semantics = [#tpu.dimension_semantics<arbitrary>], iteration_bounds = array<i64: 5>, scalar_prefetch = 0 : i64, scratch_operands = 0 : i64, tpu.core_type = #tpu.core_type<tc>, window_params = [{transform_indices = @transform_0, window_bounds = array<i64: 2000, 2>}, {transform_indices = @transform_1, window_bounds = array<i64: 2000, 128>}, {pipeline_mode = #tpu.pipeline_mode<synchronous>, transform_indices = @transform_2, window_bounds = array<i64: 128, 128>}, {transform_indices = @transform_3, window_bounds = array<i64: 2000, 128>}, {transform_indices = @transform_4, window_bounds = array<i64: 2000, 1>}]} {
    %get3A = arith.constant 0 : index
    %get3A_0 = arith.constant 0 : index
    %get3A_1 = vector.load %arg1[%get3A, %get3A_0] : memref<2000x2xf32, #tpu.memory_space<vmem>>, vector<2000x2xf32>
    %slice3A = vector.extract_strided_slice %get3A_1 {offsets = [0, 0], sizes = [2000, 1], strides = [1, 1]} : vector<2000x2xf32> to vector<2000x1xf32>
    %slice3A_2 = vector.extract_strided_slice %get3A_1 {offsets = [0, 1], sizes = [2000, 1], strides = [1, 1]} : vector<2000x2xf32> to vector<2000x1xf32>
    %add3A = arith.addf %slice3A, %slice3A_2 : vector<2000x1xf32>
    %add3A_3 = arith.constant 1.000000e+00 : f32
    %add3A_4 = vector.broadcast %add3A_3 : f32 to vector<2000x1xf32>
    %add3A_5 = arith.addf %add3A, %add3A_4 : vector<2000x1xf32>
    %rsqrt3A = math.rsqrt %add3A_5 : vector<2000x1xf32>
    %swap3A = arith.constant 0 : index
    %swap3A_6 = arith.constant 0 : index
    %swap3A_7 = vector.load %arg5[%swap3A, %swap3A_6] : memref<2000x1xf32, #tpu.memory_space<vmem>>, vector<2000x1xf32>
    tpu.vector_store %arg5[%swap3A, %swap3A_6], %rsqrt3A {strides = array<i32>} : memref<2000x1xf32, #tpu.memory_space<vmem>>, vector<2000x1xf32>,
    %get3A_8 = arith.constant 0 : index
    %get3A_9 = arith.constant 0 : index
    %get3A_10 = vector.load %arg2[%get3A_8, %get3A_9] : memref<2000x128xf32, #tpu.memory_space<vmem>>, vector<2000x128xf32>
    %get3A_11 = arith.constant 0 : index
    %get3A_12 = arith.constant 0 : index
    %get3A_13 = vector.load %arg3[%get3A_11, %get3A_12] : memref<128x128xf32, #tpu.memory_space<vmem>>, vector<128x128xf32>
    %dot_general3A = arith.constant dense<0.000000e+00> : vector<2000x128xf32>
    %dot_general3A_14 = tpu.matmul %get3A_10, %get3A_13, %dot_general3A {dimension_numbers = #tpu.dot_dimension_numbers<[1], [0], [0], [1], [0, 0, 1, 1], [], []>, transpose_lhs_hint = false} : vector<2000x128xf32>, vector<128x128xf32>, vector<2000x128xf32> -> vector<2000x128xf32>
    %mul3A = vector.broadcast %rsqrt3A : vector<2000x1xf32> to vector<2000x128xf32>
    %mul3A_15 = arith.mulf %mul3A, %dot_general3A_14 : vector<2000x128xf32>
    %swap3A_16 = arith.constant 0 : index
    %swap3A_17 = arith.constant 0 : index
    %swap3A_18 = vector.load %arg4[%swap3A_16, %swap3A_17] : memref<2000x128xf32, #tpu.memory_space<vmem>>, vector<2000x128xf32>
    tpu.vector_store %arg4[%swap3A_16, %swap3A_17], %mul3A_15 {strides = array<i32>} : memref<2000x128xf32, #tpu.memory_space<vmem>>, vector<2000x128xf32>,
    return
  }
  func.func @transform_0(%arg0: i32) -> (i32, i32) {
    %c0_i32 = arith.constant 0 : i32
    %c0_i32_0 = arith.constant 0 : i32
    return %arg0, %c0_i32 : i32, i32
  }
  func.func @transform_1(%arg0: i32) -> (i32, i32) {
    %c0_i32 = arith.constant 0 : i32
    %c0_i32_0 = arith.constant 0 : i32
    return %arg0, %c0_i32 : i32, i32
  }
  func.func @transform_2(%arg0: i32) -> (i32, i32) {
    %c0_i32 = arith.constant 0 : i32
    %c0_i32_0 = arith.constant 0 : i32
    %c0_i32_1 = arith.constant 0 : i32
    return %c0_i32, %c0_i32_0 : i32, i32
  }
  func.func @transform_3(%arg0: i32) -> (i32, i32) {
    %c0_i32 = arith.constant 0 : i32
    %c0_i32_0 = arith.constant 0 : i32
    return %arg0, %c0_i32 : i32, i32
  }
  func.func @transform_4(%arg0: i32) -> (i32, i32) {
    %c0_i32 = arith.constant 0 : i32
    %c0_i32_0 = arith.constant 0 : i32
    return %arg0, %c0_i32 : i32, i32
  }
}

module attributes {stable_mosaic.version = 14 : i64} {
  func.func @_tc_mid_body(%arg0: i32, %arg1: memref<2x2000x128xf32, #tpu.memory_space<vmem>>, %arg2: memref<2000x1xf32, #tpu.memory_space<vmem>>, %arg3: memref<1x128xf32, #tpu.memory_space<vmem>>, %arg4: memref<128x128xf32, #tpu.memory_space<vmem>>, %arg5: memref<2000x128xf32, #tpu.memory_space<vmem>>) attributes {dimension_semantics = [#tpu.dimension_semantics<arbitrary>], iteration_bounds = array<i64: 5>, scalar_prefetch = 0 : i64, scratch_operands = 0 : i64, tpu.core_type = #tpu.core_type<tc>, window_params = [{transform_indices = @transform_0, window_bounds = array<i64: 2, 2000, 128>}, {transform_indices = @transform_1, window_bounds = array<i64: 2000, 1>}, {pipeline_mode = #tpu.pipeline_mode<synchronous>, transform_indices = @transform_2, window_bounds = array<i64: 1, 128>}, {pipeline_mode = #tpu.pipeline_mode<synchronous>, transform_indices = @transform_3, window_bounds = array<i64: 128, 128>}, {transform_indices = @transform_4, window_bounds = array<i64: 2000, 128>}]} {
    %get3A = arith.constant 0 : index
    %get3A_0 = arith.constant 0 : index
    %get3A_1 = vector.load %arg2[%get3A, %get3A_0] : memref<2000x1xf32, #tpu.memory_space<vmem>>, vector<2000x1xf32>
    %get3A_2 = arith.constant 0 : index
    %get3A_3 = arith.constant 0 : index
    %get3A_4 = arith.constant 0 : index
    %get3A_5 = vector.load %arg1[%get3A_2, %get3A_3, %get3A_4] : memref<2x2000x128xf32, #tpu.memory_space<vmem>>, vector<1x2000x128xf32>
    %get3A_6 = vector.shape_cast %get3A_5 : vector<1x2000x128xf32> to vector<2000x128xf32>
    %get3A_7 = arith.constant 1 : index
    %get3A_8 = arith.constant 0 : index
    %get3A_9 = arith.constant 0 : index
    %get3A_10 = vector.load %arg1[%get3A_7, %get3A_8, %get3A_9] : memref<2x2000x128xf32, #tpu.memory_space<vmem>>, vector<1x2000x128xf32>
    %get3A_11 = vector.shape_cast %get3A_10 : vector<1x2000x128xf32> to vector<2000x128xf32>
    %add3A = arith.addf %get3A_6, %get3A_11 : vector<2000x128xf32>
    %mul3A = vector.broadcast %get3A_1 : vector<2000x1xf32> to vector<2000x128xf32>
    %mul3A_12 = arith.mulf %mul3A, %add3A : vector<2000x128xf32>
    %get3A_13 = arith.constant 0 : index
    %get3A_14 = arith.constant 0 : index
    %get3A_15 = vector.load %arg3[%get3A_13, %get3A_14] : memref<1x128xf32, #tpu.memory_space<vmem>>, vector<1x128xf32>
    %add3A_16 = vector.broadcast %get3A_15 : vector<1x128xf32> to vector<2000x128xf32>
    %add3A_17 = arith.addf %mul3A_12, %add3A_16 : vector<2000x128xf32>
    %max3A = arith.constant 0.000000e+00 : f32
    %max3A_18 = vector.broadcast %max3A : f32 to vector<2000x128xf32>
    %max3A_19 = arith.maximumf %add3A_17, %max3A_18 : vector<2000x128xf32>
    %get3A_20 = arith.constant 0 : index
    %get3A_21 = arith.constant 0 : index
    %get3A_22 = vector.load %arg4[%get3A_20, %get3A_21] : memref<128x128xf32, #tpu.memory_space<vmem>>, vector<128x128xf32>
    %dot_general3A = arith.constant dense<0.000000e+00> : vector<2000x128xf32>
    %dot_general3A_23 = tpu.matmul %max3A_19, %get3A_22, %dot_general3A {dimension_numbers = #tpu.dot_dimension_numbers<[1], [0], [0], [1], [0, 0, 1, 1], [], []>, transpose_lhs_hint = false} : vector<2000x128xf32>, vector<128x128xf32>, vector<2000x128xf32> -> vector<2000x128xf32>
    %mul3A_24 = vector.broadcast %get3A_1 : vector<2000x1xf32> to vector<2000x128xf32>
    %mul3A_25 = arith.mulf %mul3A_24, %dot_general3A_23 : vector<2000x128xf32>
    %swap3A = arith.constant 0 : index
    %swap3A_26 = arith.constant 0 : index
    %swap3A_27 = vector.load %arg5[%swap3A, %swap3A_26] : memref<2000x128xf32, #tpu.memory_space<vmem>>, vector<2000x128xf32>
    tpu.vector_store %arg5[%swap3A, %swap3A_26], %mul3A_25 {strides = array<i32>} : memref<2000x128xf32, #tpu.memory_space<vmem>>, vector<2000x128xf32>,
    return
  }
  func.func @transform_0(%arg0: i32) -> (i32, i32, i32) {
    %c0_i32 = arith.constant 0 : i32
    %c0_i32_0 = arith.constant 0 : i32
    %c0_i32_1 = arith.constant 0 : i32
    return %c0_i32, %arg0, %c0_i32_0 : i32, i32, i32
  }
  func.func @transform_1(%arg0: i32) -> (i32, i32) {
    %c0_i32 = arith.constant 0 : i32
    %c0_i32_0 = arith.constant 0 : i32
    return %arg0, %c0_i32 : i32, i32
  }
  func.func @transform_2(%arg0: i32) -> (i32, i32) {
    %c0_i32 = arith.constant 0 : i32
    %c0_i32_0 = arith.constant 0 : i32
    %c0_i32_1 = arith.constant 0 : i32
    return %c0_i32, %c0_i32_0 : i32, i32
  }
  func.func @transform_3(%arg0: i32) -> (i32, i32) {
    %c0_i32 = arith.constant 0 : i32
    %c0_i32_0 = arith.constant 0 : i32
    %c0_i32_1 = arith.constant 0 : i32
    return %c0_i32, %c0_i32_0 : i32, i32
  }
  func.func @transform_4(%arg0: i32) -> (i32, i32) {
    %c0_i32 = arith.constant 0 : i32
    %c0_i32_0 = arith.constant 0 : i32
    return %arg0, %c0_i32 : i32, i32
  }
}

module attributes {stable_mosaic.version = 14 : i64} {
  func.func @_tc_final_body(%arg0: i32, %arg1: memref<2x2000x128xf32, #tpu.memory_space<vmem>>, %arg2: memref<2000x1xf32, #tpu.memory_space<vmem>>, %arg3: memref<1x128xf32, #tpu.memory_space<vmem>>, %arg4: memref<1x1x2000xi32, #tpu.memory_space<vmem>>, %arg5: memref<64x128xf32, #tpu.memory_space<vmem>>, %arg6: memref<64x128xf32, #tpu.memory_space<vmem>>, %arg7: memref<64x1xf32, #tpu.memory_space<vmem>>) attributes {dimension_semantics = [#tpu.dimension_semantics<arbitrary>], iteration_bounds = array<i64: 5>, scalar_prefetch = 0 : i64, scratch_operands = 2 : i64, tpu.core_type = #tpu.core_type<tc>, window_params = [{transform_indices = @transform_0, window_bounds = array<i64: 2, 2000, 128>}, {transform_indices = @transform_1, window_bounds = array<i64: 2000, 1>}, {pipeline_mode = #tpu.pipeline_mode<synchronous>, transform_indices = @transform_2, window_bounds = array<i64: 1, 128>}, {transform_indices = @transform_3, window_bounds = array<i64: 1, 1, 2000>}, {pipeline_mode = #tpu.pipeline_mode<synchronous>, transform_indices = @transform_4, window_bounds = array<i64: 64, 128>}]} {
    %get3A = arith.constant 0 : index
    %get3A_0 = arith.constant 0 : index
    %get3A_1 = vector.load %arg2[%get3A, %get3A_0] : memref<2000x1xf32, #tpu.memory_space<vmem>>, vector<2000x1xf32>
    %get3A_2 = arith.constant 0 : index
    %get3A_3 = arith.constant 0 : index
    %get3A_4 = arith.constant 0 : index
    %get3A_5 = vector.load %arg1[%get3A_2, %get3A_3, %get3A_4] : memref<2x2000x128xf32, #tpu.memory_space<vmem>>, vector<1x2000x128xf32>
    %get3A_6 = vector.shape_cast %get3A_5 : vector<1x2000x128xf32> to vector<2000x128xf32>
    %get3A_7 = arith.constant 1 : index
    %get3A_8 = arith.constant 0 : index
    %get3A_9 = arith.constant 0 : index
    %get3A_10 = vector.load %arg1[%get3A_7, %get3A_8, %get3A_9] : memref<2x2000x128xf32, #tpu.memory_space<vmem>>, vector<1x2000x128xf32>
    %get3A_11 = vector.shape_cast %get3A_10 : vector<1x2000x128xf32> to vector<2000x128xf32>
    %add3A = arith.addf %get3A_6, %get3A_11 : vector<2000x128xf32>
    %mul3A = vector.broadcast %get3A_1 : vector<2000x1xf32> to vector<2000x128xf32>
    %mul3A_12 = arith.mulf %mul3A, %add3A : vector<2000x128xf32>
    %get3A_13 = arith.constant 0 : index
    %get3A_14 = arith.constant 0 : index
    %get3A_15 = vector.load %arg3[%get3A_13, %get3A_14] : memref<1x128xf32, #tpu.memory_space<vmem>>, vector<1x128xf32>
    %add3A_16 = vector.broadcast %get3A_15 : vector<1x128xf32> to vector<2000x128xf32>
    %add3A_17 = arith.addf %mul3A_12, %add3A_16 : vector<2000x128xf32>
    %get3A_18 = arith.constant 0 : index
    %get3A_19 = arith.constant 0 : index
    %get3A_20 = arith.constant 0 : index
    %get3A_21 = vector.load %arg4[%get3A_18, %get3A_19, %get3A_20] : memref<1x1x2000xi32, #tpu.memory_space<vmem>>, vector<1x1x2000xi32>
    %get3A_22 = vector.shape_cast %get3A_21 : vector<1x1x2000xi32> to vector<2000xi32>
    %reshape3A = vector.shape_cast %get3A_22 : vector<2000xi32> to vector<1x2000xi32>
    %iota3A = tpu.iota {dimensions = array<i32: 0>} : vector<64x2000xi32>
    %eq3A = vector.broadcast %reshape3A : vector<1x2000xi32> to vector<64x2000xi32>
    %eq3A_23 = arith.cmpi eq, %iota3A, %eq3A : vector<64x2000xi32>
    %convert_element_type3A = arith.extui %eq3A_23 : vector<64x2000xi1> to vector<64x2000xi32>
    %convert_element_type3A_24 = arith.sitofp %convert_element_type3A : vector<64x2000xi32> to vector<64x2000xf32>
    %eq3A_25 = arith.constant 0 : i32
    %eq3A_26 = arith.cmpi eq, %arg0, %eq3A_25 : i32
    %convert_element_type3A_27 = arith.extui %eq3A_26 : i1 to i32
    %cond3A = arith.constant 0 : i32
    %cond3A_28 = arith.cmpi ne, %convert_element_type3A_27, %cond3A : i32
    scf.if %cond3A_28 {
      %broadcast_in_dim3A_49 = arith.constant 0.000000e+00 : f32
      %broadcast_in_dim3A_50 = vector.broadcast %broadcast_in_dim3A_49 : f32 to vector<64x128xf32>
      %swap3A_51 = arith.constant 0 : index
      %swap3A_52 = arith.constant 0 : index
      %swap3A_53 = vector.load %arg6[%swap3A_51, %swap3A_52] : memref<64x128xf32, #tpu.memory_space<vmem>>, vector<64x128xf32>
      tpu.vector_store %arg6[%swap3A_51, %swap3A_52], %broadcast_in_dim3A_50 {strides = array<i32>} : memref<64x128xf32, #tpu.memory_space<vmem>>, vector<64x128xf32>,
      %broadcast_in_dim3A_54 = arith.constant 0.000000e+00 : f32
      %broadcast_in_dim3A_55 = vector.broadcast %broadcast_in_dim3A_54 : f32 to vector<64x1xf32>
      %swap3A_56 = arith.constant 0 : index
      %swap3A_57 = arith.constant 0 : index
      %swap3A_58 = vector.load %arg7[%swap3A_56, %swap3A_57] : memref<64x1xf32, #tpu.memory_space<vmem>>, vector<64x1xf32>
      tpu.vector_store %arg7[%swap3A_56, %swap3A_57], %broadcast_in_dim3A_55 {strides = array<i32>} : memref<64x1xf32, #tpu.memory_space<vmem>>, vector<64x1xf32>,
    } else {
    }
    %get3A_29 = arith.constant 0 : index
    %get3A_30 = arith.constant 0 : index
    %get3A_31 = vector.load %arg6[%get3A_29, %get3A_30] : memref<64x128xf32, #tpu.memory_space<vmem>>, vector<64x128xf32>
    %dot_general3A = arith.constant dense<0.000000e+00> : vector<64x128xf32>
    %dot_general3A_32 = tpu.matmul %convert_element_type3A_24, %add3A_17, %dot_general3A {dimension_numbers = #tpu.dot_dimension_numbers<[1], [0], [0], [1], [0, 0, 1, 1], [], []>, transpose_lhs_hint = false} : vector<64x2000xf32>, vector<2000x128xf32>, vector<64x128xf32> -> vector<64x128xf32>
    %add3A_33 = arith.addf %get3A_31, %dot_general3A_32 : vector<64x128xf32>
    %swap3A = arith.constant 0 : index
    %swap3A_34 = arith.constant 0 : index
    %swap3A_35 = vector.load %arg6[%swap3A, %swap3A_34] : memref<64x128xf32, #tpu.memory_space<vmem>>, vector<64x128xf32>
    tpu.vector_store %arg6[%swap3A, %swap3A_34], %add3A_33 {strides = array<i32>} : memref<64x128xf32, #tpu.memory_space<vmem>>, vector<64x128xf32>,
    %get3A_36 = arith.constant 0 : index
    %get3A_37 = arith.constant 0 : index
    %get3A_38 = vector.load %arg7[%get3A_36, %get3A_37] : memref<64x1xf32, #tpu.memory_space<vmem>>, vector<64x1xf32>
    %reduce_sum3A = arith.constant dense<0.000000e+00> : vector<64xf32>
    %reduce_sum3A_39 = vector.multi_reduction <add>, %convert_element_type3A_24, %reduce_sum3A [1] : vector<64x2000xf32> to vector<64xf32>
    %broadcast_in_dim3A = vector.shape_cast %reduce_sum3A_39 : vector<64xf32> to vector<64x1xf32>
    %add3A_40 = arith.addf %get3A_38, %broadcast_in_dim3A : vector<64x1xf32>
    %swap3A_41 = arith.constant 0 : index
    %swap3A_42 = arith.constant 0 : index
    %swap3A_43 = vector.load %arg7[%swap3A_41, %swap3A_42] : memref<64x1xf32, #tpu.memory_space<vmem>>, vector<64x1xf32>
    tpu.vector_store %arg7[%swap3A_41, %swap3A_42], %add3A_40 {strides = array<i32>} : memref<64x1xf32, #tpu.memory_space<vmem>>, vector<64x1xf32>,
    %eq3A_44 = arith.constant 4 : i32
    %eq3A_45 = arith.cmpi eq, %arg0, %eq3A_44 : i32
    %convert_element_type3A_46 = arith.extui %eq3A_45 : i1 to i32
    %cond3A_47 = arith.constant 0 : i32
    %cond3A_48 = arith.cmpi ne, %convert_element_type3A_46, %cond3A_47 : i32
    scf.if %cond3A_48 {
      %get3A_49 = arith.constant 0 : index
      %get3A_50 = arith.constant 0 : index
      %get3A_51 = vector.load %arg6[%get3A_49, %get3A_50] : memref<64x128xf32, #tpu.memory_space<vmem>>, vector<64x128xf32>
      %get3A_52 = arith.constant 0 : index
      %get3A_53 = arith.constant 0 : index
      %get3A_54 = vector.load %arg7[%get3A_52, %get3A_53] : memref<64x1xf32, #tpu.memory_space<vmem>>, vector<64x1xf32>
      %max3A = arith.constant 1.000000e+00 : f32
      %max3A_55 = vector.broadcast %max3A : f32 to vector<64x1xf32>
      %max3A_56 = arith.maximumf %get3A_54, %max3A_55 : vector<64x1xf32>
      %div3A = vector.broadcast %max3A_56 : vector<64x1xf32> to vector<64x128xf32>
      %div3A_57 = arith.divf %get3A_51, %div3A : vector<64x128xf32>
      %swap3A_58 = arith.constant 0 : index
      %swap3A_59 = arith.constant 0 : index
      %swap3A_60 = vector.load %arg5[%swap3A_58, %swap3A_59] : memref<64x128xf32, #tpu.memory_space<vmem>>, vector<64x128xf32>
      tpu.vector_store %arg5[%swap3A_58, %swap3A_59], %div3A_57 {strides = array<i32>} : memref<64x128xf32, #tpu.memory_space<vmem>>, vector<64x128xf32>,
    } else {
    }
    return
  }
  func.func @transform_0(%arg0: i32) -> (i32, i32, i32) {
    %c0_i32 = arith.constant 0 : i32
    %c0_i32_0 = arith.constant 0 : i32
    %c0_i32_1 = arith.constant 0 : i32
    return %c0_i32, %arg0, %c0_i32_0 : i32, i32, i32
  }
  func.func @transform_1(%arg0: i32) -> (i32, i32) {
    %c0_i32 = arith.constant 0 : i32
    %c0_i32_0 = arith.constant 0 : i32
    return %arg0, %c0_i32 : i32, i32
  }
  func.func @transform_2(%arg0: i32) -> (i32, i32) {
    %c0_i32 = arith.constant 0 : i32
    %c0_i32_0 = arith.constant 0 : i32
    %c0_i32_1 = arith.constant 0 : i32
    return %c0_i32, %c0_i32_0 : i32, i32
  }
  func.func @transform_3(%arg0: i32) -> (i32, i32, i32) {
    %c0_i32 = arith.constant 0 : i32
    %c0_i32_0 = arith.constant 0 : i32
    %c0_i32_1 = arith.constant 0 : i32
    return %arg0, %c0_i32, %c0_i32_0 : i32, i32, i32
  }
  func.func @transform_4(%arg0: i32) -> (i32, i32) {
    %c0_i32 = arith.constant 0 : i32
    %c0_i32_0 = arith.constant 0 : i32
    %c0_i32_1 = arith.constant 0 : i32
    return %c0_i32, %c0_i32_0 : i32, i32
  }
}

</mosaic_0001>

<sc_bundles>
// kernel: kernel.10.cloned.1.call-start
scs
__scs_entry_jumppad:
0x0: {  	(pc) =	sbr.rel $0x88, $3  }
0x1: {  	(tag) =	ssettag $0x0;
	lr =	simm.s32 $0x1  }
0x2: {  	[smem:$0x3F98] =	sst lr;
	_ =	strace $0xD0000000  }
0x3: {  	_ = 	snop  }
0x4: {  	_ = 	snop  }
0x5: {  	_ = 	snop  }
0x6: {  	_ = 	snop  }
0x7: {  	_ = 	snop  }
__scs_overlays_trampoline_lowered:
0x8: {  	[smem:$0x3FA7] =	sst s0  }
0x9: {  	[smem:$0x3FA8] =	sst s1  }
0xa: {  	[smem:$0x3FA9] =	sst s2  }
0xb: {  	[smem:$0x3FAA] =	sst s3  }
0xc: {  	[smem:$0x3FAB] =	sst s4  }
0xd: {  	[smem:$0x3FAC] =	sst s5  }
0xe: {  	[smem:$0x3FAD] =	sst s6  }
0xf: {  	[smem:$0x3FAE] =	sst s7  }
0x10: {  	[smem:$0x3FAF] =	sst s8  }
0x11: {  	[smem:$0x3FB0] =	sst s9;
	s0 =	simm.s32 @!p0 $0x0  }
0x12: {  	s1 =	sld [smem:$0x3F96];
	s0 =	simm.s32 @p0 $0x1  }
0x13: {  	[smem:$0x3FB1] =	sst s0;
	s0 =	simm.s32 @!p1 $0x0  }
0x14: {  	s2 =	sld [smem:$0x3F95];
	s0 =	simm.s32 @p1 $0x1  }
0x15: {  	[smem:$0x3FB2] =	sst s0;
	s0 =	simm.s32 @!p2 $0x0  }
0x16: {  	s3 =	sld [smem:$0x3FDB];
	s0 =	simm.s32 @p2 $0x1  }
0x17: {  	s4 =	simm.s32 $0x1BF5;
	[smem:$0x3FB4] =	sst s0  }
0x18: {  	s0 =	sld [smem:$0x3F97];
	_ =	swait.ge [sflag:s4], $0x0  }
0x19: {  	s7 =	sld [smem:$0x3F98]  }
0x1a: {  	s8 =	sadd.s32 $0xFFFFE003, lr  }
0x1b: {  	s9 =	sadd.s32 $0xFFFFFEF7, lr;
	s5 =	simm.s32 $0xFFFFFFFF;
	p2 =	slt.u32 s8, $0xFFFFF086  }
0x1c: {  	p1 =	slt.u32 s9, $0xF7A;
	s5 =	simm.s32 @!p2 $0x0  }
0x1d: {  	s5 =	simm.s32 @p1 $0x1;
	p0 =	seq.s32 s7, s2  }
0x1e: {  	s7 =	smul.u32 @!p0 $0xF7A, s2;
	p2 =	seq.s32 @!p0 s5, $0x0  }
0x1f: {  	s9 =	smul.u32 $0xF7A, s1;
	s8 =	simm.s32 @!p0 $0x1BF5;
	p2 =	por !p2, p0  }
0x20: {  	[sflag:s8] =	ssyncset.s32 @!p0 $0xFFFFF086;
	s6 =	sadd.s32 @!p0 s3, s7;
	s7 =	simm.s32 @!p0 $0x108  }
0x21: {  	s3 =	sadd.s32 s3, s9;
	s6 =	sadd.s32 @!p0 $0x88, s6;
	s7 =	simm.s32 @p2 $0x1082  }
0x22: {  	[simem:s7], [sflag:s8] =	dma.local @!p0 [hbm:s6], $0xF7A  }
0x23: {  	s9 =	sor.u32 $0xD0000000, s2;
	s6 =	simm.s32 $0x108;
	_ =	swait.ge @!p0 [sflag:s8], $0x0  }
0x24: {  	s3 =	sadd.s32 $0x88, s3;
	s6 =	simm.s32 @!p1 $0x1082;
	[sflag:s4] =	ssyncset.s32 $0xFFFFF086  }
0x25: {  	[simem:s6], [sflag:s4] =	dma.local [hbm:s3], $0xF7A  }
0x26: {  	[smem:$0x3F98] =	sst s1;
	(tag) =	ssettag s2;
	_ =	strace s9  }
0x27: {  	s1 =	sld [smem:$0x3FA8]  }
0x28: {  	s2 =	sld [smem:$0x3FA9]  }
0x29: {  	s4 =	sld [smem:$0x3FAB]  }
0x2a: {  	p0 =	seq.s32 s5, $0x0;
	s5 =	sld [smem:$0x3FAC]  }
0x2b: {  	s6 =	sld [smem:$0x3FAD]  }
0x2c: {  	s7 =	sld [smem:$0x3FAE]  }
0x2d: {  	s3 =	simm.s32 $0x108;
	s8 =	sld [smem:$0x3FAF]  }
0x2e: {  	s3 =	simm.s32 @!p0 $0x1082;
	s9 =	sld [smem:$0x3FB0]  }
0x2f: {  	lr =	sadd.s32 s0, s3;
	s0 =	sld [smem:$0x3FA7]  }
0x30: {  	s3 =	sld [smem:$0x3FAA]  }
0x31: {  	[smem:$0x3FB3] =	sst s10  }
0x32: {  	s10 =	sld [smem:$0x3FB1];
	_ =	sdelay $0x3  }
0x33: {  	p0 =	seq.s32 s10, $0x1;
	s10 =	sld [smem:$0x3FB3];
	_ =	sdelay $0x3  }
0x34: {  	[smem:$0x3FB3] =	sst s10  }
0x35: {  	s10 =	sld [smem:$0x3FB2];
	_ =	sdelay $0x3  }
0x36: {  	p1 =	seq.s32 s10, $0x1;
	s10 =	sld [smem:$0x3FB3];
	_ =	sdelay $0x3  }
0x37: {  	[smem:$0x3FB3] =	sst s10  }
0x38: {  	s10 =	sld [smem:$0x3FB4]  }
0x39: {  	_ = 	snop;
	(pc) =	sbr.ind lr, $3  }
0x3a: {  	_ = 	snop  }
0x3b: {  	_ = 	snop  }
0x3c: {  	p2 =	seq.s32 s10, $0x1;
	s10 =	sld [smem:$0x3FB3]  }
0x3d: {  	_ =	shalt  }
0x3e: {  	_ =	shalt  }
0x3f: {  	_ =	shalt  }
0x40: {  	_ =	shalt  }
0x41: {  	_ =	shalt  }
0x42: {  	_ =	shalt  }
0x43: {  	_ =	shalt  }
0x44: {  	_ =	shalt  }
0x45: {  	_ =	shalt  }
0x46: {  	_ =	shalt  }
0x47: {  	_ =	shalt  }
0x48: {  	_ =	shalt  }
0x49: {  	_ =	shalt  }
0x4a: {  	_ =	shalt  }
0x4b: {  	_ =	shalt  }
0x4c: {  	_ =	shalt  }
0x4d: {  	_ =	shalt  }
0x4e: {  	_ =	shalt  }
0x4f: {  	_ =	shalt  }
0x50: {  	_ =	shalt  }
0x51: {  	_ =	shalt  }
0x52: {  	_ =	shalt  }
0x53: {  	_ =	shalt  }
0x54: {  	_ =	shalt  }
0x55: {  	_ =	shalt  }
0x56: {  	_ =	shalt  }
0x57: {  	_ =	shalt  }
0x58: {  	_ =	shalt  }
0x59: {  	_ =	shalt  }
0x5a: {  	_ =	shalt  }
0x5b: {  	_ =	shalt  }
0x5c: {  	_ =	shalt  }
0x5d: {  	_ =	shalt  }
0x5e: {  	_ =	shalt  }
0x5f: {  	_ =	shalt  }
0x60: {  	_ =	shalt  }
0x61: {  	_ =	shalt  }
0x62: {  	_ =	shalt  }
0x63: {  	_ =	shalt  }
0x64: {  	_ =	shalt  }
0x65: {  	_ =	shalt  }
0x66: {  	_ =	shalt  }
0x67: {  	_ =	shalt  }
0x68: {  	_ =	shalt  }
0x69: {  	_ =	shalt  }
0x6a: {  	_ =	shalt  }
0x6b: {  	_ =	shalt  }
0x6c: {  	_ =	shalt  }
0x6d: {  	_ =	shalt  }
0x6e: {  	_ =	shalt  }
0x6f: {  	_ =	shalt  }
0x70: {  	_ =	shalt  }
0x71: {  	_ =	shalt  }
0x72: {  	_ =	shalt  }
0x73: {  	_ =	shalt  }
0x74: {  	_ =	shalt  }
0x75: {  	_ =	shalt  }
0x76: {  	_ =	shalt  }
0x77: {  	_ =	shalt  }
0x78: {  	_ =	shalt  }
0x79: {  	_ =	shalt  }
0x7a: {  	_ =	shalt  }
0x7b: {  	_ =	shalt  }
0x7c: {  	_ =	shalt  }
0x7d: {  	_ =	shalt  }
0x7e: {  	_ =	shalt  }
0x7f: {  	_ =	shalt  }
0x80: {  	_ =	shalt  }
0x81: {  	_ =	shalt  }
0x82: {  	_ =	shalt  }
0x83: {  	_ =	shalt  }
0x84: {  	_ =	shalt  }
0x85: {  	_ =	shalt  }
0x86: {  	_ =	shalt  }
0x87: {  	_ =	shalt  }
.Lfunc_end0:
.L_simem_size_0:
called_computation_lowered:
.L_overlay_start_0:
0x88: {  	s2 =	sld [smem:$0x3FD9]  }
0x89: {  	s3 =	sld [smem:$0x3FFE];
	_ =	sdelay $0x1  }
0x8a: {  	s1 =	srdreg.scid  }
0x8b: {  	s0 =	sand.u32 $0x1, s1  }
0x8c: {  	s17 =	sshll.u32 s0, $0xA;
	s2 =	sadd.s32 s3, s2  }
0x8d: {  	s2 =	sadd.s32 s2, s17  }
0x8e: {  	[smem:$0x3FBF] =	sst s2  }
0x8f: {  	_ = 	snop  }
0x90: {  	s2 =	sld [smem:$0x3FD0];
	(tm) =	ssettm $0x1  }
0x91: {  	s18 =	sld [smem:$0x3FFB];
	_ =	sdelay $0x3  }
0x92: {  	_ =	strace s18  }
0x93: {  	s3 =	sld [smem:$0x3FFC];
	_ =	sdelay $0x3  }
0x94: {  	_ =	strace s3  }
0x95: {  	s3 =	sld [smem:$0x3FFD];
	_ =	sdelay $0x3  }
0x96: {  	_ =	strace s3  }
0x97: {  	_ =	strace $0x8FFFFFFF  }
0x98: {  	s19 =	sld [smem:$0x3FDB];
	_ =	sdelay $0x1  }
0x99: {  	s4 =	simm.s32 $_scs_section_size  }
0x9a: {  	s5 =	simm.s32 $_size__tile_overlayer_lowered;
	s6 =	simm.s32 $_tile_overlayer_lowered  }
0x9b: {  	s22 =	simm.s32 $0x1BFF;
	s21 =	sshll.u32 s6, $0x1;
	s3 =	sadd.s32 s4, s19  }
0x9c: {  	s7 =	simm.s32 $0x0;
	s20 =	sshll.u32 s5, $0x1;
	s5 =	sadd.s32 s21, s3  }
0x9d: {  	[timem:s7], [sflag:s22] =	dma.local [hbm:s5], s20  }
0x9e: {  	_ =	swait.ge [sflag:s22], s20  }
0x9f: {  	s4 =	ssub.s32 $0x0, s20;
	[sflag:s22] =	ssyncset.done $0x0  }
0xa0: {  	[sflag:s22] =	ssyncadd.s32 s4;
	_ =	sdelay $0x1  }
0xa1: {  	s23 =	simm.s32 $0x1B8B  }
0xa2: {  	_ =	swait.ge [sflag:s23], $0x1  }
0xa3: {  	[sflag:s23] =	ssyncset.done $0x0  }
0xa4: {  	s25 =	simm.s32 $0x1B8E;
	s24 =	sld [smem:$0x3FFE];
	[sflag:s23] =	ssyncadd.s32 $0xFFFFFFFF  }
0xa5: {  	s26 =	simm.s32 $execute0_lowered;
	[smem:$0x3FD2] =	sst s25  }
0xa6: {  	s5 =	sshll.u32 s26, $0x1;
	_ =	strace $0x80000046;
	[dreg:$0x1] =	wrdreg $0xFFFFFFFF  }
0xa7: {  	s28 =	simm.s32 $_size_execute0_lowered;
	s3 =	sadd.s32 s3, s5;
	[dreg:$0x0] =	wrdreg $0x0  }
0xa8: {  	s5 =	sshll.u32 s28, $0x1;
	[dreg:$0x2] =	wrdreg s3  }
0xa9: {  	[dreg:$0x3] =	wrdreg s5  }
0xaa: {  	[dreg:$0x4] =	wrdreg $0xC0  }
0xab: {  	_ =	task [dreg:s7], $0x5FFFF  }
0xac: {  	[dreg:$0x1] =	wrdreg $0xFFFFFFFF  }
0xad: {  	[dreg:$0x0] =	wrdreg $0x60  }
0xae: {  	[dreg:$0x2] =	wrdreg s24  }
0xaf: {  	[dreg:$0x3] =	wrdreg s2  }
0xb0: {  	[dreg:$0x4] =	wrdreg $0x0  }
0xb1: {  	[dreg:$0x5] =	wrdreg $0x9  }
0xb2: {  	_ =	task.clear_ibuf [dreg:s7], $0x6FFFF;
	_ =	strace $0x90000046  }
0xb3: {  	s29 =	simm.s32 $0x9;
	_ =	strace $0x80000048  }
0xb4: {  	_ =	swait.ge [sflag:s29], $0x1  }
0xb5: {  	[sflag:s29] =	ssyncadd.s32 $0xFFFFFFFF  }
0xb6: {  	_ =	strace $0x90000048  }
0xb7: {  	_ =	sfence  }
0xb8: {  	s30 =	sld [smem:$0x0];
	_ =	sdelay $0x2  }
0xb9: {  	s31 =	sshll.u32 s1, $0xD;
	s1 =	sshrl.u32 s1, $0x2  }
0xba: {  	s3 =	sand.u32 $0x4000, s31;
	s1 =	sadd.s32 s1, s30  }
0xbb: {  	s0 =	sor.u32 s3, s0;
	s1 =	sshll.u32 s1, $0x11  }
0xbc: {  	s0 =	sor.u32 s1, s0  }
0xbd: {  	s0 =	sadd.s32 $0x8F2B, s0  }
0xbe: {  	[sflag:s0] =	ssyncadd.remote.s32 $0x1  }
0xbf: {  	_ =	sfence.sel $0xFFFF  }
0xc0: {  	[dreg:$0x0] =	wrdreg $0xFFFFFFFF;
	(pc) =	sbr.abs _section_cstart, $3  }
0xc1: {  	[dreg:$0x1] =	wrdreg $0xFFFFFFFF  }
0xc2: {  	_ =	task.clear_ibuf [dreg:s7], $0x2FFFF;
	_ =	strace $0x9FFFFFFF  }
0xc3: {  	(tm) =	ssettm $0x7FFFFFFF  }
tec
execute0_lowered:
.L_overlay_start_1:
0x0: {  	(tag) =	ssettag $0x1  }
0x1: {  	s5 =	rddreg [dreg:$0x0]  }
0x2: {  	s1 =	rddreg [dreg:$0x1]  }
0x3: {  	s3 =	rddreg [dreg:$0x2]  }
0x4: {  	s0 =	rddreg [dreg:$0x3]  }
0x5: {  	s4 =	simm.s32 $0x0;
	s2 =	stileid.u32;
	s8 =	srdreg.scid  }
0x6: {  	s13 =	simm.s32 $0x28;
	s14 =	simm.s32 $0x1;
	s17 =	simm.s32 $0x10  }
0x7: {  	s18 =	simm.s32 $0x0;
	[smem:$0x7FF] =	sst s4;
	s6 =	sshll.u32 s2, $0xC  }
0x8: {  	s7 =	smul.u32 $0x280, s2;
	s8 =	sand.u32 $0x1, s8;
	s31 =	sshll.u32 s2, $0x6  }
0x9: {  	s16 =	smul.u32 $0xA0, s2;
	_ =	strace $0x80000047;
	s6 =	sadd.s32 s6, s5  }
0xa: {  	s10 =	sshll.u32 s8, $0x4;
	s11 =	ssub.s32 $0x2, s8;
	s30 =	sshll.u32 s8, $0x10  }
0xb: {  	s9 =	sshrl.u32 s7, $0x3;
	s10 =	sadd.s32 s10, s5;
	s29 =	sshrl.u32 s11, $0x1  }
0xc: {  	s12 =	sadd.s32 s7, s3;
	s7 =	sadd.s32 s30, s6;
	s6 =	sor.u32 $0x1C02, s31  }
0xd: {  	s9 =	sadd.s32 s9, s5;
	s11 =	ssub.s32 s11, s29;
	s7 =	sadd.s32 $0x16A00, s7  }
0xe: {  	s15 =	sadd.s32 $0x37000, s10;
	s10 =	simm.s32 $0x2;
	s5 =	sadd.s32 $0x36A00, s9  }
0xf: {  	s8 =	smax.u32 s11, $0x1;
	s9 =	sshrl.u32 s12, $0x3;
	s11 =	simm.s32 $0x280  }
0x10: {  	s12 =	simm.s32 $0x8280;
	s15 =	sadd.s32 s16, s15;
	s16 =	simm.s32 $0x20  }
.LBB2_1:
0x11: {  	[spmem:s9], [sflag:s6] =	dma.local [hbm:s5], $0x50  }
0x12: {  	_ =	swait.ge [sflag:s10], $0x50  }
0x13: {  	[sflag:s10] =	ssyncset.done $0x0  }
0x14: {  	[sflag:s10] =	ssyncadd.s32 $0xFFFFFFB0  }
0x15: {  	[tilespmem:s11], [sflag:$0x2] =	stream.linear.gather [hbm4b:s7+s4], $0x7D00, $0x38;
	[tilespmem:$0x8300] =	vst v63  }
0x16: {  	_ =	swait.ge [sflag:s10], $0x7D00  }
0x17: {  	[sflag:s10] =	ssyncset.done $0x0  }
0x18: {  	[sflag:s10] =	ssyncadd.s32 $0xFFFF8300  }
0x19: {  	[tilespmem:s12], [sflag:$0x2] =	stream.linear.gather [hbm4b:s1+s4], $0x80, $0x38;
	[tilespmem:$0x8300] =	vst v63  }
0x1a: {  	_ =	swait.ge [sflag:s10], $0x80  }
0x1b: {  	[sflag:s10] =	ssyncset.done $0x0  }
0x1c: {  	[sflag:s10] =	ssyncadd.s32 $0xFFFFFF80  }
0x1d: {  	s19 =	simm.s32 $0x0;
	[bflag:$0x0] =	sbarrier.arrive $0xFFFF  }
.LBB2_2:
0x1e: {  	p0 =	sne.s32 s19, $0x1F200  }
.Ltmp0:
0x1f: {  	_ = 	snop;
	(pc) =	sbr.rel @p0 .LBB2_2-.Ltmp0, $4  }
0x20: {  	_ = 	snop  }
0x21: {  	s20 =	sshra.s32 s19, $0x2  }
0x22: {  	s19 =	sadd.s32 $0x200, s19;
	s20 =	sadd.s32 $0x280, s20  }
0x23: {  	[spmem:s3] =	stream.indirect.scatter.add.f32 [tilespmem:s12], [sflag:$0x1], $0x1, s20, s13, $0xb8;
	[tilespmem:$0x8300] =	vst v63  }
0x24: {  	_ =	swait.ge [sflag:s14], $0x28  }
0x25: {  	s19 =	simm.s32 $0xF9;
	[sflag:s14] =	ssyncset.done $0x0  }
.LBB2_4:
0x26: {  	p0 =	sne.s32 s19, $0x1;
	s19 =	sadd.s32 $0xFFFFFFFF, s19;
	[sflag:s14] =	ssyncadd.s32 $0xFFFFFFD8  }
.Ltmp1:
0x27: {  	(pc) =	sbr.rel @p0 .LBB2_4-.Ltmp1, $3  }
0x28: {  	_ =	sdelay $0x1  }
0x29: {  	_ =	swait.ge [sflag:s14], $0x28  }
0x2a: {  	[sflag:s14] =	ssyncset.done $0x0  }
0x2b: {  	s18 =	sadd.s32 $0x1, s18  }
0x2c: {  	[sflag:s14] =	ssyncadd.s32 $0xFFFFFFD8;
	p0 =	sne.s32 s18, s8  }
.Ltmp2:
0x2d: {  	[bflag:$0x0] =	sbarrier.arrive $0xFFFF;
	(pc) =	sbr.rel @p0 .LBB2_1-.Ltmp2, $4  }
0x2e: {  	[hbm:s15@s16], [sflag:s6] =	dma.strided [spmem:s9@s17], $0x50, s14, $0x10   }
0x2f: {  	_ =	swait.ge [sflag:s10], $0x50  }
0x30: {  	[sflag:s10] =	ssyncset.done $0x0  }
0x31: {  	[sflag:s10] =	ssyncadd.s32 $0xFFFFFFB0  }
0x32: {  	_ =	sfence.sel $0x180000  }
0x33: {  	[bflag:$0x0] =	sbarrier.arrive $0xFFFF  }
0x34: {  	p0 =	sne.s32 s2, $0x0;
	_ =	strace $0x90000047  }
0x35: {  	s0 =	sadd.s32 @!p0 $0x100000, s0;
	[bflag:$0x2] =	sbarrier.arrive $0xFFFF  }
0x36: {  	[sflag:s0] =	ssyncadd.tile.s32 @!p0 $0x1;
	_ =	shalt  }
.Lfunc_end2:
_tile_overlayer_lowered:
.L_overlay_start_2:
0x37: {  	(tag) =	ssettag $0x2  }
0x38: {  	s0 =	rddreg [dreg:$0x0];
	s2 =	stileid.u32  }
0x39: {  	s1 =	rddreg [dreg:$0x1];
	p0 =	sne.s32 s2, $0x0  }
0x3a: {  	s3 =	rddreg [dreg:$0x2];
	[bflag:$0x3] =	sbarrier.arrive $0xFFFF;
	s2 =	simm.s32 @!p0 $0x1C02  }
0x3b: {  	[timem:s3], [sflag:s2] =	dma.local @!p0 [hbm:s0], s1  }
0x3c: {  	s0 =	simm.s32 @!p0 $0x2  }
0x3d: {  	_ =	swait.ge @!p0 [sflag:s0], s1  }
0x3e: {  	s1 =	ssub.s32 @!p0 $0x0, s1;
	[sflag:s0] =	ssyncset.done @!p0 $0x0  }
0x3f: {  	[sflag:s0] =	ssyncadd.s32 @!p0 s1  }
0x40: {  	[bflag:$0x3] =	sbarrier.arrive $0xFFFF  }
0x41: {  	_ =	shalt  }

// kernel: kernel.13.cloned.1.call-start
scs
__scs_entry_jumppad:
0x0: {  	(pc) =	sbr.rel $0x88, $3  }
0x1: {  	(tag) =	ssettag $0x0;
	lr =	simm.s32 $0x1  }
0x2: {  	[smem:$0x3F98] =	sst lr;
	_ =	strace $0xD0000000  }
0x3: {  	_ = 	snop  }
0x4: {  	_ = 	snop  }
0x5: {  	_ = 	snop  }
0x6: {  	_ = 	snop  }
0x7: {  	_ = 	snop  }
__scs_overlays_trampoline_lowered:
0x8: {  	[smem:$0x3FA7] =	sst s0  }
0x9: {  	[smem:$0x3FA8] =	sst s1  }
0xa: {  	[smem:$0x3FA9] =	sst s2  }
0xb: {  	[smem:$0x3FAA] =	sst s3  }
0xc: {  	[smem:$0x3FAB] =	sst s4  }
0xd: {  	[smem:$0x3FAC] =	sst s5  }
0xe: {  	[smem:$0x3FAD] =	sst s6  }
0xf: {  	[smem:$0x3FAE] =	sst s7  }
0x10: {  	[smem:$0x3FAF] =	sst s8  }
0x11: {  	[smem:$0x3FB0] =	sst s9;
	s0 =	simm.s32 @!p0 $0x0  }
0x12: {  	s1 =	sld [smem:$0x3F96];
	s0 =	simm.s32 @p0 $0x1  }
0x13: {  	[smem:$0x3FB1] =	sst s0;
	s0 =	simm.s32 @!p1 $0x0  }
0x14: {  	s2 =	sld [smem:$0x3F95];
	s0 =	simm.s32 @p1 $0x1  }
0x15: {  	[smem:$0x3FB2] =	sst s0;
	s0 =	simm.s32 @!p2 $0x0  }
0x16: {  	s3 =	sld [smem:$0x3FDB];
	s0 =	simm.s32 @p2 $0x1  }
0x17: {  	s4 =	simm.s32 $0x1BF5;
	[smem:$0x3FB4] =	sst s0  }
0x18: {  	s0 =	sld [smem:$0x3F97];
	_ =	swait.ge [sflag:s4], $0x0  }
0x19: {  	s7 =	sld [smem:$0x3F98]  }
0x1a: {  	s8 =	sadd.s32 $0xFFFFE003, lr  }
0x1b: {  	s9 =	sadd.s32 $0xFFFFFEF7, lr;
	s5 =	simm.s32 $0xFFFFFFFF;
	p2 =	slt.u32 s8, $0xFFFFF086  }
0x1c: {  	p1 =	slt.u32 s9, $0xF7A;
	s5 =	simm.s32 @!p2 $0x0  }
0x1d: {  	s5 =	simm.s32 @p1 $0x1;
	p0 =	seq.s32 s7, s2  }
0x1e: {  	s7 =	smul.u32 @!p0 $0xF7A, s2;
	p2 =	seq.s32 @!p0 s5, $0x0  }
0x1f: {  	s9 =	smul.u32 $0xF7A, s1;
	s8 =	simm.s32 @!p0 $0x1BF5;
	p2 =	por !p2, p0  }
0x20: {  	[sflag:s8] =	ssyncset.s32 @!p0 $0xFFFFF086;
	s6 =	sadd.s32 @!p0 s3, s7;
	s7 =	simm.s32 @!p0 $0x108  }
0x21: {  	s3 =	sadd.s32 s3, s9;
	s6 =	sadd.s32 @!p0 $0x88, s6;
	s7 =	simm.s32 @p2 $0x1082  }
0x22: {  	[simem:s7], [sflag:s8] =	dma.local @!p0 [hbm:s6], $0xF7A  }
0x23: {  	s9 =	sor.u32 $0xD0000000, s2;
	s6 =	simm.s32 $0x108;
	_ =	swait.ge @!p0 [sflag:s8], $0x0  }
0x24: {  	s3 =	sadd.s32 $0x88, s3;
	s6 =	simm.s32 @!p1 $0x1082;
	[sflag:s4] =	ssyncset.s32 $0xFFFFF086  }
0x25: {  	[simem:s6], [sflag:s4] =	dma.local [hbm:s3], $0xF7A  }
0x26: {  	[smem:$0x3F98] =	sst s1;
	(tag) =	ssettag s2;
	_ =	strace s9  }
0x27: {  	s1 =	sld [smem:$0x3FA8]  }
0x28: {  	s2 =	sld [smem:$0x3FA9]  }
0x29: {  	s4 =	sld [smem:$0x3FAB]  }
0x2a: {  	p0 =	seq.s32 s5, $0x0;
	s5 =	sld [smem:$0x3FAC]  }
0x2b: {  	s6 =	sld [smem:$0x3FAD]  }
0x2c: {  	s7 =	sld [smem:$0x3FAE]  }
0x2d: {  	s3 =	simm.s32 $0x108;
	s8 =	sld [smem:$0x3FAF]  }
0x2e: {  	s3 =	simm.s32 @!p0 $0x1082;
	s9 =	sld [smem:$0x3FB0]  }
0x2f: {  	lr =	sadd.s32 s0, s3;
	s0 =	sld [smem:$0x3FA7]  }
0x30: {  	s3 =	sld [smem:$0x3FAA]  }
0x31: {  	[smem:$0x3FB3] =	sst s10  }
0x32: {  	s10 =	sld [smem:$0x3FB1];
	_ =	sdelay $0x3  }
0x33: {  	p0 =	seq.s32 s10, $0x1;
	s10 =	sld [smem:$0x3FB3];
	_ =	sdelay $0x3  }
0x34: {  	[smem:$0x3FB3] =	sst s10  }
0x35: {  	s10 =	sld [smem:$0x3FB2];
	_ =	sdelay $0x3  }
0x36: {  	p1 =	seq.s32 s10, $0x1;
	s10 =	sld [smem:$0x3FB3];
	_ =	sdelay $0x3  }
0x37: {  	[smem:$0x3FB3] =	sst s10  }
0x38: {  	s10 =	sld [smem:$0x3FB4]  }
0x39: {  	_ = 	snop;
	(pc) =	sbr.ind lr, $3  }
0x3a: {  	_ = 	snop  }
0x3b: {  	_ = 	snop  }
0x3c: {  	p2 =	seq.s32 s10, $0x1;
	s10 =	sld [smem:$0x3FB3]  }
0x3d: {  	_ =	shalt  }
0x3e: {  	_ =	shalt  }
0x3f: {  	_ =	shalt  }
0x40: {  	_ =	shalt  }
0x41: {  	_ =	shalt  }
0x42: {  	_ =	shalt  }
0x43: {  	_ =	shalt  }
0x44: {  	_ =	shalt  }
0x45: {  	_ =	shalt  }
0x46: {  	_ =	shalt  }
0x47: {  	_ =	shalt  }
0x48: {  	_ =	shalt  }
0x49: {  	_ =	shalt  }
0x4a: {  	_ =	shalt  }
0x4b: {  	_ =	shalt  }
0x4c: {  	_ =	shalt  }
0x4d: {  	_ =	shalt  }
0x4e: {  	_ =	shalt  }
0x4f: {  	_ =	shalt  }
0x50: {  	_ =	shalt  }
0x51: {  	_ =	shalt  }
0x52: {  	_ =	shalt  }
0x53: {  	_ =	shalt  }
0x54: {  	_ =	shalt  }
0x55: {  	_ =	shalt  }
0x56: {  	_ =	shalt  }
0x57: {  	_ =	shalt  }
0x58: {  	_ =	shalt  }
0x59: {  	_ =	shalt  }
0x5a: {  	_ =	shalt  }
0x5b: {  	_ =	shalt  }
0x5c: {  	_ =	shalt  }
0x5d: {  	_ =	shalt  }
0x5e: {  	_ =	shalt  }
0x5f: {  	_ =	shalt  }
0x60: {  	_ =	shalt  }
0x61: {  	_ =	shalt  }
0x62: {  	_ =	shalt  }
0x63: {  	_ =	shalt  }
0x64: {  	_ =	shalt  }
0x65: {  	_ =	shalt  }
0x66: {  	_ =	shalt  }
0x67: {  	_ =	shalt  }
0x68: {  	_ =	shalt  }
0x69: {  	_ =	shalt  }
0x6a: {  	_ =	shalt  }
0x6b: {  	_ =	shalt  }
0x6c: {  	_ =	shalt  }
0x6d: {  	_ =	shalt  }
0x6e: {  	_ =	shalt  }
0x6f: {  	_ =	shalt  }
0x70: {  	_ =	shalt  }
0x71: {  	_ =	shalt  }
0x72: {  	_ =	shalt  }
0x73: {  	_ =	shalt  }
0x74: {  	_ =	shalt  }
0x75: {  	_ =	shalt  }
0x76: {  	_ =	shalt  }
0x77: {  	_ =	shalt  }
0x78: {  	_ =	shalt  }
0x79: {  	_ =	shalt  }
0x7a: {  	_ =	shalt  }
0x7b: {  	_ =	shalt  }
0x7c: {  	_ =	shalt  }
0x7d: {  	_ =	shalt  }
0x7e: {  	_ =	shalt  }
0x7f: {  	_ =	shalt  }
0x80: {  	_ =	shalt  }
0x81: {  	_ =	shalt  }
0x82: {  	_ =	shalt  }
0x83: {  	_ =	shalt  }
0x84: {  	_ =	shalt  }
0x85: {  	_ =	shalt  }
0x86: {  	_ =	shalt  }
0x87: {  	_ =	shalt  }
.Lfunc_end0:
.L_simem_size_0:
called_computation.1_lowered:
.L_overlay_start_0:
0x88: {  	s2 =	sld [smem:$0x3FD9]  }
0x89: {  	s3 =	sld [smem:$0x3FFE];
	_ =	sdelay $0x1  }
0x8a: {  	s1 =	srdreg.scid  }
0x8b: {  	s0 =	sand.u32 $0x1, s1  }
0x8c: {  	s16 =	sshll.u32 s0, $0xA;
	s2 =	sadd.s32 s3, s2  }
0x8d: {  	s2 =	sadd.s32 s2, s16  }
0x8e: {  	[smem:$0x3FBF] =	sst s2  }
0x8f: {  	_ = 	snop  }
0x90: {  	(tm) =	ssettm $0x1  }
0x91: {  	s17 =	sld [smem:$0x3FFB];
	_ =	sdelay $0x3  }
0x92: {  	_ =	strace s17  }
0x93: {  	s2 =	sld [smem:$0x3FFC];
	_ =	sdelay $0x3  }
0x94: {  	_ =	strace s2  }
0x95: {  	s2 =	sld [smem:$0x3FFD];
	_ =	sdelay $0x3  }
0x96: {  	_ =	strace s2  }
0x97: {  	_ =	strace $0x8FFFFFFF  }
0x98: {  	s18 =	sld [smem:$0x3FDB];
	_ =	sdelay $0x1  }
0x99: {  	s19 =	simm.s32 $_scs_section_size  }
0x9a: {  	s4 =	simm.s32 $_size__tile_overlayer_lowered;
	s5 =	simm.s32 $_tile_overlayer_lowered  }
0x9b: {  	s22 =	simm.s32 $0x1BFF;
	s21 =	sshll.u32 s5, $0x1;
	s2 =	sadd.s32 s19, s18  }
0x9c: {  	s6 =	simm.s32 $0x0;
	s20 =	sshll.u32 s4, $0x1;
	s4 =	sadd.s32 s21, s2  }
0x9d: {  	[timem:s6], [sflag:s22] =	dma.local [hbm:s4], s20  }
0x9e: {  	_ =	swait.ge [sflag:s22], s20  }
0x9f: {  	s3 =	ssub.s32 $0x0, s20;
	[sflag:s22] =	ssyncset.done $0x0  }
0xa0: {  	[sflag:s22] =	ssyncadd.s32 s3;
	_ =	sdelay $0x1  }
0xa1: {  	s23 =	simm.s32 $0x1B8B  }
0xa2: {  	_ =	swait.ge [sflag:s23], $0x1  }
0xa3: {  	[sflag:s23] =	ssyncset.done $0x0  }
0xa4: {  	s25 =	simm.s32 $0x1B8E;
	s24 =	sld [smem:$0x3FFE];
	[sflag:s23] =	ssyncadd.s32 $0xFFFFFFFF  }
0xa5: {  	s26 =	simm.s32 $execute0_lowered;
	[smem:$0x3FD2] =	sst s25  }
0xa6: {  	s4 =	sshll.u32 s26, $0x1;
	_ =	strace $0x80000049;
	[dreg:$0x1] =	wrdreg $0xFFFFFFFF  }
0xa7: {  	s28 =	simm.s32 $_size_execute0_lowered;
	s2 =	sadd.s32 s2, s4;
	[dreg:$0x0] =	wrdreg $0x0  }
0xa8: {  	s4 =	sshll.u32 s28, $0x1;
	[dreg:$0x2] =	wrdreg s2  }
0xa9: {  	[dreg:$0x3] =	wrdreg s4  }
0xaa: {  	[dreg:$0x4] =	wrdreg $0xC0  }
0xab: {  	_ =	task [dreg:s6], $0x5FFFF  }
0xac: {  	[dreg:$0x1] =	wrdreg $0xFFFFFFFF  }
0xad: {  	[dreg:$0x0] =	wrdreg $0x60  }
0xae: {  	[dreg:$0x2] =	wrdreg s24  }
0xaf: {  	[dreg:$0x3] =	wrdreg $0x0  }
0xb0: {  	[dreg:$0x4] =	wrdreg $0x9  }
0xb1: {  	_ =	task.clear_ibuf [dreg:s6], $0x5FFFF;
	_ =	strace $0x90000049  }
0xb2: {  	s29 =	simm.s32 $0x9;
	_ =	strace $0x8000004B  }
0xb3: {  	_ =	swait.ge [sflag:s29], $0x1  }
0xb4: {  	[sflag:s29] =	ssyncadd.s32 $0xFFFFFFFF  }
0xb5: {  	_ =	strace $0x9000004B  }
0xb6: {  	_ =	sfence  }
0xb7: {  	s30 =	sld [smem:$0x0];
	_ =	sdelay $0x2  }
0xb8: {  	s31 =	sshll.u32 s1, $0xD;
	s1 =	sshrl.u32 s1, $0x2  }
0xb9: {  	s3 =	sand.u32 $0x4000, s31;
	s1 =	sadd.s32 s1, s30  }
0xba: {  	s0 =	sor.u32 s3, s0;
	s1 =	sshll.u32 s1, $0x11  }
0xbb: {  	s0 =	sor.u32 s1, s0  }
0xbc: {  	s0 =	sadd.s32 $0x8F2B, s0  }
0xbd: {  	[sflag:s0] =	ssyncadd.remote.s32 $0x1  }
0xbe: {  	_ =	sfence.sel $0xFFFF  }
0xbf: {  	[dreg:$0x0] =	wrdreg $0xFFFFFFFF;
	(pc) =	sbr.abs _section_cstart, $3  }
0xc0: {  	[dreg:$0x1] =	wrdreg $0xFFFFFFFF  }
0xc1: {  	_ =	task.clear_ibuf [dreg:s6], $0x2FFFF;
	_ =	strace $0x9FFFFFFF  }
0xc2: {  	(tm) =	ssettm $0x7FFFFFFF  }
0xc3: {  	_ =	shalt  }
tec
execute0_lowered:
.L_overlay_start_1:
0x0: {  	(tag) =	ssettag $0x1  }
0x1: {  	s0 =	rddreg [dreg:$0x0]  }
0x2: {  	s1 =	rddreg [dreg:$0x1];
	s2 =	srdreg.scid  }
0x3: {  	s5 =	simm.s32 $0x0;
	s3 =	stileid.u32;
	s14 =	simm.s32 $0x13880  }
0x4: {  	s15 =	simm.s32 $0xD;
	s21 =	simm.s32 $0x28;
	s22 =	simm.s32 $0x18780  }
0x5: {  	s16 =	simm.s32 $0x3;
	s2 =	sand.u32 $0x1, s2;
	[smem:$0x7FF] =	sst s5  }
0x6: {  	s11 =	sadd.s32 $0x3DC00, s0;
	s8 =	smul.u32 $0x4E000, s3;
	s17 =	sshll.u32 s3, $0x6  }
0x7: {  	p1 =	seq.s32 s3, $0xF;
	p2 =	sne.s32 s3, $0xF;
	s4 =	sshll.u32 s2, $0x4  }
0x8: {  	_ =	strace $0x8000004A;
	s6 =	smul.u32 $0x27100, s2;
	s7 =	ssub.s32 $0x2, s2  }
0x9: {  	[dreg:$0x3] =	wrdreg s11;
	p0 =	sne.s32 s2, $0x0;
	s18 =	sor.u32 $0x1C0D, s17  }
0xa: {  	s2 =	simm.s32 $0x1;
	s4 =	sor.u32 s3, s4;
	s9 =	sshrl.u32 s7, $0x1  }
0xb: {  	s10 =	sshrl.u32 s8, $0x2;
	s25 =	smul.u32 $0x4E2, s4;
	s4 =	sadd.s32 $0x16A00, s0  }
0xc: {  	s9 =	ssub.s32 s7, s9;
	s28 =	sadd.s32 s10, s1;
	s10 =	sadd.s32 $0x138000, s1  }
0xd: {  	s13 =	smax.u32 s9, $0x1;
	s19 =	sshrl.u32 s28, $0x3;
	s31 =	sshrl.u32 s10, $0x3  }
0xe: {  	s5 =	sadd.s32 s25, s0;
	s0 =	sadd.s32 s6, s0;
	s6 =	smul.u32 $0x2700, s3  }
.Ltmp0:
0xf: {  	s9 =	simm.s32 $0x7;
	[dreg:$0x7] =	wrdreg s31;
	(pc) =	sbr.rel .LBB2_1-.Ltmp0, $4  }
0x10: {  	s26 =	sadd.s32 $0x2E00, s5;
	s8 =	sadd.s32 $0xCC00, s5;
	s12 =	sadd.s32 $0x64E00, s0  }
0x11: {  	s0 =	simm.s32 $0x1EB80;
	[dreg:$0x4] =	wrdreg s26;
	s29 =	sadd.s32 s11, s6  }
0x12: {  	s5 =	simm.s32 $0x0;
	s30 =	sadd.s32 s4, s6;
	[dreg:$0x5] =	wrdreg s29  }
0x13: {  	s26 =	simm.s32 $0x1AF80;
	s11 =	simm.s32 $0x9;
	[dreg:$0x6] =	wrdreg s30  }
.LBB2_10:
0x14: {  	[bflag:$0x0] =	sbarrier.arrive $0xFFFF;
	s3 =	sadd.s32 s6, s12;
	s7 =	sor.u32 $0x1C0D, s17  }
0x15: {  	[hbm:s3], [sflag:s7] =	dma.local [spmem:s19], $0x2700  }
0x16: {  	_ =	swait.ge [sflag:s15], $0x2700  }
0x17: {  	s20 =	sshrl.u32 @!p2 s10, $0x3;
	s5 =	sadd.s32 $0x1, s5;
	[sflag:s15] =	ssyncset.done $0x0  }
0x18: {  	s3 =	sadd.s32 @!p2 $0x27000, s12;
	p3 =	sne.s32 s5, s13;
	[sflag:s15] =	ssyncadd.s32 $0xFFFFD900  }
0x19: {  	[hbm:s3], [sflag:s7] =	dma.local @!p2 [spmem:s20], $0x100  }
.Ltmp1:
0x1a: {  	_ = 	snop;
	(pc) =	sbr.rel @!p3 .LBB2_11-.Ltmp1, $4  }
0x1b: {  	s3 =	simm.s32 @!p2 $0xD  }
0x1c: {  	_ =	swait.ge @!p2 [sflag:s3], $0x100  }
0x1d: {  	[sflag:s3] =	ssyncset.done @!p2 $0x0  }
0x1e: {  	[sflag:s3] =	ssyncadd.s32 @!p2 $0xFFFFFF00  }
.LBB2_1:
0x1f: {  	s3 =	simm.s32 $0x0;
	s7 =	rddreg [dreg:$0x4]  }
0x20: {  	[tilespmem:s14], [sflag:$0xD] =	stream.linear.gather [hbm4b:s7+s3], $0x2710, $0x38;
	[tilespmem:$0x1FF80] =	vst v63  }
0x21: {  	_ =	swait.ge [sflag:s15], $0x2710  }
0x22: {  	[sflag:s15] =	ssyncset.done $0x0  }
.Ltmp2:
0x23: {  	s31 =	simm.s32 $0x16000;
	[sflag:s15] =	ssyncadd.s32 $0xFFFFD8F0;
	(pc) =	sbr.rel @p0 .LBB2_3-.Ltmp2, $4  }
0x24: {  	[tilespmem:s31], [sflag:$0xD] =	stream.linear.gather [hbm4b:s8+s3], $0x2710, $0x38;
	[tilespmem:$0x1FF80] =	vst v63  }
0x25: {  	_ =	swait.ge [sflag:s15], $0x2710  }
0x26: {  	[sflag:s15] =	ssyncset.done $0x0  }
0x27: {  	[sflag:s15] =	ssyncadd.s32 $0xFFFFD8F0  }
0x28: {  	s3 =	rddreg [dreg:$0x6]  }
0x29: {  	[spmem:s19], [sflag:s18] =	dma.local [hbm:s3], $0x2700  }
.Ltmp3:
0x2a: {  	_ = 	snop;
	(pc) =	sbr.rel @p1 .LBB2_4-.Ltmp3, $4  }
.Ltmp4:
0x2b: {  	_ = 	snop;
	(pc) =	sbr.rel @!p1 .LBB2_5-.Ltmp4, $4  }
0x2c: {  	_ =	swait.ge [sflag:s15], $0x2700  }
0x2d: {  	[sflag:s15] =	ssyncset.done $0x0  }
0x2e: {  	s23 =	smov.u32 s4;
	s20 =	smov.u32 s18;
	[sflag:s15] =	ssyncadd.s32 $0xFFFFD900  }
0x2f: {  	_ = 	snop  }
.LBB2_3:
.Ltmp5:
0x30: {  	s20 =	sor.u32 $0x1C0D, s17;
	s3 =	rddreg [dreg:$0x5];
	(pc) =	sbr.rel @p2 .LBB2_5-.Ltmp5, $4  }
0x31: {  	[spmem:s19], [sflag:s20] =	dma.local [hbm:s3], $0x2700  }
0x32: {  	_ =	swait.ge [sflag:s15], $0x2700  }
0x33: {  	[sflag:s15] =	ssyncset.done $0x0  }
0x34: {  	s23 =	rddreg [dreg:$0x3];
	[sflag:s15] =	ssyncadd.s32 $0xFFFFD900  }
.LBB2_4:
0x35: {  	s23 =	sadd.s32 $0x27000, s23;
	s3 =	rddreg [dreg:$0x7]  }
0x36: {  	[spmem:s3], [sflag:s20] =	dma.local [hbm:s23], $0x100  }
0x37: {  	_ =	swait.ge [sflag:s15], $0x100  }
0x38: {  	[sflag:s15] =	ssyncset.done $0x0  }
0x39: {  	[sflag:s15] =	ssyncadd.s32 $0xFFFFFF00  }
.LBB2_5:
0x3a: {  	[tilespmem:s22], [sflag:$0x1] =	stream.indirect.gather [hbm4b:s4+s21], $0x80, s14, s21, $0xb8;
	[tilespmem:$0x1FF80] =	vst v63  }
0x3b: {  	s3 =	simm.s32 $0x138A8;
	s7 =	simm.s32 $0x19B80  }
0x3c: {  	[tilespmem:s7], [sflag:$0x2] =	stream.indirect.gather [hbm4b:s4+s21], $0x80, s3, s21, $0xb8;
	[tilespmem:$0x1FF80] =	vst v63  }
0x3d: {  	s25 =	simm.s32 $0x138D0  }
0x3e: {  	[tilespmem:s26], [sflag:$0x3] =	stream.indirect.gather [hbm4b:s4+s21], $0x80, s25, s21, $0xb8;
	[tilespmem:$0x1FF80] =	vst v63  }
0x3f: {  	s28 =	simm.s32 $0x138F8;
	s29 =	simm.s32 $0x1C380  }
0x40: {  	[tilespmem:s29], [sflag:$0x4] =	stream.indirect.gather [hbm4b:s4+s21], $0x80, s28, s21, $0xb8;
	[tilespmem:$0x1FF80] =	vst v63  }
.Ltmp6:
0x41: {  	_ = 	snop;
	(pc) =	sbr.rel .LBB2_6-.Ltmp6, $4  }
0x42: {  	s30 =	simm.s32 $0x13920;
	s31 =	simm.s32 $0x1D780  }
0x43: {  	[tilespmem:s31], [sflag:$0x5] =	stream.indirect.gather [hbm4b:s4+s21], $0x80, s30, s21, $0xb8;
	[tilespmem:$0x1FF80] =	vst v63  }
0x44: {  	[bflag:$0x0] =	sbarrier.arrive $0xFFFF  }
0x45: {  	s23 =	simm.s32 $0x0;
	s24 =	simm.s32 $0xFFFFFFFE;
	s25 =	simm.s32 $0x0  }
.LBB2_7:
0x46: {  	s20 =	sadd.s32 $0x13948, s29  }
0x47: {  	[tilespmem:s0], [sflag:$0x6] =	stream.indirect.gather [hbm4b:s4+s21], $0x80, s20, s21, $0xb8;
	[tilespmem:$0x1FF80] =	vst v63  }
.LBB2_9:
0x48: {  	_ =	swait.ge [sflag:s2], $0x1400  }
0x49: {  	[sflag:s2] =	ssyncset.done $0x0  }
0x4a: {  	s20 =	sadd.s32 $0x16000, s29;
	[sflag:s2] =	ssyncadd.s32 $0xFFFFEC00  }
0x4b: {  	[spmem:s1] =	stream.indirect.scatter.add.f32 [tilespmem:s22], [sflag:$0x7], $0x80, s20, s21, $0xb8;
	[tilespmem:$0x1FF80] =	vst v63  }
0x4c: {  	_ =	swait.ge [sflag:s9], $0x1400  }
0x4d: {  	[sflag:s9] =	ssyncset.done $0x0  }
0x4e: {  	s20 =	simm.s32 @p3 $0x2;
	[sflag:s9] =	ssyncadd.s32 $0xFFFFEC00  }
0x4f: {  	_ =	swait.ge @p3 [sflag:s20], $0x1400  }
0x50: {  	s30 =	sshra.s32 @p3 s23, $0x2;
	s31 =	simm.s32 @p3 $0x28;
	[sflag:s20] =	ssyncset.done @p3 $0x0  }
0x51: {  	s28 =	simm.s32 @p3 $0x19B80;
	[sflag:s20] =	ssyncadd.s32 @p3 $0xFFFFEC00;
	s20 =	sadd.s32 @p3 $0x16028, s30  }
0x52: {  	[spmem:s1] =	stream.indirect.scatter.add.f32 @p3 [tilespmem:s28], [sflag:$0x8], $0x80, s20, s31, $0xb8;
	[tilespmem:$0x1FF80] =	vst v63  }
0x53: {  	s20 =	simm.s32 @p3 $0x8  }
0x54: {  	_ =	swait.ge @p3 [sflag:s20], $0x1400  }
0x55: {  	[sflag:s20] =	ssyncset.done @p3 $0x0  }
0x56: {  	[sflag:s20] =	ssyncadd.s32 @p3 $0xFFFFEC00;
	s20 =	sshra.s32 @!p3 s23, $0x2  }
0x57: {  	s7 =	simm.s32 @!p3 $0x18780;
	s28 =	simm.s32 @!p3 $0x28;
	s3 =	sadd.s32 @!p3 $0x13970, s20  }
0x58: {  	[tilespmem:s7], [sflag:$0x1] =	stream.indirect.gather @!p3 [hbm4b:s4+s28], $0x80, s3, s28, $0xb8;
	[tilespmem:$0x1FF80] =	vst v63  }
0x59: {  	s3 =	simm.s32 @!p3 $0x2  }
0x5a: {  	_ =	swait.ge @!p3 [sflag:s3], $0x1400  }
0x5b: {  	[sflag:s3] =	ssyncset.done @!p3 $0x0  }
0x5c: {  	s7 =	simm.s32 @!p3 $0x19B80;
	[sflag:s3] =	ssyncadd.s32 @!p3 $0xFFFFEC00;
	s3 =	sadd.s32 @!p3 $0x16028, s20  }
0x5d: {  	[spmem:s1] =	stream.indirect.scatter.add.f32 @!p3 [tilespmem:s7], [sflag:$0x8], $0x80, s3, s28, $0xb8;
	[tilespmem:$0x1FF80] =	vst v63  }
0x5e: {  	s3 =	simm.s32 @!p3 $0x8  }
0x5f: {  	_ =	swait.ge @!p3 [sflag:s3], $0x1400  }
0x60: {  	[sflag:s3] =	ssyncset.done @!p3 $0x0  }
0x61: {  	[sflag:s3] =	ssyncadd.s32 @!p3 $0xFFFFEC00;
	s3 =	sadd.s32 @!p3 $0x13998, s20  }
0x62: {  	[tilespmem:s7], [sflag:$0x2] =	stream.indirect.gather @!p3 [hbm4b:s4+s28], $0x80, s3, s28, $0xb8;
	[tilespmem:$0x1FF80] =	vst v63  }
0x63: {  	_ =	swait.ge [sflag:s16], $0x1400  }
0x64: {  	[sflag:s16] =	ssyncset.done $0x0  }
0x65: {  	s29 =	sadd.s32 $0x16050, s29;
	[sflag:s16] =	ssyncadd.s32 $0xFFFFEC00  }
0x66: {  	[spmem:s1] =	stream.indirect.scatter.add.f32 [tilespmem:s26], [sflag:$0x9], $0x80, s29, s21, $0xb8;
	[tilespmem:$0x1FF80] =	vst v63  }
0x67: {  	_ =	swait.ge [sflag:s11], $0x1400  }
0x68: {  	[sflag:s11] =	ssyncset.done $0x0  }
0x69: {  	s3 =	simm.s32 @p3 $0x4;
	[sflag:s11] =	ssyncadd.s32 $0xFFFFEC00  }
0x6a: {  	_ =	swait.ge @p3 [sflag:s3], $0x1400  }
0x6b: {  	[sflag:s3] =	ssyncset.done @p3 $0x0  }
0x6c: {  	s7 =	simm.s32 @p3 $0x1C380;
	[sflag:s3] =	ssyncadd.s32 @p3 $0xFFFFEC00;
	s3 =	sadd.s32 @p3 $0x16078, s30  }
0x6d: {  	[spmem:s1] =	stream.indirect.scatter.add.f32 @p3 [tilespmem:s7], [sflag:$0xA], $0x80, s3, s31, $0xb8;
	[tilespmem:$0x1FF80] =	vst v63  }
0x6e: {  	s3 =	simm.s32 @p3 $0xA  }
0x6f: {  	_ =	swait.ge @p3 [sflag:s3], $0x1400  }
0x70: {  	[sflag:s3] =	ssyncset.done @p3 $0x0  }
0x71: {  	s7 =	simm.s32 @!p3 $0x1AF80;
	[sflag:s3] =	ssyncadd.s32 @p3 $0xFFFFEC00;
	s3 =	sadd.s32 @!p3 $0x139C0, s20  }
0x72: {  	[tilespmem:s7], [sflag:$0x3] =	stream.indirect.gather @!p3 [hbm4b:s4+s28], $0x80, s3, s28, $0xb8;
	[tilespmem:$0x1FF80] =	vst v63  }
0x73: {  	s3 =	simm.s32 @!p3 $0x4  }
0x74: {  	_ =	swait.ge @!p3 [sflag:s3], $0x1400  }
0x75: {  	[sflag:s3] =	ssyncset.done @!p3 $0x0  }
0x76: {  	s7 =	simm.s32 @!p3 $0x1C380;
	[sflag:s3] =	ssyncadd.s32 @!p3 $0xFFFFEC00;
	s3 =	sadd.s32 @!p3 $0x16078, s20  }
0x77: {  	[spmem:s1] =	stream.indirect.scatter.add.f32 @!p3 [tilespmem:s7], [sflag:$0xA], $0x80, s3, s28, $0xb8;
	[tilespmem:$0x1FF80] =	vst v63  }
0x78: {  	s3 =	simm.s32 @!p3 $0xA  }
0x79: {  	_ =	swait.ge @!p3 [sflag:s3], $0x1400  }
0x7a: {  	[sflag:s3] =	ssyncset.done @!p3 $0x0  }
0x7b: {  	[sflag:s3] =	ssyncadd.s32 @!p3 $0xFFFFEC00;
	s3 =	sadd.s32 @!p3 $0x139E8, s20  }
0x7c: {  	[tilespmem:s7], [sflag:$0x4] =	stream.indirect.gather @!p3 [hbm4b:s4+s28], $0x80, s3, s28, $0xb8;
	[tilespmem:$0x1FF80] =	vst v63  }
0x7d: {  	s3 =	simm.s32 @!p3 $0x5  }
0x7e: {  	_ =	swait.ge @!p3 [sflag:s3], $0x1400  }
0x7f: {  	[sflag:s3] =	ssyncset.done @!p3 $0x0  }
0x80: {  	s7 =	simm.s32 @!p3 $0x1D780;
	[sflag:s3] =	ssyncadd.s32 @!p3 $0xFFFFEC00;
	s3 =	sadd.s32 @!p3 $0x160A0, s20  }
0x81: {  	[spmem:s1] =	stream.indirect.scatter.add.f32 @!p3 [tilespmem:s7], [sflag:$0xB], $0x80, s3, s28, $0xb8;
	[tilespmem:$0x1FF80] =	vst v63  }
0x82: {  	s3 =	simm.s32 @!p3 $0xB  }
0x83: {  	p4 =	seq.s32 @!p3 s23, $0x9600;
	_ =	swait.ge @!p3 [sflag:s3], $0x1400  }
0x84: {  	p4 =	por p4, p3;
	[sflag:s3] =	ssyncset.done @!p3 $0x0  }
0x85: {  	[sflag:s3] =	ssyncadd.s32 @!p3 $0xFFFFEC00;
	s3 =	sshra.s32 @!p4 s23, $0x2  }
0x86: {  	s29 =	simm.s32 @!p4 $0x1D780;
	s7 =	simm.s32 @!p4 $0x28;
	s3 =	sadd.s32 @!p4 $0x13A10, s3  }
0x87: {  	[tilespmem:s29], [sflag:$0x5] =	stream.indirect.gather @!p4 [hbm4b:s4+s7], $0x80, s3, s7, $0xb8;
	[tilespmem:$0x1FF80] =	vst v63  }
0x88: {  	s3 =	simm.s32 @!p3 $0x6  }
0x89: {  	_ =	swait.ge @!p3 [sflag:s3], $0x1400  }
0x8a: {  	s23 =	sadd.s32 $0x3C0, s23;
	[sflag:s3] =	ssyncset.done @!p3 $0x0  }
0x8b: {  	s7 =	simm.s32 @!p3 $0x1EB80;
	[sflag:s3] =	ssyncadd.s32 @!p3 $0xFFFFEC00;
	s3 =	sadd.s32 @!p3 $0x160C8, s20  }
0x8c: {  	[spmem:s1] =	stream.indirect.scatter.add.f32 @!p3 [tilespmem:s7], [sflag:$0xC], $0x80, s3, s28, $0xb8;
	[tilespmem:$0x1FF80] =	vst v63  }
0x8d: {  	p3 =	sne.s32 s23, $0xA140  }
.Ltmp7:
0x8e: {  	_ = 	snop;
	(pc) =	sbr.rel @!p3 .LBB2_10-.Ltmp7, $2  }
0x8f: {  	_ =	sdelay $0x2  }
0x90: {  	s25 =	sadd.s32 $0x1, s25;
	s24 =	sadd.s32 $0x6, s24  }
.LBB2_6:
0x91: {  	p3 =	sgt.u32 s25, $0x28  }
.Ltmp8:
0x92: {  	p4 =	sgt.u32 s24, $0xF9;
	(pc) =	sbr.rel @!p3 .LBB2_7-.Ltmp8, $4  }
0x93: {  	s20 =	simm.s32 @!p4 $0xC  }
0x94: {  	_ =	swait.ge @!p4 [sflag:s20], $0x1400  }
0x95: {  	[sflag:s20] =	ssyncset.done @!p4 $0x0  }
0x96: {  	s29 =	sshra.s32 s23, $0x2;
	[sflag:s20] =	ssyncadd.s32 @!p4 $0xFFFFEC00  }
0x97: {  	p4 =	seq.s32 s23, $0x9D80  }
.Ltmp9:
0x98: {  	_ = 	snop;
	(pc) =	sbr.rel @!p4 .LBB2_9-.Ltmp9, $4  }
.Ltmp10:
0x99: {  	_ = 	snop;
	(pc) =	sbr.rel @p4 .LBB2_10-.Ltmp10, $4  }
0x9a: {  	_ = 	snop  }
0x9b: {  	_ = 	snop  }
0x9c: {  	_ = 	snop  }
0x9d: {  	_ = 	snop  }
.LBB2_11:
0x9e: {  	_ =	sfence.sel $0x180000  }
0x9f: {  	[bflag:$0x0] =	sbarrier.arrive $0xFFFF  }
0xa0: {  	_ =	strace $0x9000004A  }
0xa1: {  	s0 =	stileid.u32;
	[bflag:$0x2] =	sbarrier.arrive $0xFFFF  }
0xa2: {  	p0 =	sne.s32 s0, $0x0;
	s0 =	rddreg [dreg:$0x2]  }
0xa3: {  	s0 =	sadd.s32 @!p0 $0x100000, s0  }
0xa4: {  	[sflag:s0] =	ssyncadd.tile.s32 @!p0 $0x1;
	_ =	shalt  }
.Lfunc_end2:
_tile_overlayer_lowered:
.L_overlay_start_2:
0xa5: {  	(tag) =	ssettag $0x2  }
0xa6: {  	s0 =	rddreg [dreg:$0x0];
	s2 =	stileid.u32  }
0xa7: {  	s1 =	rddreg [dreg:$0x1];
	p0 =	sne.s32 s2, $0x0  }
0xa8: {  	s3 =	rddreg [dreg:$0x2];
	[bflag:$0x3] =	sbarrier.arrive $0xFFFF;
	s2 =	simm.s32 @!p0 $0x1C0D  }
0xa9: {  	[timem:s3], [sflag:s2] =	dma.local @!p0 [hbm:s0], s1  }
0xaa: {  	s0 =	simm.s32 @!p0 $0xD  }
0xab: {  	_ =	swait.ge @!p0 [sflag:s0], s1  }
0xac: {  	s1 =	ssub.s32 @!p0 $0x0, s1;
	[sflag:s0] =	ssyncset.done @!p0 $0x0  }
0xad: {  	[sflag:s0] =	ssyncadd.s32 @!p0 s1  }
0xae: {  	[bflag:$0x3] =	sbarrier.arrive $0xFFFF  }
0xaf: {  	_ =	shalt  }

// kernel: kernel.16.cloned.1.call-start
scs
__scs_entry_jumppad:
0x0: {  	(pc) =	sbr.rel $0x88, $3  }
0x1: {  	(tag) =	ssettag $0x0;
	lr =	simm.s32 $0x1  }
0x2: {  	[smem:$0x3F98] =	sst lr;
	_ =	strace $0xD0000000  }
0x3: {  	_ = 	snop  }
0x4: {  	_ = 	snop  }
0x5: {  	_ = 	snop  }
0x6: {  	_ = 	snop  }
0x7: {  	_ = 	snop  }
__scs_overlays_trampoline_lowered:
0x8: {  	[smem:$0x3FA7] =	sst s0  }
0x9: {  	[smem:$0x3FA8] =	sst s1  }
0xa: {  	[smem:$0x3FA9] =	sst s2  }
0xb: {  	[smem:$0x3FAA] =	sst s3  }
0xc: {  	[smem:$0x3FAB] =	sst s4  }
0xd: {  	[smem:$0x3FAC] =	sst s5  }
0xe: {  	[smem:$0x3FAD] =	sst s6  }
0xf: {  	[smem:$0x3FAE] =	sst s7  }
0x10: {  	[smem:$0x3FAF] =	sst s8  }
0x11: {  	[smem:$0x3FB0] =	sst s9;
	s0 =	simm.s32 @!p0 $0x0  }
0x12: {  	s1 =	sld [smem:$0x3F96];
	s0 =	simm.s32 @p0 $0x1  }
0x13: {  	[smem:$0x3FB1] =	sst s0;
	s0 =	simm.s32 @!p1 $0x0  }
0x14: {  	s2 =	sld [smem:$0x3F95];
	s0 =	simm.s32 @p1 $0x1  }
0x15: {  	[smem:$0x3FB2] =	sst s0;
	s0 =	simm.s32 @!p2 $0x0  }
0x16: {  	s3 =	sld [smem:$0x3FDB];
	s0 =	simm.s32 @p2 $0x1  }
0x17: {  	s4 =	simm.s32 $0x1BF5;
	[smem:$0x3FB4] =	sst s0  }
0x18: {  	s0 =	sld [smem:$0x3F97];
	_ =	swait.ge [sflag:s4], $0x0  }
0x19: {  	s7 =	sld [smem:$0x3F98]  }
0x1a: {  	s8 =	sadd.s32 $0xFFFFE003, lr  }
0x1b: {  	s9 =	sadd.s32 $0xFFFFFEF7, lr;
	s5 =	simm.s32 $0xFFFFFFFF;
	p2 =	slt.u32 s8, $0xFFFFF086  }
0x1c: {  	p1 =	slt.u32 s9, $0xF7A;
	s5 =	simm.s32 @!p2 $0x0  }
0x1d: {  	s5 =	simm.s32 @p1 $0x1;
	p0 =	seq.s32 s7, s2  }
0x1e: {  	s7 =	smul.u32 @!p0 $0xF7A, s2;
	p2 =	seq.s32 @!p0 s5, $0x0  }
0x1f: {  	s9 =	smul.u32 $0xF7A, s1;
	s8 =	simm.s32 @!p0 $0x1BF5;
	p2 =	por !p2, p0  }
0x20: {  	[sflag:s8] =	ssyncset.s32 @!p0 $0xFFFFF086;
	s6 =	sadd.s32 @!p0 s3, s7;
	s7 =	simm.s32 @!p0 $0x108  }
0x21: {  	s3 =	sadd.s32 s3, s9;
	s6 =	sadd.s32 @!p0 $0x88, s6;
	s7 =	simm.s32 @p2 $0x1082  }
0x22: {  	[simem:s7], [sflag:s8] =	dma.local @!p0 [hbm:s6], $0xF7A  }
0x23: {  	s9 =	sor.u32 $0xD0000000, s2;
	s6 =	simm.s32 $0x108;
	_ =	swait.ge @!p0 [sflag:s8], $0x0  }
0x24: {  	s3 =	sadd.s32 $0x88, s3;
	s6 =	simm.s32 @!p1 $0x1082;
	[sflag:s4] =	ssyncset.s32 $0xFFFFF086  }
0x25: {  	[simem:s6], [sflag:s4] =	dma.local [hbm:s3], $0xF7A  }
0x26: {  	[smem:$0x3F98] =	sst s1;
	(tag) =	ssettag s2;
	_ =	strace s9  }
0x27: {  	s1 =	sld [smem:$0x3FA8]  }
0x28: {  	s2 =	sld [smem:$0x3FA9]  }
0x29: {  	s4 =	sld [smem:$0x3FAB]  }
0x2a: {  	p0 =	seq.s32 s5, $0x0;
	s5 =	sld [smem:$0x3FAC]  }
0x2b: {  	s6 =	sld [smem:$0x3FAD]  }
0x2c: {  	s7 =	sld [smem:$0x3FAE]  }
0x2d: {  	s3 =	simm.s32 $0x108;
	s8 =	sld [smem:$0x3FAF]  }
0x2e: {  	s3 =	simm.s32 @!p0 $0x1082;
	s9 =	sld [smem:$0x3FB0]  }
0x2f: {  	lr =	sadd.s32 s0, s3;
	s0 =	sld [smem:$0x3FA7]  }
0x30: {  	s3 =	sld [smem:$0x3FAA]  }
0x31: {  	[smem:$0x3FB3] =	sst s10  }
0x32: {  	s10 =	sld [smem:$0x3FB1];
	_ =	sdelay $0x3  }
0x33: {  	p0 =	seq.s32 s10, $0x1;
	s10 =	sld [smem:$0x3FB3];
	_ =	sdelay $0x3  }
0x34: {  	[smem:$0x3FB3] =	sst s10  }
0x35: {  	s10 =	sld [smem:$0x3FB2];
	_ =	sdelay $0x3  }
0x36: {  	p1 =	seq.s32 s10, $0x1;
	s10 =	sld [smem:$0x3FB3];
	_ =	sdelay $0x3  }
0x37: {  	[smem:$0x3FB3] =	sst s10  }
0x38: {  	s10 =	sld [smem:$0x3FB4]  }
0x39: {  	_ = 	snop;
	(pc) =	sbr.ind lr, $3  }
0x3a: {  	_ = 	snop  }
0x3b: {  	_ = 	snop  }
0x3c: {  	p2 =	seq.s32 s10, $0x1;
	s10 =	sld [smem:$0x3FB3]  }
0x3d: {  	_ =	shalt  }
0x3e: {  	_ =	shalt  }
0x3f: {  	_ =	shalt  }
0x40: {  	_ =	shalt  }
0x41: {  	_ =	shalt  }
0x42: {  	_ =	shalt  }
0x43: {  	_ =	shalt  }
0x44: {  	_ =	shalt  }
0x45: {  	_ =	shalt  }
0x46: {  	_ =	shalt  }
0x47: {  	_ =	shalt  }
0x48: {  	_ =	shalt  }
0x49: {  	_ =	shalt  }
0x4a: {  	_ =	shalt  }
0x4b: {  	_ =	shalt  }
0x4c: {  	_ =	shalt  }
0x4d: {  	_ =	shalt  }
0x4e: {  	_ =	shalt  }
0x4f: {  	_ =	shalt  }
0x50: {  	_ =	shalt  }
0x51: {  	_ =	shalt  }
0x52: {  	_ =	shalt  }
0x53: {  	_ =	shalt  }
0x54: {  	_ =	shalt  }
0x55: {  	_ =	shalt  }
0x56: {  	_ =	shalt  }
0x57: {  	_ =	shalt  }
0x58: {  	_ =	shalt  }
0x59: {  	_ =	shalt  }
0x5a: {  	_ =	shalt  }
0x5b: {  	_ =	shalt  }
0x5c: {  	_ =	shalt  }
0x5d: {  	_ =	shalt  }
0x5e: {  	_ =	shalt  }
0x5f: {  	_ =	shalt  }
0x60: {  	_ =	shalt  }
0x61: {  	_ =	shalt  }
0x62: {  	_ =	shalt  }
0x63: {  	_ =	shalt  }
0x64: {  	_ =	shalt  }
0x65: {  	_ =	shalt  }
0x66: {  	_ =	shalt  }
0x67: {  	_ =	shalt  }
0x68: {  	_ =	shalt  }
0x69: {  	_ =	shalt  }
0x6a: {  	_ =	shalt  }
0x6b: {  	_ =	shalt  }
0x6c: {  	_ =	shalt  }
0x6d: {  	_ =	shalt  }
0x6e: {  	_ =	shalt  }
0x6f: {  	_ =	shalt  }
0x70: {  	_ =	shalt  }
0x71: {  	_ =	shalt  }
0x72: {  	_ =	shalt  }
0x73: {  	_ =	shalt  }
0x74: {  	_ =	shalt  }
0x75: {  	_ =	shalt  }
0x76: {  	_ =	shalt  }
0x77: {  	_ =	shalt  }
0x78: {  	_ =	shalt  }
0x79: {  	_ =	shalt  }
0x7a: {  	_ =	shalt  }
0x7b: {  	_ =	shalt  }
0x7c: {  	_ =	shalt  }
0x7d: {  	_ =	shalt  }
0x7e: {  	_ =	shalt  }
0x7f: {  	_ =	shalt  }
0x80: {  	_ =	shalt  }
0x81: {  	_ =	shalt  }
0x82: {  	_ =	shalt  }
0x83: {  	_ =	shalt  }
0x84: {  	_ =	shalt  }
0x85: {  	_ =	shalt  }
0x86: {  	_ =	shalt  }
0x87: {  	_ =	shalt  }
.Lfunc_end0:
.L_simem_size_0:
called_computation.2_lowered:
.L_overlay_start_0:
0x88: {  	s2 =	sld [smem:$0x3FD9]  }
0x89: {  	s3 =	sld [smem:$0x3FFE];
	_ =	sdelay $0x1  }
0x8a: {  	s1 =	srdreg.scid  }
0x8b: {  	s0 =	sand.u32 $0x1, s1  }
0x8c: {  	s16 =	sshll.u32 s0, $0xA;
	s2 =	sadd.s32 s3, s2  }
0x8d: {  	s2 =	sadd.s32 s2, s16  }
0x8e: {  	[smem:$0x3FBF] =	sst s2  }
0x8f: {  	_ = 	snop  }
0x90: {  	(tm) =	ssettm $0x1  }
0x91: {  	s17 =	sld [smem:$0x3FFB];
	_ =	sdelay $0x3  }
0x92: {  	_ =	strace s17  }
0x93: {  	s2 =	sld [smem:$0x3FFC];
	_ =	sdelay $0x3  }
0x94: {  	_ =	strace s2  }
0x95: {  	s2 =	sld [smem:$0x3FFD];
	_ =	sdelay $0x3  }
0x96: {  	_ =	strace s2  }
0x97: {  	_ =	strace $0x8FFFFFFF  }
0x98: {  	s18 =	sld [smem:$0x3FDB];
	_ =	sdelay $0x1  }
0x99: {  	s19 =	simm.s32 $_scs_section_size  }
0x9a: {  	s4 =	simm.s32 $_size__tile_overlayer_lowered;
	s5 =	simm.s32 $_tile_overlayer_lowered  }
0x9b: {  	s22 =	simm.s32 $0x1BFF;
	s21 =	sshll.u32 s5, $0x1;
	s2 =	sadd.s32 s19, s18  }
0x9c: {  	s6 =	simm.s32 $0x0;
	s20 =	sshll.u32 s4, $0x1;
	s4 =	sadd.s32 s21, s2  }
0x9d: {  	[timem:s6], [sflag:s22] =	dma.local [hbm:s4], s20  }
0x9e: {  	_ =	swait.ge [sflag:s22], s20  }
0x9f: {  	s3 =	ssub.s32 $0x0, s20;
	[sflag:s22] =	ssyncset.done $0x0  }
0xa0: {  	[sflag:s22] =	ssyncadd.s32 s3;
	_ =	sdelay $0x1  }
0xa1: {  	s23 =	simm.s32 $0x1B8B  }
0xa2: {  	_ =	swait.ge [sflag:s23], $0x1  }
0xa3: {  	[sflag:s23] =	ssyncset.done $0x0  }
0xa4: {  	s25 =	simm.s32 $0x1B8E;
	s24 =	sld [smem:$0x3FFE];
	[sflag:s23] =	ssyncadd.s32 $0xFFFFFFFF  }
0xa5: {  	s26 =	simm.s32 $execute0_lowered;
	[smem:$0x3FD2] =	sst s25  }
0xa6: {  	s4 =	sshll.u32 s26, $0x1;
	_ =	strace $0x8000004C;
	[dreg:$0x1] =	wrdreg $0xFFFFFFFF  }
0xa7: {  	s28 =	simm.s32 $_size_execute0_lowered;
	s2 =	sadd.s32 s2, s4;
	[dreg:$0x0] =	wrdreg $0x0  }
0xa8: {  	s4 =	sshll.u32 s28, $0x1;
	[dreg:$0x2] =	wrdreg s2  }
0xa9: {  	[dreg:$0x3] =	wrdreg s4  }
0xaa: {  	[dreg:$0x4] =	wrdreg $0xC0  }
0xab: {  	_ =	task [dreg:s6], $0x5FFFF  }
0xac: {  	[dreg:$0x1] =	wrdreg $0xFFFFFFFF  }
0xad: {  	[dreg:$0x0] =	wrdreg $0x60  }
0xae: {  	[dreg:$0x2] =	wrdreg s24  }
0xaf: {  	[dreg:$0x3] =	wrdreg $0x0  }
0xb0: {  	[dreg:$0x4] =	wrdreg $0x9  }
0xb1: {  	_ =	task.clear_ibuf [dreg:s6], $0x5FFFF;
	_ =	strace $0x9000004C  }
0xb2: {  	s29 =	simm.s32 $0x9;
	_ =	strace $0x8000004E  }
0xb3: {  	_ =	swait.ge [sflag:s29], $0x1  }
0xb4: {  	[sflag:s29] =	ssyncadd.s32 $0xFFFFFFFF  }
0xb5: {  	_ =	strace $0x9000004E  }
0xb6: {  	_ =	sfence  }
0xb7: {  	s30 =	sld [smem:$0x0];
	_ =	sdelay $0x2  }
0xb8: {  	s31 =	sshll.u32 s1, $0xD;
	s1 =	sshrl.u32 s1, $0x2  }
0xb9: {  	s3 =	sand.u32 $0x4000, s31;
	s1 =	sadd.s32 s1, s30  }
0xba: {  	s0 =	sor.u32 s3, s0;
	s1 =	sshll.u32 s1, $0x11  }
0xbb: {  	s0 =	sor.u32 s1, s0  }
0xbc: {  	s0 =	sadd.s32 $0x8F2B, s0  }
0xbd: {  	[sflag:s0] =	ssyncadd.remote.s32 $0x1  }
0xbe: {  	_ =	sfence.sel $0xFFFF  }
0xbf: {  	[dreg:$0x0] =	wrdreg $0xFFFFFFFF;
	(pc) =	sbr.abs _section_cstart, $3  }
0xc0: {  	[dreg:$0x1] =	wrdreg $0xFFFFFFFF  }
0xc1: {  	_ =	task.clear_ibuf [dreg:s6], $0x2FFFF;
	_ =	strace $0x9FFFFFFF  }
0xc2: {  	(tm) =	ssettm $0x7FFFFFFF  }
0xc3: {  	_ =	shalt  }
tec
execute0_lowered:
.L_overlay_start_1:
0x0: {  	(tag) =	ssettag $0x1  }
0x1: {  	s0 =	rddreg [dreg:$0x0]  }
0x2: {  	s1 =	rddreg [dreg:$0x1];
	s2 =	srdreg.scid  }
0x3: {  	s5 =	simm.s32 $0x0;
	s3 =	stileid.u32;
	s14 =	simm.s32 $0x13880  }
0x4: {  	s15 =	simm.s32 $0xD;
	s21 =	simm.s32 $0x28;
	s22 =	simm.s32 $0x18780  }
0x5: {  	s16 =	simm.s32 $0x3;
	s2 =	sand.u32 $0x1, s2;
	[smem:$0x7FF] =	sst s5  }
0x6: {  	s11 =	sadd.s32 $0x3DC00, s0;
	s8 =	smul.u32 $0x4E000, s3;
	s17 =	sshll.u32 s3, $0x6  }
0x7: {  	p1 =	seq.s32 s3, $0xF;
	p2 =	sne.s32 s3, $0xF;
	s4 =	sshll.u32 s2, $0x4  }
0x8: {  	_ =	strace $0x8000004D;
	s6 =	smul.u32 $0x27100, s2;
	s7 =	ssub.s32 $0x2, s2  }
0x9: {  	[dreg:$0x3] =	wrdreg s11;
	p0 =	sne.s32 s2, $0x0;
	s18 =	sor.u32 $0x1C0D, s17  }
0xa: {  	s2 =	simm.s32 $0x1;
	s4 =	sor.u32 s3, s4;
	s9 =	sshrl.u32 s7, $0x1  }
0xb: {  	s10 =	sshrl.u32 s8, $0x2;
	s25 =	smul.u32 $0x4E2, s4;
	s4 =	sadd.s32 $0x16A00, s0  }
0xc: {  	s9 =	ssub.s32 s7, s9;
	s28 =	sadd.s32 s10, s1;
	s10 =	sadd.s32 $0x138000, s1  }
0xd: {  	s13 =	smax.u32 s9, $0x1;
	s19 =	sshrl.u32 s28, $0x3;
	s31 =	sshrl.u32 s10, $0x3  }
0xe: {  	s5 =	sadd.s32 s25, s0;
	s0 =	sadd.s32 s6, s0;
	s6 =	smul.u32 $0x2700, s3  }
.Ltmp0:
0xf: {  	s9 =	simm.s32 $0x7;
	[dreg:$0x7] =	wrdreg s31;
	(pc) =	sbr.rel .LBB2_1-.Ltmp0, $4  }
0x10: {  	s26 =	sadd.s32 $0x2E00, s5;
	s8 =	sadd.s32 $0xCC00, s5;
	s12 =	sadd.s32 $0x64E00, s0  }
0x11: {  	s0 =	simm.s32 $0x1EB80;
	[dreg:$0x4] =	wrdreg s26;
	s29 =	sadd.s32 s11, s6  }
0x12: {  	s5 =	simm.s32 $0x0;
	s30 =	sadd.s32 s4, s6;
	[dreg:$0x5] =	wrdreg s29  }
0x13: {  	s26 =	simm.s32 $0x1AF80;
	s11 =	simm.s32 $0x9;
	[dreg:$0x6] =	wrdreg s30  }
.LBB2_10:
0x14: {  	[bflag:$0x0] =	sbarrier.arrive $0xFFFF;
	s3 =	sadd.s32 s6, s12;
	s7 =	sor.u32 $0x1C0D, s17  }
0x15: {  	[hbm:s3], [sflag:s7] =	dma.local [spmem:s19], $0x2700  }
0x16: {  	_ =	swait.ge [sflag:s15], $0x2700  }
0x17: {  	s20 =	sshrl.u32 @!p2 s10, $0x3;
	s5 =	sadd.s32 $0x1, s5;
	[sflag:s15] =	ssyncset.done $0x0  }
0x18: {  	s3 =	sadd.s32 @!p2 $0x27000, s12;
	p3 =	sne.s32 s5, s13;
	[sflag:s15] =	ssyncadd.s32 $0xFFFFD900  }
0x19: {  	[hbm:s3], [sflag:s7] =	dma.local @!p2 [spmem:s20], $0x100  }
.Ltmp1:
0x1a: {  	_ = 	snop;
	(pc) =	sbr.rel @!p3 .LBB2_11-.Ltmp1, $4  }
0x1b: {  	s3 =	simm.s32 @!p2 $0xD  }
0x1c: {  	_ =	swait.ge @!p2 [sflag:s3], $0x100  }
0x1d: {  	[sflag:s3] =	ssyncset.done @!p2 $0x0  }
0x1e: {  	[sflag:s3] =	ssyncadd.s32 @!p2 $0xFFFFFF00  }
.LBB2_1:
0x1f: {  	s3 =	simm.s32 $0x0;
	s7 =	rddreg [dreg:$0x4]  }
0x20: {  	[tilespmem:s14], [sflag:$0xD] =	stream.linear.gather [hbm4b:s7+s3], $0x2710, $0x38;
	[tilespmem:$0x1FF80] =	vst v63  }
0x21: {  	_ =	swait.ge [sflag:s15], $0x2710  }
0x22: {  	[sflag:s15] =	ssyncset.done $0x0  }
.Ltmp2:
0x23: {  	s31 =	simm.s32 $0x16000;
	[sflag:s15] =	ssyncadd.s32 $0xFFFFD8F0;
	(pc) =	sbr.rel @p0 .LBB2_3-.Ltmp2, $4  }
0x24: {  	[tilespmem:s31], [sflag:$0xD] =	stream.linear.gather [hbm4b:s8+s3], $0x2710, $0x38;
	[tilespmem:$0x1FF80] =	vst v63  }
0x25: {  	_ =	swait.ge [sflag:s15], $0x2710  }
0x26: {  	[sflag:s15] =	ssyncset.done $0x0  }
0x27: {  	[sflag:s15] =	ssyncadd.s32 $0xFFFFD8F0  }
0x28: {  	s3 =	rddreg [dreg:$0x6]  }
0x29: {  	[spmem:s19], [sflag:s18] =	dma.local [hbm:s3], $0x2700  }
.Ltmp3:
0x2a: {  	_ = 	snop;
	(pc) =	sbr.rel @p1 .LBB2_4-.Ltmp3, $4  }
.Ltmp4:
0x2b: {  	_ = 	snop;
	(pc) =	sbr.rel @!p1 .LBB2_5-.Ltmp4, $4  }
0x2c: {  	_ =	swait.ge [sflag:s15], $0x2700  }
0x2d: {  	[sflag:s15] =	ssyncset.done $0x0  }
0x2e: {  	s23 =	smov.u32 s4;
	s20 =	smov.u32 s18;
	[sflag:s15] =	ssyncadd.s32 $0xFFFFD900  }
0x2f: {  	_ = 	snop  }
.LBB2_3:
.Ltmp5:
0x30: {  	s20 =	sor.u32 $0x1C0D, s17;
	s3 =	rddreg [dreg:$0x5];
	(pc) =	sbr.rel @p2 .LBB2_5-.Ltmp5, $4  }
0x31: {  	[spmem:s19], [sflag:s20] =	dma.local [hbm:s3], $0x2700  }
0x32: {  	_ =	swait.ge [sflag:s15], $0x2700  }
0x33: {  	[sflag:s15] =	ssyncset.done $0x0  }
0x34: {  	s23 =	rddreg [dreg:$0x3];
	[sflag:s15] =	ssyncadd.s32 $0xFFFFD900  }
.LBB2_4:
0x35: {  	s23 =	sadd.s32 $0x27000, s23;
	s3 =	rddreg [dreg:$0x7]  }
0x36: {  	[spmem:s3], [sflag:s20] =	dma.local [hbm:s23], $0x100  }
0x37: {  	_ =	swait.ge [sflag:s15], $0x100  }
0x38: {  	[sflag:s15] =	ssyncset.done $0x0  }
0x39: {  	[sflag:s15] =	ssyncadd.s32 $0xFFFFFF00  }
.LBB2_5:
0x3a: {  	[tilespmem:s22], [sflag:$0x1] =	stream.indirect.gather [hbm4b:s4+s21], $0x80, s14, s21, $0xb8;
	[tilespmem:$0x1FF80] =	vst v63  }
0x3b: {  	s3 =	simm.s32 $0x138A8;
	s7 =	simm.s32 $0x19B80  }
0x3c: {  	[tilespmem:s7], [sflag:$0x2] =	stream.indirect.gather [hbm4b:s4+s21], $0x80, s3, s21, $0xb8;
	[tilespmem:$0x1FF80] =	vst v63  }
0x3d: {  	s25 =	simm.s32 $0x138D0  }
0x3e: {  	[tilespmem:s26], [sflag:$0x3] =	stream.indirect.gather [hbm4b:s4+s21], $0x80, s25, s21, $0xb8;
	[tilespmem:$0x1FF80] =	vst v63  }
0x3f: {  	s28 =	simm.s32 $0x138F8;
	s29 =	simm.s32 $0x1C380  }
0x40: {  	[tilespmem:s29], [sflag:$0x4] =	stream.indirect.gather [hbm4b:s4+s21], $0x80, s28, s21, $0xb8;
	[tilespmem:$0x1FF80] =	vst v63  }
.Ltmp6:
0x41: {  	_ = 	snop;
	(pc) =	sbr.rel .LBB2_6-.Ltmp6, $4  }
0x42: {  	s30 =	simm.s32 $0x13920;
	s31 =	simm.s32 $0x1D780  }
0x43: {  	[tilespmem:s31], [sflag:$0x5] =	stream.indirect.gather [hbm4b:s4+s21], $0x80, s30, s21, $0xb8;
	[tilespmem:$0x1FF80] =	vst v63  }
0x44: {  	[bflag:$0x0] =	sbarrier.arrive $0xFFFF  }
0x45: {  	s23 =	simm.s32 $0x0;
	s24 =	simm.s32 $0xFFFFFFFE;
	s25 =	simm.s32 $0x0  }
.LBB2_7:
0x46: {  	s20 =	sadd.s32 $0x13948, s29  }
0x47: {  	[tilespmem:s0], [sflag:$0x6] =	stream.indirect.gather [hbm4b:s4+s21], $0x80, s20, s21, $0xb8;
	[tilespmem:$0x1FF80] =	vst v63  }
.LBB2_9:
0x48: {  	_ =	swait.ge [sflag:s2], $0x1400  }
0x49: {  	[sflag:s2] =	ssyncset.done $0x0  }
0x4a: {  	s20 =	sadd.s32 $0x16000, s29;
	[sflag:s2] =	ssyncadd.s32 $0xFFFFEC00  }
0x4b: {  	[spmem:s1] =	stream.indirect.scatter.add.f32 [tilespmem:s22], [sflag:$0x7], $0x80, s20, s21, $0xb8;
	[tilespmem:$0x1FF80] =	vst v63  }
0x4c: {  	_ =	swait.ge [sflag:s9], $0x1400  }
0x4d: {  	[sflag:s9] =	ssyncset.done $0x0  }
0x4e: {  	s20 =	simm.s32 @p3 $0x2;
	[sflag:s9] =	ssyncadd.s32 $0xFFFFEC00  }
0x4f: {  	_ =	swait.ge @p3 [sflag:s20], $0x1400  }
0x50: {  	s30 =	sshra.s32 @p3 s23, $0x2;
	s31 =	simm.s32 @p3 $0x28;
	[sflag:s20] =	ssyncset.done @p3 $0x0  }
0x51: {  	s28 =	simm.s32 @p3 $0x19B80;
	[sflag:s20] =	ssyncadd.s32 @p3 $0xFFFFEC00;
	s20 =	sadd.s32 @p3 $0x16028, s30  }
0x52: {  	[spmem:s1] =	stream.indirect.scatter.add.f32 @p3 [tilespmem:s28], [sflag:$0x8], $0x80, s20, s31, $0xb8;
	[tilespmem:$0x1FF80] =	vst v63  }
0x53: {  	s20 =	simm.s32 @p3 $0x8  }
0x54: {  	_ =	swait.ge @p3 [sflag:s20], $0x1400  }
0x55: {  	[sflag:s20] =	ssyncset.done @p3 $0x0  }
0x56: {  	[sflag:s20] =	ssyncadd.s32 @p3 $0xFFFFEC00;
	s20 =	sshra.s32 @!p3 s23, $0x2  }
0x57: {  	s7 =	simm.s32 @!p3 $0x18780;
	s28 =	simm.s32 @!p3 $0x28;
	s3 =	sadd.s32 @!p3 $0x13970, s20  }
0x58: {  	[tilespmem:s7], [sflag:$0x1] =	stream.indirect.gather @!p3 [hbm4b:s4+s28], $0x80, s3, s28, $0xb8;
	[tilespmem:$0x1FF80] =	vst v63  }
0x59: {  	s3 =	simm.s32 @!p3 $0x2  }
0x5a: {  	_ =	swait.ge @!p3 [sflag:s3], $0x1400  }
0x5b: {  	[sflag:s3] =	ssyncset.done @!p3 $0x0  }
0x5c: {  	s7 =	simm.s32 @!p3 $0x19B80;
	[sflag:s3] =	ssyncadd.s32 @!p3 $0xFFFFEC00;
	s3 =	sadd.s32 @!p3 $0x16028, s20  }
0x5d: {  	[spmem:s1] =	stream.indirect.scatter.add.f32 @!p3 [tilespmem:s7], [sflag:$0x8], $0x80, s3, s28, $0xb8;
	[tilespmem:$0x1FF80] =	vst v63  }
0x5e: {  	s3 =	simm.s32 @!p3 $0x8  }
0x5f: {  	_ =	swait.ge @!p3 [sflag:s3], $0x1400  }
0x60: {  	[sflag:s3] =	ssyncset.done @!p3 $0x0  }
0x61: {  	[sflag:s3] =	ssyncadd.s32 @!p3 $0xFFFFEC00;
	s3 =	sadd.s32 @!p3 $0x13998, s20  }
0x62: {  	[tilespmem:s7], [sflag:$0x2] =	stream.indirect.gather @!p3 [hbm4b:s4+s28], $0x80, s3, s28, $0xb8;
	[tilespmem:$0x1FF80] =	vst v63  }
0x63: {  	_ =	swait.ge [sflag:s16], $0x1400  }
0x64: {  	[sflag:s16] =	ssyncset.done $0x0  }
0x65: {  	s29 =	sadd.s32 $0x16050, s29;
	[sflag:s16] =	ssyncadd.s32 $0xFFFFEC00  }
0x66: {  	[spmem:s1] =	stream.indirect.scatter.add.f32 [tilespmem:s26], [sflag:$0x9], $0x80, s29, s21, $0xb8;
	[tilespmem:$0x1FF80] =	vst v63  }
0x67: {  	_ =	swait.ge [sflag:s11], $0x1400  }
0x68: {  	[sflag:s11] =	ssyncset.done $0x0  }
0x69: {  	s3 =	simm.s32 @p3 $0x4;
	[sflag:s11] =	ssyncadd.s32 $0xFFFFEC00  }
0x6a: {  	_ =	swait.ge @p3 [sflag:s3], $0x1400  }
0x6b: {  	[sflag:s3] =	ssyncset.done @p3 $0x0  }
0x6c: {  	s7 =	simm.s32 @p3 $0x1C380;
	[sflag:s3] =	ssyncadd.s32 @p3 $0xFFFFEC00;
	s3 =	sadd.s32 @p3 $0x16078, s30  }
0x6d: {  	[spmem:s1] =	stream.indirect.scatter.add.f32 @p3 [tilespmem:s7], [sflag:$0xA], $0x80, s3, s31, $0xb8;
	[tilespmem:$0x1FF80] =	vst v63  }
0x6e: {  	s3 =	simm.s32 @p3 $0xA  }
0x6f: {  	_ =	swait.ge @p3 [sflag:s3], $0x1400  }
0x70: {  	[sflag:s3] =	ssyncset.done @p3 $0x0  }
0x71: {  	s7 =	simm.s32 @!p3 $0x1AF80;
	[sflag:s3] =	ssyncadd.s32 @p3 $0xFFFFEC00;
	s3 =	sadd.s32 @!p3 $0x139C0, s20  }
0x72: {  	[tilespmem:s7], [sflag:$0x3] =	stream.indirect.gather @!p3 [hbm4b:s4+s28], $0x80, s3, s28, $0xb8;
	[tilespmem:$0x1FF80] =	vst v63  }
0x73: {  	s3 =	simm.s32 @!p3 $0x4  }
0x74: {  	_ =	swait.ge @!p3 [sflag:s3], $0x1400  }
0x75: {  	[sflag:s3] =	ssyncset.done @!p3 $0x0  }
0x76: {  	s7 =	simm.s32 @!p3 $0x1C380;
	[sflag:s3] =	ssyncadd.s32 @!p3 $0xFFFFEC00;
	s3 =	sadd.s32 @!p3 $0x16078, s20  }
0x77: {  	[spmem:s1] =	stream.indirect.scatter.add.f32 @!p3 [tilespmem:s7], [sflag:$0xA], $0x80, s3, s28, $0xb8;
	[tilespmem:$0x1FF80] =	vst v63  }
0x78: {  	s3 =	simm.s32 @!p3 $0xA  }
0x79: {  	_ =	swait.ge @!p3 [sflag:s3], $0x1400  }
0x7a: {  	[sflag:s3] =	ssyncset.done @!p3 $0x0  }
0x7b: {  	[sflag:s3] =	ssyncadd.s32 @!p3 $0xFFFFEC00;
	s3 =	sadd.s32 @!p3 $0x139E8, s20  }
0x7c: {  	[tilespmem:s7], [sflag:$0x4] =	stream.indirect.gather @!p3 [hbm4b:s4+s28], $0x80, s3, s28, $0xb8;
	[tilespmem:$0x1FF80] =	vst v63  }
0x7d: {  	s3 =	simm.s32 @!p3 $0x5  }
0x7e: {  	_ =	swait.ge @!p3 [sflag:s3], $0x1400  }
0x7f: {  	[sflag:s3] =	ssyncset.done @!p3 $0x0  }
0x80: {  	s7 =	simm.s32 @!p3 $0x1D780;
	[sflag:s3] =	ssyncadd.s32 @!p3 $0xFFFFEC00;
	s3 =	sadd.s32 @!p3 $0x160A0, s20  }
0x81: {  	[spmem:s1] =	stream.indirect.scatter.add.f32 @!p3 [tilespmem:s7], [sflag:$0xB], $0x80, s3, s28, $0xb8;
	[tilespmem:$0x1FF80] =	vst v63  }
0x82: {  	s3 =	simm.s32 @!p3 $0xB  }
0x83: {  	p4 =	seq.s32 @!p3 s23, $0x9600;
	_ =	swait.ge @!p3 [sflag:s3], $0x1400  }
0x84: {  	p4 =	por p4, p3;
	[sflag:s3] =	ssyncset.done @!p3 $0x0  }
0x85: {  	[sflag:s3] =	ssyncadd.s32 @!p3 $0xFFFFEC00;
	s3 =	sshra.s32 @!p4 s23, $0x2  }
0x86: {  	s29 =	simm.s32 @!p4 $0x1D780;
	s7 =	simm.s32 @!p4 $0x28;
	s3 =	sadd.s32 @!p4 $0x13A10, s3  }
0x87: {  	[tilespmem:s29], [sflag:$0x5] =	stream.indirect.gather @!p4 [hbm4b:s4+s7], $0x80, s3, s7, $0xb8;
	[tilespmem:$0x1FF80] =	vst v63  }
0x88: {  	s3 =	simm.s32 @!p3 $0x6  }
0x89: {  	_ =	swait.ge @!p3 [sflag:s3], $0x1400  }
0x8a: {  	s23 =	sadd.s32 $0x3C0, s23;
	[sflag:s3] =	ssyncset.done @!p3 $0x0  }
0x8b: {  	s7 =	simm.s32 @!p3 $0x1EB80;
	[sflag:s3] =	ssyncadd.s32 @!p3 $0xFFFFEC00;
	s3 =	sadd.s32 @!p3 $0x160C8, s20  }
0x8c: {  	[spmem:s1] =	stream.indirect.scatter.add.f32 @!p3 [tilespmem:s7], [sflag:$0xC], $0x80, s3, s28, $0xb8;
	[tilespmem:$0x1FF80] =	vst v63  }
0x8d: {  	p3 =	sne.s32 s23, $0xA140  }
.Ltmp7:
0x8e: {  	_ = 	snop;
	(pc) =	sbr.rel @!p3 .LBB2_10-.Ltmp7, $2  }
0x8f: {  	_ =	sdelay $0x2  }
0x90: {  	s25 =	sadd.s32 $0x1, s25;
	s24 =	sadd.s32 $0x6, s24  }
.LBB2_6:
0x91: {  	p3 =	sgt.u32 s25, $0x28  }
.Ltmp8:
0x92: {  	p4 =	sgt.u32 s24, $0xF9;
	(pc) =	sbr.rel @!p3 .LBB2_7-.Ltmp8, $4  }
0x93: {  	s20 =	simm.s32 @!p4 $0xC  }
0x94: {  	_ =	swait.ge @!p4 [sflag:s20], $0x1400  }
0x95: {  	[sflag:s20] =	ssyncset.done @!p4 $0x0  }
0x96: {  	s29 =	sshra.s32 s23, $0x2;
	[sflag:s20] =	ssyncadd.s32 @!p4 $0xFFFFEC00  }
0x97: {  	p4 =	seq.s32 s23, $0x9D80  }
.Ltmp9:
0x98: {  	_ = 	snop;
	(pc) =	sbr.rel @!p4 .LBB2_9-.Ltmp9, $4  }
.Ltmp10:
0x99: {  	_ = 	snop;
	(pc) =	sbr.rel @p4 .LBB2_10-.Ltmp10, $4  }
0x9a: {  	_ = 	snop  }
0x9b: {  	_ = 	snop  }
0x9c: {  	_ = 	snop  }
0x9d: {  	_ = 	snop  }
.LBB2_11:
0x9e: {  	_ =	sfence.sel $0x180000  }
0x9f: {  	[bflag:$0x0] =	sbarrier.arrive $0xFFFF  }
0xa0: {  	_ =	strace $0x9000004D  }
0xa1: {  	s0 =	stileid.u32;
	[bflag:$0x2] =	sbarrier.arrive $0xFFFF  }
0xa2: {  	p0 =	sne.s32 s0, $0x0;
	s0 =	rddreg [dreg:$0x2]  }
0xa3: {  	s0 =	sadd.s32 @!p0 $0x100000, s0  }
0xa4: {  	[sflag:s0] =	ssyncadd.tile.s32 @!p0 $0x1;
	_ =	shalt  }
.Lfunc_end2:
_tile_overlayer_lowered:
.L_overlay_start_2:
0xa5: {  	(tag) =	ssettag $0x2  }
0xa6: {  	s0 =	rddreg [dreg:$0x0];
	s2 =	stileid.u32  }
0xa7: {  	s1 =	rddreg [dreg:$0x1];
	p0 =	sne.s32 s2, $0x0  }
0xa8: {  	s3 =	rddreg [dreg:$0x2];
	[bflag:$0x3] =	sbarrier.arrive $0xFFFF;
	s2 =	simm.s32 @!p0 $0x1C0D  }
0xa9: {  	[timem:s3], [sflag:s2] =	dma.local @!p0 [hbm:s0], s1  }
0xaa: {  	s0 =	simm.s32 @!p0 $0xD  }
0xab: {  	_ =	swait.ge @!p0 [sflag:s0], s1  }
0xac: {  	s1 =	ssub.s32 @!p0 $0x0, s1;
	[sflag:s0] =	ssyncset.done @!p0 $0x0  }
0xad: {  	[sflag:s0] =	ssyncadd.s32 @!p0 s1  }
0xae: {  	[bflag:$0x3] =	sbarrier.arrive $0xFFFF  }
0xaf: {  	_ =	shalt  }

// kernel: kernel.19.cloned.1.call-start
scs
__scs_entry_jumppad:
0x0: {  	(pc) =	sbr.rel $0x88, $3  }
0x1: {  	(tag) =	ssettag $0x0;
	lr =	simm.s32 $0x1  }
0x2: {  	[smem:$0x3F98] =	sst lr;
	_ =	strace $0xD0000000  }
0x3: {  	_ = 	snop  }
0x4: {  	_ = 	snop  }
0x5: {  	_ = 	snop  }
0x6: {  	_ = 	snop  }
0x7: {  	_ = 	snop  }
__scs_overlays_trampoline_lowered:
0x8: {  	[smem:$0x3FA7] =	sst s0  }
0x9: {  	[smem:$0x3FA8] =	sst s1  }
0xa: {  	[smem:$0x3FA9] =	sst s2  }
0xb: {  	[smem:$0x3FAA] =	sst s3  }
0xc: {  	[smem:$0x3FAB] =	sst s4  }
0xd: {  	[smem:$0x3FAC] =	sst s5  }
0xe: {  	[smem:$0x3FAD] =	sst s6  }
0xf: {  	[smem:$0x3FAE] =	sst s7  }
0x10: {  	[smem:$0x3FAF] =	sst s8  }
0x11: {  	[smem:$0x3FB0] =	sst s9;
	s0 =	simm.s32 @!p0 $0x0  }
0x12: {  	s1 =	sld [smem:$0x3F96];
	s0 =	simm.s32 @p0 $0x1  }
0x13: {  	[smem:$0x3FB1] =	sst s0;
	s0 =	simm.s32 @!p1 $0x0  }
0x14: {  	s2 =	sld [smem:$0x3F95];
	s0 =	simm.s32 @p1 $0x1  }
0x15: {  	[smem:$0x3FB2] =	sst s0;
	s0 =	simm.s32 @!p2 $0x0  }
0x16: {  	s3 =	sld [smem:$0x3FDB];
	s0 =	simm.s32 @p2 $0x1  }
0x17: {  	s4 =	simm.s32 $0x1BF5;
	[smem:$0x3FB4] =	sst s0  }
0x18: {  	s0 =	sld [smem:$0x3F97];
	_ =	swait.ge [sflag:s4], $0x0  }
0x19: {  	s7 =	sld [smem:$0x3F98]  }
0x1a: {  	s8 =	sadd.s32 $0xFFFFE003, lr  }
0x1b: {  	s9 =	sadd.s32 $0xFFFFFEF7, lr;
	s5 =	simm.s32 $0xFFFFFFFF;
	p2 =	slt.u32 s8, $0xFFFFF086  }
0x1c: {  	p1 =	slt.u32 s9, $0xF7A;
	s5 =	simm.s32 @!p2 $0x0  }
0x1d: {  	s5 =	simm.s32 @p1 $0x1;
	p0 =	seq.s32 s7, s2  }
0x1e: {  	s7 =	smul.u32 @!p0 $0xF7A, s2;
	p2 =	seq.s32 @!p0 s5, $0x0  }
0x1f: {  	s9 =	smul.u32 $0xF7A, s1;
	s8 =	simm.s32 @!p0 $0x1BF5;
	p2 =	por !p2, p0  }
0x20: {  	[sflag:s8] =	ssyncset.s32 @!p0 $0xFFFFF086;
	s6 =	sadd.s32 @!p0 s3, s7;
	s7 =	simm.s32 @!p0 $0x108  }
0x21: {  	s3 =	sadd.s32 s3, s9;
	s6 =	sadd.s32 @!p0 $0x88, s6;
	s7 =	simm.s32 @p2 $0x1082  }
0x22: {  	[simem:s7], [sflag:s8] =	dma.local @!p0 [hbm:s6], $0xF7A  }
0x23: {  	s9 =	sor.u32 $0xD0000000, s2;
	s6 =	simm.s32 $0x108;
	_ =	swait.ge @!p0 [sflag:s8], $0x0  }
0x24: {  	s3 =	sadd.s32 $0x88, s3;
	s6 =	simm.s32 @!p1 $0x1082;
	[sflag:s4] =	ssyncset.s32 $0xFFFFF086  }
0x25: {  	[simem:s6], [sflag:s4] =	dma.local [hbm:s3], $0xF7A  }
0x26: {  	[smem:$0x3F98] =	sst s1;
	(tag) =	ssettag s2;
	_ =	strace s9  }
0x27: {  	s1 =	sld [smem:$0x3FA8]  }
0x28: {  	s2 =	sld [smem:$0x3FA9]  }
0x29: {  	s4 =	sld [smem:$0x3FAB]  }
0x2a: {  	p0 =	seq.s32 s5, $0x0;
	s5 =	sld [smem:$0x3FAC]  }
0x2b: {  	s6 =	sld [smem:$0x3FAD]  }
0x2c: {  	s7 =	sld [smem:$0x3FAE]  }
0x2d: {  	s3 =	simm.s32 $0x108;
	s8 =	sld [smem:$0x3FAF]  }
0x2e: {  	s3 =	simm.s32 @!p0 $0x1082;
	s9 =	sld [smem:$0x3FB0]  }
0x2f: {  	lr =	sadd.s32 s0, s3;
	s0 =	sld [smem:$0x3FA7]  }
0x30: {  	s3 =	sld [smem:$0x3FAA]  }
0x31: {  	[smem:$0x3FB3] =	sst s10  }
0x32: {  	s10 =	sld [smem:$0x3FB1];
	_ =	sdelay $0x3  }
0x33: {  	p0 =	seq.s32 s10, $0x1;
	s10 =	sld [smem:$0x3FB3];
	_ =	sdelay $0x3  }
0x34: {  	[smem:$0x3FB3] =	sst s10  }
0x35: {  	s10 =	sld [smem:$0x3FB2];
	_ =	sdelay $0x3  }
0x36: {  	p1 =	seq.s32 s10, $0x1;
	s10 =	sld [smem:$0x3FB3];
	_ =	sdelay $0x3  }
0x37: {  	[smem:$0x3FB3] =	sst s10  }
0x38: {  	s10 =	sld [smem:$0x3FB4]  }
0x39: {  	_ = 	snop;
	(pc) =	sbr.ind lr, $3  }
0x3a: {  	_ = 	snop  }
0x3b: {  	_ = 	snop  }
0x3c: {  	p2 =	seq.s32 s10, $0x1;
	s10 =	sld [smem:$0x3FB3]  }
0x3d: {  	_ =	shalt  }
0x3e: {  	_ =	shalt  }
0x3f: {  	_ =	shalt  }
0x40: {  	_ =	shalt  }
0x41: {  	_ =	shalt  }
0x42: {  	_ =	shalt  }
0x43: {  	_ =	shalt  }
0x44: {  	_ =	shalt  }
0x45: {  	_ =	shalt  }
0x46: {  	_ =	shalt  }
0x47: {  	_ =	shalt  }
0x48: {  	_ =	shalt  }
0x49: {  	_ =	shalt  }
0x4a: {  	_ =	shalt  }
0x4b: {  	_ =	shalt  }
0x4c: {  	_ =	shalt  }
0x4d: {  	_ =	shalt  }
0x4e: {  	_ =	shalt  }
0x4f: {  	_ =	shalt  }
0x50: {  	_ =	shalt  }
0x51: {  	_ =	shalt  }
0x52: {  	_ =	shalt  }
0x53: {  	_ =	shalt  }
0x54: {  	_ =	shalt  }
0x55: {  	_ =	shalt  }
0x56: {  	_ =	shalt  }
0x57: {  	_ =	shalt  }
0x58: {  	_ =	shalt  }
0x59: {  	_ =	shalt  }
0x5a: {  	_ =	shalt  }
0x5b: {  	_ =	shalt  }
0x5c: {  	_ =	shalt  }
0x5d: {  	_ =	shalt  }
0x5e: {  	_ =	shalt  }
0x5f: {  	_ =	shalt  }
0x60: {  	_ =	shalt  }
0x61: {  	_ =	shalt  }
0x62: {  	_ =	shalt  }
0x63: {  	_ =	shalt  }
0x64: {  	_ =	shalt  }
0x65: {  	_ =	shalt  }
0x66: {  	_ =	shalt  }
0x67: {  	_ =	shalt  }
0x68: {  	_ =	shalt  }
0x69: {  	_ =	shalt  }
0x6a: {  	_ =	shalt  }
0x6b: {  	_ =	shalt  }
0x6c: {  	_ =	shalt  }
0x6d: {  	_ =	shalt  }
0x6e: {  	_ =	shalt  }
0x6f: {  	_ =	shalt  }
0x70: {  	_ =	shalt  }
0x71: {  	_ =	shalt  }
0x72: {  	_ =	shalt  }
0x73: {  	_ =	shalt  }
0x74: {  	_ =	shalt  }
0x75: {  	_ =	shalt  }
0x76: {  	_ =	shalt  }
0x77: {  	_ =	shalt  }
0x78: {  	_ =	shalt  }
0x79: {  	_ =	shalt  }
0x7a: {  	_ =	shalt  }
0x7b: {  	_ =	shalt  }
0x7c: {  	_ =	shalt  }
0x7d: {  	_ =	shalt  }
0x7e: {  	_ =	shalt  }
0x7f: {  	_ =	shalt  }
0x80: {  	_ =	shalt  }
0x81: {  	_ =	shalt  }
0x82: {  	_ =	shalt  }
0x83: {  	_ =	shalt  }
0x84: {  	_ =	shalt  }
0x85: {  	_ =	shalt  }
0x86: {  	_ =	shalt  }
0x87: {  	_ =	shalt  }
.Lfunc_end0:
.L_simem_size_0:
called_computation.3_lowered:
.L_overlay_start_0:
0x88: {  	s2 =	sld [smem:$0x3FD9]  }
0x89: {  	s3 =	sld [smem:$0x3FFE];
	_ =	sdelay $0x1  }
0x8a: {  	s1 =	srdreg.scid  }
0x8b: {  	s0 =	sand.u32 $0x1, s1  }
0x8c: {  	s16 =	sshll.u32 s0, $0xA;
	s2 =	sadd.s32 s3, s2  }
0x8d: {  	s2 =	sadd.s32 s2, s16  }
0x8e: {  	[smem:$0x3FBF] =	sst s2  }
0x8f: {  	_ = 	snop  }
0x90: {  	(tm) =	ssettm $0x1  }
0x91: {  	s17 =	sld [smem:$0x3FFB];
	_ =	sdelay $0x3  }
0x92: {  	_ =	strace s17  }
0x93: {  	s2 =	sld [smem:$0x3FFC];
	_ =	sdelay $0x3  }
0x94: {  	_ =	strace s2  }
0x95: {  	s2 =	sld [smem:$0x3FFD];
	_ =	sdelay $0x3  }
0x96: {  	_ =	strace s2  }
0x97: {  	_ =	strace $0x8FFFFFFF  }
0x98: {  	s18 =	sld [smem:$0x3FDB];
	_ =	sdelay $0x1  }
0x99: {  	s19 =	simm.s32 $_scs_section_size  }
0x9a: {  	s4 =	simm.s32 $_size__tile_overlayer_lowered;
	s5 =	simm.s32 $_tile_overlayer_lowered  }
0x9b: {  	s22 =	simm.s32 $0x1BFF;
	s21 =	sshll.u32 s5, $0x1;
	s2 =	sadd.s32 s19, s18  }
0x9c: {  	s6 =	simm.s32 $0x0;
	s20 =	sshll.u32 s4, $0x1;
	s4 =	sadd.s32 s21, s2  }
0x9d: {  	[timem:s6], [sflag:s22] =	dma.local [hbm:s4], s20  }
0x9e: {  	_ =	swait.ge [sflag:s22], s20  }
0x9f: {  	s3 =	ssub.s32 $0x0, s20;
	[sflag:s22] =	ssyncset.done $0x0  }
0xa0: {  	[sflag:s22] =	ssyncadd.s32 s3;
	_ =	sdelay $0x1  }
0xa1: {  	s23 =	simm.s32 $0x1B8B  }
0xa2: {  	_ =	swait.ge [sflag:s23], $0x1  }
0xa3: {  	[sflag:s23] =	ssyncset.done $0x0  }
0xa4: {  	s25 =	simm.s32 $0x1B8E;
	s24 =	sld [smem:$0x3FFE];
	[sflag:s23] =	ssyncadd.s32 $0xFFFFFFFF  }
0xa5: {  	s26 =	simm.s32 $execute0_lowered;
	[smem:$0x3FD2] =	sst s25  }
0xa6: {  	s4 =	sshll.u32 s26, $0x1;
	_ =	strace $0x8000004F;
	[dreg:$0x1] =	wrdreg $0xFFFFFFFF  }
0xa7: {  	s28 =	simm.s32 $_size_execute0_lowered;
	s2 =	sadd.s32 s2, s4;
	[dreg:$0x0] =	wrdreg $0x0  }
0xa8: {  	s4 =	sshll.u32 s28, $0x1;
	[dreg:$0x2] =	wrdreg s2  }
0xa9: {  	[dreg:$0x3] =	wrdreg s4  }
0xaa: {  	[dreg:$0x4] =	wrdreg $0xC0  }
0xab: {  	_ =	task [dreg:s6], $0x5FFFF  }
0xac: {  	[dreg:$0x1] =	wrdreg $0xFFFFFFFF  }
0xad: {  	[dreg:$0x0] =	wrdreg $0x60  }
0xae: {  	[dreg:$0x2] =	wrdreg s24  }
0xaf: {  	[dreg:$0x3] =	wrdreg $0x0  }
0xb0: {  	[dreg:$0x4] =	wrdreg $0x9  }
0xb1: {  	_ =	task.clear_ibuf [dreg:s6], $0x5FFFF;
	_ =	strace $0x9000004F  }
0xb2: {  	s29 =	simm.s32 $0x9;
	_ =	strace $0x80000051  }
0xb3: {  	_ =	swait.ge [sflag:s29], $0x1  }
0xb4: {  	[sflag:s29] =	ssyncadd.s32 $0xFFFFFFFF  }
0xb5: {  	_ =	strace $0x90000051  }
0xb6: {  	_ =	sfence  }
0xb7: {  	s30 =	sld [smem:$0x0];
	_ =	sdelay $0x2  }
0xb8: {  	s31 =	sshll.u32 s1, $0xD;
	s1 =	sshrl.u32 s1, $0x2  }
0xb9: {  	s3 =	sand.u32 $0x4000, s31;
	s1 =	sadd.s32 s1, s30  }
0xba: {  	s0 =	sor.u32 s3, s0;
	s1 =	sshll.u32 s1, $0x11  }
0xbb: {  	s0 =	sor.u32 s1, s0  }
0xbc: {  	s0 =	sadd.s32 $0x8F2B, s0  }
0xbd: {  	[sflag:s0] =	ssyncadd.remote.s32 $0x1  }
0xbe: {  	_ =	sfence.sel $0xFFFF  }
0xbf: {  	[dreg:$0x0] =	wrdreg $0xFFFFFFFF;
	(pc) =	sbr.abs _section_cstart, $3  }
0xc0: {  	[dreg:$0x1] =	wrdreg $0xFFFFFFFF  }
0xc1: {  	_ =	task.clear_ibuf [dreg:s6], $0x2FFFF;
	_ =	strace $0x9FFFFFFF  }
0xc2: {  	(tm) =	ssettm $0x7FFFFFFF  }
0xc3: {  	_ =	shalt  }
tec
execute0_lowered:
.L_overlay_start_1:
0x0: {  	(tag) =	ssettag $0x1  }
0x1: {  	s0 =	rddreg [dreg:$0x0]  }
0x2: {  	s1 =	rddreg [dreg:$0x1];
	s2 =	srdreg.scid  }
0x3: {  	s5 =	simm.s32 $0x0;
	s3 =	stileid.u32;
	s14 =	simm.s32 $0x13880  }
0x4: {  	s15 =	simm.s32 $0xD;
	s21 =	simm.s32 $0x28;
	s22 =	simm.s32 $0x18780  }
0x5: {  	s16 =	simm.s32 $0x3;
	s2 =	sand.u32 $0x1, s2;
	[smem:$0x7FF] =	sst s5  }
0x6: {  	s11 =	sadd.s32 $0x3DC00, s0;
	s8 =	smul.u32 $0x4E000, s3;
	s17 =	sshll.u32 s3, $0x6  }
0x7: {  	p1 =	seq.s32 s3, $0xF;
	p2 =	sne.s32 s3, $0xF;
	s4 =	sshll.u32 s2, $0x4  }
0x8: {  	_ =	strace $0x80000050;
	s6 =	smul.u32 $0x27100, s2;
	s7 =	ssub.s32 $0x2, s2  }
0x9: {  	[dreg:$0x3] =	wrdreg s11;
	p0 =	sne.s32 s2, $0x0;
	s18 =	sor.u32 $0x1C0D, s17  }
0xa: {  	s2 =	simm.s32 $0x1;
	s4 =	sor.u32 s3, s4;
	s9 =	sshrl.u32 s7, $0x1  }
0xb: {  	s10 =	sshrl.u32 s8, $0x2;
	s25 =	smul.u32 $0x4E2, s4;
	s4 =	sadd.s32 $0x16A00, s0  }
0xc: {  	s9 =	ssub.s32 s7, s9;
	s28 =	sadd.s32 s10, s1;
	s10 =	sadd.s32 $0x138000, s1  }
0xd: {  	s13 =	smax.u32 s9, $0x1;
	s19 =	sshrl.u32 s28, $0x3;
	s31 =	sshrl.u32 s10, $0x3  }
0xe: {  	s5 =	sadd.s32 s25, s0;
	s0 =	sadd.s32 s6, s0;
	s6 =	smul.u32 $0x2700, s3  }
.Ltmp0:
0xf: {  	s9 =	simm.s32 $0x7;
	[dreg:$0x7] =	wrdreg s31;
	(pc) =	sbr.rel .LBB2_1-.Ltmp0, $4  }
0x10: {  	s26 =	sadd.s32 $0x2E00, s5;
	s8 =	sadd.s32 $0xCC00, s5;
	s12 =	sadd.s32 $0x64E00, s0  }
0x11: {  	s0 =	simm.s32 $0x1EB80;
	[dreg:$0x4] =	wrdreg s26;
	s29 =	sadd.s32 s11, s6  }
0x12: {  	s5 =	simm.s32 $0x0;
	s30 =	sadd.s32 s4, s6;
	[dreg:$0x5] =	wrdreg s29  }
0x13: {  	s26 =	simm.s32 $0x1AF80;
	s11 =	simm.s32 $0x9;
	[dreg:$0x6] =	wrdreg s30  }
.LBB2_10:
0x14: {  	[bflag:$0x0] =	sbarrier.arrive $0xFFFF;
	s3 =	sadd.s32 s6, s12;
	s7 =	sor.u32 $0x1C0D, s17  }
0x15: {  	[hbm:s3], [sflag:s7] =	dma.local [spmem:s19], $0x2700  }
0x16: {  	_ =	swait.ge [sflag:s15], $0x2700  }
0x17: {  	s20 =	sshrl.u32 @!p2 s10, $0x3;
	s5 =	sadd.s32 $0x1, s5;
	[sflag:s15] =	ssyncset.done $0x0  }
0x18: {  	s3 =	sadd.s32 @!p2 $0x27000, s12;
	p3 =	sne.s32 s5, s13;
	[sflag:s15] =	ssyncadd.s32 $0xFFFFD900  }
0x19: {  	[hbm:s3], [sflag:s7] =	dma.local @!p2 [spmem:s20], $0x100  }
.Ltmp1:
0x1a: {  	_ = 	snop;
	(pc) =	sbr.rel @!p3 .LBB2_11-.Ltmp1, $4  }
0x1b: {  	s3 =	simm.s32 @!p2 $0xD  }
0x1c: {  	_ =	swait.ge @!p2 [sflag:s3], $0x100  }
0x1d: {  	[sflag:s3] =	ssyncset.done @!p2 $0x0  }
0x1e: {  	[sflag:s3] =	ssyncadd.s32 @!p2 $0xFFFFFF00  }
.LBB2_1:
0x1f: {  	s3 =	simm.s32 $0x0;
	s7 =	rddreg [dreg:$0x4]  }
0x20: {  	[tilespmem:s14], [sflag:$0xD] =	stream.linear.gather [hbm4b:s7+s3], $0x2710, $0x38;
	[tilespmem:$0x1FF80] =	vst v63  }
0x21: {  	_ =	swait.ge [sflag:s15], $0x2710  }
0x22: {  	[sflag:s15] =	ssyncset.done $0x0  }
.Ltmp2:
0x23: {  	s31 =	simm.s32 $0x16000;
	[sflag:s15] =	ssyncadd.s32 $0xFFFFD8F0;
	(pc) =	sbr.rel @p0 .LBB2_3-.Ltmp2, $4  }
0x24: {  	[tilespmem:s31], [sflag:$0xD] =	stream.linear.gather [hbm4b:s8+s3], $0x2710, $0x38;
	[tilespmem:$0x1FF80] =	vst v63  }
0x25: {  	_ =	swait.ge [sflag:s15], $0x2710  }
0x26: {  	[sflag:s15] =	ssyncset.done $0x0  }
0x27: {  	[sflag:s15] =	ssyncadd.s32 $0xFFFFD8F0  }
0x28: {  	s3 =	rddreg [dreg:$0x6]  }
0x29: {  	[spmem:s19], [sflag:s18] =	dma.local [hbm:s3], $0x2700  }
.Ltmp3:
0x2a: {  	_ = 	snop;
	(pc) =	sbr.rel @p1 .LBB2_4-.Ltmp3, $4  }
.Ltmp4:
0x2b: {  	_ = 	snop;
	(pc) =	sbr.rel @!p1 .LBB2_5-.Ltmp4, $4  }
0x2c: {  	_ =	swait.ge [sflag:s15], $0x2700  }
0x2d: {  	[sflag:s15] =	ssyncset.done $0x0  }
0x2e: {  	s23 =	smov.u32 s4;
	s20 =	smov.u32 s18;
	[sflag:s15] =	ssyncadd.s32 $0xFFFFD900  }
0x2f: {  	_ = 	snop  }
.LBB2_3:
.Ltmp5:
0x30: {  	s20 =	sor.u32 $0x1C0D, s17;
	s3 =	rddreg [dreg:$0x5];
	(pc) =	sbr.rel @p2 .LBB2_5-.Ltmp5, $4  }
0x31: {  	[spmem:s19], [sflag:s20] =	dma.local [hbm:s3], $0x2700  }
0x32: {  	_ =	swait.ge [sflag:s15], $0x2700  }
0x33: {  	[sflag:s15] =	ssyncset.done $0x0  }
0x34: {  	s23 =	rddreg [dreg:$0x3];
	[sflag:s15] =	ssyncadd.s32 $0xFFFFD900  }
.LBB2_4:
0x35: {  	s23 =	sadd.s32 $0x27000, s23;
	s3 =	rddreg [dreg:$0x7]  }
0x36: {  	[spmem:s3], [sflag:s20] =	dma.local [hbm:s23], $0x100  }
0x37: {  	_ =	swait.ge [sflag:s15], $0x100  }
0x38: {  	[sflag:s15] =	ssyncset.done $0x0  }
0x39: {  	[sflag:s15] =	ssyncadd.s32 $0xFFFFFF00  }
.LBB2_5:
0x3a: {  	[tilespmem:s22], [sflag:$0x1] =	stream.indirect.gather [hbm4b:s4+s21], $0x80, s14, s21, $0xb8;
	[tilespmem:$0x1FF80] =	vst v63  }
0x3b: {  	s3 =	simm.s32 $0x138A8;
	s7 =	simm.s32 $0x19B80  }
0x3c: {  	[tilespmem:s7], [sflag:$0x2] =	stream.indirect.gather [hbm4b:s4+s21], $0x80, s3, s21, $0xb8;
	[tilespmem:$0x1FF80] =	vst v63  }
0x3d: {  	s25 =	simm.s32 $0x138D0  }
0x3e: {  	[tilespmem:s26], [sflag:$0x3] =	stream.indirect.gather [hbm4b:s4+s21], $0x80, s25, s21, $0xb8;
	[tilespmem:$0x1FF80] =	vst v63  }
0x3f: {  	s28 =	simm.s32 $0x138F8;
	s29 =	simm.s32 $0x1C380  }
0x40: {  	[tilespmem:s29], [sflag:$0x4] =	stream.indirect.gather [hbm4b:s4+s21], $0x80, s28, s21, $0xb8;
	[tilespmem:$0x1FF80] =	vst v63  }
.Ltmp6:
0x41: {  	_ = 	snop;
	(pc) =	sbr.rel .LBB2_6-.Ltmp6, $4  }
0x42: {  	s30 =	simm.s32 $0x13920;
	s31 =	simm.s32 $0x1D780  }
0x43: {  	[tilespmem:s31], [sflag:$0x5] =	stream.indirect.gather [hbm4b:s4+s21], $0x80, s30, s21, $0xb8;
	[tilespmem:$0x1FF80] =	vst v63  }
0x44: {  	[bflag:$0x0] =	sbarrier.arrive $0xFFFF  }
0x45: {  	s23 =	simm.s32 $0x0;
	s24 =	simm.s32 $0xFFFFFFFE;
	s25 =	simm.s32 $0x0  }
.LBB2_7:
0x46: {  	s20 =	sadd.s32 $0x13948, s29  }
0x47: {  	[tilespmem:s0], [sflag:$0x6] =	stream.indirect.gather [hbm4b:s4+s21], $0x80, s20, s21, $0xb8;
	[tilespmem:$0x1FF80] =	vst v63  }
.LBB2_9:
0x48: {  	_ =	swait.ge [sflag:s2], $0x1400  }
0x49: {  	[sflag:s2] =	ssyncset.done $0x0  }
0x4a: {  	s20 =	sadd.s32 $0x16000, s29;
	[sflag:s2] =	ssyncadd.s32 $0xFFFFEC00  }
0x4b: {  	[spmem:s1] =	stream.indirect.scatter.add.f32 [tilespmem:s22], [sflag:$0x7], $0x80, s20, s21, $0xb8;
	[tilespmem:$0x1FF80] =	vst v63  }
0x4c: {  	_ =	swait.ge [sflag:s9], $0x1400  }
0x4d: {  	[sflag:s9] =	ssyncset.done $0x0  }
0x4e: {  	s20 =	simm.s32 @p3 $0x2;
	[sflag:s9] =	ssyncadd.s32 $0xFFFFEC00  }
0x4f: {  	_ =	swait.ge @p3 [sflag:s20], $0x1400  }
0x50: {  	s30 =	sshra.s32 @p3 s23, $0x2;
	s31 =	simm.s32 @p3 $0x28;
	[sflag:s20] =	ssyncset.done @p3 $0x0  }
0x51: {  	s28 =	simm.s32 @p3 $0x19B80;
	[sflag:s20] =	ssyncadd.s32 @p3 $0xFFFFEC00;
	s20 =	sadd.s32 @p3 $0x16028, s30  }
0x52: {  	[spmem:s1] =	stream.indirect.scatter.add.f32 @p3 [tilespmem:s28], [sflag:$0x8], $0x80, s20, s31, $0xb8;
	[tilespmem:$0x1FF80] =	vst v63  }
0x53: {  	s20 =	simm.s32 @p3 $0x8  }
0x54: {  	_ =	swait.ge @p3 [sflag:s20], $0x1400  }
0x55: {  	[sflag:s20] =	ssyncset.done @p3 $0x0  }
0x56: {  	[sflag:s20] =	ssyncadd.s32 @p3 $0xFFFFEC00;
	s20 =	sshra.s32 @!p3 s23, $0x2  }
0x57: {  	s7 =	simm.s32 @!p3 $0x18780;
	s28 =	simm.s32 @!p3 $0x28;
	s3 =	sadd.s32 @!p3 $0x13970, s20  }
0x58: {  	[tilespmem:s7], [sflag:$0x1] =	stream.indirect.gather @!p3 [hbm4b:s4+s28], $0x80, s3, s28, $0xb8;
	[tilespmem:$0x1FF80] =	vst v63  }
0x59: {  	s3 =	simm.s32 @!p3 $0x2  }
0x5a: {  	_ =	swait.ge @!p3 [sflag:s3], $0x1400  }
0x5b: {  	[sflag:s3] =	ssyncset.done @!p3 $0x0  }
0x5c: {  	s7 =	simm.s32 @!p3 $0x19B80;
	[sflag:s3] =	ssyncadd.s32 @!p3 $0xFFFFEC00;
	s3 =	sadd.s32 @!p3 $0x16028, s20  }
0x5d: {  	[spmem:s1] =	stream.indirect.scatter.add.f32 @!p3 [tilespmem:s7], [sflag:$0x8], $0x80, s3, s28, $0xb8;
	[tilespmem:$0x1FF80] =	vst v63  }
0x5e: {  	s3 =	simm.s32 @!p3 $0x8  }
0x5f: {  	_ =	swait.ge @!p3 [sflag:s3], $0x1400  }
0x60: {  	[sflag:s3] =	ssyncset.done @!p3 $0x0  }
0x61: {  	[sflag:s3] =	ssyncadd.s32 @!p3 $0xFFFFEC00;
	s3 =	sadd.s32 @!p3 $0x13998, s20  }
0x62: {  	[tilespmem:s7], [sflag:$0x2] =	stream.indirect.gather @!p3 [hbm4b:s4+s28], $0x80, s3, s28, $0xb8;
	[tilespmem:$0x1FF80] =	vst v63  }
0x63: {  	_ =	swait.ge [sflag:s16], $0x1400  }
0x64: {  	[sflag:s16] =	ssyncset.done $0x0  }
0x65: {  	s29 =	sadd.s32 $0x16050, s29;
	[sflag:s16] =	ssyncadd.s32 $0xFFFFEC00  }
0x66: {  	[spmem:s1] =	stream.indirect.scatter.add.f32 [tilespmem:s26], [sflag:$0x9], $0x80, s29, s21, $0xb8;
	[tilespmem:$0x1FF80] =	vst v63  }
0x67: {  	_ =	swait.ge [sflag:s11], $0x1400  }
0x68: {  	[sflag:s11] =	ssyncset.done $0x0  }
0x69: {  	s3 =	simm.s32 @p3 $0x4;
	[sflag:s11] =	ssyncadd.s32 $0xFFFFEC00  }
0x6a: {  	_ =	swait.ge @p3 [sflag:s3], $0x1400  }
0x6b: {  	[sflag:s3] =	ssyncset.done @p3 $0x0  }
0x6c: {  	s7 =	simm.s32 @p3 $0x1C380;
	[sflag:s3] =	ssyncadd.s32 @p3 $0xFFFFEC00;
	s3 =	sadd.s32 @p3 $0x16078, s30  }
0x6d: {  	[spmem:s1] =	stream.indirect.scatter.add.f32 @p3 [tilespmem:s7], [sflag:$0xA], $0x80, s3, s31, $0xb8;
	[tilespmem:$0x1FF80] =	vst v63  }
0x6e: {  	s3 =	simm.s32 @p3 $0xA  }
0x6f: {  	_ =	swait.ge @p3 [sflag:s3], $0x1400  }
0x70: {  	[sflag:s3] =	ssyncset.done @p3 $0x0  }
0x71: {  	s7 =	simm.s32 @!p3 $0x1AF80;
	[sflag:s3] =	ssyncadd.s32 @p3 $0xFFFFEC00;
	s3 =	sadd.s32 @!p3 $0x139C0, s20  }
0x72: {  	[tilespmem:s7], [sflag:$0x3] =	stream.indirect.gather @!p3 [hbm4b:s4+s28], $0x80, s3, s28, $0xb8;
	[tilespmem:$0x1FF80] =	vst v63  }
0x73: {  	s3 =	simm.s32 @!p3 $0x4  }
0x74: {  	_ =	swait.ge @!p3 [sflag:s3], $0x1400  }
0x75: {  	[sflag:s3] =	ssyncset.done @!p3 $0x0  }
0x76: {  	s7 =	simm.s32 @!p3 $0x1C380;
	[sflag:s3] =	ssyncadd.s32 @!p3 $0xFFFFEC00;
	s3 =	sadd.s32 @!p3 $0x16078, s20  }
0x77: {  	[spmem:s1] =	stream.indirect.scatter.add.f32 @!p3 [tilespmem:s7], [sflag:$0xA], $0x80, s3, s28, $0xb8;
	[tilespmem:$0x1FF80] =	vst v63  }
0x78: {  	s3 =	simm.s32 @!p3 $0xA  }
0x79: {  	_ =	swait.ge @!p3 [sflag:s3], $0x1400  }
0x7a: {  	[sflag:s3] =	ssyncset.done @!p3 $0x0  }
0x7b: {  	[sflag:s3] =	ssyncadd.s32 @!p3 $0xFFFFEC00;
	s3 =	sadd.s32 @!p3 $0x139E8, s20  }
0x7c: {  	[tilespmem:s7], [sflag:$0x4] =	stream.indirect.gather @!p3 [hbm4b:s4+s28], $0x80, s3, s28, $0xb8;
	[tilespmem:$0x1FF80] =	vst v63  }
0x7d: {  	s3 =	simm.s32 @!p3 $0x5  }
0x7e: {  	_ =	swait.ge @!p3 [sflag:s3], $0x1400  }
0x7f: {  	[sflag:s3] =	ssyncset.done @!p3 $0x0  }
0x80: {  	s7 =	simm.s32 @!p3 $0x1D780;
	[sflag:s3] =	ssyncadd.s32 @!p3 $0xFFFFEC00;
	s3 =	sadd.s32 @!p3 $0x160A0, s20  }
0x81: {  	[spmem:s1] =	stream.indirect.scatter.add.f32 @!p3 [tilespmem:s7], [sflag:$0xB], $0x80, s3, s28, $0xb8;
	[tilespmem:$0x1FF80] =	vst v63  }
0x82: {  	s3 =	simm.s32 @!p3 $0xB  }
0x83: {  	p4 =	seq.s32 @!p3 s23, $0x9600;
	_ =	swait.ge @!p3 [sflag:s3], $0x1400  }
0x84: {  	p4 =	por p4, p3;
	[sflag:s3] =	ssyncset.done @!p3 $0x0  }
0x85: {  	[sflag:s3] =	ssyncadd.s32 @!p3 $0xFFFFEC00;
	s3 =	sshra.s32 @!p4 s23, $0x2  }
0x86: {  	s29 =	simm.s32 @!p4 $0x1D780;
	s7 =	simm.s32 @!p4 $0x28;
	s3 =	sadd.s32 @!p4 $0x13A10, s3  }
0x87: {  	[tilespmem:s29], [sflag:$0x5] =	stream.indirect.gather @!p4 [hbm4b:s4+s7], $0x80, s3, s7, $0xb8;
	[tilespmem:$0x1FF80] =	vst v63  }
0x88: {  	s3 =	simm.s32 @!p3 $0x6  }
0x89: {  	_ =	swait.ge @!p3 [sflag:s3], $0x1400  }
0x8a: {  	s23 =	sadd.s32 $0x3C0, s23;
	[sflag:s3] =	ssyncset.done @!p3 $0x0  }
0x8b: {  	s7 =	simm.s32 @!p3 $0x1EB80;
	[sflag:s3] =	ssyncadd.s32 @!p3 $0xFFFFEC00;
	s3 =	sadd.s32 @!p3 $0x160C8, s20  }
0x8c: {  	[spmem:s1] =	stream.indirect.scatter.add.f32 @!p3 [tilespmem:s7], [sflag:$0xC], $0x80, s3, s28, $0xb8;
	[tilespmem:$0x1FF80] =	vst v63  }
0x8d: {  	p3 =	sne.s32 s23, $0xA140  }
.Ltmp7:
0x8e: {  	_ = 	snop;
	(pc) =	sbr.rel @!p3 .LBB2_10-.Ltmp7, $2  }
0x8f: {  	_ =	sdelay $0x2  }
0x90: {  	s25 =	sadd.s32 $0x1, s25;
	s24 =	sadd.s32 $0x6, s24  }
.LBB2_6:
0x91: {  	p3 =	sgt.u32 s25, $0x28  }
.Ltmp8:
0x92: {  	p4 =	sgt.u32 s24, $0xF9;
	(pc) =	sbr.rel @!p3 .LBB2_7-.Ltmp8, $4  }
0x93: {  	s20 =	simm.s32 @!p4 $0xC  }
0x94: {  	_ =	swait.ge @!p4 [sflag:s20], $0x1400  }
0x95: {  	[sflag:s20] =	ssyncset.done @!p4 $0x0  }
0x96: {  	s29 =	sshra.s32 s23, $0x2;
	[sflag:s20] =	ssyncadd.s32 @!p4 $0xFFFFEC00  }
0x97: {  	p4 =	seq.s32 s23, $0x9D80  }
.Ltmp9:
0x98: {  	_ = 	snop;
	(pc) =	sbr.rel @!p4 .LBB2_9-.Ltmp9, $4  }
.Ltmp10:
0x99: {  	_ = 	snop;
	(pc) =	sbr.rel @p4 .LBB2_10-.Ltmp10, $4  }
0x9a: {  	_ = 	snop  }
0x9b: {  	_ = 	snop  }
0x9c: {  	_ = 	snop  }
0x9d: {  	_ = 	snop  }
.LBB2_11:
0x9e: {  	_ =	sfence.sel $0x180000  }
0x9f: {  	[bflag:$0x0] =	sbarrier.arrive $0xFFFF  }
0xa0: {  	_ =	strace $0x90000050  }
0xa1: {  	s0 =	stileid.u32;
	[bflag:$0x2] =	sbarrier.arrive $0xFFFF  }
0xa2: {  	p0 =	sne.s32 s0, $0x0;
	s0 =	rddreg [dreg:$0x2]  }
0xa3: {  	s0 =	sadd.s32 @!p0 $0x100000, s0  }
0xa4: {  	[sflag:s0] =	ssyncadd.tile.s32 @!p0 $0x1;
	_ =	shalt  }
.Lfunc_end2:
_tile_overlayer_lowered:
.L_overlay_start_2:
0xa5: {  	(tag) =	ssettag $0x2  }
0xa6: {  	s0 =	rddreg [dreg:$0x0];
	s2 =	stileid.u32  }
0xa7: {  	s1 =	rddreg [dreg:$0x1];
	p0 =	sne.s32 s2, $0x0  }
0xa8: {  	s3 =	rddreg [dreg:$0x2];
	[bflag:$0x3] =	sbarrier.arrive $0xFFFF;
	s2 =	simm.s32 @!p0 $0x1C0D  }
0xa9: {  	[timem:s3], [sflag:s2] =	dma.local @!p0 [hbm:s0], s1  }
0xaa: {  	s0 =	simm.s32 @!p0 $0xD  }
0xab: {  	_ =	swait.ge @!p0 [sflag:s0], s1  }
0xac: {  	s1 =	ssub.s32 @!p0 $0x0, s1;
	[sflag:s0] =	ssyncset.done @!p0 $0x0  }
0xad: {  	[sflag:s0] =	ssyncadd.s32 @!p0 s1  }
0xae: {  	[bflag:$0x3] =	sbarrier.arrive $0xFFFF  }
0xaf: {  	_ =	shalt  }

</sc_bundles>
